<compile_context>
chip_gen: v7x
topology: tpu7x:2x2x1
jax: 0.10.2.dev20260603
libtpu: 0.0.44.dev20260713+nightly
codegen_flags: <defaults>
</compile_context>

<pallas_src>
import functools

import jax
import jax.numpy as jnp
from jax import lax
from jax.experimental import pallas as pl
from jax.experimental.pallas import tpu as pltpu
from jax.experimental.pallas import tpu_sc as plsc

GX, GY, GZ = 160, 160, 8
L = GX * GY * GZ
NSUB = 16
SL = L // NSUB
_BIG = 1 << 28



def _sc_scatter(px, py, pz, B, N):
    CH = 10000
    NCH = N // CH
    assert NCH * CH == N and CH % 16 == 0
    mesh = plsc.VectorSubcoreMesh(core_axis_name="c", subcore_axis_name="s")

    @functools.partial(
        pl.kernel,
        out_type=jax.ShapeDtypeStruct((B * 3 * L,), jnp.float32),
        mesh=mesh,
        scratch_types=[
            pltpu.VMEM((CH,), jnp.float32),
            pltpu.VMEM((CH,), jnp.float32),
            pltpu.VMEM((CH,), jnp.float32),
            pltpu.VMEM((SL,), jnp.float32),
            pltpu.VMEM((SL,), jnp.float32),
            pltpu.VMEM((SL,), jnp.float32),
            pltpu.VMEM((16,), jnp.int32),
            pltpu.VMEM((16,), jnp.float32),
            pltpu.VMEM((16,), jnp.float32),
        ],
        compiler_params=pltpu.CompilerParams(needs_layout_passes=False),
    )
    def scatter(px_hbm, py_hbm, pz_hbm, out_hbm,
                bufx, bufy, bufz, g0, g1, g2, sk, sy, sz):
        b = lax.axis_index("c")
        s = lax.axis_index("s")
        base = s * SL

        zero16 = jnp.zeros((16,), jnp.float32)

        def zbody(i, _):
            g0[pl.ds(i * 16, 16)] = zero16
            g1[pl.ds(i * 16, 16)] = zero16
            g2[pl.ds(i * 16, 16)] = zero16
            return 0

        lax.fori_loop(0, SL // 16, zbody, 0)

        iota = lax.iota(jnp.int32, 16)
        lane_next = jnp.minimum(iota + 1, 15)

        def process(i, _):
            x = bufx[pl.ds(i * 16, 16)]
            y = bufy[pl.ds(i * 16, 16)]
            z = bufz[pl.ds(i * 16, 16)]
            ix = jnp.clip((x * 2.0).astype(jnp.int32), 0, GX - 1)
            iy = jnp.clip(((y + 40.0) * 2.0).astype(jnp.int32), 0, GY - 1)
            iz = jnp.clip(((z + 2.0) * 2.0).astype(jnp.int32), 0, GZ - 1)
            loc = iz * (GY * GX) + iy * GX + ix - base
            mine = (loc >= 0) & (loc < SL)
            key = jnp.where(mine, loc * 16 + iota, _BIG + iota)
            skey, sx = plsc.sort_key_val(key, x)
            sk[...] = skey
            snext = plsc.load_gather(sk, [lane_next])
            sloc = skey >> 4
            valid = ((sloc != (snext >> 4)) | (iota == 15)) & (skey < _BIG)
            perm = skey & 15
            sy[...] = y
            sz[...] = z
            syv = plsc.load_gather(sy, [perm])
            szv = plsc.load_gather(sz, [perm])
            plsc.store_scatter(g0, [sloc], sx, mask=valid)
            plsc.store_scatter(g1, [sloc], syv, mask=valid)
            plsc.store_scatter(g2, [sloc], szv, mask=valid)
            return 0

        for k in range(NCH):
            pltpu.sync_copy(px_hbm.at[pl.ds(b * N + k * CH, CH)], bufx)
            pltpu.sync_copy(py_hbm.at[pl.ds(b * N + k * CH, CH)], bufy)
            pltpu.sync_copy(pz_hbm.at[pl.ds(b * N + k * CH, CH)], bufz)
            lax.fori_loop(0, CH // 16, process, 0)

        pltpu.sync_copy(g0, out_hbm.at[pl.ds((b * 3 + 0) * L + base, SL)])
        pltpu.sync_copy(g1, out_hbm.at[pl.ds((b * 3 + 1) * L + base, SL)])
        pltpu.sync_copy(g2, out_hbm.at[pl.ds((b * 3 + 2) * L + base, SL)])

    return scatter(px, py, pz).reshape(B, 3, L)



_TL = 8192


def _bf(x):
    return x.astype(jnp.bfloat16)


def _moments1(v):
    B = v.shape[0]

    def body(x_ref, m1_ref, m2_ref):
        first = (pl.program_id(0) == 0) & (pl.program_id(1) == 0)

        @pl.when(first)
        def _():
            m1_ref[...] = jnp.zeros_like(m1_ref)
            m2_ref[...] = jnp.zeros_like(m2_ref)

        x = _bf(x_ref[0])
        m1_ref[...] += jnp.sum(x.astype(jnp.float32), axis=1, keepdims=True)
        m2_ref[...] += lax.dot_general(
            x, x, (((1,), (1,)), ((), ())), preferred_element_type=jnp.float32)

    return pl.pallas_call(
        body,
        grid=(B, L // _TL),
        in_specs=[pl.BlockSpec((1, 3, _TL), lambda b, i: (b, 0, i))],
        out_specs=[pl.BlockSpec((3, 1), lambda b, i: (0, 0)),
                   pl.BlockSpec((3, 3), lambda b, i: (0, 0))],
        out_shape=[jax.ShapeDtypeStruct((3, 1), jnp.float32),
                   jax.ShapeDtypeStruct((3, 3), jnp.float32)],
    )(v)


def _moments2(v, W1, c1):
    B = v.shape[0]

    def body(x_ref, w_ref, c_ref, s_ref, g_ref):
        first = (pl.program_id(0) == 0) & (pl.program_id(1) == 0)

        @pl.when(first)
        def _():
            s_ref[...] = jnp.zeros_like(s_ref)
            g_ref[...] = jnp.zeros_like(g_ref)

        x = _bf(x_ref[0])
        h = jnp.dot(_bf(w_ref[...]), x, preferred_element_type=jnp.float32)
        r = _bf(jnp.maximum(h + c_ref[...], 0.0))
        s_ref[...] += jnp.sum(r.astype(jnp.float32), axis=1, keepdims=True)
        g_ref[...] += lax.dot_general(
            r, r, (((1,), (1,)), ((), ())), preferred_element_type=jnp.float32)

    return pl.pallas_call(
        body,
        grid=(B, L // _TL),
        in_specs=[pl.BlockSpec((1, 3, _TL), lambda b, i: (b, 0, i)),
                  pl.BlockSpec((32, 3), lambda b, i: (0, 0)),
                  pl.BlockSpec((32, 1), lambda b, i: (0, 0))],
        out_specs=[pl.BlockSpec((32, 1), lambda b, i: (0, 0)),
                   pl.BlockSpec((32, 32), lambda b, i: (0, 0))],
        out_shape=[jax.ShapeDtypeStruct((32, 1), jnp.float32),
                   jax.ShapeDtypeStruct((32, 32), jnp.float32)],
    )(v, W1, c1)


def _mlp_conv0(v_e, v_o_pad, A1, c1, A2, c2, w0, b0, TW=640):
    B, _, H, We = v_e.shape
    NW = We // TW
    O = w0.shape[2]

    def body(ve_ref, vo_ref, a1_ref, c1_ref, a2_ref, c2_ref, w0_ref, b0_ref,
             y_ref, s_ref, ss_ref):
        bidx = pl.program_id(0)
        w = pl.program_id(1)
        wo0 = pl.multiple_of(w * TW, TW)

        def mlp(vblk):
            a = jnp.maximum(
                jnp.dot(_bf(a1_ref[...]), _bf(vblk),
                        preferred_element_type=jnp.float32)
                + c1_ref[...], 0.0)
            return _bf(jnp.maximum(
                jnp.dot(_bf(a2_ref[...]), _bf(a),
                        preferred_element_type=jnp.float32)
                + c2_ref[...], 0.0))

        img_e, img_o = [], []
        for h in range(H):
            img_e.append(mlp(ve_ref[0, :, h, pl.ds(wo0, TW)]))
            io = mlp(vo_ref[0, :, h, pl.ds(wo0, TW + 1)])
            lane = lax.broadcasted_iota(jnp.int32, io.shape, 1)
            io = jnp.where((w == 0) & (lane == 0), 0.0, io)
            img_o.append(io)

        first = (bidx == 0) & (w == 0)

        @pl.when(first)
        def _():
            s_ref[...] = jnp.zeros_like(s_ref)
            ss_ref[...] = jnp.zeros_like(ss_ref)

        s_acc = jnp.zeros((O, 1), jnp.float32)
        ss_acc = jnp.zeros((O, 1), jnp.float32)
        wb = _bf(w0_ref[...])
        for ho in range(4):
            acc = jnp.broadcast_to(b0_ref[...], (O, TW))
            for dy in range(3):
                h = 2 * ho + dy - 1
                if h < 0 or h >= H:
                    continue
                acc = acc + jnp.dot(wb[dy, 0], img_o[h][:, 0:TW],
                                    preferred_element_type=jnp.float32)
                acc = acc + jnp.dot(wb[dy, 1], img_e[h],
                                    preferred_element_type=jnp.float32)
                acc = acc + jnp.dot(wb[dy, 2], img_o[h][:, 1:TW + 1],
                                    preferred_element_type=jnp.float32)
            y_ref[0, ho] = acc
            s_acc += jnp.sum(acc, axis=1, keepdims=True)
            ss_acc += jnp.sum(acc * acc, axis=1, keepdims=True)
        s_ref[...] += s_acc
        ss_ref[...] += ss_acc

    return pl.pallas_call(
        body,
        grid=(B, NW),
        in_specs=[
            pl.BlockSpec((1, 3, H, We), lambda b, w: (b, 0, 0, 0)),
            pl.BlockSpec((1, 3, H, We + 1), lambda b, w: (b, 0, 0, 0)),
            pl.BlockSpec((32, 3), lambda b, w: (0, 0)),
            pl.BlockSpec((32, 1), lambda b, w: (0, 0)),
            pl.BlockSpec((64, 32), lambda b, w: (0, 0)),
            pl.BlockSpec((64, 1), lambda b, w: (0, 0)),
            pl.BlockSpec((3, 3, O, 64), lambda b, w: (0, 0, 0, 0)),
            pl.BlockSpec((O, 1), lambda b, w: (0, 0)),
        ],
        out_specs=[
            pl.BlockSpec((1, 4, O, TW), lambda b, w: (b, 0, 0, w)),
            pl.BlockSpec((O, 1), lambda b, w: (0, 0)),
            pl.BlockSpec((O, 1), lambda b, w: (0, 0)),
        ],
        out_shape=[
            jax.ShapeDtypeStruct((B, 4, O, We), jnp.float32),
            jax.ShapeDtypeStruct((O, 1), jnp.float32),
            jax.ShapeDtypeStruct((O, 1), jnp.float32),
        ],
    )(v_e, v_o_pad, A1, c1, A2, c2, w0, b0)


def _conv3x3(x, w, b, affine=None, wsc=None, bsc=None, TW=640):
    B, H, C, W = x.shape
    O = w.shape[2]
    NW = W // TW
    has_sc = wsc is not None

    def body(*refs):
        xm, xc, xp, w_ref, b_ref = refs[:5]
        idx = 5
        if affine is not None:
            sc_ref, of_ref = refs[idx:idx + 2]
            idx += 2
        if has_sc:
            wsc_ref, bsc_ref = refs[idx:idx + 2]
            idx += 2
            y_ref, s_ref, ss_ref, ysc_ref, s2_ref, ss2_ref = refs[idx:]
        else:
            y_ref, s_ref, ss_ref = refs[idx:]

        bidx = pl.program_id(0)
        wi = pl.program_id(1)

        def act(t):
            if affine is not None:
                return _bf(jnp.maximum(t * sc_ref[...] + of_ref[...], 0.0))
            return _bf(t)

        rows = []
        for h in range(H):
            mcol = jnp.where(wi == 0, jnp.bfloat16(0),
                             act(xm[0, h, :, TW - 1:TW]))
            pcol = jnp.where(wi == NW - 1, jnp.bfloat16(0),
                             act(xp[0, h, :, 0:1]))
            rows.append(jnp.concatenate([mcol, act(xc[0, h]), pcol], axis=1))

        first = (bidx == 0) & (wi == 0)

        @pl.when(first)
        def _():
            s_ref[...] = jnp.zeros_like(s_ref)
            ss_ref[...] = jnp.zeros_like(ss_ref)
            if has_sc:
                s2_ref[...] = jnp.zeros_like(s2_ref)
                ss2_ref[...] = jnp.zeros_like(ss2_ref)

        s_acc = jnp.zeros((O, 1), jnp.float32)
        ss_acc = jnp.zeros((O, 1), jnp.float32)
        if has_sc:
            Osc = wsc_ref.shape[0]
            s2_acc = jnp.zeros((Osc, 1), jnp.float32)
            ss2_acc = jnp.zeros((Osc, 1), jnp.float32)
        wb = _bf(w_ref[...])
        for ho in range(H):
            acc = jnp.broadcast_to(b_ref[...], (O, TW))
            for dy in range(3):
                h = ho + dy - 1
                if h < 0 or h >= H:
                    continue
                for dx in range(3):
                    acc = acc + jnp.dot(wb[dy, dx], rows[h][:, dx:dx + TW],
                                        preferred_element_type=jnp.float32)
            y_ref[0, ho] = acc
            s_acc += jnp.sum(acc, axis=1, keepdims=True)
            ss_acc += jnp.sum(acc * acc, axis=1, keepdims=True)
            if has_sc:
                acc2 = jnp.dot(_bf(wsc_ref[...]), rows[ho][:, 1:TW + 1],
                               preferred_element_type=jnp.float32) + bsc_ref[...]
                ysc_ref[0, ho] = acc2
                s2_acc += jnp.sum(acc2, axis=1, keepdims=True)
                ss2_acc += jnp.sum(acc2 * acc2, axis=1, keepdims=True)
        s_ref[...] += s_acc
        ss_ref[...] += ss_acc
        if has_sc:
            s2_ref[...] += s2_acc
            ss2_ref[...] += ss2_acc

    xspec = lambda f: pl.BlockSpec((1, H, C, TW), f)
    in_specs = [
        xspec(lambda b, i: (b, 0, 0, jnp.maximum(i - 1, 0))),
        xspec(lambda b, i: (b, 0, 0, i)),
        xspec(lambda b, i: (b, 0, 0, jnp.minimum(i + 1, NW - 1))),
        pl.BlockSpec((3, 3, O, C), lambda b, i: (0, 0, 0, 0)),
        pl.BlockSpec((O, 1), lambda b, i: (0, 0)),
    ]
    args = [x, x, x, w, b]
    if affine is not None:
        in_specs += [pl.BlockSpec((C, 1), lambda b, i: (0, 0))] * 2
        args += [affine[0], affine[1]]
    out_specs = [
        pl.BlockSpec((1, H, O, TW), lambda b, i: (b, 0, 0, i)),
        pl.BlockSpec((O, 1), lambda b, i: (0, 0)),
        pl.BlockSpec((O, 1), lambda b, i: (0, 0)),
    ]
    out_shape = [
        jax.ShapeDtypeStruct((B, H, O, W), jnp.float32),
        jax.ShapeDtypeStruct((O, 1), jnp.float32),
        jax.ShapeDtypeStruct((O, 1), jnp.float32),
    ]
    if has_sc:
        Osc = wsc.shape[0]
        in_specs += [pl.BlockSpec((Osc, C), lambda b, i: (0, 0)),
                     pl.BlockSpec((Osc, 1), lambda b, i: (0, 0))]
        args += [wsc, bsc]
        out_specs += [
            pl.BlockSpec((1, H, Osc, TW), lambda b, i: (b, 0, 0, i)),
            pl.BlockSpec((Osc, 1), lambda b, i: (0, 0)),
            pl.BlockSpec((Osc, 1), lambda b, i: (0, 0)),
        ]
        out_shape += [
            jax.ShapeDtypeStruct((B, H, Osc, W), jnp.float32),
            jax.ShapeDtypeStruct((Osc, 1), jnp.float32),
            jax.ShapeDtypeStruct((Osc, 1), jnp.float32),
        ]

    return pl.pallas_call(
        body, grid=(B, NW), in_specs=in_specs, out_specs=out_specs,
        out_shape=out_shape)(*args)


def _combine_pool(ya, yb, aff_a, aff_b, TW=640):
    B, H, C, W = ya.shape
    Ho, Wo = H // 2, W // 2
    NW = Wo // TW
    TWI = 2 * TW
    r_i = jnp.arange(TWI)[:, None]
    c_i = jnp.arange(TW)[None, :]
    s_even = (r_i == 2 * c_i).astype(jnp.float32)
    s_odd = (r_i == 2 * c_i + 1).astype(jnp.float32)

    def body(a_ref, b_ref, se_ref, so_ref, sa_ref, oa_ref, sb_ref, ob_ref,
             o_ref):
        sa, oa = sa_ref[...], oa_ref[...]
        sb, ob = sb_ref[...], ob_ref[...]
        for ho in range(Ho):
            t0 = a_ref[0, 2 * ho] * sa + oa + b_ref[0, 2 * ho] * sb + ob
            t1 = (a_ref[0, 2 * ho + 1] * sa + oa
                  + b_ref[0, 2 * ho + 1] * sb + ob)
            t = jnp.maximum(t0, t1)
            m = jnp.maximum(
                jnp.dot(t, se_ref[...], preferred_element_type=jnp.float32),
                jnp.dot(t, so_ref[...], preferred_element_type=jnp.float32))
            o_ref[0, ho] = jnp.maximum(m, 0.0)

    ispec = pl.BlockSpec((1, H, C, TWI), lambda b, i: (b, 0, 0, i))
    sspec = pl.BlockSpec((TWI, TW), lambda b, i: (0, 0))
    cspec = pl.BlockSpec((C, 1), lambda b, i: (0, 0))
    return pl.pallas_call(
        body,
        grid=(B, NW),
        in_specs=[ispec, ispec, sspec, sspec] + [cspec] * 4,
        out_specs=pl.BlockSpec((1, Ho, C, TW), lambda b, i: (b, 0, 0, i)),
        out_shape=jax.ShapeDtypeStruct((B, Ho, C, Wo), jnp.float32),
    )(ya, yb, s_even, s_odd, aff_a[0], aff_a[1], aff_b[0], aff_b[1])



_EPS = 1e-5


def _fold_bn(gamma, beta, s, ss, m):
    mean = s / m
    var = ss / m - mean * mean
    scale = gamma / jnp.sqrt(var + _EPS)
    return scale.reshape(-1, 1), (beta - mean * scale).reshape(-1, 1)


def _fold_linear_bn(Wm, bv, gamma, beta, mu_in, sec_in, m):
    mu_x = mu_in / m
    mu = Wm @ mu_x + bv
    e2 = jnp.einsum('ij,jk,ik->i', Wm, sec_in / m, Wm) + 2 * bv * (Wm @ mu_x) \
        + bv * bv
    var = e2 - mu * mu
    sc = gamma / jnp.sqrt(var + _EPS)
    A = sc[:, None] * Wm
    c = (sc * (bv - mu) + beta)[:, None]
    return A, c




def kernel(points, params):
    p = params
    B, N, _ = points.shape

    pts_t = jnp.transpose(points, (0, 2, 1))
    v = _sc_scatter(pts_t[:, 0].reshape(-1), pts_t[:, 1].reshape(-1),
                    pts_t[:, 2].reshape(-1), B, N)

    m1, m2 = _moments1(v)
    M = B * L
    A1, c1 = _fold_linear_bn(p['fe_c1w'][:, :, 0], p['fe_c1b'],
                             p['fe_bn1g'], p['fe_bn1b'], m1[:, 0], m2, M)
    sr, g2 = _moments2(v, A1, c1)
    A2, c2 = _fold_linear_bn(p['fe_c2w'][:, :, 0], p['fe_c2b'],
                             p['fe_bn2g'], p['fe_bn2b'], sr[:, 0], g2, M)

    vimg = v.reshape(B, 3, GZ, GY * GX)
    v_e = vimg[:, :, :, 0::2]
    v_o = jnp.pad(vimg[:, :, :, 1::2], ((0, 0), (0, 0), (0, 0), (1, 0)))
    w0 = jnp.transpose(p['bb_c0w'], (2, 3, 0, 1))
    y0, s0, ss0 = _mlp_conv0(v_e, v_o, A1, c1, A2, c2, w0,
                             p['bb_c0b'].reshape(-1, 1))
    aff0 = _fold_bn(p['bb_bn0g'], p['bb_bn0b'], s0[:, 0], ss0[:, 0],
                    B * 4 * 12800)

    def resblock(xin, pfx, m):
        w1 = jnp.transpose(p[pfx + '_c1w'], (2, 3, 0, 1))
        w2 = jnp.transpose(p[pfx + '_c2w'], (2, 3, 0, 1))
        wsc = p[pfx + '_scw'][:, :, 0, 0]
        aff_in = xin[1]
        y1, s1, ss1, ysc, s2, ss2 = _conv3x3(
            xin[0], w1, p[pfx + '_c1b'].reshape(-1, 1), affine=aff_in,
            wsc=wsc, bsc=p[pfx + '_scb'].reshape(-1, 1))
        aff1 = _fold_bn(p[pfx + '_bn1g'], p[pfx + '_bn1b'], s1[:, 0],
                        ss1[:, 0], m)
        y2, s3, ss3 = _conv3x3(y1, w2, p[pfx + '_c2b'].reshape(-1, 1),
                               affine=aff1)
        aff2 = _fold_bn(p[pfx + '_bn2g'], p[pfx + '_bn2b'], s3[:, 0],
                        ss3[:, 0], m)
        affsc = _fold_bn(p[pfx + '_scbng'], p[pfx + '_scbnb'], s2[:, 0],
                         ss2[:, 0], m)
        return _combine_pool(y2, ysc, aff2, affsc)

    z1 = resblock((y0, aff0), 'r1', B * 4 * 12800)
    out = resblock((z1, None), 'r2', B * 2 * 6400)
    return jnp.transpose(out, (0, 2, 1, 3))

# --- scband reference (transcript-rebuilt; emitter-appended) ---
"""Pipeline reference for scband-point-pillars-encoder-86947317940408 (READ-ONLY COPY).

The authoritative reference and input builder live on the scoring server;
editing this copy changes nothing except your own understanding.
"""

import jax, jax.numpy as jnp
import numpy as np

GX, GY, GZ = 160, 160, 8
PC_MIN = jnp.array([0.0, -40.0, -2.0], dtype=jnp.float32)
VOX = jnp.array([0.5, 0.5, 0.5], dtype=jnp.float32)


def _bn(x, gamma, beta, axes, eps=1e-5):
    mean = jnp.mean(x, axis=axes, keepdims=True)
    var = jnp.var(x, axis=axes, keepdims=True)
    xn = (x - mean) / jnp.sqrt(var + eps)
    shape = [1] * x.ndim
    shape[1] = -1
    return xn * gamma.reshape(shape) + beta.reshape(shape)


def _conv2d(x, w, b, stride=1, pad=1):
    out = jax.lax.conv_general_dilated(x, w, (stride, stride), [(pad, pad), (pad, pad)], dimension_numbers=('NCHW', 'OIHW', 'NCHW'))
    return out + b[None, :, None, None]


def _maxpool2(x):
    return jax.lax.reduce_window(x, -jnp.inf, jax.lax.max, (1, 1, 2, 2), (1, 1, 2, 2), 'VALID')


def _resblock(x, p, pfx):
    out = jax.nn.relu(_bn(_conv2d(x, p[pfx + '_c1w'], p[pfx + '_c1b']), p[pfx + '_bn1g'], p[pfx + '_bn1b'], (0, 2, 3)))
    out = _bn(_conv2d(out, p[pfx + '_c2w'], p[pfx + '_c2b']), p[pfx + '_bn2g'], p[pfx + '_bn2b'], (0, 2, 3))
    sc = _bn(_conv2d(x, p[pfx + '_scw'], p[pfx + '_scb'], stride=1, pad=0), p[pfx + '_scbng'], p[pfx + '_scbnb'], (0, 2, 3))
    return jax.nn.relu(out + sc)


def _make_params(key):
    ks = iter(jax.random.split(key, 16))
    def w(shape):
        return jax.random.normal(next(ks), shape, dtype=jnp.float32) * 0.05
    p = {}
    p['fe_c1w'] = w((32, 3, 1)); p['fe_c1b'] = jnp.zeros((32,), jnp.float32)
    p['fe_bn1g'] = jnp.ones((32,), jnp.float32); p['fe_bn1b'] = jnp.zeros((32,), jnp.float32)
    p['fe_c2w'] = w((64, 32, 1)); p['fe_c2b'] = jnp.zeros((64,), jnp.float32)
    p['fe_bn2g'] = jnp.ones((64,), jnp.float32); p['fe_bn2b'] = jnp.zeros((64,), jnp.float32)
    p['bb_c0w'] = w((64, 64, 3, 3)); p['bb_c0b'] = jnp.zeros((64,), jnp.float32)
    p['bb_bn0g'] = jnp.ones((64,), jnp.float32); p['bb_bn0b'] = jnp.zeros((64,), jnp.float32)
    p['r1_c1w'] = w((128, 64, 3, 3)); p['r1_c1b'] = jnp.zeros((128,), jnp.float32)
    p['r1_bn1g'] = jnp.ones((128,), jnp.float32); p['r1_bn1b'] = jnp.zeros((128,), jnp.float32)
    p['r1_c2w'] = w((128, 128, 3, 3)); p['r1_c2b'] = jnp.zeros((128,), jnp.float32)
    p['r1_bn2g'] = jnp.ones((128,), jnp.float32); p['r1_bn2b'] = jnp.zeros((128,), jnp.float32)
    p['r1_scw'] = w((128, 64, 1, 1)); p['r1_scb'] = jnp.zeros((128,), jnp.float32)
    p['r1_scbng'] = jnp.ones((128,), jnp.float32); p['r1_scbnb'] = jnp.zeros((128,), jnp.float32)
    p['r2_c1w'] = w((256, 128, 3, 3)); p['r2_c1b'] = jnp.zeros((256,), jnp.float32)
    p['r2_bn1g'] = jnp.ones((256,), jnp.float32); p['r2_bn1b'] = jnp.zeros((256,), jnp.float32)
    p['r2_c2w'] = w((256, 256, 3, 3)); p['r2_c2b'] = jnp.zeros((256,), jnp.float32)
    p['r2_bn2g'] = jnp.ones((256,), jnp.float32); p['r2_bn2b'] = jnp.zeros((256,), jnp.float32)
    p['r2_scw'] = w((256, 128, 1, 1)); p['r2_scb'] = jnp.zeros((256,), jnp.float32)
    p['r2_scbng'] = jnp.ones((256,), jnp.float32); p['r2_scbnb'] = jnp.zeros((256,), jnp.float32)
    return p


def _forward(points, p):
    B, N, C = points.shape
    idx = ((points - PC_MIN) / VOX).astype(jnp.int32)
    maxi = jnp.array([GX - 1, GY - 1, GZ - 1], dtype=jnp.int32)
    idx = jnp.clip(idx, 0, maxi[None, None, :])
    voxels = jnp.zeros((B, GZ, GY, GX, C), dtype=points.dtype)
    b_idx = jnp.broadcast_to(jnp.arange(B)[:, None], (B, N))
    voxels = voxels.at[b_idx, idx[..., 2], idx[..., 1], idx[..., 0]].set(points)
    v = jnp.transpose(voxels, (0, 4, 1, 2, 3)).reshape(B, C, -1)
    h = jnp.einsum('oc,bcl->bol', p['fe_c1w'][:, :, 0], v) + p['fe_c1b'][None, :, None]
    h = jax.nn.relu(_bn(h, p['fe_bn1g'], p['fe_bn1b'], (0, 2)))
    h = jnp.einsum('oc,bcl->bol', p['fe_c2w'][:, :, 0], h) + p['fe_c2b'][None, :, None]
    h = jax.nn.relu(_bn(h, p['fe_bn2g'], p['fe_bn2b'], (0, 2)))
    img = h.reshape(B, 64, GZ, GY * GX)
    out = jax.nn.relu(_bn(_conv2d(img, p['bb_c0w'], p['bb_c0b'], stride=2, pad=1), p['bb_bn0g'], p['bb_bn0b'], (0, 2, 3)))
    out = _resblock(out, p, 'r1')
    out = _maxpool2(out)
    out = _resblock(out, p, 'r2')
    out = _maxpool2(out)
    return out


def setup_inputs(seed: int = 0) -> dict:
    key = jax.random.key(seed)
    k1, k2 = jax.random.split(key)
    points = jax.random.normal(k1, (2, 50000, 3), dtype=jnp.float32)
    params = _make_params(k2)
    return {'points': points, 'params': params}


def reference(points, params):
    return _forward(points, params)

if __name__ == "__main__":
    import jax
    _d = setup_inputs()
    print(jax.jit(kernel)(*tuple(_d.values())))

</pallas_src>

<mosaic_0001>
#map = affine_map<(d0, d1) -> (0)>
module attributes {stable_mosaic.version = 14 : i64} {
  func.func @scatter(%arg0: i32, %arg1: i32, %arg2: memref<100000xf32, #tpu.memory_space<hbm>>, %arg3: memref<100000xf32, #tpu.memory_space<hbm>>, %arg4: memref<100000xf32, #tpu.memory_space<hbm>>, %arg5: memref<1228800xf32, #tpu.memory_space<hbm>>, %arg6: memref<10000xf32, #tpu.memory_space<vmem>>, %arg7: memref<10000xf32, #tpu.memory_space<vmem>>, %arg8: memref<10000xf32, #tpu.memory_space<vmem>>, %arg9: memref<12800xf32, #tpu.memory_space<vmem>>, %arg10: memref<12800xf32, #tpu.memory_space<vmem>>, %arg11: memref<12800xf32, #tpu.memory_space<vmem>>, %arg12: memref<16xi32, #tpu.memory_space<vmem>>, %arg13: memref<16xf32, #tpu.memory_space<vmem>>, %arg14: memref<16xf32, #tpu.memory_space<vmem>>) attributes {dimension_semantics = [#tpu.dimension_semantics<core_parallel>, #tpu.dimension_semantics<subcore_parallel>], iteration_bounds = array<i64: 2, 16>, scalar_prefetch = 0 : i64, scratch_operands = 9 : i64, tpu.core_type = #tpu.core_type<sc_vector_subcore>, window_params = [{transform_indices = #map}, {transform_indices = #map}, {transform_indices = #map}, {transform_indices = #map}]} {
    %mul3A = arith.constant 12800 : i32
    %mul3A_0 = arith.muli %arg1, %mul3A : i32
    %broadcast_in_dim3A = arith.constant 0.000000e+00 : f32
    %broadcast_in_dim3A_1 = vector.broadcast %broadcast_in_dim3A : f32 to vector<16xf32>
    %scan3A = arith.constant 0 : i32
    %scan3A_2 = arith.constant 0 : i32
    %scan3A_3 = arith.constant 800 : i32
    %scan3A_4 = arith.addi %scan3A_2, %scan3A_3 : i32
    %scan3A_5 = arith.constant 1 : i32
    %scan3A_6 = scf.for %scan3A_128 = %scan3A_2 to %scan3A_4 step %scan3A_5 iter_args(%scan3A_129 = %scan3A) -> (i32)  : i32 {
      %mul3A_130 = arith.constant 16 : i32
      %mul3A_131 = arith.muli %scan3A_128, %mul3A_130 : i32
      %swap3A = arith.index_cast %mul3A_131 : i32 to index
      %swap3A_132 = tpu.vector_load %arg9[%swap3A] {strides = array<i32>} : memref<12800xf32, #tpu.memory_space<vmem>>, vector<16xf32>,
      tpu.vector_store %arg9[%swap3A], %broadcast_in_dim3A_1 {strides = array<i32>} : memref<12800xf32, #tpu.memory_space<vmem>>, vector<16xf32>,
      %mul3A_133 = arith.constant 16 : i32
      %mul3A_134 = arith.muli %scan3A_128, %mul3A_133 : i32
      %swap3A_135 = arith.index_cast %mul3A_134 : i32 to index
      %swap3A_136 = tpu.vector_load %arg10[%swap3A_135] {strides = array<i32>} : memref<12800xf32, #tpu.memory_space<vmem>>, vector<16xf32>,
      tpu.vector_store %arg10[%swap3A_135], %broadcast_in_dim3A_1 {strides = array<i32>} : memref<12800xf32, #tpu.memory_space<vmem>>, vector<16xf32>,
      %mul3A_137 = arith.constant 16 : i32
      %mul3A_138 = arith.muli %scan3A_128, %mul3A_137 : i32
      %swap3A_139 = arith.index_cast %mul3A_138 : i32 to index
      %swap3A_140 = tpu.vector_load %arg11[%swap3A_139] {strides = array<i32>} : memref<12800xf32, #tpu.memory_space<vmem>>, vector<16xf32>,
      tpu.vector_store %arg11[%swap3A_139], %broadcast_in_dim3A_1 {strides = array<i32>} : memref<12800xf32, #tpu.memory_space<vmem>>, vector<16xf32>,
      %scan3A_141 = arith.constant 0 : i32
      scf.yield %scan3A_141 : i32
    }
    %scan3A_7 = arith.constant 800 : i32
    %iota3A = tpu.iota {dimensions = array<i32: 0>} : vector<16xi32>
    %add3A = arith.constant 1 : i32
    %add3A_8 = vector.broadcast %add3A : i32 to vector<16xi32>
    %add3A_9 = arith.addi %iota3A, %add3A_8 : vector<16xi32>
    %min3A = arith.constant 15 : i32
    %min3A_10 = vector.broadcast %min3A : i32 to vector<16xi32>
    %min3A_11 = arith.minsi %add3A_9, %min3A_10 : vector<16xi32>
    %mul3A_12 = arith.constant 50000 : i32
    %mul3A_13 = arith.muli %arg0, %mul3A_12 : i32
    %add3A_14 = arith.constant 0 : i32
    %add3A_15 = arith.addi %mul3A_13, %add3A_14 : i32
    "tpu.region"() ({
      %run_scoped3A = tpu.sem_alloc : memref<!tpu.dma_semaphore, #tpu.memory_space<semaphore_mem>>
      %dma_start3A = tpu.memref_slice %arg2[%add3A_15] : memref<100000xf32, #tpu.memory_space<hbm>> -> memref<10000xf32, #tpu.memory_space<hbm>>
      %dma_start3A_128 = tpu.memref_slice %arg2[%add3A_15] : memref<100000xf32, #tpu.memory_space<hbm>> -> memref<10000xf32, #tpu.memory_space<hbm>>
      tpu.enqueue_dma source(%dma_start3A_128 : memref<10000xf32, #tpu.memory_space<hbm>>) target(%arg6 : memref<10000xf32, #tpu.memory_space<vmem>>) target_semaphore(%run_scoped3A : memref<!tpu.dma_semaphore, #tpu.memory_space<semaphore_mem>>)
      %dma_wait3A = tpu.memref_slice %arg2[%add3A_15] : memref<100000xf32, #tpu.memory_space<hbm>> -> memref<10000xf32, #tpu.memory_space<hbm>>
      %dma_wait3A_129 = tpu.memref_slice %arg2[%add3A_15] : memref<100000xf32, #tpu.memory_space<hbm>> -> memref<10000xf32, #tpu.memory_space<hbm>>
      tpu.wait_dma2 semaphore(%run_scoped3A : memref<!tpu.dma_semaphore, #tpu.memory_space<semaphore_mem>>) src(%dma_wait3A_129 : memref<10000xf32, #tpu.memory_space<hbm>>) dst(%arg6 : memref<10000xf32, #tpu.memory_space<vmem>>)
      tpu.yield
    }) : () -> ()
    %mul3A_16 = arith.constant 50000 : i32
    %mul3A_17 = arith.muli %arg0, %mul3A_16 : i32
    %add3A_18 = arith.constant 0 : i32
    %add3A_19 = arith.addi %mul3A_17, %add3A_18 : i32
    "tpu.region"() ({
      %run_scoped3A = tpu.sem_alloc : memref<!tpu.dma_semaphore, #tpu.memory_space<semaphore_mem>>
      %dma_start3A = tpu.memref_slice %arg3[%add3A_19] : memref<100000xf32, #tpu.memory_space<hbm>> -> memref<10000xf32, #tpu.memory_space<hbm>>
      %dma_start3A_128 = tpu.memref_slice %arg3[%add3A_19] : memref<100000xf32, #tpu.memory_space<hbm>> -> memref<10000xf32, #tpu.memory_space<hbm>>
      tpu.enqueue_dma source(%dma_start3A_128 : memref<10000xf32, #tpu.memory_space<hbm>>) target(%arg7 : memref<10000xf32, #tpu.memory_space<vmem>>) target_semaphore(%run_scoped3A : memref<!tpu.dma_semaphore, #tpu.memory_space<semaphore_mem>>)
      %dma_wait3A = tpu.memref_slice %arg3[%add3A_19] : memref<100000xf32, #tpu.memory_space<hbm>> -> memref<10000xf32, #tpu.memory_space<hbm>>
      %dma_wait3A_129 = tpu.memref_slice %arg3[%add3A_19] : memref<100000xf32, #tpu.memory_space<hbm>> -> memref<10000xf32, #tpu.memory_space<hbm>>
      tpu.wait_dma2 semaphore(%run_scoped3A : memref<!tpu.dma_semaphore, #tpu.memory_space<semaphore_mem>>) src(%dma_wait3A_129 : memref<10000xf32, #tpu.memory_space<hbm>>) dst(%arg7 : memref<10000xf32, #tpu.memory_space<vmem>>)
      tpu.yield
    }) : () -> ()
    %mul3A_20 = arith.constant 50000 : i32
    %mul3A_21 = arith.muli %arg0, %mul3A_20 : i32
    %add3A_22 = arith.constant 0 : i32
    %add3A_23 = arith.addi %mul3A_21, %add3A_22 : i32
    "tpu.region"() ({
      %run_scoped3A = tpu.sem_alloc : memref<!tpu.dma_semaphore, #tpu.memory_space<semaphore_mem>>
      %dma_start3A = tpu.memref_slice %arg4[%add3A_23] : memref<100000xf32, #tpu.memory_space<hbm>> -> memref<10000xf32, #tpu.memory_space<hbm>>
      %dma_start3A_128 = tpu.memref_slice %arg4[%add3A_23] : memref<100000xf32, #tpu.memory_space<hbm>> -> memref<10000xf32, #tpu.memory_space<hbm>>
      tpu.enqueue_dma source(%dma_start3A_128 : memref<10000xf32, #tpu.memory_space<hbm>>) target(%arg8 : memref<10000xf32, #tpu.memory_space<vmem>>) target_semaphore(%run_scoped3A : memref<!tpu.dma_semaphore, #tpu.memory_space<semaphore_mem>>)
      %dma_wait3A = tpu.memref_slice %arg4[%add3A_23] : memref<100000xf32, #tpu.memory_space<hbm>> -> memref<10000xf32, #tpu.memory_space<hbm>>
      %dma_wait3A_129 = tpu.memref_slice %arg4[%add3A_23] : memref<100000xf32, #tpu.memory_space<hbm>> -> memref<10000xf32, #tpu.memory_space<hbm>>
      tpu.wait_dma2 semaphore(%run_scoped3A : memref<!tpu.dma_semaphore, #tpu.memory_space<semaphore_mem>>) src(%dma_wait3A_129 : memref<10000xf32, #tpu.memory_space<hbm>>) dst(%arg8 : memref<10000xf32, #tpu.memory_space<vmem>>)
      tpu.yield
    }) : () -> ()
    %scan3A_24 = arith.constant 0 : i32
    %scan3A_25 = arith.constant 0 : i32
    %scan3A_26 = arith.constant 625 : i32
    %scan3A_27 = arith.addi %scan3A_25, %scan3A_26 : i32
    %scan3A_28 = arith.constant 1 : i32
    %scan3A_29 = scf.for %scan3A_128 = %scan3A_25 to %scan3A_27 step %scan3A_28 iter_args(%scan3A_129 = %scan3A_24) -> (i32)  : i32 {
      %mul3A_130 = arith.constant 16 : i32
      %mul3A_131 = arith.muli %scan3A_128, %mul3A_130 : i32
      %get3A = arith.index_cast %mul3A_131 : i32 to index
      %get3A_132 = tpu.vector_load %arg6[%get3A] {strides = array<i32>} : memref<10000xf32, #tpu.memory_space<vmem>>, vector<16xf32>,
      %mul3A_133 = arith.constant 16 : i32
      %mul3A_134 = arith.muli %scan3A_128, %mul3A_133 : i32
      %get3A_135 = arith.index_cast %mul3A_134 : i32 to index
      %get3A_136 = tpu.vector_load %arg7[%get3A_135] {strides = array<i32>} : memref<10000xf32, #tpu.memory_space<vmem>>, vector<16xf32>,
      %mul3A_137 = arith.constant 16 : i32
      %mul3A_138 = arith.muli %scan3A_128, %mul3A_137 : i32
      %get3A_139 = arith.index_cast %mul3A_138 : i32 to index
      %get3A_140 = tpu.vector_load %arg8[%get3A_139] {strides = array<i32>} : memref<10000xf32, #tpu.memory_space<vmem>>, vector<16xf32>,
      %mul3A_141 = arith.constant 2.000000e+00 : f32
      %mul3A_142 = vector.broadcast %mul3A_141 : f32 to vector<16xf32>
      %mul3A_143 = arith.mulf %get3A_132, %mul3A_142 : vector<16xf32>
      %convert_element_type3A = arith.fptosi %mul3A_143 : vector<16xf32> to vector<16xi32>
      %jit3A = arith.constant 0 : i32
      %jit3A_144 = arith.constant 159 : i32
      %max3A = vector.broadcast %jit3A : i32 to vector<16xi32>
      %max3A_145 = arith.maxsi %max3A, %convert_element_type3A : vector<16xi32>
      %min3A_146 = vector.broadcast %jit3A_144 : i32 to vector<16xi32>
      %min3A_147 = arith.minsi %min3A_146, %max3A_145 : vector<16xi32>
      %add3A_148 = arith.constant 4.000000e+01 : f32
      %add3A_149 = vector.broadcast %add3A_148 : f32 to vector<16xf32>
      %add3A_150 = arith.addf %get3A_136, %add3A_149 : vector<16xf32>
      %mul3A_151 = arith.constant 2.000000e+00 : f32
      %mul3A_152 = vector.broadcast %mul3A_151 : f32 to vector<16xf32>
      %mul3A_153 = arith.mulf %add3A_150, %mul3A_152 : vector<16xf32>
      %convert_element_type3A_154 = arith.fptosi %mul3A_153 : vector<16xf32> to vector<16xi32>
      %jit3A_155 = arith.constant 0 : i32
      %jit3A_156 = arith.constant 159 : i32
      %max3A_157 = vector.broadcast %jit3A_155 : i32 to vector<16xi32>
      %max3A_158 = arith.maxsi %max3A_157, %convert_element_type3A_154 : vector<16xi32>
      %min3A_159 = vector.broadcast %jit3A_156 : i32 to vector<16xi32>
      %min3A_160 = arith.minsi %min3A_159, %max3A_158 : vector<16xi32>
      %add3A_161 = arith.constant 2.000000e+00 : f32
      %add3A_162 = vector.broadcast %add3A_161 : f32 to vector<16xf32>
      %add3A_163 = arith.addf %get3A_140, %add3A_162 : vector<16xf32>
      %mul3A_164 = arith.constant 2.000000e+00 : f32
      %mul3A_165 = vector.broadcast %mul3A_164 : f32 to vector<16xf32>
      %mul3A_166 = arith.mulf %add3A_163, %mul3A_165 : vector<16xf32>
      %convert_element_type3A_167 = arith.fptosi %mul3A_166 : vector<16xf32> to vector<16xi32>
      %jit3A_168 = arith.constant 0 : i32
      %jit3A_169 = arith.constant 7 : i32
      %max3A_170 = vector.broadcast %jit3A_168 : i32 to vector<16xi32>
      %max3A_171 = arith.maxsi %max3A_170, %convert_element_type3A_167 : vector<16xi32>
      %min3A_172 = vector.broadcast %jit3A_169 : i32 to vector<16xi32>
      %min3A_173 = arith.minsi %min3A_172, %max3A_171 : vector<16xi32>
      %mul3A_174 = arith.constant 25600 : i32
      %mul3A_175 = vector.broadcast %mul3A_174 : i32 to vector<16xi32>
      %mul3A_176 = arith.muli %min3A_173, %mul3A_175 : vector<16xi32>
      %mul3A_177 = arith.constant 160 : i32
      %mul3A_178 = vector.broadcast %mul3A_177 : i32 to vector<16xi32>
      %mul3A_179 = arith.muli %min3A_160, %mul3A_178 : vector<16xi32>
      %add3A_180 = arith.addi %mul3A_176, %mul3A_179 : vector<16xi32>
      %add3A_181 = arith.addi %add3A_180, %min3A_147 : vector<16xi32>
      %sub3A = vector.broadcast %mul3A_0 : i32 to vector<16xi32>
      %sub3A_182 = arith.subi %add3A_181, %sub3A : vector<16xi32>
      %ge3A = arith.constant 0 : i32
      %ge3A_183 = vector.broadcast %ge3A : i32 to vector<16xi32>
      %ge3A_184 = arith.cmpi sge, %sub3A_182, %ge3A_183 : vector<16xi32>
      %lt3A = arith.constant 12800 : i32
      %lt3A_185 = vector.broadcast %lt3A : i32 to vector<16xi32>
      %lt3A_186 = arith.cmpi slt, %sub3A_182, %lt3A_185 : vector<16xi32>
      %and3A = arith.andi %ge3A_184, %lt3A_186 : vector<16xi1>
      %mul3A_187 = arith.constant 16 : i32
      %mul3A_188 = vector.broadcast %mul3A_187 : i32 to vector<16xi32>
      %mul3A_189 = arith.muli %sub3A_182, %mul3A_188 : vector<16xi32>
      %add3A_190 = arith.addi %mul3A_189, %iota3A : vector<16xi32>
      %add3A_191 = arith.constant 268435456 : i32
      %add3A_192 = vector.broadcast %add3A_191 : i32 to vector<16xi32>
      %add3A_193 = arith.addi %add3A_192, %iota3A : vector<16xi32>
      %select_n3A = arith.select %and3A, %add3A_190, %add3A_193 : vector<16xi1>, vector<16xi32>
      %masked_sort3A = arith.constant dense<true> : vector<16xi1>
      %masked_sort3A_194 = arith.constant -2147483648 : i32
      %masked_sort3A_195 = vector.broadcast %masked_sort3A_194 : i32 to vector<16xi32>
      %masked_sort3A_196 = arith.xori %select_n3A, %masked_sort3A_195 : vector<16xi32>
      %masked_sort3A_197, %masked_sort3A_198, %masked_sort3A_199 = tpu.sort %masked_sort3A_196, %get3A_132 masked %masked_sort3A : (vector<16xi32>, vector<16xf32>, vector<16xi1>) -> (vector<16xi1>, vector<16xi32>, vector<16xf32>)
      %masked_sort3A_200 = arith.xori %masked_sort3A_198, %masked_sort3A_195 : vector<16xi32>
      %swap3A = arith.constant 0 : index
      %swap3A_201 = tpu.vector_load %arg12[%swap3A] {strides = array<i32>} : memref<16xi32, #tpu.memory_space<vmem>>, vector<16xi32>,
      tpu.vector_store %arg12[%swap3A], %masked_sort3A_200 {strides = array<i32>} : memref<16xi32, #tpu.memory_space<vmem>>, vector<16xi32>,
      %gather3A = tpu.vector_load_idx %arg12[%min3A_11] : memref<16xi32, #tpu.memory_space<vmem>>[vector<16xi32>], vector<16xi32>,
      %shift_right_arithmetic3A = arith.constant 4 : i32
      %shift_right_arithmetic3A_202 = vector.broadcast %shift_right_arithmetic3A : i32 to vector<16xi32>
      %shift_right_arithmetic3A_203 = arith.shrsi %masked_sort3A_200, %shift_right_arithmetic3A_202 : vector<16xi32>
      %shift_right_arithmetic3A_204 = arith.constant 4 : i32
      %shift_right_arithmetic3A_205 = vector.broadcast %shift_right_arithmetic3A_204 : i32 to vector<16xi32>
      %shift_right_arithmetic3A_206 = arith.shrsi %gather3A, %shift_right_arithmetic3A_205 : vector<16xi32>
      %ne3A = arith.cmpi ne, %shift_right_arithmetic3A_203, %shift_right_arithmetic3A_206 : vector<16xi32>
      %eq3A = arith.constant 15 : i32
      %eq3A_207 = vector.broadcast %eq3A : i32 to vector<16xi32>
      %eq3A_208 = arith.cmpi eq, %iota3A, %eq3A_207 : vector<16xi32>
      %or3A = arith.ori %ne3A, %eq3A_208 : vector<16xi1>
      %lt3A_209 = arith.constant 268435456 : i32
      %lt3A_210 = vector.broadcast %lt3A_209 : i32 to vector<16xi32>
      %lt3A_211 = arith.cmpi slt, %masked_sort3A_200, %lt3A_210 : vector<16xi32>
      %and3A_212 = arith.andi %or3A, %lt3A_211 : vector<16xi1>
      %and3A_213 = arith.constant 15 : i32
      %and3A_214 = vector.broadcast %and3A_213 : i32 to vector<16xi32>
      %and3A_215 = arith.andi %masked_sort3A_200, %and3A_214 : vector<16xi32>
      %swap3A_216 = arith.constant 0 : index
      %swap3A_217 = tpu.vector_load %arg13[%swap3A_216] {strides = array<i32>} : memref<16xf32, #tpu.memory_space<vmem>>, vector<16xf32>,
      tpu.vector_store %arg13[%swap3A_216], %get3A_136 {strides = array<i32>} : memref<16xf32, #tpu.memory_space<vmem>>, vector<16xf32>,
      %swap3A_218 = arith.constant 0 : index
      %swap3A_219 = tpu.vector_load %arg14[%swap3A_218] {strides = array<i32>} : memref<16xf32, #tpu.memory_space<vmem>>, vector<16xf32>,
      tpu.vector_store %arg14[%swap3A_218], %get3A_140 {strides = array<i32>} : memref<16xf32, #tpu.memory_space<vmem>>, vector<16xf32>,
      %gather3A_220 = tpu.vector_load_idx %arg13[%and3A_215] : memref<16xf32, #tpu.memory_space<vmem>>[vector<16xi32>], vector<16xf32>,
      %gather3A_221 = tpu.vector_load_idx %arg14[%and3A_215] : memref<16xf32, #tpu.memory_space<vmem>>[vector<16xi32>], vector<16xf32>,
      tpu.vector_store_idx %arg9[%shift_right_arithmetic3A_203], %masked_sort3A_199 masked %and3A_212 : memref<12800xf32, #tpu.memory_space<vmem>>[vector<16xi32>], vector<16xf32>, vector<16xi1>
      tpu.vector_store_idx %arg10[%shift_right_arithmetic3A_203], %gather3A_220 masked %and3A_212 : memref<12800xf32, #tpu.memory_space<vmem>>[vector<16xi32>], vector<16xf32>, vector<16xi1>
      tpu.vector_store_idx %arg11[%shift_right_arithmetic3A_203], %gather3A_221 masked %and3A_212 : memref<12800xf32, #tpu.memory_space<vmem>>[vector<16xi32>], vector<16xf32>, vector<16xi1>
      %scan3A_222 = arith.constant 0 : i32
      scf.yield %scan3A_222 : i32
    }
    %scan3A_30 = arith.constant 625 : i32
    %mul3A_31 = arith.constant 50000 : i32
    %mul3A_32 = arith.muli %arg0, %mul3A_31 : i32
    %add3A_33 = arith.constant 10000 : i32
    %add3A_34 = arith.addi %mul3A_32, %add3A_33 : i32
    "tpu.region"() ({
      %run_scoped3A = tpu.sem_alloc : memref<!tpu.dma_semaphore, #tpu.memory_space<semaphore_mem>>
      %dma_start3A = tpu.memref_slice %arg2[%add3A_34] : memref<100000xf32, #tpu.memory_space<hbm>> -> memref<10000xf32, #tpu.memory_space<hbm>>
      %dma_start3A_128 = tpu.memref_slice %arg2[%add3A_34] : memref<100000xf32, #tpu.memory_space<hbm>> -> memref<10000xf32, #tpu.memory_space<hbm>>
      tpu.enqueue_dma source(%dma_start3A_128 : memref<10000xf32, #tpu.memory_space<hbm>>) target(%arg6 : memref<10000xf32, #tpu.memory_space<vmem>>) target_semaphore(%run_scoped3A : memref<!tpu.dma_semaphore, #tpu.memory_space<semaphore_mem>>)
      %dma_wait3A = tpu.memref_slice %arg2[%add3A_34] : memref<100000xf32, #tpu.memory_space<hbm>> -> memref<10000xf32, #tpu.memory_space<hbm>>
      %dma_wait3A_129 = tpu.memref_slice %arg2[%add3A_34] : memref<100000xf32, #tpu.memory_space<hbm>> -> memref<10000xf32, #tpu.memory_space<hbm>>
      tpu.wait_dma2 semaphore(%run_scoped3A : memref<!tpu.dma_semaphore, #tpu.memory_space<semaphore_mem>>) src(%dma_wait3A_129 : memref<10000xf32, #tpu.memory_space<hbm>>) dst(%arg6 : memref<10000xf32, #tpu.memory_space<vmem>>)
      tpu.yield
    }) : () -> ()
    %mul3A_35 = arith.constant 50000 : i32
    %mul3A_36 = arith.muli %arg0, %mul3A_35 : i32
    %add3A_37 = arith.constant 10000 : i32
    %add3A_38 = arith.addi %mul3A_36, %add3A_37 : i32
    "tpu.region"() ({
      %run_scoped3A = tpu.sem_alloc : memref<!tpu.dma_semaphore, #tpu.memory_space<semaphore_mem>>
      %dma_start3A = tpu.memref_slice %arg3[%add3A_38] : memref<100000xf32, #tpu.memory_space<hbm>> -> memref<10000xf32, #tpu.memory_space<hbm>>
      %dma_start3A_128 = tpu.memref_slice %arg3[%add3A_38] : memref<100000xf32, #tpu.memory_space<hbm>> -> memref<10000xf32, #tpu.memory_space<hbm>>
      tpu.enqueue_dma source(%dma_start3A_128 : memref<10000xf32, #tpu.memory_space<hbm>>) target(%arg7 : memref<10000xf32, #tpu.memory_space<vmem>>) target_semaphore(%run_scoped3A : memref<!tpu.dma_semaphore, #tpu.memory_space<semaphore_mem>>)
      %dma_wait3A = tpu.memref_slice %arg3[%add3A_38] : memref<100000xf32, #tpu.memory_space<hbm>> -> memref<10000xf32, #tpu.memory_space<hbm>>
      %dma_wait3A_129 = tpu.memref_slice %arg3[%add3A_38] : memref<100000xf32, #tpu.memory_space<hbm>> -> memref<10000xf32, #tpu.memory_space<hbm>>
      tpu.wait_dma2 semaphore(%run_scoped3A : memref<!tpu.dma_semaphore, #tpu.memory_space<semaphore_mem>>) src(%dma_wait3A_129 : memref<10000xf32, #tpu.memory_space<hbm>>) dst(%arg7 : memref<10000xf32, #tpu.memory_space<vmem>>)
      tpu.yield
    }) : () -> ()
    %mul3A_39 = arith.constant 50000 : i32
    %mul3A_40 = arith.muli %arg0, %mul3A_39 : i32
    %add3A_41 = arith.constant 10000 : i32
    %add3A_42 = arith.addi %mul3A_40, %add3A_41 : i32
    "tpu.region"() ({
      %run_scoped3A = tpu.sem_alloc : memref<!tpu.dma_semaphore, #tpu.memory_space<semaphore_mem>>
      %dma_start3A = tpu.memref_slice %arg4[%add3A_42] : memref<100000xf32, #tpu.memory_space<hbm>> -> memref<10000xf32, #tpu.memory_space<hbm>>
      %dma_start3A_128 = tpu.memref_slice %arg4[%add3A_42] : memref<100000xf32, #tpu.memory_space<hbm>> -> memref<10000xf32, #tpu.memory_space<hbm>>
      tpu.enqueue_dma source(%dma_start3A_128 : memref<10000xf32, #tpu.memory_space<hbm>>) target(%arg8 : memref<10000xf32, #tpu.memory_space<vmem>>) target_semaphore(%run_scoped3A : memref<!tpu.dma_semaphore, #tpu.memory_space<semaphore_mem>>)
      %dma_wait3A = tpu.memref_slice %arg4[%add3A_42] : memref<100000xf32, #tpu.memory_space<hbm>> -> memref<10000xf32, #tpu.memory_space<hbm>>
      %dma_wait3A_129 = tpu.memref_slice %arg4[%add3A_42] : memref<100000xf32, #tpu.memory_space<hbm>> -> memref<10000xf32, #tpu.memory_space<hbm>>
      tpu.wait_dma2 semaphore(%run_scoped3A : memref<!tpu.dma_semaphore, #tpu.memory_space<semaphore_mem>>) src(%dma_wait3A_129 : memref<10000xf32, #tpu.memory_space<hbm>>) dst(%arg8 : memref<10000xf32, #tpu.memory_space<vmem>>)
      tpu.yield
    }) : () -> ()
    %scan3A_43 = arith.constant 0 : i32
    %scan3A_44 = arith.constant 0 : i32
    %scan3A_45 = arith.constant 625 : i32
    %scan3A_46 = arith.addi %scan3A_44, %scan3A_45 : i32
    %scan3A_47 = arith.constant 1 : i32
    %scan3A_48 = scf.for %scan3A_128 = %scan3A_44 to %scan3A_46 step %scan3A_47 iter_args(%scan3A_129 = %scan3A_43) -> (i32)  : i32 {
      %mul3A_130 = arith.constant 16 : i32
      %mul3A_131 = arith.muli %scan3A_128, %mul3A_130 : i32
      %get3A = arith.index_cast %mul3A_131 : i32 to index
      %get3A_132 = tpu.vector_load %arg6[%get3A] {strides = array<i32>} : memref<10000xf32, #tpu.memory_space<vmem>>, vector<16xf32>,
      %mul3A_133 = arith.constant 16 : i32
      %mul3A_134 = arith.muli %scan3A_128, %mul3A_133 : i32
      %get3A_135 = arith.index_cast %mul3A_134 : i32 to index
      %get3A_136 = tpu.vector_load %arg7[%get3A_135] {strides = array<i32>} : memref<10000xf32, #tpu.memory_space<vmem>>, vector<16xf32>,
      %mul3A_137 = arith.constant 16 : i32
      %mul3A_138 = arith.muli %scan3A_128, %mul3A_137 : i32
      %get3A_139 = arith.index_cast %mul3A_138 : i32 to index
      %get3A_140 = tpu.vector_load %arg8[%get3A_139] {strides = array<i32>} : memref<10000xf32, #tpu.memory_space<vmem>>, vector<16xf32>,
      %mul3A_141 = arith.constant 2.000000e+00 : f32
      %mul3A_142 = vector.broadcast %mul3A_141 : f32 to vector<16xf32>
      %mul3A_143 = arith.mulf %get3A_132, %mul3A_142 : vector<16xf32>
      %convert_element_type3A = arith.fptosi %mul3A_143 : vector<16xf32> to vector<16xi32>
      %jit3A = arith.constant 0 : i32
      %jit3A_144 = arith.constant 159 : i32
      %max3A = vector.broadcast %jit3A : i32 to vector<16xi32>
      %max3A_145 = arith.maxsi %max3A, %convert_element_type3A : vector<16xi32>
      %min3A_146 = vector.broadcast %jit3A_144 : i32 to vector<16xi32>
      %min3A_147 = arith.minsi %min3A_146, %max3A_145 : vector<16xi32>
      %add3A_148 = arith.constant 4.000000e+01 : f32
      %add3A_149 = vector.broadcast %add3A_148 : f32 to vector<16xf32>
      %add3A_150 = arith.addf %get3A_136, %add3A_149 : vector<16xf32>
      %mul3A_151 = arith.constant 2.000000e+00 : f32
      %mul3A_152 = vector.broadcast %mul3A_151 : f32 to vector<16xf32>
      %mul3A_153 = arith.mulf %add3A_150, %mul3A_152 : vector<16xf32>
      %convert_element_type3A_154 = arith.fptosi %mul3A_153 : vector<16xf32> to vector<16xi32>
      %jit3A_155 = arith.constant 0 : i32
      %jit3A_156 = arith.constant 159 : i32
      %max3A_157 = vector.broadcast %jit3A_155 : i32 to vector<16xi32>
      %max3A_158 = arith.maxsi %max3A_157, %convert_element_type3A_154 : vector<16xi32>
      %min3A_159 = vector.broadcast %jit3A_156 : i32 to vector<16xi32>
      %min3A_160 = arith.minsi %min3A_159, %max3A_158 : vector<16xi32>
      %add3A_161 = arith.constant 2.000000e+00 : f32
      %add3A_162 = vector.broadcast %add3A_161 : f32 to vector<16xf32>
      %add3A_163 = arith.addf %get3A_140, %add3A_162 : vector<16xf32>
      %mul3A_164 = arith.constant 2.000000e+00 : f32
      %mul3A_165 = vector.broadcast %mul3A_164 : f32 to vector<16xf32>
      %mul3A_166 = arith.mulf %add3A_163, %mul3A_165 : vector<16xf32>
      %convert_element_type3A_167 = arith.fptosi %mul3A_166 : vector<16xf32> to vector<16xi32>
      %jit3A_168 = arith.constant 0 : i32
      %jit3A_169 = arith.constant 7 : i32
      %max3A_170 = vector.broadcast %jit3A_168 : i32 to vector<16xi32>
      %max3A_171 = arith.maxsi %max3A_170, %convert_element_type3A_167 : vector<16xi32>
      %min3A_172 = vector.broadcast %jit3A_169 : i32 to vector<16xi32>
      %min3A_173 = arith.minsi %min3A_172, %max3A_171 : vector<16xi32>
      %mul3A_174 = arith.constant 25600 : i32
      %mul3A_175 = vector.broadcast %mul3A_174 : i32 to vector<16xi32>
      %mul3A_176 = arith.muli %min3A_173, %mul3A_175 : vector<16xi32>
      %mul3A_177 = arith.constant 160 : i32
      %mul3A_178 = vector.broadcast %mul3A_177 : i32 to vector<16xi32>
      %mul3A_179 = arith.muli %min3A_160, %mul3A_178 : vector<16xi32>
      %add3A_180 = arith.addi %mul3A_176, %mul3A_179 : vector<16xi32>
      %add3A_181 = arith.addi %add3A_180, %min3A_147 : vector<16xi32>
      %sub3A = vector.broadcast %mul3A_0 : i32 to vector<16xi32>
      %sub3A_182 = arith.subi %add3A_181, %sub3A : vector<16xi32>
      %ge3A = arith.constant 0 : i32
      %ge3A_183 = vector.broadcast %ge3A : i32 to vector<16xi32>
      %ge3A_184 = arith.cmpi sge, %sub3A_182, %ge3A_183 : vector<16xi32>
      %lt3A = arith.constant 12800 : i32
      %lt3A_185 = vector.broadcast %lt3A : i32 to vector<16xi32>
      %lt3A_186 = arith.cmpi slt, %sub3A_182, %lt3A_185 : vector<16xi32>
      %and3A = arith.andi %ge3A_184, %lt3A_186 : vector<16xi1>
      %mul3A_187 = arith.constant 16 : i32
      %mul3A_188 = vector.broadcast %mul3A_187 : i32 to vector<16xi32>
      %mul3A_189 = arith.muli %sub3A_182, %mul3A_188 : vector<16xi32>
      %add3A_190 = arith.addi %mul3A_189, %iota3A : vector<16xi32>
      %add3A_191 = arith.constant 268435456 : i32
      %add3A_192 = vector.broadcast %add3A_191 : i32 to vector<16xi32>
      %add3A_193 = arith.addi %add3A_192, %iota3A : vector<16xi32>
      %select_n3A = arith.select %and3A, %add3A_190, %add3A_193 : vector<16xi1>, vector<16xi32>
      %masked_sort3A = arith.constant dense<true> : vector<16xi1>
      %masked_sort3A_194 = arith.constant -2147483648 : i32
      %masked_sort3A_195 = vector.broadcast %masked_sort3A_194 : i32 to vector<16xi32>
      %masked_sort3A_196 = arith.xori %select_n3A, %masked_sort3A_195 : vector<16xi32>
      %masked_sort3A_197, %masked_sort3A_198, %masked_sort3A_199 = tpu.sort %masked_sort3A_196, %get3A_132 masked %masked_sort3A : (vector<16xi32>, vector<16xf32>, vector<16xi1>) -> (vector<16xi1>, vector<16xi32>, vector<16xf32>)
      %masked_sort3A_200 = arith.xori %masked_sort3A_198, %masked_sort3A_195 : vector<16xi32>
      %swap3A = arith.constant 0 : index
      %swap3A_201 = tpu.vector_load %arg12[%swap3A] {strides = array<i32>} : memref<16xi32, #tpu.memory_space<vmem>>, vector<16xi32>,
      tpu.vector_store %arg12[%swap3A], %masked_sort3A_200 {strides = array<i32>} : memref<16xi32, #tpu.memory_space<vmem>>, vector<16xi32>,
      %gather3A = tpu.vector_load_idx %arg12[%min3A_11] : memref<16xi32, #tpu.memory_space<vmem>>[vector<16xi32>], vector<16xi32>,
      %shift_right_arithmetic3A = arith.constant 4 : i32
      %shift_right_arithmetic3A_202 = vector.broadcast %shift_right_arithmetic3A : i32 to vector<16xi32>
      %shift_right_arithmetic3A_203 = arith.shrsi %masked_sort3A_200, %shift_right_arithmetic3A_202 : vector<16xi32>
      %shift_right_arithmetic3A_204 = arith.constant 4 : i32
      %shift_right_arithmetic3A_205 = vector.broadcast %shift_right_arithmetic3A_204 : i32 to vector<16xi32>
      %shift_right_arithmetic3A_206 = arith.shrsi %gather3A, %shift_right_arithmetic3A_205 : vector<16xi32>
      %ne3A = arith.cmpi ne, %shift_right_arithmetic3A_203, %shift_right_arithmetic3A_206 : vector<16xi32>
      %eq3A = arith.constant 15 : i32
      %eq3A_207 = vector.broadcast %eq3A : i32 to vector<16xi32>
      %eq3A_208 = arith.cmpi eq, %iota3A, %eq3A_207 : vector<16xi32>
      %or3A = arith.ori %ne3A, %eq3A_208 : vector<16xi1>
      %lt3A_209 = arith.constant 268435456 : i32
      %lt3A_210 = vector.broadcast %lt3A_209 : i32 to vector<16xi32>
      %lt3A_211 = arith.cmpi slt, %masked_sort3A_200, %lt3A_210 : vector<16xi32>
      %and3A_212 = arith.andi %or3A, %lt3A_211 : vector<16xi1>
      %and3A_213 = arith.constant 15 : i32
      %and3A_214 = vector.broadcast %and3A_213 : i32 to vector<16xi32>
      %and3A_215 = arith.andi %masked_sort3A_200, %and3A_214 : vector<16xi32>
      %swap3A_216 = arith.constant 0 : index
      %swap3A_217 = tpu.vector_load %arg13[%swap3A_216] {strides = array<i32>} : memref<16xf32, #tpu.memory_space<vmem>>, vector<16xf32>,
      tpu.vector_store %arg13[%swap3A_216], %get3A_136 {strides = array<i32>} : memref<16xf32, #tpu.memory_space<vmem>>, vector<16xf32>,
      %swap3A_218 = arith.constant 0 : index
      %swap3A_219 = tpu.vector_load %arg14[%swap3A_218] {strides = array<i32>} : memref<16xf32, #tpu.memory_space<vmem>>, vector<16xf32>,
      tpu.vector_store %arg14[%swap3A_218], %get3A_140 {strides = array<i32>} : memref<16xf32, #tpu.memory_space<vmem>>, vector<16xf32>,
      %gather3A_220 = tpu.vector_load_idx %arg13[%and3A_215] : memref<16xf32, #tpu.memory_space<vmem>>[vector<16xi32>], vector<16xf32>,
      %gather3A_221 = tpu.vector_load_idx %arg14[%and3A_215] : memref<16xf32, #tpu.memory_space<vmem>>[vector<16xi32>], vector<16xf32>,
      tpu.vector_store_idx %arg9[%shift_right_arithmetic3A_203], %masked_sort3A_199 masked %and3A_212 : memref<12800xf32, #tpu.memory_space<vmem>>[vector<16xi32>], vector<16xf32>, vector<16xi1>
      tpu.vector_store_idx %arg10[%shift_right_arithmetic3A_203], %gather3A_220 masked %and3A_212 : memref<12800xf32, #tpu.memory_space<vmem>>[vector<16xi32>], vector<16xf32>, vector<16xi1>
      tpu.vector_store_idx %arg11[%shift_right_arithmetic3A_203], %gather3A_221 masked %and3A_212 : memref<12800xf32, #tpu.memory_space<vmem>>[vector<16xi32>], vector<16xf32>, vector<16xi1>
      %scan3A_222 = arith.constant 0 : i32
      scf.yield %scan3A_222 : i32
    }
    %scan3A_49 = arith.constant 625 : i32
    %mul3A_50 = arith.constant 50000 : i32
    %mul3A_51 = arith.muli %arg0, %mul3A_50 : i32
    %add3A_52 = arith.constant 20000 : i32
    %add3A_53 = arith.addi %mul3A_51, %add3A_52 : i32
    "tpu.region"() ({
      %run_scoped3A = tpu.sem_alloc : memref<!tpu.dma_semaphore, #tpu.memory_space<semaphore_mem>>
      %dma_start3A = tpu.memref_slice %arg2[%add3A_53] : memref<100000xf32, #tpu.memory_space<hbm>> -> memref<10000xf32, #tpu.memory_space<hbm>>
      %dma_start3A_128 = tpu.memref_slice %arg2[%add3A_53] : memref<100000xf32, #tpu.memory_space<hbm>> -> memref<10000xf32, #tpu.memory_space<hbm>>
      tpu.enqueue_dma source(%dma_start3A_128 : memref<10000xf32, #tpu.memory_space<hbm>>) target(%arg6 : memref<10000xf32, #tpu.memory_space<vmem>>) target_semaphore(%run_scoped3A : memref<!tpu.dma_semaphore, #tpu.memory_space<semaphore_mem>>)
      %dma_wait3A = tpu.memref_slice %arg2[%add3A_53] : memref<100000xf32, #tpu.memory_space<hbm>> -> memref<10000xf32, #tpu.memory_space<hbm>>
      %dma_wait3A_129 = tpu.memref_slice %arg2[%add3A_53] : memref<100000xf32, #tpu.memory_space<hbm>> -> memref<10000xf32, #tpu.memory_space<hbm>>
      tpu.wait_dma2 semaphore(%run_scoped3A : memref<!tpu.dma_semaphore, #tpu.memory_space<semaphore_mem>>) src(%dma_wait3A_129 : memref<10000xf32, #tpu.memory_space<hbm>>) dst(%arg6 : memref<10000xf32, #tpu.memory_space<vmem>>)
      tpu.yield
    }) : () -> ()
    %mul3A_54 = arith.constant 50000 : i32
    %mul3A_55 = arith.muli %arg0, %mul3A_54 : i32
    %add3A_56 = arith.constant 20000 : i32
    %add3A_57 = arith.addi %mul3A_55, %add3A_56 : i32
    "tpu.region"() ({
      %run_scoped3A = tpu.sem_alloc : memref<!tpu.dma_semaphore, #tpu.memory_space<semaphore_mem>>
      %dma_start3A = tpu.memref_slice %arg3[%add3A_57] : memref<100000xf32, #tpu.memory_space<hbm>> -> memref<10000xf32, #tpu.memory_space<hbm>>
      %dma_start3A_128 = tpu.memref_slice %arg3[%add3A_57] : memref<100000xf32, #tpu.memory_space<hbm>> -> memref<10000xf32, #tpu.memory_space<hbm>>
      tpu.enqueue_dma source(%dma_start3A_128 : memref<10000xf32, #tpu.memory_space<hbm>>) target(%arg7 : memref<10000xf32, #tpu.memory_space<vmem>>) target_semaphore(%run_scoped3A : memref<!tpu.dma_semaphore, #tpu.memory_space<semaphore_mem>>)
      %dma_wait3A = tpu.memref_slice %arg3[%add3A_57] : memref<100000xf32, #tpu.memory_space<hbm>> -> memref<10000xf32, #tpu.memory_space<hbm>>
      %dma_wait3A_129 = tpu.memref_slice %arg3[%add3A_57] : memref<100000xf32, #tpu.memory_space<hbm>> -> memref<10000xf32, #tpu.memory_space<hbm>>
      tpu.wait_dma2 semaphore(%run_scoped3A : memref<!tpu.dma_semaphore, #tpu.memory_space<semaphore_mem>>) src(%dma_wait3A_129 : memref<10000xf32, #tpu.memory_space<hbm>>) dst(%arg7 : memref<10000xf32, #tpu.memory_space<vmem>>)
      tpu.yield
    }) : () -> ()
    %mul3A_58 = arith.constant 50000 : i32
    %mul3A_59 = arith.muli %arg0, %mul3A_58 : i32
    %add3A_60 = arith.constant 20000 : i32
    %add3A_61 = arith.addi %mul3A_59, %add3A_60 : i32
    "tpu.region"() ({
      %run_scoped3A = tpu.sem_alloc : memref<!tpu.dma_semaphore, #tpu.memory_space<semaphore_mem>>
      %dma_start3A = tpu.memref_slice %arg4[%add3A_61] : memref<100000xf32, #tpu.memory_space<hbm>> -> memref<10000xf32, #tpu.memory_space<hbm>>
      %dma_start3A_128 = tpu.memref_slice %arg4[%add3A_61] : memref<100000xf32, #tpu.memory_space<hbm>> -> memref<10000xf32, #tpu.memory_space<hbm>>
      tpu.enqueue_dma source(%dma_start3A_128 : memref<10000xf32, #tpu.memory_space<hbm>>) target(%arg8 : memref<10000xf32, #tpu.memory_space<vmem>>) target_semaphore(%run_scoped3A : memref<!tpu.dma_semaphore, #tpu.memory_space<semaphore_mem>>)
      %dma_wait3A = tpu.memref_slice %arg4[%add3A_61] : memref<100000xf32, #tpu.memory_space<hbm>> -> memref<10000xf32, #tpu.memory_space<hbm>>
      %dma_wait3A_129 = tpu.memref_slice %arg4[%add3A_61] : memref<100000xf32, #tpu.memory_space<hbm>> -> memref<10000xf32, #tpu.memory_space<hbm>>
      tpu.wait_dma2 semaphore(%run_scoped3A : memref<!tpu.dma_semaphore, #tpu.memory_space<semaphore_mem>>) src(%dma_wait3A_129 : memref<10000xf32, #tpu.memory_space<hbm>>) dst(%arg8 : memref<10000xf32, #tpu.memory_space<vmem>>)
      tpu.yield
    }) : () -> ()
    %scan3A_62 = arith.constant 0 : i32
    %scan3A_63 = arith.constant 0 : i32
    %scan3A_64 = arith.constant 625 : i32
    %scan3A_65 = arith.addi %scan3A_63, %scan3A_64 : i32
    %scan3A_66 = arith.constant 1 : i32
    %scan3A_67 = scf.for %scan3A_128 = %scan3A_63 to %scan3A_65 step %scan3A_66 iter_args(%scan3A_129 = %scan3A_62) -> (i32)  : i32 {
      %mul3A_130 = arith.constant 16 : i32
      %mul3A_131 = arith.muli %scan3A_128, %mul3A_130 : i32
      %get3A = arith.index_cast %mul3A_131 : i32 to index
      %get3A_132 = tpu.vector_load %arg6[%get3A] {strides = array<i32>} : memref<10000xf32, #tpu.memory_space<vmem>>, vector<16xf32>,
      %mul3A_133 = arith.constant 16 : i32
      %mul3A_134 = arith.muli %scan3A_128, %mul3A_133 : i32
      %get3A_135 = arith.index_cast %mul3A_134 : i32 to index
      %get3A_136 = tpu.vector_load %arg7[%get3A_135] {strides = array<i32>} : memref<10000xf32, #tpu.memory_space<vmem>>, vector<16xf32>,
      %mul3A_137 = arith.constant 16 : i32
      %mul3A_138 = arith.muli %scan3A_128, %mul3A_137 : i32
      %get3A_139 = arith.index_cast %mul3A_138 : i32 to index
      %get3A_140 = tpu.vector_load %arg8[%get3A_139] {strides = array<i32>} : memref<10000xf32, #tpu.memory_space<vmem>>, vector<16xf32>,
      %mul3A_141 = arith.constant 2.000000e+00 : f32
      %mul3A_142 = vector.broadcast %mul3A_141 : f32 to vector<16xf32>
      %mul3A_143 = arith.mulf %get3A_132, %mul3A_142 : vector<16xf32>
      %convert_element_type3A = arith.fptosi %mul3A_143 : vector<16xf32> to vector<16xi32>
      %jit3A = arith.constant 0 : i32
      %jit3A_144 = arith.constant 159 : i32
      %max3A = vector.broadcast %jit3A : i32 to vector<16xi32>
      %max3A_145 = arith.maxsi %max3A, %convert_element_type3A : vector<16xi32>
      %min3A_146 = vector.broadcast %jit3A_144 : i32 to vector<16xi32>
      %min3A_147 = arith.minsi %min3A_146, %max3A_145 : vector<16xi32>
      %add3A_148 = arith.constant 4.000000e+01 : f32
      %add3A_149 = vector.broadcast %add3A_148 : f32 to vector<16xf32>
      %add3A_150 = arith.addf %get3A_136, %add3A_149 : vector<16xf32>
      %mul3A_151 = arith.constant 2.000000e+00 : f32
      %mul3A_152 = vector.broadcast %mul3A_151 : f32 to vector<16xf32>
      %mul3A_153 = arith.mulf %add3A_150, %mul3A_152 : vector<16xf32>
      %convert_element_type3A_154 = arith.fptosi %mul3A_153 : vector<16xf32> to vector<16xi32>
      %jit3A_155 = arith.constant 0 : i32
      %jit3A_156 = arith.constant 159 : i32
      %max3A_157 = vector.broadcast %jit3A_155 : i32 to vector<16xi32>
      %max3A_158 = arith.maxsi %max3A_157, %convert_element_type3A_154 : vector<16xi32>
      %min3A_159 = vector.broadcast %jit3A_156 : i32 to vector<16xi32>
      %min3A_160 = arith.minsi %min3A_159, %max3A_158 : vector<16xi32>
      %add3A_161 = arith.constant 2.000000e+00 : f32
      %add3A_162 = vector.broadcast %add3A_161 : f32 to vector<16xf32>
      %add3A_163 = arith.addf %get3A_140, %add3A_162 : vector<16xf32>
      %mul3A_164 = arith.constant 2.000000e+00 : f32
      %mul3A_165 = vector.broadcast %mul3A_164 : f32 to vector<16xf32>
      %mul3A_166 = arith.mulf %add3A_163, %mul3A_165 : vector<16xf32>
      %convert_element_type3A_167 = arith.fptosi %mul3A_166 : vector<16xf32> to vector<16xi32>
      %jit3A_168 = arith.constant 0 : i32
      %jit3A_169 = arith.constant 7 : i32
      %max3A_170 = vector.broadcast %jit3A_168 : i32 to vector<16xi32>
      %max3A_171 = arith.maxsi %max3A_170, %convert_element_type3A_167 : vector<16xi32>
      %min3A_172 = vector.broadcast %jit3A_169 : i32 to vector<16xi32>
      %min3A_173 = arith.minsi %min3A_172, %max3A_171 : vector<16xi32>
      %mul3A_174 = arith.constant 25600 : i32
      %mul3A_175 = vector.broadcast %mul3A_174 : i32 to vector<16xi32>
      %mul3A_176 = arith.muli %min3A_173, %mul3A_175 : vector<16xi32>
      %mul3A_177 = arith.constant 160 : i32
      %mul3A_178 = vector.broadcast %mul3A_177 : i32 to vector<16xi32>
      %mul3A_179 = arith.muli %min3A_160, %mul3A_178 : vector<16xi32>
      %add3A_180 = arith.addi %mul3A_176, %mul3A_179 : vector<16xi32>
      %add3A_181 = arith.addi %add3A_180, %min3A_147 : vector<16xi32>
      %sub3A = vector.broadcast %mul3A_0 : i32 to vector<16xi32>
      %sub3A_182 = arith.subi %add3A_181, %sub3A : vector<16xi32>
      %ge3A = arith.constant 0 : i32
      %ge3A_183 = vector.broadcast %ge3A : i32 to vector<16xi32>
      %ge3A_184 = arith.cmpi sge, %sub3A_182, %ge3A_183 : vector<16xi32>
      %lt3A = arith.constant 12800 : i32
      %lt3A_185 = vector.broadcast %lt3A : i32 to vector<16xi32>
      %lt3A_186 = arith.cmpi slt, %sub3A_182, %lt3A_185 : vector<16xi32>
      %and3A = arith.andi %ge3A_184, %lt3A_186 : vector<16xi1>
      %mul3A_187 = arith.constant 16 : i32
      %mul3A_188 = vector.broadcast %mul3A_187 : i32 to vector<16xi32>
      %mul3A_189 = arith.muli %sub3A_182, %mul3A_188 : vector<16xi32>
      %add3A_190 = arith.addi %mul3A_189, %iota3A : vector<16xi32>
      %add3A_191 = arith.constant 268435456 : i32
      %add3A_192 = vector.broadcast %add3A_191 : i32 to vector<16xi32>
      %add3A_193 = arith.addi %add3A_192, %iota3A : vector<16xi32>
      %select_n3A = arith.select %and3A, %add3A_190, %add3A_193 : vector<16xi1>, vector<16xi32>
      %masked_sort3A = arith.constant dense<true> : vector<16xi1>
      %masked_sort3A_194 = arith.constant -2147483648 : i32
      %masked_sort3A_195 = vector.broadcast %masked_sort3A_194 : i32 to vector<16xi32>
      %masked_sort3A_196 = arith.xori %select_n3A, %masked_sort3A_195 : vector<16xi32>
      %masked_sort3A_197, %masked_sort3A_198, %masked_sort3A_199 = tpu.sort %masked_sort3A_196, %get3A_132 masked %masked_sort3A : (vector<16xi32>, vector<16xf32>, vector<16xi1>) -> (vector<16xi1>, vector<16xi32>, vector<16xf32>)
      %masked_sort3A_200 = arith.xori %masked_sort3A_198, %masked_sort3A_195 : vector<16xi32>
      %swap3A = arith.constant 0 : index
      %swap3A_201 = tpu.vector_load %arg12[%swap3A] {strides = array<i32>} : memref<16xi32, #tpu.memory_space<vmem>>, vector<16xi32>,
      tpu.vector_store %arg12[%swap3A], %masked_sort3A_200 {strides = array<i32>} : memref<16xi32, #tpu.memory_space<vmem>>, vector<16xi32>,
      %gather3A = tpu.vector_load_idx %arg12[%min3A_11] : memref<16xi32, #tpu.memory_space<vmem>>[vector<16xi32>], vector<16xi32>,
      %shift_right_arithmetic3A = arith.constant 4 : i32
      %shift_right_arithmetic3A_202 = vector.broadcast %shift_right_arithmetic3A : i32 to vector<16xi32>
      %shift_right_arithmetic3A_203 = arith.shrsi %masked_sort3A_200, %shift_right_arithmetic3A_202 : vector<16xi32>
      %shift_right_arithmetic3A_204 = arith.constant 4 : i32
      %shift_right_arithmetic3A_205 = vector.broadcast %shift_right_arithmetic3A_204 : i32 to vector<16xi32>
      %shift_right_arithmetic3A_206 = arith.shrsi %gather3A, %shift_right_arithmetic3A_205 : vector<16xi32>
      %ne3A = arith.cmpi ne, %shift_right_arithmetic3A_203, %shift_right_arithmetic3A_206 : vector<16xi32>
      %eq3A = arith.constant 15 : i32
      %eq3A_207 = vector.broadcast %eq3A : i32 to vector<16xi32>
      %eq3A_208 = arith.cmpi eq, %iota3A, %eq3A_207 : vector<16xi32>
      %or3A = arith.ori %ne3A, %eq3A_208 : vector<16xi1>
      %lt3A_209 = arith.constant 268435456 : i32
      %lt3A_210 = vector.broadcast %lt3A_209 : i32 to vector<16xi32>
      %lt3A_211 = arith.cmpi slt, %masked_sort3A_200, %lt3A_210 : vector<16xi32>
      %and3A_212 = arith.andi %or3A, %lt3A_211 : vector<16xi1>
      %and3A_213 = arith.constant 15 : i32
      %and3A_214 = vector.broadcast %and3A_213 : i32 to vector<16xi32>
      %and3A_215 = arith.andi %masked_sort3A_200, %and3A_214 : vector<16xi32>
      %swap3A_216 = arith.constant 0 : index
      %swap3A_217 = tpu.vector_load %arg13[%swap3A_216] {strides = array<i32>} : memref<16xf32, #tpu.memory_space<vmem>>, vector<16xf32>,
      tpu.vector_store %arg13[%swap3A_216], %get3A_136 {strides = array<i32>} : memref<16xf32, #tpu.memory_space<vmem>>, vector<16xf32>,
      %swap3A_218 = arith.constant 0 : index
      %swap3A_219 = tpu.vector_load %arg14[%swap3A_218] {strides = array<i32>} : memref<16xf32, #tpu.memory_space<vmem>>, vector<16xf32>,
      tpu.vector_store %arg14[%swap3A_218], %get3A_140 {strides = array<i32>} : memref<16xf32, #tpu.memory_space<vmem>>, vector<16xf32>,
      %gather3A_220 = tpu.vector_load_idx %arg13[%and3A_215] : memref<16xf32, #tpu.memory_space<vmem>>[vector<16xi32>], vector<16xf32>,
      %gather3A_221 = tpu.vector_load_idx %arg14[%and3A_215] : memref<16xf32, #tpu.memory_space<vmem>>[vector<16xi32>], vector<16xf32>,
      tpu.vector_store_idx %arg9[%shift_right_arithmetic3A_203], %masked_sort3A_199 masked %and3A_212 : memref<12800xf32, #tpu.memory_space<vmem>>[vector<16xi32>], vector<16xf32>, vector<16xi1>
      tpu.vector_store_idx %arg10[%shift_right_arithmetic3A_203], %gather3A_220 masked %and3A_212 : memref<12800xf32, #tpu.memory_space<vmem>>[vector<16xi32>], vector<16xf32>, vector<16xi1>
      tpu.vector_store_idx %arg11[%shift_right_arithmetic3A_203], %gather3A_221 masked %and3A_212 : memref<12800xf32, #tpu.memory_space<vmem>>[vector<16xi32>], vector<16xf32>, vector<16xi1>
      %scan3A_222 = arith.constant 0 : i32
      scf.yield %scan3A_222 : i32
    }
    %scan3A_68 = arith.constant 625 : i32
    %mul3A_69 = arith.constant 50000 : i32
    %mul3A_70 = arith.muli %arg0, %mul3A_69 : i32
    %add3A_71 = arith.constant 30000 : i32
    %add3A_72 = arith.addi %mul3A_70, %add3A_71 : i32
    "tpu.region"() ({
      %run_scoped3A = tpu.sem_alloc : memref<!tpu.dma_semaphore, #tpu.memory_space<semaphore_mem>>
      %dma_start3A = tpu.memref_slice %arg2[%add3A_72] : memref<100000xf32, #tpu.memory_space<hbm>> -> memref<10000xf32, #tpu.memory_space<hbm>>
      %dma_start3A_128 = tpu.memref_slice %arg2[%add3A_72] : memref<100000xf32, #tpu.memory_space<hbm>> -> memref<10000xf32, #tpu.memory_space<hbm>>
      tpu.enqueue_dma source(%dma_start3A_128 : memref<10000xf32, #tpu.memory_space<hbm>>) target(%arg6 : memref<10000xf32, #tpu.memory_space<vmem>>) target_semaphore(%run_scoped3A : memref<!tpu.dma_semaphore, #tpu.memory_space<semaphore_mem>>)
      %dma_wait3A = tpu.memref_slice %arg2[%add3A_72] : memref<100000xf32, #tpu.memory_space<hbm>> -> memref<10000xf32, #tpu.memory_space<hbm>>
      %dma_wait3A_129 = tpu.memref_slice %arg2[%add3A_72] : memref<100000xf32, #tpu.memory_space<hbm>> -> memref<10000xf32, #tpu.memory_space<hbm>>
      tpu.wait_dma2 semaphore(%run_scoped3A : memref<!tpu.dma_semaphore, #tpu.memory_space<semaphore_mem>>) src(%dma_wait3A_129 : memref<10000xf32, #tpu.memory_space<hbm>>) dst(%arg6 : memref<10000xf32, #tpu.memory_space<vmem>>)
      tpu.yield
    }) : () -> ()
    %mul3A_73 = arith.constant 50000 : i32
    %mul3A_74 = arith.muli %arg0, %mul3A_73 : i32
    %add3A_75 = arith.constant 30000 : i32
    %add3A_76 = arith.addi %mul3A_74, %add3A_75 : i32
    "tpu.region"() ({
      %run_scoped3A = tpu.sem_alloc : memref<!tpu.dma_semaphore, #tpu.memory_space<semaphore_mem>>
      %dma_start3A = tpu.memref_slice %arg3[%add3A_76] : memref<100000xf32, #tpu.memory_space<hbm>> -> memref<10000xf32, #tpu.memory_space<hbm>>
      %dma_start3A_128 = tpu.memref_slice %arg3[%add3A_76] : memref<100000xf32, #tpu.memory_space<hbm>> -> memref<10000xf32, #tpu.memory_space<hbm>>
      tpu.enqueue_dma source(%dma_start3A_128 : memref<10000xf32, #tpu.memory_space<hbm>>) target(%arg7 : memref<10000xf32, #tpu.memory_space<vmem>>) target_semaphore(%run_scoped3A : memref<!tpu.dma_semaphore, #tpu.memory_space<semaphore_mem>>)
      %dma_wait3A = tpu.memref_slice %arg3[%add3A_76] : memref<100000xf32, #tpu.memory_space<hbm>> -> memref<10000xf32, #tpu.memory_space<hbm>>
      %dma_wait3A_129 = tpu.memref_slice %arg3[%add3A_76] : memref<100000xf32, #tpu.memory_space<hbm>> -> memref<10000xf32, #tpu.memory_space<hbm>>
      tpu.wait_dma2 semaphore(%run_scoped3A : memref<!tpu.dma_semaphore, #tpu.memory_space<semaphore_mem>>) src(%dma_wait3A_129 : memref<10000xf32, #tpu.memory_space<hbm>>) dst(%arg7 : memref<10000xf32, #tpu.memory_space<vmem>>)
      tpu.yield
    }) : () -> ()
    %mul3A_77 = arith.constant 50000 : i32
    %mul3A_78 = arith.muli %arg0, %mul3A_77 : i32
    %add3A_79 = arith.constant 30000 : i32
    %add3A_80 = arith.addi %mul3A_78, %add3A_79 : i32
    "tpu.region"() ({
      %run_scoped3A = tpu.sem_alloc : memref<!tpu.dma_semaphore, #tpu.memory_space<semaphore_mem>>
      %dma_start3A = tpu.memref_slice %arg4[%add3A_80] : memref<100000xf32, #tpu.memory_space<hbm>> -> memref<10000xf32, #tpu.memory_space<hbm>>
      %dma_start3A_128 = tpu.memref_slice %arg4[%add3A_80] : memref<100000xf32, #tpu.memory_space<hbm>> -> memref<10000xf32, #tpu.memory_space<hbm>>
      tpu.enqueue_dma source(%dma_start3A_128 : memref<10000xf32, #tpu.memory_space<hbm>>) target(%arg8 : memref<10000xf32, #tpu.memory_space<vmem>>) target_semaphore(%run_scoped3A : memref<!tpu.dma_semaphore, #tpu.memory_space<semaphore_mem>>)
      %dma_wait3A = tpu.memref_slice %arg4[%add3A_80] : memref<100000xf32, #tpu.memory_space<hbm>> -> memref<10000xf32, #tpu.memory_space<hbm>>
      %dma_wait3A_129 = tpu.memref_slice %arg4[%add3A_80] : memref<100000xf32, #tpu.memory_space<hbm>> -> memref<10000xf32, #tpu.memory_space<hbm>>
      tpu.wait_dma2 semaphore(%run_scoped3A : memref<!tpu.dma_semaphore, #tpu.memory_space<semaphore_mem>>) src(%dma_wait3A_129 : memref<10000xf32, #tpu.memory_space<hbm>>) dst(%arg8 : memref<10000xf32, #tpu.memory_space<vmem>>)
      tpu.yield
    }) : () -> ()
    %scan3A_81 = arith.constant 0 : i32
    %scan3A_82 = arith.constant 0 : i32
    %scan3A_83 = arith.constant 625 : i32
    %scan3A_84 = arith.addi %scan3A_82, %scan3A_83 : i32
    %scan3A_85 = arith.constant 1 : i32
    %scan3A_86 = scf.for %scan3A_128 = %scan3A_82 to %scan3A_84 step %scan3A_85 iter_args(%scan3A_129 = %scan3A_81) -> (i32)  : i32 {
      %mul3A_130 = arith.constant 16 : i32
      %mul3A_131 = arith.muli %scan3A_128, %mul3A_130 : i32
      %get3A = arith.index_cast %mul3A_131 : i32 to index
      %get3A_132 = tpu.vector_load %arg6[%get3A] {strides = array<i32>} : memref<10000xf32, #tpu.memory_space<vmem>>, vector<16xf32>,
      %mul3A_133 = arith.constant 16 : i32
      %mul3A_134 = arith.muli %scan3A_128, %mul3A_133 : i32
      %get3A_135 = arith.index_cast %mul3A_134 : i32 to index
      %get3A_136 = tpu.vector_load %arg7[%get3A_135] {strides = array<i32>} : memref<10000xf32, #tpu.memory_space<vmem>>, vector<16xf32>,
      %mul3A_137 = arith.constant 16 : i32
      %mul3A_138 = arith.muli %scan3A_128, %mul3A_137 : i32
      %get3A_139 = arith.index_cast %mul3A_138 : i32 to index
      %get3A_140 = tpu.vector_load %arg8[%get3A_139] {strides = array<i32>} : memref<10000xf32, #tpu.memory_space<vmem>>, vector<16xf32>,
      %mul3A_141 = arith.constant 2.000000e+00 : f32
      %mul3A_142 = vector.broadcast %mul3A_141 : f32 to vector<16xf32>
      %mul3A_143 = arith.mulf %get3A_132, %mul3A_142 : vector<16xf32>
      %convert_element_type3A = arith.fptosi %mul3A_143 : vector<16xf32> to vector<16xi32>
      %jit3A = arith.constant 0 : i32
      %jit3A_144 = arith.constant 159 : i32
      %max3A = vector.broadcast %jit3A : i32 to vector<16xi32>
      %max3A_145 = arith.maxsi %max3A, %convert_element_type3A : vector<16xi32>
      %min3A_146 = vector.broadcast %jit3A_144 : i32 to vector<16xi32>
      %min3A_147 = arith.minsi %min3A_146, %max3A_145 : vector<16xi32>
      %add3A_148 = arith.constant 4.000000e+01 : f32
      %add3A_149 = vector.broadcast %add3A_148 : f32 to vector<16xf32>
      %add3A_150 = arith.addf %get3A_136, %add3A_149 : vector<16xf32>
      %mul3A_151 = arith.constant 2.000000e+00 : f32
      %mul3A_152 = vector.broadcast %mul3A_151 : f32 to vector<16xf32>
      %mul3A_153 = arith.mulf %add3A_150, %mul3A_152 : vector<16xf32>
      %convert_element_type3A_154 = arith.fptosi %mul3A_153 : vector<16xf32> to vector<16xi32>
      %jit3A_155 = arith.constant 0 : i32
      %jit3A_156 = arith.constant 159 : i32
      %max3A_157 = vector.broadcast %jit3A_155 : i32 to vector<16xi32>
      %max3A_158 = arith.maxsi %max3A_157, %convert_element_type3A_154 : vector<16xi32>
      %min3A_159 = vector.broadcast %jit3A_156 : i32 to vector<16xi32>
      %min3A_160 = arith.minsi %min3A_159, %max3A_158 : vector<16xi32>
      %add3A_161 = arith.constant 2.000000e+00 : f32
      %add3A_162 = vector.broadcast %add3A_161 : f32 to vector<16xf32>
      %add3A_163 = arith.addf %get3A_140, %add3A_162 : vector<16xf32>
      %mul3A_164 = arith.constant 2.000000e+00 : f32
      %mul3A_165 = vector.broadcast %mul3A_164 : f32 to vector<16xf32>
      %mul3A_166 = arith.mulf %add3A_163, %mul3A_165 : vector<16xf32>
      %convert_element_type3A_167 = arith.fptosi %mul3A_166 : vector<16xf32> to vector<16xi32>
      %jit3A_168 = arith.constant 0 : i32
      %jit3A_169 = arith.constant 7 : i32
      %max3A_170 = vector.broadcast %jit3A_168 : i32 to vector<16xi32>
      %max3A_171 = arith.maxsi %max3A_170, %convert_element_type3A_167 : vector<16xi32>
      %min3A_172 = vector.broadcast %jit3A_169 : i32 to vector<16xi32>
      %min3A_173 = arith.minsi %min3A_172, %max3A_171 : vector<16xi32>
      %mul3A_174 = arith.constant 25600 : i32
      %mul3A_175 = vector.broadcast %mul3A_174 : i32 to vector<16xi32>
      %mul3A_176 = arith.muli %min3A_173, %mul3A_175 : vector<16xi32>
      %mul3A_177 = arith.constant 160 : i32
      %mul3A_178 = vector.broadcast %mul3A_177 : i32 to vector<16xi32>
      %mul3A_179 = arith.muli %min3A_160, %mul3A_178 : vector<16xi32>
      %add3A_180 = arith.addi %mul3A_176, %mul3A_179 : vector<16xi32>
      %add3A_181 = arith.addi %add3A_180, %min3A_147 : vector<16xi32>
      %sub3A = vector.broadcast %mul3A_0 : i32 to vector<16xi32>
      %sub3A_182 = arith.subi %add3A_181, %sub3A : vector<16xi32>
      %ge3A = arith.constant 0 : i32
      %ge3A_183 = vector.broadcast %ge3A : i32 to vector<16xi32>
      %ge3A_184 = arith.cmpi sge, %sub3A_182, %ge3A_183 : vector<16xi32>
      %lt3A = arith.constant 12800 : i32
      %lt3A_185 = vector.broadcast %lt3A : i32 to vector<16xi32>
      %lt3A_186 = arith.cmpi slt, %sub3A_182, %lt3A_185 : vector<16xi32>
      %and3A = arith.andi %ge3A_184, %lt3A_186 : vector<16xi1>
      %mul3A_187 = arith.constant 16 : i32
      %mul3A_188 = vector.broadcast %mul3A_187 : i32 to vector<16xi32>
      %mul3A_189 = arith.muli %sub3A_182, %mul3A_188 : vector<16xi32>
      %add3A_190 = arith.addi %mul3A_189, %iota3A : vector<16xi32>
      %add3A_191 = arith.constant 268435456 : i32
      %add3A_192 = vector.broadcast %add3A_191 : i32 to vector<16xi32>
      %add3A_193 = arith.addi %add3A_192, %iota3A : vector<16xi32>
      %select_n3A = arith.select %and3A, %add3A_190, %add3A_193 : vector<16xi1>, vector<16xi32>
      %masked_sort3A = arith.constant dense<true> : vector<16xi1>
      %masked_sort3A_194 = arith.constant -2147483648 : i32
      %masked_sort3A_195 = vector.broadcast %masked_sort3A_194 : i32 to vector<16xi32>
      %masked_sort3A_196 = arith.xori %select_n3A, %masked_sort3A_195 : vector<16xi32>
      %masked_sort3A_197, %masked_sort3A_198, %masked_sort3A_199 = tpu.sort %masked_sort3A_196, %get3A_132 masked %masked_sort3A : (vector<16xi32>, vector<16xf32>, vector<16xi1>) -> (vector<16xi1>, vector<16xi32>, vector<16xf32>)
      %masked_sort3A_200 = arith.xori %masked_sort3A_198, %masked_sort3A_195 : vector<16xi32>
      %swap3A = arith.constant 0 : index
      %swap3A_201 = tpu.vector_load %arg12[%swap3A] {strides = array<i32>} : memref<16xi32, #tpu.memory_space<vmem>>, vector<16xi32>,
      tpu.vector_store %arg12[%swap3A], %masked_sort3A_200 {strides = array<i32>} : memref<16xi32, #tpu.memory_space<vmem>>, vector<16xi32>,
      %gather3A = tpu.vector_load_idx %arg12[%min3A_11] : memref<16xi32, #tpu.memory_space<vmem>>[vector<16xi32>], vector<16xi32>,
      %shift_right_arithmetic3A = arith.constant 4 : i32
      %shift_right_arithmetic3A_202 = vector.broadcast %shift_right_arithmetic3A : i32 to vector<16xi32>
      %shift_right_arithmetic3A_203 = arith.shrsi %masked_sort3A_200, %shift_right_arithmetic3A_202 : vector<16xi32>
      %shift_right_arithmetic3A_204 = arith.constant 4 : i32
      %shift_right_arithmetic3A_205 = vector.broadcast %shift_right_arithmetic3A_204 : i32 to vector<16xi32>
      %shift_right_arithmetic3A_206 = arith.shrsi %gather3A, %shift_right_arithmetic3A_205 : vector<16xi32>
      %ne3A = arith.cmpi ne, %shift_right_arithmetic3A_203, %shift_right_arithmetic3A_206 : vector<16xi32>
      %eq3A = arith.constant 15 : i32
      %eq3A_207 = vector.broadcast %eq3A : i32 to vector<16xi32>
      %eq3A_208 = arith.cmpi eq, %iota3A, %eq3A_207 : vector<16xi32>
      %or3A = arith.ori %ne3A, %eq3A_208 : vector<16xi1>
      %lt3A_209 = arith.constant 268435456 : i32
      %lt3A_210 = vector.broadcast %lt3A_209 : i32 to vector<16xi32>
      %lt3A_211 = arith.cmpi slt, %masked_sort3A_200, %lt3A_210 : vector<16xi32>
      %and3A_212 = arith.andi %or3A, %lt3A_211 : vector<16xi1>
      %and3A_213 = arith.constant 15 : i32
      %and3A_214 = vector.broadcast %and3A_213 : i32 to vector<16xi32>
      %and3A_215 = arith.andi %masked_sort3A_200, %and3A_214 : vector<16xi32>
      %swap3A_216 = arith.constant 0 : index
      %swap3A_217 = tpu.vector_load %arg13[%swap3A_216] {strides = array<i32>} : memref<16xf32, #tpu.memory_space<vmem>>, vector<16xf32>,
      tpu.vector_store %arg13[%swap3A_216], %get3A_136 {strides = array<i32>} : memref<16xf32, #tpu.memory_space<vmem>>, vector<16xf32>,
      %swap3A_218 = arith.constant 0 : index
      %swap3A_219 = tpu.vector_load %arg14[%swap3A_218] {strides = array<i32>} : memref<16xf32, #tpu.memory_space<vmem>>, vector<16xf32>,
      tpu.vector_store %arg14[%swap3A_218], %get3A_140 {strides = array<i32>} : memref<16xf32, #tpu.memory_space<vmem>>, vector<16xf32>,
      %gather3A_220 = tpu.vector_load_idx %arg13[%and3A_215] : memref<16xf32, #tpu.memory_space<vmem>>[vector<16xi32>], vector<16xf32>,
      %gather3A_221 = tpu.vector_load_idx %arg14[%and3A_215] : memref<16xf32, #tpu.memory_space<vmem>>[vector<16xi32>], vector<16xf32>,
      tpu.vector_store_idx %arg9[%shift_right_arithmetic3A_203], %masked_sort3A_199 masked %and3A_212 : memref<12800xf32, #tpu.memory_space<vmem>>[vector<16xi32>], vector<16xf32>, vector<16xi1>
      tpu.vector_store_idx %arg10[%shift_right_arithmetic3A_203], %gather3A_220 masked %and3A_212 : memref<12800xf32, #tpu.memory_space<vmem>>[vector<16xi32>], vector<16xf32>, vector<16xi1>
      tpu.vector_store_idx %arg11[%shift_right_arithmetic3A_203], %gather3A_221 masked %and3A_212 : memref<12800xf32, #tpu.memory_space<vmem>>[vector<16xi32>], vector<16xf32>, vector<16xi1>
      %scan3A_222 = arith.constant 0 : i32
      scf.yield %scan3A_222 : i32
    }
    %scan3A_87 = arith.constant 625 : i32
    %mul3A_88 = arith.constant 50000 : i32
    %mul3A_89 = arith.muli %arg0, %mul3A_88 : i32
    %add3A_90 = arith.constant 40000 : i32
    %add3A_91 = arith.addi %mul3A_89, %add3A_90 : i32
    "tpu.region"() ({
      %run_scoped3A = tpu.sem_alloc : memref<!tpu.dma_semaphore, #tpu.memory_space<semaphore_mem>>
      %dma_start3A = tpu.memref_slice %arg2[%add3A_91] : memref<100000xf32, #tpu.memory_space<hbm>> -> memref<10000xf32, #tpu.memory_space<hbm>>
      %dma_start3A_128 = tpu.memref_slice %arg2[%add3A_91] : memref<100000xf32, #tpu.memory_space<hbm>> -> memref<10000xf32, #tpu.memory_space<hbm>>
      tpu.enqueue_dma source(%dma_start3A_128 : memref<10000xf32, #tpu.memory_space<hbm>>) target(%arg6 : memref<10000xf32, #tpu.memory_space<vmem>>) target_semaphore(%run_scoped3A : memref<!tpu.dma_semaphore, #tpu.memory_space<semaphore_mem>>)
      %dma_wait3A = tpu.memref_slice %arg2[%add3A_91] : memref<100000xf32, #tpu.memory_space<hbm>> -> memref<10000xf32, #tpu.memory_space<hbm>>
      %dma_wait3A_129 = tpu.memref_slice %arg2[%add3A_91] : memref<100000xf32, #tpu.memory_space<hbm>> -> memref<10000xf32, #tpu.memory_space<hbm>>
      tpu.wait_dma2 semaphore(%run_scoped3A : memref<!tpu.dma_semaphore, #tpu.memory_space<semaphore_mem>>) src(%dma_wait3A_129 : memref<10000xf32, #tpu.memory_space<hbm>>) dst(%arg6 : memref<10000xf32, #tpu.memory_space<vmem>>)
      tpu.yield
    }) : () -> ()
    %mul3A_92 = arith.constant 50000 : i32
    %mul3A_93 = arith.muli %arg0, %mul3A_92 : i32
    %add3A_94 = arith.constant 40000 : i32
    %add3A_95 = arith.addi %mul3A_93, %add3A_94 : i32
    "tpu.region"() ({
      %run_scoped3A = tpu.sem_alloc : memref<!tpu.dma_semaphore, #tpu.memory_space<semaphore_mem>>
      %dma_start3A = tpu.memref_slice %arg3[%add3A_95] : memref<100000xf32, #tpu.memory_space<hbm>> -> memref<10000xf32, #tpu.memory_space<hbm>>
      %dma_start3A_128 = tpu.memref_slice %arg3[%add3A_95] : memref<100000xf32, #tpu.memory_space<hbm>> -> memref<10000xf32, #tpu.memory_space<hbm>>
      tpu.enqueue_dma source(%dma_start3A_128 : memref<10000xf32, #tpu.memory_space<hbm>>) target(%arg7 : memref<10000xf32, #tpu.memory_space<vmem>>) target_semaphore(%run_scoped3A : memref<!tpu.dma_semaphore, #tpu.memory_space<semaphore_mem>>)
      %dma_wait3A = tpu.memref_slice %arg3[%add3A_95] : memref<100000xf32, #tpu.memory_space<hbm>> -> memref<10000xf32, #tpu.memory_space<hbm>>
      %dma_wait3A_129 = tpu.memref_slice %arg3[%add3A_95] : memref<100000xf32, #tpu.memory_space<hbm>> -> memref<10000xf32, #tpu.memory_space<hbm>>
      tpu.wait_dma2 semaphore(%run_scoped3A : memref<!tpu.dma_semaphore, #tpu.memory_space<semaphore_mem>>) src(%dma_wait3A_129 : memref<10000xf32, #tpu.memory_space<hbm>>) dst(%arg7 : memref<10000xf32, #tpu.memory_space<vmem>>)
      tpu.yield
    }) : () -> ()
    %mul3A_96 = arith.constant 50000 : i32
    %mul3A_97 = arith.muli %arg0, %mul3A_96 : i32
    %add3A_98 = arith.constant 40000 : i32
    %add3A_99 = arith.addi %mul3A_97, %add3A_98 : i32
    "tpu.region"() ({
      %run_scoped3A = tpu.sem_alloc : memref<!tpu.dma_semaphore, #tpu.memory_space<semaphore_mem>>
      %dma_start3A = tpu.memref_slice %arg4[%add3A_99] : memref<100000xf32, #tpu.memory_space<hbm>> -> memref<10000xf32, #tpu.memory_space<hbm>>
      %dma_start3A_128 = tpu.memref_slice %arg4[%add3A_99] : memref<100000xf32, #tpu.memory_space<hbm>> -> memref<10000xf32, #tpu.memory_space<hbm>>
      tpu.enqueue_dma source(%dma_start3A_128 : memref<10000xf32, #tpu.memory_space<hbm>>) target(%arg8 : memref<10000xf32, #tpu.memory_space<vmem>>) target_semaphore(%run_scoped3A : memref<!tpu.dma_semaphore, #tpu.memory_space<semaphore_mem>>)
      %dma_wait3A = tpu.memref_slice %arg4[%add3A_99] : memref<100000xf32, #tpu.memory_space<hbm>> -> memref<10000xf32, #tpu.memory_space<hbm>>
      %dma_wait3A_129 = tpu.memref_slice %arg4[%add3A_99] : memref<100000xf32, #tpu.memory_space<hbm>> -> memref<10000xf32, #tpu.memory_space<hbm>>
      tpu.wait_dma2 semaphore(%run_scoped3A : memref<!tpu.dma_semaphore, #tpu.memory_space<semaphore_mem>>) src(%dma_wait3A_129 : memref<10000xf32, #tpu.memory_space<hbm>>) dst(%arg8 : memref<10000xf32, #tpu.memory_space<vmem>>)
      tpu.yield
    }) : () -> ()
    %scan3A_100 = arith.constant 0 : i32
    %scan3A_101 = arith.constant 0 : i32
    %scan3A_102 = arith.constant 625 : i32
    %scan3A_103 = arith.addi %scan3A_101, %scan3A_102 : i32
    %scan3A_104 = arith.constant 1 : i32
    %scan3A_105 = scf.for %scan3A_128 = %scan3A_101 to %scan3A_103 step %scan3A_104 iter_args(%scan3A_129 = %scan3A_100) -> (i32)  : i32 {
      %mul3A_130 = arith.constant 16 : i32
      %mul3A_131 = arith.muli %scan3A_128, %mul3A_130 : i32
      %get3A = arith.index_cast %mul3A_131 : i32 to index
      %get3A_132 = tpu.vector_load %arg6[%get3A] {strides = array<i32>} : memref<10000xf32, #tpu.memory_space<vmem>>, vector<16xf32>,
      %mul3A_133 = arith.constant 16 : i32
      %mul3A_134 = arith.muli %scan3A_128, %mul3A_133 : i32
      %get3A_135 = arith.index_cast %mul3A_134 : i32 to index
      %get3A_136 = tpu.vector_load %arg7[%get3A_135] {strides = array<i32>} : memref<10000xf32, #tpu.memory_space<vmem>>, vector<16xf32>,
      %mul3A_137 = arith.constant 16 : i32
      %mul3A_138 = arith.muli %scan3A_128, %mul3A_137 : i32
      %get3A_139 = arith.index_cast %mul3A_138 : i32 to index
      %get3A_140 = tpu.vector_load %arg8[%get3A_139] {strides = array<i32>} : memref<10000xf32, #tpu.memory_space<vmem>>, vector<16xf32>,
      %mul3A_141 = arith.constant 2.000000e+00 : f32
      %mul3A_142 = vector.broadcast %mul3A_141 : f32 to vector<16xf32>
      %mul3A_143 = arith.mulf %get3A_132, %mul3A_142 : vector<16xf32>
      %convert_element_type3A = arith.fptosi %mul3A_143 : vector<16xf32> to vector<16xi32>
      %jit3A = arith.constant 0 : i32
      %jit3A_144 = arith.constant 159 : i32
      %max3A = vector.broadcast %jit3A : i32 to vector<16xi32>
      %max3A_145 = arith.maxsi %max3A, %convert_element_type3A : vector<16xi32>
      %min3A_146 = vector.broadcast %jit3A_144 : i32 to vector<16xi32>
      %min3A_147 = arith.minsi %min3A_146, %max3A_145 : vector<16xi32>
      %add3A_148 = arith.constant 4.000000e+01 : f32
      %add3A_149 = vector.broadcast %add3A_148 : f32 to vector<16xf32>
      %add3A_150 = arith.addf %get3A_136, %add3A_149 : vector<16xf32>
      %mul3A_151 = arith.constant 2.000000e+00 : f32
      %mul3A_152 = vector.broadcast %mul3A_151 : f32 to vector<16xf32>
      %mul3A_153 = arith.mulf %add3A_150, %mul3A_152 : vector<16xf32>
      %convert_element_type3A_154 = arith.fptosi %mul3A_153 : vector<16xf32> to vector<16xi32>
      %jit3A_155 = arith.constant 0 : i32
      %jit3A_156 = arith.constant 159 : i32
      %max3A_157 = vector.broadcast %jit3A_155 : i32 to vector<16xi32>
      %max3A_158 = arith.maxsi %max3A_157, %convert_element_type3A_154 : vector<16xi32>
      %min3A_159 = vector.broadcast %jit3A_156 : i32 to vector<16xi32>
      %min3A_160 = arith.minsi %min3A_159, %max3A_158 : vector<16xi32>
      %add3A_161 = arith.constant 2.000000e+00 : f32
      %add3A_162 = vector.broadcast %add3A_161 : f32 to vector<16xf32>
      %add3A_163 = arith.addf %get3A_140, %add3A_162 : vector<16xf32>
      %mul3A_164 = arith.constant 2.000000e+00 : f32
      %mul3A_165 = vector.broadcast %mul3A_164 : f32 to vector<16xf32>
      %mul3A_166 = arith.mulf %add3A_163, %mul3A_165 : vector<16xf32>
      %convert_element_type3A_167 = arith.fptosi %mul3A_166 : vector<16xf32> to vector<16xi32>
      %jit3A_168 = arith.constant 0 : i32
      %jit3A_169 = arith.constant 7 : i32
      %max3A_170 = vector.broadcast %jit3A_168 : i32 to vector<16xi32>
      %max3A_171 = arith.maxsi %max3A_170, %convert_element_type3A_167 : vector<16xi32>
      %min3A_172 = vector.broadcast %jit3A_169 : i32 to vector<16xi32>
      %min3A_173 = arith.minsi %min3A_172, %max3A_171 : vector<16xi32>
      %mul3A_174 = arith.constant 25600 : i32
      %mul3A_175 = vector.broadcast %mul3A_174 : i32 to vector<16xi32>
      %mul3A_176 = arith.muli %min3A_173, %mul3A_175 : vector<16xi32>
      %mul3A_177 = arith.constant 160 : i32
      %mul3A_178 = vector.broadcast %mul3A_177 : i32 to vector<16xi32>
      %mul3A_179 = arith.muli %min3A_160, %mul3A_178 : vector<16xi32>
      %add3A_180 = arith.addi %mul3A_176, %mul3A_179 : vector<16xi32>
      %add3A_181 = arith.addi %add3A_180, %min3A_147 : vector<16xi32>
      %sub3A = vector.broadcast %mul3A_0 : i32 to vector<16xi32>
      %sub3A_182 = arith.subi %add3A_181, %sub3A : vector<16xi32>
      %ge3A = arith.constant 0 : i32
      %ge3A_183 = vector.broadcast %ge3A : i32 to vector<16xi32>
      %ge3A_184 = arith.cmpi sge, %sub3A_182, %ge3A_183 : vector<16xi32>
      %lt3A = arith.constant 12800 : i32
      %lt3A_185 = vector.broadcast %lt3A : i32 to vector<16xi32>
      %lt3A_186 = arith.cmpi slt, %sub3A_182, %lt3A_185 : vector<16xi32>
      %and3A = arith.andi %ge3A_184, %lt3A_186 : vector<16xi1>
      %mul3A_187 = arith.constant 16 : i32
      %mul3A_188 = vector.broadcast %mul3A_187 : i32 to vector<16xi32>
      %mul3A_189 = arith.muli %sub3A_182, %mul3A_188 : vector<16xi32>
      %add3A_190 = arith.addi %mul3A_189, %iota3A : vector<16xi32>
      %add3A_191 = arith.constant 268435456 : i32
      %add3A_192 = vector.broadcast %add3A_191 : i32 to vector<16xi32>
      %add3A_193 = arith.addi %add3A_192, %iota3A : vector<16xi32>
      %select_n3A = arith.select %and3A, %add3A_190, %add3A_193 : vector<16xi1>, vector<16xi32>
      %masked_sort3A = arith.constant dense<true> : vector<16xi1>
      %masked_sort3A_194 = arith.constant -2147483648 : i32
      %masked_sort3A_195 = vector.broadcast %masked_sort3A_194 : i32 to vector<16xi32>
      %masked_sort3A_196 = arith.xori %select_n3A, %masked_sort3A_195 : vector<16xi32>
      %masked_sort3A_197, %masked_sort3A_198, %masked_sort3A_199 = tpu.sort %masked_sort3A_196, %get3A_132 masked %masked_sort3A : (vector<16xi32>, vector<16xf32>, vector<16xi1>) -> (vector<16xi1>, vector<16xi32>, vector<16xf32>)
      %masked_sort3A_200 = arith.xori %masked_sort3A_198, %masked_sort3A_195 : vector<16xi32>
      %swap3A = arith.constant 0 : index
      %swap3A_201 = tpu.vector_load %arg12[%swap3A] {strides = array<i32>} : memref<16xi32, #tpu.memory_space<vmem>>, vector<16xi32>,
      tpu.vector_store %arg12[%swap3A], %masked_sort3A_200 {strides = array<i32>} : memref<16xi32, #tpu.memory_space<vmem>>, vector<16xi32>,
      %gather3A = tpu.vector_load_idx %arg12[%min3A_11] : memref<16xi32, #tpu.memory_space<vmem>>[vector<16xi32>], vector<16xi32>,
      %shift_right_arithmetic3A = arith.constant 4 : i32
      %shift_right_arithmetic3A_202 = vector.broadcast %shift_right_arithmetic3A : i32 to vector<16xi32>
      %shift_right_arithmetic3A_203 = arith.shrsi %masked_sort3A_200, %shift_right_arithmetic3A_202 : vector<16xi32>
      %shift_right_arithmetic3A_204 = arith.constant 4 : i32
      %shift_right_arithmetic3A_205 = vector.broadcast %shift_right_arithmetic3A_204 : i32 to vector<16xi32>
      %shift_right_arithmetic3A_206 = arith.shrsi %gather3A, %shift_right_arithmetic3A_205 : vector<16xi32>
      %ne3A = arith.cmpi ne, %shift_right_arithmetic3A_203, %shift_right_arithmetic3A_206 : vector<16xi32>
      %eq3A = arith.constant 15 : i32
      %eq3A_207 = vector.broadcast %eq3A : i32 to vector<16xi32>
      %eq3A_208 = arith.cmpi eq, %iota3A, %eq3A_207 : vector<16xi32>
      %or3A = arith.ori %ne3A, %eq3A_208 : vector<16xi1>
      %lt3A_209 = arith.constant 268435456 : i32
      %lt3A_210 = vector.broadcast %lt3A_209 : i32 to vector<16xi32>
      %lt3A_211 = arith.cmpi slt, %masked_sort3A_200, %lt3A_210 : vector<16xi32>
      %and3A_212 = arith.andi %or3A, %lt3A_211 : vector<16xi1>
      %and3A_213 = arith.constant 15 : i32
      %and3A_214 = vector.broadcast %and3A_213 : i32 to vector<16xi32>
      %and3A_215 = arith.andi %masked_sort3A_200, %and3A_214 : vector<16xi32>
      %swap3A_216 = arith.constant 0 : index
      %swap3A_217 = tpu.vector_load %arg13[%swap3A_216] {strides = array<i32>} : memref<16xf32, #tpu.memory_space<vmem>>, vector<16xf32>,
      tpu.vector_store %arg13[%swap3A_216], %get3A_136 {strides = array<i32>} : memref<16xf32, #tpu.memory_space<vmem>>, vector<16xf32>,
      %swap3A_218 = arith.constant 0 : index
      %swap3A_219 = tpu.vector_load %arg14[%swap3A_218] {strides = array<i32>} : memref<16xf32, #tpu.memory_space<vmem>>, vector<16xf32>,
      tpu.vector_store %arg14[%swap3A_218], %get3A_140 {strides = array<i32>} : memref<16xf32, #tpu.memory_space<vmem>>, vector<16xf32>,
      %gather3A_220 = tpu.vector_load_idx %arg13[%and3A_215] : memref<16xf32, #tpu.memory_space<vmem>>[vector<16xi32>], vector<16xf32>,
      %gather3A_221 = tpu.vector_load_idx %arg14[%and3A_215] : memref<16xf32, #tpu.memory_space<vmem>>[vector<16xi32>], vector<16xf32>,
      tpu.vector_store_idx %arg9[%shift_right_arithmetic3A_203], %masked_sort3A_199 masked %and3A_212 : memref<12800xf32, #tpu.memory_space<vmem>>[vector<16xi32>], vector<16xf32>, vector<16xi1>
      tpu.vector_store_idx %arg10[%shift_right_arithmetic3A_203], %gather3A_220 masked %and3A_212 : memref<12800xf32, #tpu.memory_space<vmem>>[vector<16xi32>], vector<16xf32>, vector<16xi1>
      tpu.vector_store_idx %arg11[%shift_right_arithmetic3A_203], %gather3A_221 masked %and3A_212 : memref<12800xf32, #tpu.memory_space<vmem>>[vector<16xi32>], vector<16xf32>, vector<16xi1>
      %scan3A_222 = arith.constant 0 : i32
      scf.yield %scan3A_222 : i32
    }
    %scan3A_106 = arith.constant 625 : i32
    %mul3A_107 = arith.constant 3 : i32
    %mul3A_108 = arith.muli %arg0, %mul3A_107 : i32
    %add3A_109 = arith.constant 0 : i32
    %add3A_110 = arith.addi %mul3A_108, %add3A_109 : i32
    %mul3A_111 = arith.constant 204800 : i32
    %mul3A_112 = arith.muli %add3A_110, %mul3A_111 : i32
    %add3A_113 = arith.addi %mul3A_112, %mul3A_0 : i32
    "tpu.region"() ({
      %run_scoped3A = tpu.sem_alloc : memref<!tpu.dma_semaphore, #tpu.memory_space<semaphore_mem>>
      %dma_start3A = tpu.memref_slice %arg5[%add3A_113] : memref<1228800xf32, #tpu.memory_space<hbm>> -> memref<12800xf32, #tpu.memory_space<hbm>>
      %dma_start3A_128 = tpu.memref_slice %arg5[%add3A_113] : memref<1228800xf32, #tpu.memory_space<hbm>> -> memref<12800xf32, #tpu.memory_space<hbm>>
      tpu.enqueue_dma source(%arg9 : memref<12800xf32, #tpu.memory_space<vmem>>) target(%dma_start3A_128 : memref<12800xf32, #tpu.memory_space<hbm>>) target_semaphore(%run_scoped3A : memref<!tpu.dma_semaphore, #tpu.memory_space<semaphore_mem>>)
      %dma_wait3A = tpu.memref_slice %arg5[%add3A_113] : memref<1228800xf32, #tpu.memory_space<hbm>> -> memref<12800xf32, #tpu.memory_space<hbm>>
      %dma_wait3A_129 = tpu.memref_slice %arg5[%add3A_113] : memref<1228800xf32, #tpu.memory_space<hbm>> -> memref<12800xf32, #tpu.memory_space<hbm>>
      tpu.wait_dma2 semaphore(%run_scoped3A : memref<!tpu.dma_semaphore, #tpu.memory_space<semaphore_mem>>) src(%arg9 : memref<12800xf32, #tpu.memory_space<vmem>>) dst(%dma_wait3A_129 : memref<12800xf32, #tpu.memory_space<hbm>>)
      tpu.yield
    }) : () -> ()
    %mul3A_114 = arith.constant 3 : i32
    %mul3A_115 = arith.muli %arg0, %mul3A_114 : i32
    %add3A_116 = arith.constant 1 : i32
    %add3A_117 = arith.addi %mul3A_115, %add3A_116 : i32
    %mul3A_118 = arith.constant 204800 : i32
    %mul3A_119 = arith.muli %add3A_117, %mul3A_118 : i32
    %add3A_120 = arith.addi %mul3A_119, %mul3A_0 : i32
    "tpu.region"() ({
      %run_scoped3A = tpu.sem_alloc : memref<!tpu.dma_semaphore, #tpu.memory_space<semaphore_mem>>
      %dma_start3A = tpu.memref_slice %arg5[%add3A_120] : memref<1228800xf32, #tpu.memory_space<hbm>> -> memref<12800xf32, #tpu.memory_space<hbm>>
      %dma_start3A_128 = tpu.memref_slice %arg5[%add3A_120] : memref<1228800xf32, #tpu.memory_space<hbm>> -> memref<12800xf32, #tpu.memory_space<hbm>>
      tpu.enqueue_dma source(%arg10 : memref<12800xf32, #tpu.memory_space<vmem>>) target(%dma_start3A_128 : memref<12800xf32, #tpu.memory_space<hbm>>) target_semaphore(%run_scoped3A : memref<!tpu.dma_semaphore, #tpu.memory_space<semaphore_mem>>)
      %dma_wait3A = tpu.memref_slice %arg5[%add3A_120] : memref<1228800xf32, #tpu.memory_space<hbm>> -> memref<12800xf32, #tpu.memory_space<hbm>>
      %dma_wait3A_129 = tpu.memref_slice %arg5[%add3A_120] : memref<1228800xf32, #tpu.memory_space<hbm>> -> memref<12800xf32, #tpu.memory_space<hbm>>
      tpu.wait_dma2 semaphore(%run_scoped3A : memref<!tpu.dma_semaphore, #tpu.memory_space<semaphore_mem>>) src(%arg10 : memref<12800xf32, #tpu.memory_space<vmem>>) dst(%dma_wait3A_129 : memref<12800xf32, #tpu.memory_space<hbm>>)
      tpu.yield
    }) : () -> ()
    %mul3A_121 = arith.constant 3 : i32
    %mul3A_122 = arith.muli %arg0, %mul3A_121 : i32
    %add3A_123 = arith.constant 2 : i32
    %add3A_124 = arith.addi %mul3A_122, %add3A_123 : i32
    %mul3A_125 = arith.constant 204800 : i32
    %mul3A_126 = arith.muli %add3A_124, %mul3A_125 : i32
    %add3A_127 = arith.addi %mul3A_126, %mul3A_0 : i32
    "tpu.region"() ({
      %run_scoped3A = tpu.sem_alloc : memref<!tpu.dma_semaphore, #tpu.memory_space<semaphore_mem>>
      %dma_start3A = tpu.memref_slice %arg5[%add3A_127] : memref<1228800xf32, #tpu.memory_space<hbm>> -> memref<12800xf32, #tpu.memory_space<hbm>>
      %dma_start3A_128 = tpu.memref_slice %arg5[%add3A_127] : memref<1228800xf32, #tpu.memory_space<hbm>> -> memref<12800xf32, #tpu.memory_space<hbm>>
      tpu.enqueue_dma source(%arg11 : memref<12800xf32, #tpu.memory_space<vmem>>) target(%dma_start3A_128 : memref<12800xf32, #tpu.memory_space<hbm>>) target_semaphore(%run_scoped3A : memref<!tpu.dma_semaphore, #tpu.memory_space<semaphore_mem>>)
      %dma_wait3A = tpu.memref_slice %arg5[%add3A_127] : memref<1228800xf32, #tpu.memory_space<hbm>> -> memref<12800xf32, #tpu.memory_space<hbm>>
      %dma_wait3A_129 = tpu.memref_slice %arg5[%add3A_127] : memref<1228800xf32, #tpu.memory_space<hbm>> -> memref<12800xf32, #tpu.memory_space<hbm>>
      tpu.wait_dma2 semaphore(%run_scoped3A : memref<!tpu.dma_semaphore, #tpu.memory_space<semaphore_mem>>) src(%arg11 : memref<12800xf32, #tpu.memory_space<vmem>>) dst(%dma_wait3A_129 : memref<12800xf32, #tpu.memory_space<hbm>>)
      tpu.yield
    }) : () -> ()
    return
  }
}

module attributes {stable_mosaic.version = 14 : i64} {
  func.func @body(%arg0: i32, %arg1: i32, %arg2: memref<1x3x8192xf32, #tpu.memory_space<vmem>>, %arg3: memref<3x1xf32, #tpu.memory_space<vmem>>, %arg4: memref<3x3xf32, #tpu.memory_space<vmem>>) attributes {dimension_semantics = [#tpu.dimension_semantics<arbitrary>, #tpu.dimension_semantics<arbitrary>], iteration_bounds = array<i64: 2, 25>, scalar_prefetch = 0 : i64, scratch_operands = 0 : i64, tpu.core_type = #tpu.core_type<tc>, window_params = [{transform_indices = @transform_0, window_bounds = array<i64: 1, 3, 8192>}, {pipeline_mode = #tpu.pipeline_mode<synchronous>, transform_indices = @transform_1, window_bounds = array<i64: 3, 1>}, {pipeline_mode = #tpu.pipeline_mode<synchronous>, transform_indices = @transform_2, window_bounds = array<i64: 3, 3>}]} {
    %eq3A = arith.constant 0 : i32
    %eq3A_0 = arith.cmpi eq, %arg0, %eq3A : i32
    %eq3A_1 = arith.constant 0 : i32
    %eq3A_2 = arith.cmpi eq, %arg1, %eq3A_1 : i32
    %and3A = arith.andi %eq3A_0, %eq3A_2 : i1
    %convert_element_type3A = arith.extui %and3A : i1 to i32
    %cond3A = arith.constant 0 : i32
    %cond3A_3 = arith.cmpi ne, %convert_element_type3A, %cond3A : i32
    scf.if %cond3A_3 {
      %broadcast_in_dim3A_24 = arith.constant 0.000000e+00 : f32
      %broadcast_in_dim3A_25 = vector.broadcast %broadcast_in_dim3A_24 : f32 to vector<3x1xf32>
      %swap3A_26 = arith.constant 0 : index
      %swap3A_27 = arith.constant 0 : index
      %swap3A_28 = vector.load %arg3[%swap3A_26, %swap3A_27] : memref<3x1xf32, #tpu.memory_space<vmem>>, vector<3x1xf32>
      tpu.vector_store %arg3[%swap3A_26, %swap3A_27], %broadcast_in_dim3A_25 {strides = array<i32>} : memref<3x1xf32, #tpu.memory_space<vmem>>, vector<3x1xf32>,
      %broadcast_in_dim3A_29 = arith.constant 0.000000e+00 : f32
      %broadcast_in_dim3A_30 = vector.broadcast %broadcast_in_dim3A_29 : f32 to vector<3x3xf32>
      %swap3A_31 = arith.constant 0 : index
      %swap3A_32 = arith.constant 0 : index
      %swap3A_33 = vector.load %arg4[%swap3A_31, %swap3A_32] : memref<3x3xf32, #tpu.memory_space<vmem>>, vector<3x3xf32>
      tpu.vector_store %arg4[%swap3A_31, %swap3A_32], %broadcast_in_dim3A_30 {strides = array<i32>} : memref<3x3xf32, #tpu.memory_space<vmem>>, vector<3x3xf32>,
    } else {
    }
    %get3A = arith.constant 0 : index
    %get3A_4 = arith.constant 0 : index
    %get3A_5 = arith.constant 0 : index
    %get3A_6 = vector.load %arg2[%get3A, %get3A_4, %get3A_5] : memref<1x3x8192xf32, #tpu.memory_space<vmem>>, vector<1x3x8192xf32>
    %get3A_7 = vector.shape_cast %get3A_6 : vector<1x3x8192xf32> to vector<3x8192xf32>
    %convert_element_type3A_8 = arith.truncf %get3A_7 : vector<3x8192xf32> to vector<3x8192xbf16>
    %get3A_9 = arith.constant 0 : index
    %get3A_10 = arith.constant 0 : index
    %get3A_11 = vector.load %arg3[%get3A_9, %get3A_10] : memref<3x1xf32, #tpu.memory_space<vmem>>, vector<3x1xf32>
    %convert_element_type3A_12 = arith.extf %convert_element_type3A_8 : vector<3x8192xbf16> to vector<3x8192xf32>
    %reduce_sum3A = arith.constant dense<0.000000e+00> : vector<3xf32>
    %reduce_sum3A_13 = vector.multi_reduction <add>, %convert_element_type3A_12, %reduce_sum3A [1] : vector<3x8192xf32> to vector<3xf32>
    %broadcast_in_dim3A = vector.shape_cast %reduce_sum3A_13 : vector<3xf32> to vector<3x1xf32>
    %add3A = arith.addf %get3A_11, %broadcast_in_dim3A : vector<3x1xf32>
    %swap3A = arith.constant 0 : index
    %swap3A_14 = arith.constant 0 : index
    %swap3A_15 = vector.load %arg3[%swap3A, %swap3A_14] : memref<3x1xf32, #tpu.memory_space<vmem>>, vector<3x1xf32>
    tpu.vector_store %arg3[%swap3A, %swap3A_14], %add3A {strides = array<i32>} : memref<3x1xf32, #tpu.memory_space<vmem>>, vector<3x1xf32>,
    %get3A_16 = arith.constant 0 : index
    %get3A_17 = arith.constant 0 : index
    %get3A_18 = vector.load %arg4[%get3A_16, %get3A_17] : memref<3x3xf32, #tpu.memory_space<vmem>>, vector<3x3xf32>
    %dot_general3A = arith.constant dense<0.000000e+00> : vector<3x3xf32>
    %dot_general3A_19 = tpu.matmul %convert_element_type3A_8, %convert_element_type3A_8, %dot_general3A {dimension_numbers = #tpu.dot_dimension_numbers<[1], [1], [0], [0], [0, 0, 1, 0], [], []>, transpose_lhs_hint = false} : vector<3x8192xbf16>, vector<3x8192xbf16>, vector<3x3xf32> -> vector<3x3xf32>
    %add3A_20 = arith.addf %get3A_18, %dot_general3A_19 : vector<3x3xf32>
    %swap3A_21 = arith.constant 0 : index
    %swap3A_22 = arith.constant 0 : index
    %swap3A_23 = vector.load %arg4[%swap3A_21, %swap3A_22] : memref<3x3xf32, #tpu.memory_space<vmem>>, vector<3x3xf32>
    tpu.vector_store %arg4[%swap3A_21, %swap3A_22], %add3A_20 {strides = array<i32>} : memref<3x3xf32, #tpu.memory_space<vmem>>, vector<3x3xf32>,
    return
  }
  func.func @transform_0(%arg0: i32, %arg1: i32) -> (i32, i32, i32) {
    %c0_i32 = arith.constant 0 : i32
    %c0_i32_0 = arith.constant 0 : i32
    return %arg0, %c0_i32, %arg1 : i32, i32, i32
  }
  func.func @transform_1(%arg0: i32, %arg1: i32) -> (i32, i32) {
    %c0_i32 = arith.constant 0 : i32
    %c0_i32_0 = arith.constant 0 : i32
    %c0_i32_1 = arith.constant 0 : i32
    return %c0_i32, %c0_i32_0 : i32, i32
  }
  func.func @transform_2(%arg0: i32, %arg1: i32) -> (i32, i32) {
    %c0_i32 = arith.constant 0 : i32
    %c0_i32_0 = arith.constant 0 : i32
    %c0_i32_1 = arith.constant 0 : i32
    return %c0_i32, %c0_i32_0 : i32, i32
  }
}

module attributes {stable_mosaic.version = 14 : i64} {
  func.func @body(%arg0: i32, %arg1: i32, %arg2: memref<1x3x8192xf32, #tpu.memory_space<vmem>>, %arg3: memref<32x3xf32, #tpu.memory_space<vmem>>, %arg4: memref<32x1xf32, #tpu.memory_space<vmem>>, %arg5: memref<32x1xf32, #tpu.memory_space<vmem>>, %arg6: memref<32x32xf32, #tpu.memory_space<vmem>>) attributes {dimension_semantics = [#tpu.dimension_semantics<arbitrary>, #tpu.dimension_semantics<arbitrary>], iteration_bounds = array<i64: 2, 25>, scalar_prefetch = 0 : i64, scratch_operands = 0 : i64, tpu.core_type = #tpu.core_type<tc>, window_params = [{transform_indices = @transform_0, window_bounds = array<i64: 1, 3, 8192>}, {pipeline_mode = #tpu.pipeline_mode<synchronous>, transform_indices = @transform_1, window_bounds = array<i64: 32, 3>}, {pipeline_mode = #tpu.pipeline_mode<synchronous>, transform_indices = @transform_2, window_bounds = array<i64: 32, 1>}, {pipeline_mode = #tpu.pipeline_mode<synchronous>, transform_indices = @transform_3, window_bounds = array<i64: 32, 1>}, {pipeline_mode = #tpu.pipeline_mode<synchronous>, transform_indices = @transform_4, window_bounds = array<i64: 32, 32>}]} {
    %eq3A = arith.constant 0 : i32
    %eq3A_0 = arith.cmpi eq, %arg0, %eq3A : i32
    %eq3A_1 = arith.constant 0 : i32
    %eq3A_2 = arith.cmpi eq, %arg1, %eq3A_1 : i32
    %and3A = arith.andi %eq3A_0, %eq3A_2 : i1
    %convert_element_type3A = arith.extui %and3A : i1 to i32
    %cond3A = arith.constant 0 : i32
    %cond3A_3 = arith.cmpi ne, %convert_element_type3A, %cond3A : i32
    scf.if %cond3A_3 {
      %broadcast_in_dim3A_38 = arith.constant 0.000000e+00 : f32
      %broadcast_in_dim3A_39 = vector.broadcast %broadcast_in_dim3A_38 : f32 to vector<32x1xf32>
      %swap3A_40 = arith.constant 0 : index
      %swap3A_41 = arith.constant 0 : index
      %swap3A_42 = vector.load %arg5[%swap3A_40, %swap3A_41] : memref<32x1xf32, #tpu.memory_space<vmem>>, vector<32x1xf32>
      tpu.vector_store %arg5[%swap3A_40, %swap3A_41], %broadcast_in_dim3A_39 {strides = array<i32>} : memref<32x1xf32, #tpu.memory_space<vmem>>, vector<32x1xf32>,
      %broadcast_in_dim3A_43 = arith.constant 0.000000e+00 : f32
      %broadcast_in_dim3A_44 = vector.broadcast %broadcast_in_dim3A_43 : f32 to vector<32x32xf32>
      %swap3A_45 = arith.constant 0 : index
      %swap3A_46 = arith.constant 0 : index
      %swap3A_47 = vector.load %arg6[%swap3A_45, %swap3A_46] : memref<32x32xf32, #tpu.memory_space<vmem>>, vector<32x32xf32>
      tpu.vector_store %arg6[%swap3A_45, %swap3A_46], %broadcast_in_dim3A_44 {strides = array<i32>} : memref<32x32xf32, #tpu.memory_space<vmem>>, vector<32x32xf32>,
    } else {
    }
    %get3A = arith.constant 0 : index
    %get3A_4 = arith.constant 0 : index
    %get3A_5 = arith.constant 0 : index
    %get3A_6 = vector.load %arg2[%get3A, %get3A_4, %get3A_5] : memref<1x3x8192xf32, #tpu.memory_space<vmem>>, vector<1x3x8192xf32>
    %get3A_7 = vector.shape_cast %get3A_6 : vector<1x3x8192xf32> to vector<3x8192xf32>
    %convert_element_type3A_8 = arith.truncf %get3A_7 : vector<3x8192xf32> to vector<3x8192xbf16>
    %get3A_9 = arith.constant 0 : index
    %get3A_10 = arith.constant 0 : index
    %get3A_11 = vector.load %arg3[%get3A_9, %get3A_10] : memref<32x3xf32, #tpu.memory_space<vmem>>, vector<32x3xf32>
    %convert_element_type3A_12 = arith.truncf %get3A_11 : vector<32x3xf32> to vector<32x3xbf16>
    %dot_general3A = arith.constant dense<0.000000e+00> : vector<32x8192xf32>
    %dot_general3A_13 = tpu.matmul %convert_element_type3A_12, %convert_element_type3A_8, %dot_general3A {dimension_numbers = #tpu.dot_dimension_numbers<[1], [0], [0], [1], [0, 0, 1, 1], [], []>, transpose_lhs_hint = false} : vector<32x3xbf16>, vector<3x8192xbf16>, vector<32x8192xf32> -> vector<32x8192xf32>
    %get3A_14 = arith.constant 0 : index
    %get3A_15 = arith.constant 0 : index
    %get3A_16 = vector.load %arg4[%get3A_14, %get3A_15] : memref<32x1xf32, #tpu.memory_space<vmem>>, vector<32x1xf32>
    %add3A = vector.broadcast %get3A_16 : vector<32x1xf32> to vector<32x8192xf32>
    %add3A_17 = arith.addf %dot_general3A_13, %add3A : vector<32x8192xf32>
    %max3A = arith.constant 0.000000e+00 : f32
    %max3A_18 = vector.broadcast %max3A : f32 to vector<32x8192xf32>
    %max3A_19 = arith.maximumf %add3A_17, %max3A_18 : vector<32x8192xf32>
    %convert_element_type3A_20 = arith.truncf %max3A_19 : vector<32x8192xf32> to vector<32x8192xbf16>
    %get3A_21 = arith.constant 0 : index
    %get3A_22 = arith.constant 0 : index
    %get3A_23 = vector.load %arg5[%get3A_21, %get3A_22] : memref<32x1xf32, #tpu.memory_space<vmem>>, vector<32x1xf32>
    %convert_element_type3A_24 = arith.extf %convert_element_type3A_20 : vector<32x8192xbf16> to vector<32x8192xf32>
    %reduce_sum3A = arith.constant dense<0.000000e+00> : vector<32xf32>
    %reduce_sum3A_25 = vector.multi_reduction <add>, %convert_element_type3A_24, %reduce_sum3A [1] : vector<32x8192xf32> to vector<32xf32>
    %broadcast_in_dim3A = vector.shape_cast %reduce_sum3A_25 : vector<32xf32> to vector<32x1xf32>
    %add3A_26 = arith.addf %get3A_23, %broadcast_in_dim3A : vector<32x1xf32>
    %swap3A = arith.constant 0 : index
    %swap3A_27 = arith.constant 0 : index
    %swap3A_28 = vector.load %arg5[%swap3A, %swap3A_27] : memref<32x1xf32, #tpu.memory_space<vmem>>, vector<32x1xf32>
    tpu.vector_store %arg5[%swap3A, %swap3A_27], %add3A_26 {strides = array<i32>} : memref<32x1xf32, #tpu.memory_space<vmem>>, vector<32x1xf32>,
    %get3A_29 = arith.constant 0 : index
    %get3A_30 = arith.constant 0 : index
    %get3A_31 = vector.load %arg6[%get3A_29, %get3A_30] : memref<32x32xf32, #tpu.memory_space<vmem>>, vector<32x32xf32>
    %dot_general3A_32 = arith.constant dense<0.000000e+00> : vector<32x32xf32>
    %dot_general3A_33 = tpu.matmul %convert_element_type3A_20, %convert_element_type3A_20, %dot_general3A_32 {dimension_numbers = #tpu.dot_dimension_numbers<[1], [1], [0], [0], [0, 0, 1, 0], [], []>, transpose_lhs_hint = false} : vector<32x8192xbf16>, vector<32x8192xbf16>, vector<32x32xf32> -> vector<32x32xf32>
    %add3A_34 = arith.addf %get3A_31, %dot_general3A_33 : vector<32x32xf32>
    %swap3A_35 = arith.constant 0 : index
    %swap3A_36 = arith.constant 0 : index
    %swap3A_37 = vector.load %arg6[%swap3A_35, %swap3A_36] : memref<32x32xf32, #tpu.memory_space<vmem>>, vector<32x32xf32>
    tpu.vector_store %arg6[%swap3A_35, %swap3A_36], %add3A_34 {strides = array<i32>} : memref<32x32xf32, #tpu.memory_space<vmem>>, vector<32x32xf32>,
    return
  }
  func.func @transform_0(%arg0: i32, %arg1: i32) -> (i32, i32, i32) {
    %c0_i32 = arith.constant 0 : i32
    %c0_i32_0 = arith.constant 0 : i32
    return %arg0, %c0_i32, %arg1 : i32, i32, i32
  }
  func.func @transform_1(%arg0: i32, %arg1: i32) -> (i32, i32) {
    %c0_i32 = arith.constant 0 : i32
    %c0_i32_0 = arith.constant 0 : i32
    %c0_i32_1 = arith.constant 0 : i32
    return %c0_i32, %c0_i32_0 : i32, i32
  }
  func.func @transform_2(%arg0: i32, %arg1: i32) -> (i32, i32) {
    %c0_i32 = arith.constant 0 : i32
    %c0_i32_0 = arith.constant 0 : i32
    %c0_i32_1 = arith.constant 0 : i32
    return %c0_i32, %c0_i32_0 : i32, i32
  }
  func.func @transform_3(%arg0: i32, %arg1: i32) -> (i32, i32) {
    %c0_i32 = arith.constant 0 : i32
    %c0_i32_0 = arith.constant 0 : i32
    %c0_i32_1 = arith.constant 0 : i32
    return %c0_i32, %c0_i32_0 : i32, i32
  }
  func.func @transform_4(%arg0: i32, %arg1: i32) -> (i32, i32) {
    %c0_i32 = arith.constant 0 : i32
    %c0_i32_0 = arith.constant 0 : i32
    %c0_i32_1 = arith.constant 0 : i32
    return %c0_i32, %c0_i32_0 : i32, i32
  }
}

module attributes {stable_mosaic.version = 14 : i64} {
  func.func @body(%arg0: i32, %arg1: i32, %arg2: memref<1x3x8x12800xf32, #tpu.memory_space<vmem>>, %arg3: memref<1x3x8x12801xf32, #tpu.memory_space<vmem>>, %arg4: memref<32x3xf32, #tpu.memory_space<vmem>>, %arg5: memref<32x1xf32, #tpu.memory_space<vmem>>, %arg6: memref<64x32xf32, #tpu.memory_space<vmem>>, %arg7: memref<64x1xf32, #tpu.memory_space<vmem>>, %arg8: memref<3x3x64x64xf32, #tpu.memory_space<vmem>>, %arg9: memref<64x1xf32, #tpu.memory_space<vmem>>, %arg10: memref<1x4x64x640xf32, #tpu.memory_space<vmem>>, %arg11: memref<64x1xf32, #tpu.memory_space<vmem>>, %arg12: memref<64x1xf32, #tpu.memory_space<vmem>>) attributes {dimension_semantics = [#tpu.dimension_semantics<arbitrary>, #tpu.dimension_semantics<arbitrary>], iteration_bounds = array<i64: 2, 20>, scalar_prefetch = 0 : i64, scratch_operands = 0 : i64, tpu.core_type = #tpu.core_type<tc>, window_params = [{transform_indices = @transform_0, window_bounds = array<i64: 1, 3, 8, 12800>}, {transform_indices = @transform_1, window_bounds = array<i64: 1, 3, 8, 12801>}, {pipeline_mode = #tpu.pipeline_mode<synchronous>, transform_indices = @transform_2, window_bounds = array<i64: 32, 3>}, {pipeline_mode = #tpu.pipeline_mode<synchronous>, transform_indices = @transform_3, window_bounds = array<i64: 32, 1>}, {pipeline_mode = #tpu.pipeline_mode<synchronous>, transform_indices = @transform_4, window_bounds = array<i64: 64, 32>}, {pipeline_mode = #tpu.pipeline_mode<synchronous>, transform_indices = @transform_5, window_bounds = array<i64: 64, 1>}, {pipeline_mode = #tpu.pipeline_mode<synchronous>, transform_indices = @transform_6, window_bounds = array<i64: 3, 3, 64, 64>}, {pipeline_mode = #tpu.pipeline_mode<synchronous>, transform_indices = @transform_7, window_bounds = array<i64: 64, 1>}, {transform_indices = @transform_8, window_bounds = array<i64: 1, 4, 64, 640>}, {pipeline_mode = #tpu.pipeline_mode<synchronous>, transform_indices = @transform_9, window_bounds = array<i64: 64, 1>}, {pipeline_mode = #tpu.pipeline_mode<synchronous>, transform_indices = @transform_10, window_bounds = array<i64: 64, 1>}]} {
    %mul3A = arith.constant 640 : i32
    %mul3A_0 = arith.muli %arg1, %mul3A : i32
    %multiple_of3A = tpu.assume_multiple %mul3A_0, 640 : i32
    %get3A = arith.constant 0 : index
    %get3A_1 = arith.constant 0 : index
    %get3A_2 = arith.constant 0 : index
    %get3A_3 = arith.index_cast %multiple_of3A : i32 to index
    %get3A_4 = vector.load %arg2[%get3A, %get3A_1, %get3A_2, %get3A_3] : memref<1x3x8x12800xf32, #tpu.memory_space<vmem>>, vector<1x3x1x640xf32>
    %get3A_5 = vector.shape_cast %get3A_4 : vector<1x3x1x640xf32> to vector<3x640xf32>
    %get3A_6 = arith.constant 0 : index
    %get3A_7 = arith.constant 0 : index
    %get3A_8 = vector.load %arg4[%get3A_6, %get3A_7] : memref<32x3xf32, #tpu.memory_space<vmem>>, vector<32x3xf32>
    %convert_element_type3A = arith.truncf %get3A_8 : vector<32x3xf32> to vector<32x3xbf16>
    %convert_element_type3A_9 = arith.truncf %get3A_5 : vector<3x640xf32> to vector<3x640xbf16>
    %dot_general3A = arith.constant dense<0.000000e+00> : vector<32x640xf32>
    %dot_general3A_10 = tpu.matmul %convert_element_type3A, %convert_element_type3A_9, %dot_general3A {dimension_numbers = #tpu.dot_dimension_numbers<[1], [0], [0], [1], [0, 0, 1, 1], [], []>, transpose_lhs_hint = false} : vector<32x3xbf16>, vector<3x640xbf16>, vector<32x640xf32> -> vector<32x640xf32>
    %get3A_11 = arith.constant 0 : index
    %get3A_12 = arith.constant 0 : index
    %get3A_13 = vector.load %arg5[%get3A_11, %get3A_12] : memref<32x1xf32, #tpu.memory_space<vmem>>, vector<32x1xf32>
    %add3A = vector.broadcast %get3A_13 : vector<32x1xf32> to vector<32x640xf32>
    %add3A_14 = arith.addf %dot_general3A_10, %add3A : vector<32x640xf32>
    %max3A = arith.constant 0.000000e+00 : f32
    %max3A_15 = vector.broadcast %max3A : f32 to vector<32x640xf32>
    %max3A_16 = arith.maximumf %add3A_14, %max3A_15 : vector<32x640xf32>
    %get3A_17 = arith.constant 0 : index
    %get3A_18 = arith.constant 0 : index
    %get3A_19 = vector.load %arg6[%get3A_17, %get3A_18] : memref<64x32xf32, #tpu.memory_space<vmem>>, vector<64x32xf32>
    %convert_element_type3A_20 = arith.truncf %get3A_19 : vector<64x32xf32> to vector<64x32xbf16>
    %convert_element_type3A_21 = arith.truncf %max3A_16 : vector<32x640xf32> to vector<32x640xbf16>
    %dot_general3A_22 = arith.constant dense<0.000000e+00> : vector<64x640xf32>
    %dot_general3A_23 = tpu.matmul %convert_element_type3A_20, %convert_element_type3A_21, %dot_general3A_22 {dimension_numbers = #tpu.dot_dimension_numbers<[1], [0], [0], [1], [0, 0, 1, 1], [], []>, transpose_lhs_hint = false} : vector<64x32xbf16>, vector<32x640xbf16>, vector<64x640xf32> -> vector<64x640xf32>
    %get3A_24 = arith.constant 0 : index
    %get3A_25 = arith.constant 0 : index
    %get3A_26 = vector.load %arg7[%get3A_24, %get3A_25] : memref<64x1xf32, #tpu.memory_space<vmem>>, vector<64x1xf32>
    %add3A_27 = vector.broadcast %get3A_26 : vector<64x1xf32> to vector<64x640xf32>
    %add3A_28 = arith.addf %dot_general3A_23, %add3A_27 : vector<64x640xf32>
    %max3A_29 = arith.constant 0.000000e+00 : f32
    %max3A_30 = vector.broadcast %max3A_29 : f32 to vector<64x640xf32>
    %max3A_31 = arith.maximumf %add3A_28, %max3A_30 : vector<64x640xf32>
    %convert_element_type3A_32 = arith.truncf %max3A_31 : vector<64x640xf32> to vector<64x640xbf16>
    %get3A_33 = arith.constant 0 : index
    %get3A_34 = arith.constant 0 : index
    %get3A_35 = arith.constant 0 : index
    %get3A_36 = arith.index_cast %multiple_of3A : i32 to index
    %get3A_37 = vector.load %arg3[%get3A_33, %get3A_34, %get3A_35, %get3A_36] : memref<1x3x8x12801xf32, #tpu.memory_space<vmem>>, vector<1x3x1x641xf32>
    %get3A_38 = vector.shape_cast %get3A_37 : vector<1x3x1x641xf32> to vector<3x641xf32>
    %get3A_39 = arith.constant 0 : index
    %get3A_40 = arith.constant 0 : index
    %get3A_41 = vector.load %arg4[%get3A_39, %get3A_40] : memref<32x3xf32, #tpu.memory_space<vmem>>, vector<32x3xf32>
    %convert_element_type3A_42 = arith.truncf %get3A_41 : vector<32x3xf32> to vector<32x3xbf16>
    %convert_element_type3A_43 = arith.truncf %get3A_38 : vector<3x641xf32> to vector<3x641xbf16>
    %dot_general3A_44 = arith.constant dense<0.000000e+00> : vector<32x641xf32>
    %dot_general3A_45 = tpu.matmul %convert_element_type3A_42, %convert_element_type3A_43, %dot_general3A_44 {dimension_numbers = #tpu.dot_dimension_numbers<[1], [0], [0], [1], [0, 0, 1, 1], [], []>, transpose_lhs_hint = false} : vector<32x3xbf16>, vector<3x641xbf16>, vector<32x641xf32> -> vector<32x641xf32>
    %get3A_46 = arith.constant 0 : index
    %get3A_47 = arith.constant 0 : index
    %get3A_48 = vector.load %arg5[%get3A_46, %get3A_47] : memref<32x1xf32, #tpu.memory_space<vmem>>, vector<32x1xf32>
    %add3A_49 = vector.broadcast %get3A_48 : vector<32x1xf32> to vector<32x641xf32>
    %add3A_50 = arith.addf %dot_general3A_45, %add3A_49 : vector<32x641xf32>
    %max3A_51 = arith.constant 0.000000e+00 : f32
    %max3A_52 = vector.broadcast %max3A_51 : f32 to vector<32x641xf32>
    %max3A_53 = arith.maximumf %add3A_50, %max3A_52 : vector<32x641xf32>
    %get3A_54 = arith.constant 0 : index
    %get3A_55 = arith.constant 0 : index
    %get3A_56 = vector.load %arg6[%get3A_54, %get3A_55] : memref<64x32xf32, #tpu.memory_space<vmem>>, vector<64x32xf32>
    %convert_element_type3A_57 = arith.truncf %get3A_56 : vector<64x32xf32> to vector<64x32xbf16>
    %convert_element_type3A_58 = arith.truncf %max3A_53 : vector<32x641xf32> to vector<32x641xbf16>
    %dot_general3A_59 = arith.constant dense<0.000000e+00> : vector<64x641xf32>
    %dot_general3A_60 = tpu.matmul %convert_element_type3A_57, %convert_element_type3A_58, %dot_general3A_59 {dimension_numbers = #tpu.dot_dimension_numbers<[1], [0], [0], [1], [0, 0, 1, 1], [], []>, transpose_lhs_hint = false} : vector<64x32xbf16>, vector<32x641xbf16>, vector<64x641xf32> -> vector<64x641xf32>
    %get3A_61 = arith.constant 0 : index
    %get3A_62 = arith.constant 0 : index
    %get3A_63 = vector.load %arg7[%get3A_61, %get3A_62] : memref<64x1xf32, #tpu.memory_space<vmem>>, vector<64x1xf32>
    %add3A_64 = vector.broadcast %get3A_63 : vector<64x1xf32> to vector<64x641xf32>
    %add3A_65 = arith.addf %dot_general3A_60, %add3A_64 : vector<64x641xf32>
    %max3A_66 = arith.constant 0.000000e+00 : f32
    %max3A_67 = vector.broadcast %max3A_66 : f32 to vector<64x641xf32>
    %max3A_68 = arith.maximumf %add3A_65, %max3A_67 : vector<64x641xf32>
    %convert_element_type3A_69 = arith.truncf %max3A_68 : vector<64x641xf32> to vector<64x641xbf16>
    %iota3A = tpu.iota {dimensions = array<i32: 1>} : vector<64x641xi32>
    %eq3A = arith.constant 0 : i32
    %eq3A_70 = arith.cmpi eq, %arg1, %eq3A : i32
    %eq3A_71 = arith.constant 0 : i32
    %eq3A_72 = vector.broadcast %eq3A_71 : i32 to vector<64x641xi32>
    %eq3A_73 = arith.cmpi eq, %iota3A, %eq3A_72 : vector<64x641xi32>
    %and3A = vector.broadcast %eq3A_70 : i1 to vector<64x641xi1>
    %and3A_74 = arith.andi %and3A, %eq3A_73 : vector<64x641xi1>
    %jit3A = arith.constant 0.000000e+00 : f32
    %convert_element_type3A_75 = arith.truncf %jit3A : f32 to bf16
    %broadcast_in_dim3A = vector.broadcast %convert_element_type3A_75 : bf16 to vector<64x641xbf16>
    %select_n3A = arith.select %and3A_74, %broadcast_in_dim3A, %convert_element_type3A_69 : vector<64x641xi1>, vector<64x641xbf16>
    %get3A_76 = arith.constant 0 : index
    %get3A_77 = arith.constant 0 : index
    %get3A_78 = arith.constant 1 : index
    %get3A_79 = arith.index_cast %multiple_of3A : i32 to index
    %get3A_80 = vector.load %arg2[%get3A_76, %get3A_77, %get3A_78, %get3A_79] : memref<1x3x8x12800xf32, #tpu.memory_space<vmem>>, vector<1x3x1x640xf32>
    %get3A_81 = vector.shape_cast %get3A_80 : vector<1x3x1x640xf32> to vector<3x640xf32>
    %get3A_82 = arith.constant 0 : index
    %get3A_83 = arith.constant 0 : index
    %get3A_84 = vector.load %arg4[%get3A_82, %get3A_83] : memref<32x3xf32, #tpu.memory_space<vmem>>, vector<32x3xf32>
    %convert_element_type3A_85 = arith.truncf %get3A_84 : vector<32x3xf32> to vector<32x3xbf16>
    %convert_element_type3A_86 = arith.truncf %get3A_81 : vector<3x640xf32> to vector<3x640xbf16>
    %dot_general3A_87 = arith.constant dense<0.000000e+00> : vector<32x640xf32>
    %dot_general3A_88 = tpu.matmul %convert_element_type3A_85, %convert_element_type3A_86, %dot_general3A_87 {dimension_numbers = #tpu.dot_dimension_numbers<[1], [0], [0], [1], [0, 0, 1, 1], [], []>, transpose_lhs_hint = false} : vector<32x3xbf16>, vector<3x640xbf16>, vector<32x640xf32> -> vector<32x640xf32>
    %get3A_89 = arith.constant 0 : index
    %get3A_90 = arith.constant 0 : index
    %get3A_91 = vector.load %arg5[%get3A_89, %get3A_90] : memref<32x1xf32, #tpu.memory_space<vmem>>, vector<32x1xf32>
    %add3A_92 = vector.broadcast %get3A_91 : vector<32x1xf32> to vector<32x640xf32>
    %add3A_93 = arith.addf %dot_general3A_88, %add3A_92 : vector<32x640xf32>
    %max3A_94 = arith.constant 0.000000e+00 : f32
    %max3A_95 = vector.broadcast %max3A_94 : f32 to vector<32x640xf32>
    %max3A_96 = arith.maximumf %add3A_93, %max3A_95 : vector<32x640xf32>
    %get3A_97 = arith.constant 0 : index
    %get3A_98 = arith.constant 0 : index
    %get3A_99 = vector.load %arg6[%get3A_97, %get3A_98] : memref<64x32xf32, #tpu.memory_space<vmem>>, vector<64x32xf32>
    %convert_element_type3A_100 = arith.truncf %get3A_99 : vector<64x32xf32> to vector<64x32xbf16>
    %convert_element_type3A_101 = arith.truncf %max3A_96 : vector<32x640xf32> to vector<32x640xbf16>
    %dot_general3A_102 = arith.constant dense<0.000000e+00> : vector<64x640xf32>
    %dot_general3A_103 = tpu.matmul %convert_element_type3A_100, %convert_element_type3A_101, %dot_general3A_102 {dimension_numbers = #tpu.dot_dimension_numbers<[1], [0], [0], [1], [0, 0, 1, 1], [], []>, transpose_lhs_hint = false} : vector<64x32xbf16>, vector<32x640xbf16>, vector<64x640xf32> -> vector<64x640xf32>
    %get3A_104 = arith.constant 0 : index
    %get3A_105 = arith.constant 0 : index
    %get3A_106 = vector.load %arg7[%get3A_104, %get3A_105] : memref<64x1xf32, #tpu.memory_space<vmem>>, vector<64x1xf32>
    %add3A_107 = vector.broadcast %get3A_106 : vector<64x1xf32> to vector<64x640xf32>
    %add3A_108 = arith.addf %dot_general3A_103, %add3A_107 : vector<64x640xf32>
    %max3A_109 = arith.constant 0.000000e+00 : f32
    %max3A_110 = vector.broadcast %max3A_109 : f32 to vector<64x640xf32>
    %max3A_111 = arith.maximumf %add3A_108, %max3A_110 : vector<64x640xf32>
    %convert_element_type3A_112 = arith.truncf %max3A_111 : vector<64x640xf32> to vector<64x640xbf16>
    %get3A_113 = arith.constant 0 : index
    %get3A_114 = arith.constant 0 : index
    %get3A_115 = arith.constant 1 : index
    %get3A_116 = arith.index_cast %multiple_of3A : i32 to index
    %get3A_117 = vector.load %arg3[%get3A_113, %get3A_114, %get3A_115, %get3A_116] : memref<1x3x8x12801xf32, #tpu.memory_space<vmem>>, vector<1x3x1x641xf32>
    %get3A_118 = vector.shape_cast %get3A_117 : vector<1x3x1x641xf32> to vector<3x641xf32>
    %get3A_119 = arith.constant 0 : index
    %get3A_120 = arith.constant 0 : index
    %get3A_121 = vector.load %arg4[%get3A_119, %get3A_120] : memref<32x3xf32, #tpu.memory_space<vmem>>, vector<32x3xf32>
    %convert_element_type3A_122 = arith.truncf %get3A_121 : vector<32x3xf32> to vector<32x3xbf16>
    %convert_element_type3A_123 = arith.truncf %get3A_118 : vector<3x641xf32> to vector<3x641xbf16>
    %dot_general3A_124 = arith.constant dense<0.000000e+00> : vector<32x641xf32>
    %dot_general3A_125 = tpu.matmul %convert_element_type3A_122, %convert_element_type3A_123, %dot_general3A_124 {dimension_numbers = #tpu.dot_dimension_numbers<[1], [0], [0], [1], [0, 0, 1, 1], [], []>, transpose_lhs_hint = false} : vector<32x3xbf16>, vector<3x641xbf16>, vector<32x641xf32> -> vector<32x641xf32>
    %get3A_126 = arith.constant 0 : index
    %get3A_127 = arith.constant 0 : index
    %get3A_128 = vector.load %arg5[%get3A_126, %get3A_127] : memref<32x1xf32, #tpu.memory_space<vmem>>, vector<32x1xf32>
    %add3A_129 = vector.broadcast %get3A_128 : vector<32x1xf32> to vector<32x641xf32>
    %add3A_130 = arith.addf %dot_general3A_125, %add3A_129 : vector<32x641xf32>
    %max3A_131 = arith.constant 0.000000e+00 : f32
    %max3A_132 = vector.broadcast %max3A_131 : f32 to vector<32x641xf32>
    %max3A_133 = arith.maximumf %add3A_130, %max3A_132 : vector<32x641xf32>
    %get3A_134 = arith.constant 0 : index
    %get3A_135 = arith.constant 0 : index
    %get3A_136 = vector.load %arg6[%get3A_134, %get3A_135] : memref<64x32xf32, #tpu.memory_space<vmem>>, vector<64x32xf32>
    %convert_element_type3A_137 = arith.truncf %get3A_136 : vector<64x32xf32> to vector<64x32xbf16>
    %convert_element_type3A_138 = arith.truncf %max3A_133 : vector<32x641xf32> to vector<32x641xbf16>
    %dot_general3A_139 = arith.constant dense<0.000000e+00> : vector<64x641xf32>
    %dot_general3A_140 = tpu.matmul %convert_element_type3A_137, %convert_element_type3A_138, %dot_general3A_139 {dimension_numbers = #tpu.dot_dimension_numbers<[1], [0], [0], [1], [0, 0, 1, 1], [], []>, transpose_lhs_hint = false} : vector<64x32xbf16>, vector<32x641xbf16>, vector<64x641xf32> -> vector<64x641xf32>
    %get3A_141 = arith.constant 0 : index
    %get3A_142 = arith.constant 0 : index
    %get3A_143 = vector.load %arg7[%get3A_141, %get3A_142] : memref<64x1xf32, #tpu.memory_space<vmem>>, vector<64x1xf32>
    %add3A_144 = vector.broadcast %get3A_143 : vector<64x1xf32> to vector<64x641xf32>
    %add3A_145 = arith.addf %dot_general3A_140, %add3A_144 : vector<64x641xf32>
    %max3A_146 = arith.constant 0.000000e+00 : f32
    %max3A_147 = vector.broadcast %max3A_146 : f32 to vector<64x641xf32>
    %max3A_148 = arith.maximumf %add3A_145, %max3A_147 : vector<64x641xf32>
    %convert_element_type3A_149 = arith.truncf %max3A_148 : vector<64x641xf32> to vector<64x641xbf16>
    %iota3A_150 = tpu.iota {dimensions = array<i32: 1>} : vector<64x641xi32>
    %eq3A_151 = arith.constant 0 : i32
    %eq3A_152 = arith.cmpi eq, %arg1, %eq3A_151 : i32
    %eq3A_153 = arith.constant 0 : i32
    %eq3A_154 = vector.broadcast %eq3A_153 : i32 to vector<64x641xi32>
    %eq3A_155 = arith.cmpi eq, %iota3A_150, %eq3A_154 : vector<64x641xi32>
    %and3A_156 = vector.broadcast %eq3A_152 : i1 to vector<64x641xi1>
    %and3A_157 = arith.andi %and3A_156, %eq3A_155 : vector<64x641xi1>
    %jit3A_158 = arith.constant 0.000000e+00 : f32
    %convert_element_type3A_159 = arith.truncf %jit3A_158 : f32 to bf16
    %broadcast_in_dim3A_160 = vector.broadcast %convert_element_type3A_159 : bf16 to vector<64x641xbf16>
    %select_n3A_161 = arith.select %and3A_157, %broadcast_in_dim3A_160, %convert_element_type3A_149 : vector<64x641xi1>, vector<64x641xbf16>
    %get3A_162 = arith.constant 0 : index
    %get3A_163 = arith.constant 0 : index
    %get3A_164 = arith.constant 2 : index
    %get3A_165 = arith.index_cast %multiple_of3A : i32 to index
    %get3A_166 = vector.load %arg2[%get3A_162, %get3A_163, %get3A_164, %get3A_165] : memref<1x3x8x12800xf32, #tpu.memory_space<vmem>>, vector<1x3x1x640xf32>
    %get3A_167 = vector.shape_cast %get3A_166 : vector<1x3x1x640xf32> to vector<3x640xf32>
    %get3A_168 = arith.constant 0 : index
    %get3A_169 = arith.constant 0 : index
    %get3A_170 = vector.load %arg4[%get3A_168, %get3A_169] : memref<32x3xf32, #tpu.memory_space<vmem>>, vector<32x3xf32>
    %convert_element_type3A_171 = arith.truncf %get3A_170 : vector<32x3xf32> to vector<32x3xbf16>
    %convert_element_type3A_172 = arith.truncf %get3A_167 : vector<3x640xf32> to vector<3x640xbf16>
    %dot_general3A_173 = arith.constant dense<0.000000e+00> : vector<32x640xf32>
    %dot_general3A_174 = tpu.matmul %convert_element_type3A_171, %convert_element_type3A_172, %dot_general3A_173 {dimension_numbers = #tpu.dot_dimension_numbers<[1], [0], [0], [1], [0, 0, 1, 1], [], []>, transpose_lhs_hint = false} : vector<32x3xbf16>, vector<3x640xbf16>, vector<32x640xf32> -> vector<32x640xf32>
    %get3A_175 = arith.constant 0 : index
    %get3A_176 = arith.constant 0 : index
    %get3A_177 = vector.load %arg5[%get3A_175, %get3A_176] : memref<32x1xf32, #tpu.memory_space<vmem>>, vector<32x1xf32>
    %add3A_178 = vector.broadcast %get3A_177 : vector<32x1xf32> to vector<32x640xf32>
    %add3A_179 = arith.addf %dot_general3A_174, %add3A_178 : vector<32x640xf32>
    %max3A_180 = arith.constant 0.000000e+00 : f32
    %max3A_181 = vector.broadcast %max3A_180 : f32 to vector<32x640xf32>
    %max3A_182 = arith.maximumf %add3A_179, %max3A_181 : vector<32x640xf32>
    %get3A_183 = arith.constant 0 : index
    %get3A_184 = arith.constant 0 : index
    %get3A_185 = vector.load %arg6[%get3A_183, %get3A_184] : memref<64x32xf32, #tpu.memory_space<vmem>>, vector<64x32xf32>
    %convert_element_type3A_186 = arith.truncf %get3A_185 : vector<64x32xf32> to vector<64x32xbf16>
    %convert_element_type3A_187 = arith.truncf %max3A_182 : vector<32x640xf32> to vector<32x640xbf16>
    %dot_general3A_188 = arith.constant dense<0.000000e+00> : vector<64x640xf32>
    %dot_general3A_189 = tpu.matmul %convert_element_type3A_186, %convert_element_type3A_187, %dot_general3A_188 {dimension_numbers = #tpu.dot_dimension_numbers<[1], [0], [0], [1], [0, 0, 1, 1], [], []>, transpose_lhs_hint = false} : vector<64x32xbf16>, vector<32x640xbf16>, vector<64x640xf32> -> vector<64x640xf32>
    %get3A_190 = arith.constant 0 : index
    %get3A_191 = arith.constant 0 : index
    %get3A_192 = vector.load %arg7[%get3A_190, %get3A_191] : memref<64x1xf32, #tpu.memory_space<vmem>>, vector<64x1xf32>
    %add3A_193 = vector.broadcast %get3A_192 : vector<64x1xf32> to vector<64x640xf32>
    %add3A_194 = arith.addf %dot_general3A_189, %add3A_193 : vector<64x640xf32>
    %max3A_195 = arith.constant 0.000000e+00 : f32
    %max3A_196 = vector.broadcast %max3A_195 : f32 to vector<64x640xf32>
    %max3A_197 = arith.maximumf %add3A_194, %max3A_196 : vector<64x640xf32>
    %convert_element_type3A_198 = arith.truncf %max3A_197 : vector<64x640xf32> to vector<64x640xbf16>
    %get3A_199 = arith.constant 0 : index
    %get3A_200 = arith.constant 0 : index
    %get3A_201 = arith.constant 2 : index
    %get3A_202 = arith.index_cast %multiple_of3A : i32 to index
    %get3A_203 = vector.load %arg3[%get3A_199, %get3A_200, %get3A_201, %get3A_202] : memref<1x3x8x12801xf32, #tpu.memory_space<vmem>>, vector<1x3x1x641xf32>
    %get3A_204 = vector.shape_cast %get3A_203 : vector<1x3x1x641xf32> to vector<3x641xf32>
    %get3A_205 = arith.constant 0 : index
    %get3A_206 = arith.constant 0 : index
    %get3A_207 = vector.load %arg4[%get3A_205, %get3A_206] : memref<32x3xf32, #tpu.memory_space<vmem>>, vector<32x3xf32>
    %convert_element_type3A_208 = arith.truncf %get3A_207 : vector<32x3xf32> to vector<32x3xbf16>
    %convert_element_type3A_209 = arith.truncf %get3A_204 : vector<3x641xf32> to vector<3x641xbf16>
    %dot_general3A_210 = arith.constant dense<0.000000e+00> : vector<32x641xf32>
    %dot_general3A_211 = tpu.matmul %convert_element_type3A_208, %convert_element_type3A_209, %dot_general3A_210 {dimension_numbers = #tpu.dot_dimension_numbers<[1], [0], [0], [1], [0, 0, 1, 1], [], []>, transpose_lhs_hint = false} : vector<32x3xbf16>, vector<3x641xbf16>, vector<32x641xf32> -> vector<32x641xf32>
    %get3A_212 = arith.constant 0 : index
    %get3A_213 = arith.constant 0 : index
    %get3A_214 = vector.load %arg5[%get3A_212, %get3A_213] : memref<32x1xf32, #tpu.memory_space<vmem>>, vector<32x1xf32>
    %add3A_215 = vector.broadcast %get3A_214 : vector<32x1xf32> to vector<32x641xf32>
    %add3A_216 = arith.addf %dot_general3A_211, %add3A_215 : vector<32x641xf32>
    %max3A_217 = arith.constant 0.000000e+00 : f32
    %max3A_218 = vector.broadcast %max3A_217 : f32 to vector<32x641xf32>
    %max3A_219 = arith.maximumf %add3A_216, %max3A_218 : vector<32x641xf32>
    %get3A_220 = arith.constant 0 : index
    %get3A_221 = arith.constant 0 : index
    %get3A_222 = vector.load %arg6[%get3A_220, %get3A_221] : memref<64x32xf32, #tpu.memory_space<vmem>>, vector<64x32xf32>
    %convert_element_type3A_223 = arith.truncf %get3A_222 : vector<64x32xf32> to vector<64x32xbf16>
    %convert_element_type3A_224 = arith.truncf %max3A_219 : vector<32x641xf32> to vector<32x641xbf16>
    %dot_general3A_225 = arith.constant dense<0.000000e+00> : vector<64x641xf32>
    %dot_general3A_226 = tpu.matmul %convert_element_type3A_223, %convert_element_type3A_224, %dot_general3A_225 {dimension_numbers = #tpu.dot_dimension_numbers<[1], [0], [0], [1], [0, 0, 1, 1], [], []>, transpose_lhs_hint = false} : vector<64x32xbf16>, vector<32x641xbf16>, vector<64x641xf32> -> vector<64x641xf32>
    %get3A_227 = arith.constant 0 : index
    %get3A_228 = arith.constant 0 : index
    %get3A_229 = vector.load %arg7[%get3A_227, %get3A_228] : memref<64x1xf32, #tpu.memory_space<vmem>>, vector<64x1xf32>
    %add3A_230 = vector.broadcast %get3A_229 : vector<64x1xf32> to vector<64x641xf32>
    %add3A_231 = arith.addf %dot_general3A_226, %add3A_230 : vector<64x641xf32>
    %max3A_232 = arith.constant 0.000000e+00 : f32
    %max3A_233 = vector.broadcast %max3A_232 : f32 to vector<64x641xf32>
    %max3A_234 = arith.maximumf %add3A_231, %max3A_233 : vector<64x641xf32>
    %convert_element_type3A_235 = arith.truncf %max3A_234 : vector<64x641xf32> to vector<64x641xbf16>
    %iota3A_236 = tpu.iota {dimensions = array<i32: 1>} : vector<64x641xi32>
    %eq3A_237 = arith.constant 0 : i32
    %eq3A_238 = arith.cmpi eq, %arg1, %eq3A_237 : i32
    %eq3A_239 = arith.constant 0 : i32
    %eq3A_240 = vector.broadcast %eq3A_239 : i32 to vector<64x641xi32>
    %eq3A_241 = arith.cmpi eq, %iota3A_236, %eq3A_240 : vector<64x641xi32>
    %and3A_242 = vector.broadcast %eq3A_238 : i1 to vector<64x641xi1>
    %and3A_243 = arith.andi %and3A_242, %eq3A_241 : vector<64x641xi1>
    %jit3A_244 = arith.constant 0.000000e+00 : f32
    %convert_element_type3A_245 = arith.truncf %jit3A_244 : f32 to bf16
    %broadcast_in_dim3A_246 = vector.broadcast %convert_element_type3A_245 : bf16 to vector<64x641xbf16>
    %select_n3A_247 = arith.select %and3A_243, %broadcast_in_dim3A_246, %convert_element_type3A_235 : vector<64x641xi1>, vector<64x641xbf16>
    %get3A_248 = arith.constant 0 : index
    %get3A_249 = arith.constant 0 : index
    %get3A_250 = arith.constant 3 : index
    %get3A_251 = arith.index_cast %multiple_of3A : i32 to index
    %get3A_252 = vector.load %arg2[%get3A_248, %get3A_249, %get3A_250, %get3A_251] : memref<1x3x8x12800xf32, #tpu.memory_space<vmem>>, vector<1x3x1x640xf32>
    %get3A_253 = vector.shape_cast %get3A_252 : vector<1x3x1x640xf32> to vector<3x640xf32>
    %get3A_254 = arith.constant 0 : index
    %get3A_255 = arith.constant 0 : index
    %get3A_256 = vector.load %arg4[%get3A_254, %get3A_255] : memref<32x3xf32, #tpu.memory_space<vmem>>, vector<32x3xf32>
    %convert_element_type3A_257 = arith.truncf %get3A_256 : vector<32x3xf32> to vector<32x3xbf16>
    %convert_element_type3A_258 = arith.truncf %get3A_253 : vector<3x640xf32> to vector<3x640xbf16>
    %dot_general3A_259 = arith.constant dense<0.000000e+00> : vector<32x640xf32>
    %dot_general3A_260 = tpu.matmul %convert_element_type3A_257, %convert_element_type3A_258, %dot_general3A_259 {dimension_numbers = #tpu.dot_dimension_numbers<[1], [0], [0], [1], [0, 0, 1, 1], [], []>, transpose_lhs_hint = false} : vector<32x3xbf16>, vector<3x640xbf16>, vector<32x640xf32> -> vector<32x640xf32>
    %get3A_261 = arith.constant 0 : index
    %get3A_262 = arith.constant 0 : index
    %get3A_263 = vector.load %arg5[%get3A_261, %get3A_262] : memref<32x1xf32, #tpu.memory_space<vmem>>, vector<32x1xf32>
    %add3A_264 = vector.broadcast %get3A_263 : vector<32x1xf32> to vector<32x640xf32>
    %add3A_265 = arith.addf %dot_general3A_260, %add3A_264 : vector<32x640xf32>
    %max3A_266 = arith.constant 0.000000e+00 : f32
    %max3A_267 = vector.broadcast %max3A_266 : f32 to vector<32x640xf32>
    %max3A_268 = arith.maximumf %add3A_265, %max3A_267 : vector<32x640xf32>
    %get3A_269 = arith.constant 0 : index
    %get3A_270 = arith.constant 0 : index
    %get3A_271 = vector.load %arg6[%get3A_269, %get3A_270] : memref<64x32xf32, #tpu.memory_space<vmem>>, vector<64x32xf32>
    %convert_element_type3A_272 = arith.truncf %get3A_271 : vector<64x32xf32> to vector<64x32xbf16>
    %convert_element_type3A_273 = arith.truncf %max3A_268 : vector<32x640xf32> to vector<32x640xbf16>
    %dot_general3A_274 = arith.constant dense<0.000000e+00> : vector<64x640xf32>
    %dot_general3A_275 = tpu.matmul %convert_element_type3A_272, %convert_element_type3A_273, %dot_general3A_274 {dimension_numbers = #tpu.dot_dimension_numbers<[1], [0], [0], [1], [0, 0, 1, 1], [], []>, transpose_lhs_hint = false} : vector<64x32xbf16>, vector<32x640xbf16>, vector<64x640xf32> -> vector<64x640xf32>
    %get3A_276 = arith.constant 0 : index
    %get3A_277 = arith.constant 0 : index
    %get3A_278 = vector.load %arg7[%get3A_276, %get3A_277] : memref<64x1xf32, #tpu.memory_space<vmem>>, vector<64x1xf32>
    %add3A_279 = vector.broadcast %get3A_278 : vector<64x1xf32> to vector<64x640xf32>
    %add3A_280 = arith.addf %dot_general3A_275, %add3A_279 : vector<64x640xf32>
    %max3A_281 = arith.constant 0.000000e+00 : f32
    %max3A_282 = vector.broadcast %max3A_281 : f32 to vector<64x640xf32>
    %max3A_283 = arith.maximumf %add3A_280, %max3A_282 : vector<64x640xf32>
    %convert_element_type3A_284 = arith.truncf %max3A_283 : vector<64x640xf32> to vector<64x640xbf16>
    %get3A_285 = arith.constant 0 : index
    %get3A_286 = arith.constant 0 : index
    %get3A_287 = arith.constant 3 : index
    %get3A_288 = arith.index_cast %multiple_of3A : i32 to index
    %get3A_289 = vector.load %arg3[%get3A_285, %get3A_286, %get3A_287, %get3A_288] : memref<1x3x8x12801xf32, #tpu.memory_space<vmem>>, vector<1x3x1x641xf32>
    %get3A_290 = vector.shape_cast %get3A_289 : vector<1x3x1x641xf32> to vector<3x641xf32>
    %get3A_291 = arith.constant 0 : index
    %get3A_292 = arith.constant 0 : index
    %get3A_293 = vector.load %arg4[%get3A_291, %get3A_292] : memref<32x3xf32, #tpu.memory_space<vmem>>, vector<32x3xf32>
    %convert_element_type3A_294 = arith.truncf %get3A_293 : vector<32x3xf32> to vector<32x3xbf16>
    %convert_element_type3A_295 = arith.truncf %get3A_290 : vector<3x641xf32> to vector<3x641xbf16>
    %dot_general3A_296 = arith.constant dense<0.000000e+00> : vector<32x641xf32>
    %dot_general3A_297 = tpu.matmul %convert_element_type3A_294, %convert_element_type3A_295, %dot_general3A_296 {dimension_numbers = #tpu.dot_dimension_numbers<[1], [0], [0], [1], [0, 0, 1, 1], [], []>, transpose_lhs_hint = false} : vector<32x3xbf16>, vector<3x641xbf16>, vector<32x641xf32> -> vector<32x641xf32>
    %get3A_298 = arith.constant 0 : index
    %get3A_299 = arith.constant 0 : index
    %get3A_300 = vector.load %arg5[%get3A_298, %get3A_299] : memref<32x1xf32, #tpu.memory_space<vmem>>, vector<32x1xf32>
    %add3A_301 = vector.broadcast %get3A_300 : vector<32x1xf32> to vector<32x641xf32>
    %add3A_302 = arith.addf %dot_general3A_297, %add3A_301 : vector<32x641xf32>
    %max3A_303 = arith.constant 0.000000e+00 : f32
    %max3A_304 = vector.broadcast %max3A_303 : f32 to vector<32x641xf32>
    %max3A_305 = arith.maximumf %add3A_302, %max3A_304 : vector<32x641xf32>
    %get3A_306 = arith.constant 0 : index
    %get3A_307 = arith.constant 0 : index
    %get3A_308 = vector.load %arg6[%get3A_306, %get3A_307] : memref<64x32xf32, #tpu.memory_space<vmem>>, vector<64x32xf32>
    %convert_element_type3A_309 = arith.truncf %get3A_308 : vector<64x32xf32> to vector<64x32xbf16>
    %convert_element_type3A_310 = arith.truncf %max3A_305 : vector<32x641xf32> to vector<32x641xbf16>
    %dot_general3A_311 = arith.constant dense<0.000000e+00> : vector<64x641xf32>
    %dot_general3A_312 = tpu.matmul %convert_element_type3A_309, %convert_element_type3A_310, %dot_general3A_311 {dimension_numbers = #tpu.dot_dimension_numbers<[1], [0], [0], [1], [0, 0, 1, 1], [], []>, transpose_lhs_hint = false} : vector<64x32xbf16>, vector<32x641xbf16>, vector<64x641xf32> -> vector<64x641xf32>
    %get3A_313 = arith.constant 0 : index
    %get3A_314 = arith.constant 0 : index
    %get3A_315 = vector.load %arg7[%get3A_313, %get3A_314] : memref<64x1xf32, #tpu.memory_space<vmem>>, vector<64x1xf32>
    %add3A_316 = vector.broadcast %get3A_315 : vector<64x1xf32> to vector<64x641xf32>
    %add3A_317 = arith.addf %dot_general3A_312, %add3A_316 : vector<64x641xf32>
    %max3A_318 = arith.constant 0.000000e+00 : f32
    %max3A_319 = vector.broadcast %max3A_318 : f32 to vector<64x641xf32>
    %max3A_320 = arith.maximumf %add3A_317, %max3A_319 : vector<64x641xf32>
    %convert_element_type3A_321 = arith.truncf %max3A_320 : vector<64x641xf32> to vector<64x641xbf16>
    %iota3A_322 = tpu.iota {dimensions = array<i32: 1>} : vector<64x641xi32>
    %eq3A_323 = arith.constant 0 : i32
    %eq3A_324 = arith.cmpi eq, %arg1, %eq3A_323 : i32
    %eq3A_325 = arith.constant 0 : i32
    %eq3A_326 = vector.broadcast %eq3A_325 : i32 to vector<64x641xi32>
    %eq3A_327 = arith.cmpi eq, %iota3A_322, %eq3A_326 : vector<64x641xi32>
    %and3A_328 = vector.broadcast %eq3A_324 : i1 to vector<64x641xi1>
    %and3A_329 = arith.andi %and3A_328, %eq3A_327 : vector<64x641xi1>
    %jit3A_330 = arith.constant 0.000000e+00 : f32
    %convert_element_type3A_331 = arith.truncf %jit3A_330 : f32 to bf16
    %broadcast_in_dim3A_332 = vector.broadcast %convert_element_type3A_331 : bf16 to vector<64x641xbf16>
    %select_n3A_333 = arith.select %and3A_329, %broadcast_in_dim3A_332, %convert_element_type3A_321 : vector<64x641xi1>, vector<64x641xbf16>
    %get3A_334 = arith.constant 0 : index
    %get3A_335 = arith.constant 0 : index
    %get3A_336 = arith.constant 4 : index
    %get3A_337 = arith.index_cast %multiple_of3A : i32 to index
    %get3A_338 = vector.load %arg2[%get3A_334, %get3A_335, %get3A_336, %get3A_337] : memref<1x3x8x12800xf32, #tpu.memory_space<vmem>>, vector<1x3x1x640xf32>
    %get3A_339 = vector.shape_cast %get3A_338 : vector<1x3x1x640xf32> to vector<3x640xf32>
    %get3A_340 = arith.constant 0 : index
    %get3A_341 = arith.constant 0 : index
    %get3A_342 = vector.load %arg4[%get3A_340, %get3A_341] : memref<32x3xf32, #tpu.memory_space<vmem>>, vector<32x3xf32>
    %convert_element_type3A_343 = arith.truncf %get3A_342 : vector<32x3xf32> to vector<32x3xbf16>
    %convert_element_type3A_344 = arith.truncf %get3A_339 : vector<3x640xf32> to vector<3x640xbf16>
    %dot_general3A_345 = arith.constant dense<0.000000e+00> : vector<32x640xf32>
    %dot_general3A_346 = tpu.matmul %convert_element_type3A_343, %convert_element_type3A_344, %dot_general3A_345 {dimension_numbers = #tpu.dot_dimension_numbers<[1], [0], [0], [1], [0, 0, 1, 1], [], []>, transpose_lhs_hint = false} : vector<32x3xbf16>, vector<3x640xbf16>, vector<32x640xf32> -> vector<32x640xf32>
    %get3A_347 = arith.constant 0 : index
    %get3A_348 = arith.constant 0 : index
    %get3A_349 = vector.load %arg5[%get3A_347, %get3A_348] : memref<32x1xf32, #tpu.memory_space<vmem>>, vector<32x1xf32>
    %add3A_350 = vector.broadcast %get3A_349 : vector<32x1xf32> to vector<32x640xf32>
    %add3A_351 = arith.addf %dot_general3A_346, %add3A_350 : vector<32x640xf32>
    %max3A_352 = arith.constant 0.000000e+00 : f32
    %max3A_353 = vector.broadcast %max3A_352 : f32 to vector<32x640xf32>
    %max3A_354 = arith.maximumf %add3A_351, %max3A_353 : vector<32x640xf32>
    %get3A_355 = arith.constant 0 : index
    %get3A_356 = arith.constant 0 : index
    %get3A_357 = vector.load %arg6[%get3A_355, %get3A_356] : memref<64x32xf32, #tpu.memory_space<vmem>>, vector<64x32xf32>
    %convert_element_type3A_358 = arith.truncf %get3A_357 : vector<64x32xf32> to vector<64x32xbf16>
    %convert_element_type3A_359 = arith.truncf %max3A_354 : vector<32x640xf32> to vector<32x640xbf16>
    %dot_general3A_360 = arith.constant dense<0.000000e+00> : vector<64x640xf32>
    %dot_general3A_361 = tpu.matmul %convert_element_type3A_358, %convert_element_type3A_359, %dot_general3A_360 {dimension_numbers = #tpu.dot_dimension_numbers<[1], [0], [0], [1], [0, 0, 1, 1], [], []>, transpose_lhs_hint = false} : vector<64x32xbf16>, vector<32x640xbf16>, vector<64x640xf32> -> vector<64x640xf32>
    %get3A_362 = arith.constant 0 : index
    %get3A_363 = arith.constant 0 : index
    %get3A_364 = vector.load %arg7[%get3A_362, %get3A_363] : memref<64x1xf32, #tpu.memory_space<vmem>>, vector<64x1xf32>
    %add3A_365 = vector.broadcast %get3A_364 : vector<64x1xf32> to vector<64x640xf32>
    %add3A_366 = arith.addf %dot_general3A_361, %add3A_365 : vector<64x640xf32>
    %max3A_367 = arith.constant 0.000000e+00 : f32
    %max3A_368 = vector.broadcast %max3A_367 : f32 to vector<64x640xf32>
    %max3A_369 = arith.maximumf %add3A_366, %max3A_368 : vector<64x640xf32>
    %convert_element_type3A_370 = arith.truncf %max3A_369 : vector<64x640xf32> to vector<64x640xbf16>
    %get3A_371 = arith.constant 0 : index
    %get3A_372 = arith.constant 0 : index
    %get3A_373 = arith.constant 4 : index
    %get3A_374 = arith.index_cast %multiple_of3A : i32 to index
    %get3A_375 = vector.load %arg3[%get3A_371, %get3A_372, %get3A_373, %get3A_374] : memref<1x3x8x12801xf32, #tpu.memory_space<vmem>>, vector<1x3x1x641xf32>
    %get3A_376 = vector.shape_cast %get3A_375 : vector<1x3x1x641xf32> to vector<3x641xf32>
    %get3A_377 = arith.constant 0 : index
    %get3A_378 = arith.constant 0 : index
    %get3A_379 = vector.load %arg4[%get3A_377, %get3A_378] : memref<32x3xf32, #tpu.memory_space<vmem>>, vector<32x3xf32>
    %convert_element_type3A_380 = arith.truncf %get3A_379 : vector<32x3xf32> to vector<32x3xbf16>
    %convert_element_type3A_381 = arith.truncf %get3A_376 : vector<3x641xf32> to vector<3x641xbf16>
    %dot_general3A_382 = arith.constant dense<0.000000e+00> : vector<32x641xf32>
    %dot_general3A_383 = tpu.matmul %convert_element_type3A_380, %convert_element_type3A_381, %dot_general3A_382 {dimension_numbers = #tpu.dot_dimension_numbers<[1], [0], [0], [1], [0, 0, 1, 1], [], []>, transpose_lhs_hint = false} : vector<32x3xbf16>, vector<3x641xbf16>, vector<32x641xf32> -> vector<32x641xf32>
    %get3A_384 = arith.constant 0 : index
    %get3A_385 = arith.constant 0 : index
    %get3A_386 = vector.load %arg5[%get3A_384, %get3A_385] : memref<32x1xf32, #tpu.memory_space<vmem>>, vector<32x1xf32>
    %add3A_387 = vector.broadcast %get3A_386 : vector<32x1xf32> to vector<32x641xf32>
    %add3A_388 = arith.addf %dot_general3A_383, %add3A_387 : vector<32x641xf32>
    %max3A_389 = arith.constant 0.000000e+00 : f32
    %max3A_390 = vector.broadcast %max3A_389 : f32 to vector<32x641xf32>
    %max3A_391 = arith.maximumf %add3A_388, %max3A_390 : vector<32x641xf32>
    %get3A_392 = arith.constant 0 : index
    %get3A_393 = arith.constant 0 : index
    %get3A_394 = vector.load %arg6[%get3A_392, %get3A_393] : memref<64x32xf32, #tpu.memory_space<vmem>>, vector<64x32xf32>
    %convert_element_type3A_395 = arith.truncf %get3A_394 : vector<64x32xf32> to vector<64x32xbf16>
    %convert_element_type3A_396 = arith.truncf %max3A_391 : vector<32x641xf32> to vector<32x641xbf16>
    %dot_general3A_397 = arith.constant dense<0.000000e+00> : vector<64x641xf32>
    %dot_general3A_398 = tpu.matmul %convert_element_type3A_395, %convert_element_type3A_396, %dot_general3A_397 {dimension_numbers = #tpu.dot_dimension_numbers<[1], [0], [0], [1], [0, 0, 1, 1], [], []>, transpose_lhs_hint = false} : vector<64x32xbf16>, vector<32x641xbf16>, vector<64x641xf32> -> vector<64x641xf32>
    %get3A_399 = arith.constant 0 : index
    %get3A_400 = arith.constant 0 : index
    %get3A_401 = vector.load %arg7[%get3A_399, %get3A_400] : memref<64x1xf32, #tpu.memory_space<vmem>>, vector<64x1xf32>
    %add3A_402 = vector.broadcast %get3A_401 : vector<64x1xf32> to vector<64x641xf32>
    %add3A_403 = arith.addf %dot_general3A_398, %add3A_402 : vector<64x641xf32>
    %max3A_404 = arith.constant 0.000000e+00 : f32
    %max3A_405 = vector.broadcast %max3A_404 : f32 to vector<64x641xf32>
    %max3A_406 = arith.maximumf %add3A_403, %max3A_405 : vector<64x641xf32>
    %convert_element_type3A_407 = arith.truncf %max3A_406 : vector<64x641xf32> to vector<64x641xbf16>
    %iota3A_408 = tpu.iota {dimensions = array<i32: 1>} : vector<64x641xi32>
    %eq3A_409 = arith.constant 0 : i32
    %eq3A_410 = arith.cmpi eq, %arg1, %eq3A_409 : i32
    %eq3A_411 = arith.constant 0 : i32
    %eq3A_412 = vector.broadcast %eq3A_411 : i32 to vector<64x641xi32>
    %eq3A_413 = arith.cmpi eq, %iota3A_408, %eq3A_412 : vector<64x641xi32>
    %and3A_414 = vector.broadcast %eq3A_410 : i1 to vector<64x641xi1>
    %and3A_415 = arith.andi %and3A_414, %eq3A_413 : vector<64x641xi1>
    %jit3A_416 = arith.constant 0.000000e+00 : f32
    %convert_element_type3A_417 = arith.truncf %jit3A_416 : f32 to bf16
    %broadcast_in_dim3A_418 = vector.broadcast %convert_element_type3A_417 : bf16 to vector<64x641xbf16>
    %select_n3A_419 = arith.select %and3A_415, %broadcast_in_dim3A_418, %convert_element_type3A_407 : vector<64x641xi1>, vector<64x641xbf16>
    %get3A_420 = arith.constant 0 : index
    %get3A_421 = arith.constant 0 : index
    %get3A_422 = arith.constant 5 : index
    %get3A_423 = arith.index_cast %multiple_of3A : i32 to index
    %get3A_424 = vector.load %arg2[%get3A_420, %get3A_421, %get3A_422, %get3A_423] : memref<1x3x8x12800xf32, #tpu.memory_space<vmem>>, vector<1x3x1x640xf32>
    %get3A_425 = vector.shape_cast %get3A_424 : vector<1x3x1x640xf32> to vector<3x640xf32>
    %get3A_426 = arith.constant 0 : index
    %get3A_427 = arith.constant 0 : index
    %get3A_428 = vector.load %arg4[%get3A_426, %get3A_427] : memref<32x3xf32, #tpu.memory_space<vmem>>, vector<32x3xf32>
    %convert_element_type3A_429 = arith.truncf %get3A_428 : vector<32x3xf32> to vector<32x3xbf16>
    %convert_element_type3A_430 = arith.truncf %get3A_425 : vector<3x640xf32> to vector<3x640xbf16>
    %dot_general3A_431 = arith.constant dense<0.000000e+00> : vector<32x640xf32>
    %dot_general3A_432 = tpu.matmul %convert_element_type3A_429, %convert_element_type3A_430, %dot_general3A_431 {dimension_numbers = #tpu.dot_dimension_numbers<[1], [0], [0], [1], [0, 0, 1, 1], [], []>, transpose_lhs_hint = false} : vector<32x3xbf16>, vector<3x640xbf16>, vector<32x640xf32> -> vector<32x640xf32>
    %get3A_433 = arith.constant 0 : index
    %get3A_434 = arith.constant 0 : index
    %get3A_435 = vector.load %arg5[%get3A_433, %get3A_434] : memref<32x1xf32, #tpu.memory_space<vmem>>, vector<32x1xf32>
    %add3A_436 = vector.broadcast %get3A_435 : vector<32x1xf32> to vector<32x640xf32>
    %add3A_437 = arith.addf %dot_general3A_432, %add3A_436 : vector<32x640xf32>
    %max3A_438 = arith.constant 0.000000e+00 : f32
    %max3A_439 = vector.broadcast %max3A_438 : f32 to vector<32x640xf32>
    %max3A_440 = arith.maximumf %add3A_437, %max3A_439 : vector<32x640xf32>
    %get3A_441 = arith.constant 0 : index
    %get3A_442 = arith.constant 0 : index
    %get3A_443 = vector.load %arg6[%get3A_441, %get3A_442] : memref<64x32xf32, #tpu.memory_space<vmem>>, vector<64x32xf32>
    %convert_element_type3A_444 = arith.truncf %get3A_443 : vector<64x32xf32> to vector<64x32xbf16>
    %convert_element_type3A_445 = arith.truncf %max3A_440 : vector<32x640xf32> to vector<32x640xbf16>
    %dot_general3A_446 = arith.constant dense<0.000000e+00> : vector<64x640xf32>
    %dot_general3A_447 = tpu.matmul %convert_element_type3A_444, %convert_element_type3A_445, %dot_general3A_446 {dimension_numbers = #tpu.dot_dimension_numbers<[1], [0], [0], [1], [0, 0, 1, 1], [], []>, transpose_lhs_hint = false} : vector<64x32xbf16>, vector<32x640xbf16>, vector<64x640xf32> -> vector<64x640xf32>
    %get3A_448 = arith.constant 0 : index
    %get3A_449 = arith.constant 0 : index
    %get3A_450 = vector.load %arg7[%get3A_448, %get3A_449] : memref<64x1xf32, #tpu.memory_space<vmem>>, vector<64x1xf32>
    %add3A_451 = vector.broadcast %get3A_450 : vector<64x1xf32> to vector<64x640xf32>
    %add3A_452 = arith.addf %dot_general3A_447, %add3A_451 : vector<64x640xf32>
    %max3A_453 = arith.constant 0.000000e+00 : f32
    %max3A_454 = vector.broadcast %max3A_453 : f32 to vector<64x640xf32>
    %max3A_455 = arith.maximumf %add3A_452, %max3A_454 : vector<64x640xf32>
    %convert_element_type3A_456 = arith.truncf %max3A_455 : vector<64x640xf32> to vector<64x640xbf16>
    %get3A_457 = arith.constant 0 : index
    %get3A_458 = arith.constant 0 : index
    %get3A_459 = arith.constant 5 : index
    %get3A_460 = arith.index_cast %multiple_of3A : i32 to index
    %get3A_461 = vector.load %arg3[%get3A_457, %get3A_458, %get3A_459, %get3A_460] : memref<1x3x8x12801xf32, #tpu.memory_space<vmem>>, vector<1x3x1x641xf32>
    %get3A_462 = vector.shape_cast %get3A_461 : vector<1x3x1x641xf32> to vector<3x641xf32>
    %get3A_463 = arith.constant 0 : index
    %get3A_464 = arith.constant 0 : index
    %get3A_465 = vector.load %arg4[%get3A_463, %get3A_464] : memref<32x3xf32, #tpu.memory_space<vmem>>, vector<32x3xf32>
    %convert_element_type3A_466 = arith.truncf %get3A_465 : vector<32x3xf32> to vector<32x3xbf16>
    %convert_element_type3A_467 = arith.truncf %get3A_462 : vector<3x641xf32> to vector<3x641xbf16>
    %dot_general3A_468 = arith.constant dense<0.000000e+00> : vector<32x641xf32>
    %dot_general3A_469 = tpu.matmul %convert_element_type3A_466, %convert_element_type3A_467, %dot_general3A_468 {dimension_numbers = #tpu.dot_dimension_numbers<[1], [0], [0], [1], [0, 0, 1, 1], [], []>, transpose_lhs_hint = false} : vector<32x3xbf16>, vector<3x641xbf16>, vector<32x641xf32> -> vector<32x641xf32>
    %get3A_470 = arith.constant 0 : index
    %get3A_471 = arith.constant 0 : index
    %get3A_472 = vector.load %arg5[%get3A_470, %get3A_471] : memref<32x1xf32, #tpu.memory_space<vmem>>, vector<32x1xf32>
    %add3A_473 = vector.broadcast %get3A_472 : vector<32x1xf32> to vector<32x641xf32>
    %add3A_474 = arith.addf %dot_general3A_469, %add3A_473 : vector<32x641xf32>
    %max3A_475 = arith.constant 0.000000e+00 : f32
    %max3A_476 = vector.broadcast %max3A_475 : f32 to vector<32x641xf32>
    %max3A_477 = arith.maximumf %add3A_474, %max3A_476 : vector<32x641xf32>
    %get3A_478 = arith.constant 0 : index
    %get3A_479 = arith.constant 0 : index
    %get3A_480 = vector.load %arg6[%get3A_478, %get3A_479] : memref<64x32xf32, #tpu.memory_space<vmem>>, vector<64x32xf32>
    %convert_element_type3A_481 = arith.truncf %get3A_480 : vector<64x32xf32> to vector<64x32xbf16>
    %convert_element_type3A_482 = arith.truncf %max3A_477 : vector<32x641xf32> to vector<32x641xbf16>
    %dot_general3A_483 = arith.constant dense<0.000000e+00> : vector<64x641xf32>
    %dot_general3A_484 = tpu.matmul %convert_element_type3A_481, %convert_element_type3A_482, %dot_general3A_483 {dimension_numbers = #tpu.dot_dimension_numbers<[1], [0], [0], [1], [0, 0, 1, 1], [], []>, transpose_lhs_hint = false} : vector<64x32xbf16>, vector<32x641xbf16>, vector<64x641xf32> -> vector<64x641xf32>
    %get3A_485 = arith.constant 0 : index
    %get3A_486 = arith.constant 0 : index
    %get3A_487 = vector.load %arg7[%get3A_485, %get3A_486] : memref<64x1xf32, #tpu.memory_space<vmem>>, vector<64x1xf32>
    %add3A_488 = vector.broadcast %get3A_487 : vector<64x1xf32> to vector<64x641xf32>
    %add3A_489 = arith.addf %dot_general3A_484, %add3A_488 : vector<64x641xf32>
    %max3A_490 = arith.constant 0.000000e+00 : f32
    %max3A_491 = vector.broadcast %max3A_490 : f32 to vector<64x641xf32>
    %max3A_492 = arith.maximumf %add3A_489, %max3A_491 : vector<64x641xf32>
    %convert_element_type3A_493 = arith.truncf %max3A_492 : vector<64x641xf32> to vector<64x641xbf16>
    %iota3A_494 = tpu.iota {dimensions = array<i32: 1>} : vector<64x641xi32>
    %eq3A_495 = arith.constant 0 : i32
    %eq3A_496 = arith.cmpi eq, %arg1, %eq3A_495 : i32
    %eq3A_497 = arith.constant 0 : i32
    %eq3A_498 = vector.broadcast %eq3A_497 : i32 to vector<64x641xi32>
    %eq3A_499 = arith.cmpi eq, %iota3A_494, %eq3A_498 : vector<64x641xi32>
    %and3A_500 = vector.broadcast %eq3A_496 : i1 to vector<64x641xi1>
    %and3A_501 = arith.andi %and3A_500, %eq3A_499 : vector<64x641xi1>
    %jit3A_502 = arith.constant 0.000000e+00 : f32
    %convert_element_type3A_503 = arith.truncf %jit3A_502 : f32 to bf16
    %broadcast_in_dim3A_504 = vector.broadcast %convert_element_type3A_503 : bf16 to vector<64x641xbf16>
    %select_n3A_505 = arith.select %and3A_501, %broadcast_in_dim3A_504, %convert_element_type3A_493 : vector<64x641xi1>, vector<64x641xbf16>
    %get3A_506 = arith.constant 0 : index
    %get3A_507 = arith.constant 0 : index
    %get3A_508 = arith.constant 6 : index
    %get3A_509 = arith.index_cast %multiple_of3A : i32 to index
    %get3A_510 = vector.load %arg2[%get3A_506, %get3A_507, %get3A_508, %get3A_509] : memref<1x3x8x12800xf32, #tpu.memory_space<vmem>>, vector<1x3x1x640xf32>
    %get3A_511 = vector.shape_cast %get3A_510 : vector<1x3x1x640xf32> to vector<3x640xf32>
    %get3A_512 = arith.constant 0 : index
    %get3A_513 = arith.constant 0 : index
    %get3A_514 = vector.load %arg4[%get3A_512, %get3A_513] : memref<32x3xf32, #tpu.memory_space<vmem>>, vector<32x3xf32>
    %convert_element_type3A_515 = arith.truncf %get3A_514 : vector<32x3xf32> to vector<32x3xbf16>
    %convert_element_type3A_516 = arith.truncf %get3A_511 : vector<3x640xf32> to vector<3x640xbf16>
    %dot_general3A_517 = arith.constant dense<0.000000e+00> : vector<32x640xf32>
    %dot_general3A_518 = tpu.matmul %convert_element_type3A_515, %convert_element_type3A_516, %dot_general3A_517 {dimension_numbers = #tpu.dot_dimension_numbers<[1], [0], [0], [1], [0, 0, 1, 1], [], []>, transpose_lhs_hint = false} : vector<32x3xbf16>, vector<3x640xbf16>, vector<32x640xf32> -> vector<32x640xf32>
    %get3A_519 = arith.constant 0 : index
    %get3A_520 = arith.constant 0 : index
    %get3A_521 = vector.load %arg5[%get3A_519, %get3A_520] : memref<32x1xf32, #tpu.memory_space<vmem>>, vector<32x1xf32>
    %add3A_522 = vector.broadcast %get3A_521 : vector<32x1xf32> to vector<32x640xf32>
    %add3A_523 = arith.addf %dot_general3A_518, %add3A_522 : vector<32x640xf32>
    %max3A_524 = arith.constant 0.000000e+00 : f32
    %max3A_525 = vector.broadcast %max3A_524 : f32 to vector<32x640xf32>
    %max3A_526 = arith.maximumf %add3A_523, %max3A_525 : vector<32x640xf32>
    %get3A_527 = arith.constant 0 : index
    %get3A_528 = arith.constant 0 : index
    %get3A_529 = vector.load %arg6[%get3A_527, %get3A_528] : memref<64x32xf32, #tpu.memory_space<vmem>>, vector<64x32xf32>
    %convert_element_type3A_530 = arith.truncf %get3A_529 : vector<64x32xf32> to vector<64x32xbf16>
    %convert_element_type3A_531 = arith.truncf %max3A_526 : vector<32x640xf32> to vector<32x640xbf16>
    %dot_general3A_532 = arith.constant dense<0.000000e+00> : vector<64x640xf32>
    %dot_general3A_533 = tpu.matmul %convert_element_type3A_530, %convert_element_type3A_531, %dot_general3A_532 {dimension_numbers = #tpu.dot_dimension_numbers<[1], [0], [0], [1], [0, 0, 1, 1], [], []>, transpose_lhs_hint = false} : vector<64x32xbf16>, vector<32x640xbf16>, vector<64x640xf32> -> vector<64x640xf32>
    %get3A_534 = arith.constant 0 : index
    %get3A_535 = arith.constant 0 : index
    %get3A_536 = vector.load %arg7[%get3A_534, %get3A_535] : memref<64x1xf32, #tpu.memory_space<vmem>>, vector<64x1xf32>
    %add3A_537 = vector.broadcast %get3A_536 : vector<64x1xf32> to vector<64x640xf32>
    %add3A_538 = arith.addf %dot_general3A_533, %add3A_537 : vector<64x640xf32>
    %max3A_539 = arith.constant 0.000000e+00 : f32
    %max3A_540 = vector.broadcast %max3A_539 : f32 to vector<64x640xf32>
    %max3A_541 = arith.maximumf %add3A_538, %max3A_540 : vector<64x640xf32>
    %convert_element_type3A_542 = arith.truncf %max3A_541 : vector<64x640xf32> to vector<64x640xbf16>
    %get3A_543 = arith.constant 0 : index
    %get3A_544 = arith.constant 0 : index
    %get3A_545 = arith.constant 6 : index
    %get3A_546 = arith.index_cast %multiple_of3A : i32 to index
    %get3A_547 = vector.load %arg3[%get3A_543, %get3A_544, %get3A_545, %get3A_546] : memref<1x3x8x12801xf32, #tpu.memory_space<vmem>>, vector<1x3x1x641xf32>
    %get3A_548 = vector.shape_cast %get3A_547 : vector<1x3x1x641xf32> to vector<3x641xf32>
    %get3A_549 = arith.constant 0 : index
    %get3A_550 = arith.constant 0 : index
    %get3A_551 = vector.load %arg4[%get3A_549, %get3A_550] : memref<32x3xf32, #tpu.memory_space<vmem>>, vector<32x3xf32>
    %convert_element_type3A_552 = arith.truncf %get3A_551 : vector<32x3xf32> to vector<32x3xbf16>
    %convert_element_type3A_553 = arith.truncf %get3A_548 : vector<3x641xf32> to vector<3x641xbf16>
    %dot_general3A_554 = arith.constant dense<0.000000e+00> : vector<32x641xf32>
    %dot_general3A_555 = tpu.matmul %convert_element_type3A_552, %convert_element_type3A_553, %dot_general3A_554 {dimension_numbers = #tpu.dot_dimension_numbers<[1], [0], [0], [1], [0, 0, 1, 1], [], []>, transpose_lhs_hint = false} : vector<32x3xbf16>, vector<3x641xbf16>, vector<32x641xf32> -> vector<32x641xf32>
    %get3A_556 = arith.constant 0 : index
    %get3A_557 = arith.constant 0 : index
    %get3A_558 = vector.load %arg5[%get3A_556, %get3A_557] : memref<32x1xf32, #tpu.memory_space<vmem>>, vector<32x1xf32>
    %add3A_559 = vector.broadcast %get3A_558 : vector<32x1xf32> to vector<32x641xf32>
    %add3A_560 = arith.addf %dot_general3A_555, %add3A_559 : vector<32x641xf32>
    %max3A_561 = arith.constant 0.000000e+00 : f32
    %max3A_562 = vector.broadcast %max3A_561 : f32 to vector<32x641xf32>
    %max3A_563 = arith.maximumf %add3A_560, %max3A_562 : vector<32x641xf32>
    %get3A_564 = arith.constant 0 : index
    %get3A_565 = arith.constant 0 : index
    %get3A_566 = vector.load %arg6[%get3A_564, %get3A_565] : memref<64x32xf32, #tpu.memory_space<vmem>>, vector<64x32xf32>
    %convert_element_type3A_567 = arith.truncf %get3A_566 : vector<64x32xf32> to vector<64x32xbf16>
    %convert_element_type3A_568 = arith.truncf %max3A_563 : vector<32x641xf32> to vector<32x641xbf16>
    %dot_general3A_569 = arith.constant dense<0.000000e+00> : vector<64x641xf32>
    %dot_general3A_570 = tpu.matmul %convert_element_type3A_567, %convert_element_type3A_568, %dot_general3A_569 {dimension_numbers = #tpu.dot_dimension_numbers<[1], [0], [0], [1], [0, 0, 1, 1], [], []>, transpose_lhs_hint = false} : vector<64x32xbf16>, vector<32x641xbf16>, vector<64x641xf32> -> vector<64x641xf32>
    %get3A_571 = arith.constant 0 : index
    %get3A_572 = arith.constant 0 : index
    %get3A_573 = vector.load %arg7[%get3A_571, %get3A_572] : memref<64x1xf32, #tpu.memory_space<vmem>>, vector<64x1xf32>
    %add3A_574 = vector.broadcast %get3A_573 : vector<64x1xf32> to vector<64x641xf32>
    %add3A_575 = arith.addf %dot_general3A_570, %add3A_574 : vector<64x641xf32>
    %max3A_576 = arith.constant 0.000000e+00 : f32
    %max3A_577 = vector.broadcast %max3A_576 : f32 to vector<64x641xf32>
    %max3A_578 = arith.maximumf %add3A_575, %max3A_577 : vector<64x641xf32>
    %convert_element_type3A_579 = arith.truncf %max3A_578 : vector<64x641xf32> to vector<64x641xbf16>
    %iota3A_580 = tpu.iota {dimensions = array<i32: 1>} : vector<64x641xi32>
    %eq3A_581 = arith.constant 0 : i32
    %eq3A_582 = arith.cmpi eq, %arg1, %eq3A_581 : i32
    %eq3A_583 = arith.constant 0 : i32
    %eq3A_584 = vector.broadcast %eq3A_583 : i32 to vector<64x641xi32>
    %eq3A_585 = arith.cmpi eq, %iota3A_580, %eq3A_584 : vector<64x641xi32>
    %and3A_586 = vector.broadcast %eq3A_582 : i1 to vector<64x641xi1>
    %and3A_587 = arith.andi %and3A_586, %eq3A_585 : vector<64x641xi1>
    %jit3A_588 = arith.constant 0.000000e+00 : f32
    %convert_element_type3A_589 = arith.truncf %jit3A_588 : f32 to bf16
    %broadcast_in_dim3A_590 = vector.broadcast %convert_element_type3A_589 : bf16 to vector<64x641xbf16>
    %select_n3A_591 = arith.select %and3A_587, %broadcast_in_dim3A_590, %convert_element_type3A_579 : vector<64x641xi1>, vector<64x641xbf16>
    %get3A_592 = arith.constant 0 : index
    %get3A_593 = arith.constant 0 : index
    %get3A_594 = arith.constant 7 : index
    %get3A_595 = arith.index_cast %multiple_of3A : i32 to index
    %get3A_596 = vector.load %arg2[%get3A_592, %get3A_593, %get3A_594, %get3A_595] : memref<1x3x8x12800xf32, #tpu.memory_space<vmem>>, vector<1x3x1x640xf32>
    %get3A_597 = vector.shape_cast %get3A_596 : vector<1x3x1x640xf32> to vector<3x640xf32>
    %get3A_598 = arith.constant 0 : index
    %get3A_599 = arith.constant 0 : index
    %get3A_600 = vector.load %arg4[%get3A_598, %get3A_599] : memref<32x3xf32, #tpu.memory_space<vmem>>, vector<32x3xf32>
    %convert_element_type3A_601 = arith.truncf %get3A_600 : vector<32x3xf32> to vector<32x3xbf16>
    %convert_element_type3A_602 = arith.truncf %get3A_597 : vector<3x640xf32> to vector<3x640xbf16>
    %dot_general3A_603 = arith.constant dense<0.000000e+00> : vector<32x640xf32>
    %dot_general3A_604 = tpu.matmul %convert_element_type3A_601, %convert_element_type3A_602, %dot_general3A_603 {dimension_numbers = #tpu.dot_dimension_numbers<[1], [0], [0], [1], [0, 0, 1, 1], [], []>, transpose_lhs_hint = false} : vector<32x3xbf16>, vector<3x640xbf16>, vector<32x640xf32> -> vector<32x640xf32>
    %get3A_605 = arith.constant 0 : index
    %get3A_606 = arith.constant 0 : index
    %get3A_607 = vector.load %arg5[%get3A_605, %get3A_606] : memref<32x1xf32, #tpu.memory_space<vmem>>, vector<32x1xf32>
    %add3A_608 = vector.broadcast %get3A_607 : vector<32x1xf32> to vector<32x640xf32>
    %add3A_609 = arith.addf %dot_general3A_604, %add3A_608 : vector<32x640xf32>
    %max3A_610 = arith.constant 0.000000e+00 : f32
    %max3A_611 = vector.broadcast %max3A_610 : f32 to vector<32x640xf32>
    %max3A_612 = arith.maximumf %add3A_609, %max3A_611 : vector<32x640xf32>
    %get3A_613 = arith.constant 0 : index
    %get3A_614 = arith.constant 0 : index
    %get3A_615 = vector.load %arg6[%get3A_613, %get3A_614] : memref<64x32xf32, #tpu.memory_space<vmem>>, vector<64x32xf32>
    %convert_element_type3A_616 = arith.truncf %get3A_615 : vector<64x32xf32> to vector<64x32xbf16>
    %convert_element_type3A_617 = arith.truncf %max3A_612 : vector<32x640xf32> to vector<32x640xbf16>
    %dot_general3A_618 = arith.constant dense<0.000000e+00> : vector<64x640xf32>
    %dot_general3A_619 = tpu.matmul %convert_element_type3A_616, %convert_element_type3A_617, %dot_general3A_618 {dimension_numbers = #tpu.dot_dimension_numbers<[1], [0], [0], [1], [0, 0, 1, 1], [], []>, transpose_lhs_hint = false} : vector<64x32xbf16>, vector<32x640xbf16>, vector<64x640xf32> -> vector<64x640xf32>
    %get3A_620 = arith.constant 0 : index
    %get3A_621 = arith.constant 0 : index
    %get3A_622 = vector.load %arg7[%get3A_620, %get3A_621] : memref<64x1xf32, #tpu.memory_space<vmem>>, vector<64x1xf32>
    %add3A_623 = vector.broadcast %get3A_622 : vector<64x1xf32> to vector<64x640xf32>
    %add3A_624 = arith.addf %dot_general3A_619, %add3A_623 : vector<64x640xf32>
    %max3A_625 = arith.constant 0.000000e+00 : f32
    %max3A_626 = vector.broadcast %max3A_625 : f32 to vector<64x640xf32>
    %max3A_627 = arith.maximumf %add3A_624, %max3A_626 : vector<64x640xf32>
    %convert_element_type3A_628 = arith.truncf %max3A_627 : vector<64x640xf32> to vector<64x640xbf16>
    %get3A_629 = arith.constant 0 : index
    %get3A_630 = arith.constant 0 : index
    %get3A_631 = arith.constant 7 : index
    %get3A_632 = arith.index_cast %multiple_of3A : i32 to index
    %get3A_633 = vector.load %arg3[%get3A_629, %get3A_630, %get3A_631, %get3A_632] : memref<1x3x8x12801xf32, #tpu.memory_space<vmem>>, vector<1x3x1x641xf32>
    %get3A_634 = vector.shape_cast %get3A_633 : vector<1x3x1x641xf32> to vector<3x641xf32>
    %get3A_635 = arith.constant 0 : index
    %get3A_636 = arith.constant 0 : index
    %get3A_637 = vector.load %arg4[%get3A_635, %get3A_636] : memref<32x3xf32, #tpu.memory_space<vmem>>, vector<32x3xf32>
    %convert_element_type3A_638 = arith.truncf %get3A_637 : vector<32x3xf32> to vector<32x3xbf16>
    %convert_element_type3A_639 = arith.truncf %get3A_634 : vector<3x641xf32> to vector<3x641xbf16>
    %dot_general3A_640 = arith.constant dense<0.000000e+00> : vector<32x641xf32>
    %dot_general3A_641 = tpu.matmul %convert_element_type3A_638, %convert_element_type3A_639, %dot_general3A_640 {dimension_numbers = #tpu.dot_dimension_numbers<[1], [0], [0], [1], [0, 0, 1, 1], [], []>, transpose_lhs_hint = false} : vector<32x3xbf16>, vector<3x641xbf16>, vector<32x641xf32> -> vector<32x641xf32>
    %get3A_642 = arith.constant 0 : index
    %get3A_643 = arith.constant 0 : index
    %get3A_644 = vector.load %arg5[%get3A_642, %get3A_643] : memref<32x1xf32, #tpu.memory_space<vmem>>, vector<32x1xf32>
    %add3A_645 = vector.broadcast %get3A_644 : vector<32x1xf32> to vector<32x641xf32>
    %add3A_646 = arith.addf %dot_general3A_641, %add3A_645 : vector<32x641xf32>
    %max3A_647 = arith.constant 0.000000e+00 : f32
    %max3A_648 = vector.broadcast %max3A_647 : f32 to vector<32x641xf32>
    %max3A_649 = arith.maximumf %add3A_646, %max3A_648 : vector<32x641xf32>
    %get3A_650 = arith.constant 0 : index
    %get3A_651 = arith.constant 0 : index
    %get3A_652 = vector.load %arg6[%get3A_650, %get3A_651] : memref<64x32xf32, #tpu.memory_space<vmem>>, vector<64x32xf32>
    %convert_element_type3A_653 = arith.truncf %get3A_652 : vector<64x32xf32> to vector<64x32xbf16>
    %convert_element_type3A_654 = arith.truncf %max3A_649 : vector<32x641xf32> to vector<32x641xbf16>
    %dot_general3A_655 = arith.constant dense<0.000000e+00> : vector<64x641xf32>
    %dot_general3A_656 = tpu.matmul %convert_element_type3A_653, %convert_element_type3A_654, %dot_general3A_655 {dimension_numbers = #tpu.dot_dimension_numbers<[1], [0], [0], [1], [0, 0, 1, 1], [], []>, transpose_lhs_hint = false} : vector<64x32xbf16>, vector<32x641xbf16>, vector<64x641xf32> -> vector<64x641xf32>
    %get3A_657 = arith.constant 0 : index
    %get3A_658 = arith.constant 0 : index
    %get3A_659 = vector.load %arg7[%get3A_657, %get3A_658] : memref<64x1xf32, #tpu.memory_space<vmem>>, vector<64x1xf32>
    %add3A_660 = vector.broadcast %get3A_659 : vector<64x1xf32> to vector<64x641xf32>
    %add3A_661 = arith.addf %dot_general3A_656, %add3A_660 : vector<64x641xf32>
    %max3A_662 = arith.constant 0.000000e+00 : f32
    %max3A_663 = vector.broadcast %max3A_662 : f32 to vector<64x641xf32>
    %max3A_664 = arith.maximumf %add3A_661, %max3A_663 : vector<64x641xf32>
    %convert_element_type3A_665 = arith.truncf %max3A_664 : vector<64x641xf32> to vector<64x641xbf16>
    %iota3A_666 = tpu.iota {dimensions = array<i32: 1>} : vector<64x641xi32>
    %eq3A_667 = arith.constant 0 : i32
    %eq3A_668 = arith.cmpi eq, %arg1, %eq3A_667 : i32
    %eq3A_669 = arith.constant 0 : i32
    %eq3A_670 = vector.broadcast %eq3A_669 : i32 to vector<64x641xi32>
    %eq3A_671 = arith.cmpi eq, %iota3A_666, %eq3A_670 : vector<64x641xi32>
    %and3A_672 = vector.broadcast %eq3A_668 : i1 to vector<64x641xi1>
    %and3A_673 = arith.andi %and3A_672, %eq3A_671 : vector<64x641xi1>
    %jit3A_674 = arith.constant 0.000000e+00 : f32
    %convert_element_type3A_675 = arith.truncf %jit3A_674 : f32 to bf16
    %broadcast_in_dim3A_676 = vector.broadcast %convert_element_type3A_675 : bf16 to vector<64x641xbf16>
    %select_n3A_677 = arith.select %and3A_673, %broadcast_in_dim3A_676, %convert_element_type3A_665 : vector<64x641xi1>, vector<64x641xbf16>
    %eq3A_678 = arith.constant 0 : i32
    %eq3A_679 = arith.cmpi eq, %arg0, %eq3A_678 : i32
    %eq3A_680 = arith.constant 0 : i32
    %eq3A_681 = arith.cmpi eq, %arg1, %eq3A_680 : i32
    %and3A_682 = arith.andi %eq3A_679, %eq3A_681 : i1
    %convert_element_type3A_683 = arith.extui %and3A_682 : i1 to i32
    %cond3A = arith.constant 0 : i32
    %cond3A_684 = arith.cmpi ne, %convert_element_type3A_683, %cond3A : i32
    scf.if %cond3A_684 {
      %broadcast_in_dim3A_976 = arith.constant 0.000000e+00 : f32
      %broadcast_in_dim3A_977 = vector.broadcast %broadcast_in_dim3A_976 : f32 to vector<64x1xf32>
      %swap3A_978 = arith.constant 0 : index
      %swap3A_979 = arith.constant 0 : index
      %swap3A_980 = vector.load %arg11[%swap3A_978, %swap3A_979] : memref<64x1xf32, #tpu.memory_space<vmem>>, vector<64x1xf32>
      tpu.vector_store %arg11[%swap3A_978, %swap3A_979], %broadcast_in_dim3A_977 {strides = array<i32>} : memref<64x1xf32, #tpu.memory_space<vmem>>, vector<64x1xf32>,
      %broadcast_in_dim3A_981 = arith.constant 0.000000e+00 : f32
      %broadcast_in_dim3A_982 = vector.broadcast %broadcast_in_dim3A_981 : f32 to vector<64x1xf32>
      %swap3A_983 = arith.constant 0 : index
      %swap3A_984 = arith.constant 0 : index
      %swap3A_985 = vector.load %arg12[%swap3A_983, %swap3A_984] : memref<64x1xf32, #tpu.memory_space<vmem>>, vector<64x1xf32>
      tpu.vector_store %arg12[%swap3A_983, %swap3A_984], %broadcast_in_dim3A_982 {strides = array<i32>} : memref<64x1xf32, #tpu.memory_space<vmem>>, vector<64x1xf32>,
    } else {
    }
    %broadcast_in_dim3A_685 = arith.constant 0.000000e+00 : f32
    %broadcast_in_dim3A_686 = vector.broadcast %broadcast_in_dim3A_685 : f32 to vector<64x1xf32>
    %broadcast_in_dim3A_687 = arith.constant 0.000000e+00 : f32
    %broadcast_in_dim3A_688 = vector.broadcast %broadcast_in_dim3A_687 : f32 to vector<64x1xf32>
    %get3A_689 = arith.constant 0 : index
    %get3A_690 = arith.constant 0 : index
    %get3A_691 = arith.constant 0 : index
    %get3A_692 = arith.constant 0 : index
    %get3A_693 = vector.load %arg8[%get3A_689, %get3A_690, %get3A_691, %get3A_692] : memref<3x3x64x64xf32, #tpu.memory_space<vmem>>, vector<3x3x64x64xf32>
    %convert_element_type3A_694 = arith.truncf %get3A_693 : vector<3x3x64x64xf32> to vector<3x3x64x64xbf16>
    %get3A_695 = arith.constant 0 : index
    %get3A_696 = arith.constant 0 : index
    %get3A_697 = vector.load %arg9[%get3A_695, %get3A_696] : memref<64x1xf32, #tpu.memory_space<vmem>>, vector<64x1xf32>
    %broadcast_in_dim3A_698 = vector.shape_cast %get3A_697 : vector<64x1xf32> to vector<64x1xf32>
    %broadcast_in_dim3A_699 = vector.broadcast %broadcast_in_dim3A_698 : vector<64x1xf32> to vector<64x640xf32>
    %slice3A = vector.extract_strided_slice %convert_element_type3A_694 {offsets = [1, 0, 0, 0], sizes = [1, 1, 64, 64], strides = [1, 1, 1, 1]} : vector<3x3x64x64xbf16> to vector<1x1x64x64xbf16>
    %squeeze3A = vector.shape_cast %slice3A : vector<1x1x64x64xbf16> to vector<64x64xbf16>
    %slice3A_700 = vector.extract_strided_slice %select_n3A {offsets = [0, 0], sizes = [64, 640], strides = [1, 1]} : vector<64x641xbf16> to vector<64x640xbf16>
    %dot_general3A_701 = arith.constant dense<0.000000e+00> : vector<64x640xf32>
    %dot_general3A_702 = tpu.matmul %squeeze3A, %slice3A_700, %dot_general3A_701 {dimension_numbers = #tpu.dot_dimension_numbers<[1], [0], [0], [1], [0, 0, 1, 1], [], []>, transpose_lhs_hint = false} : vector<64x64xbf16>, vector<64x640xbf16>, vector<64x640xf32> -> vector<64x640xf32>
    %add3A_703 = arith.addf %broadcast_in_dim3A_699, %dot_general3A_702 : vector<64x640xf32>
    %slice3A_704 = vector.extract_strided_slice %convert_element_type3A_694 {offsets = [1, 1, 0, 0], sizes = [1, 1, 64, 64], strides = [1, 1, 1, 1]} : vector<3x3x64x64xbf16> to vector<1x1x64x64xbf16>
    %squeeze3A_705 = vector.shape_cast %slice3A_704 : vector<1x1x64x64xbf16> to vector<64x64xbf16>
    %dot_general3A_706 = arith.constant dense<0.000000e+00> : vector<64x640xf32>
    %dot_general3A_707 = tpu.matmul %squeeze3A_705, %convert_element_type3A_32, %dot_general3A_706 {dimension_numbers = #tpu.dot_dimension_numbers<[1], [0], [0], [1], [0, 0, 1, 1], [], []>, transpose_lhs_hint = false} : vector<64x64xbf16>, vector<64x640xbf16>, vector<64x640xf32> -> vector<64x640xf32>
    %add3A_708 = arith.addf %add3A_703, %dot_general3A_707 : vector<64x640xf32>
    %slice3A_709 = vector.extract_strided_slice %convert_element_type3A_694 {offsets = [1, 2, 0, 0], sizes = [1, 1, 64, 64], strides = [1, 1, 1, 1]} : vector<3x3x64x64xbf16> to vector<1x1x64x64xbf16>
    %squeeze3A_710 = vector.shape_cast %slice3A_709 : vector<1x1x64x64xbf16> to vector<64x64xbf16>
    %slice3A_711 = vector.extract_strided_slice %select_n3A {offsets = [0, 1], sizes = [64, 640], strides = [1, 1]} : vector<64x641xbf16> to vector<64x640xbf16>
    %dot_general3A_712 = arith.constant dense<0.000000e+00> : vector<64x640xf32>
    %dot_general3A_713 = tpu.matmul %squeeze3A_710, %slice3A_711, %dot_general3A_712 {dimension_numbers = #tpu.dot_dimension_numbers<[1], [0], [0], [1], [0, 0, 1, 1], [], []>, transpose_lhs_hint = false} : vector<64x64xbf16>, vector<64x640xbf16>, vector<64x640xf32> -> vector<64x640xf32>
    %add3A_714 = arith.addf %add3A_708, %dot_general3A_713 : vector<64x640xf32>
    %slice3A_715 = vector.extract_strided_slice %convert_element_type3A_694 {offsets = [2, 0, 0, 0], sizes = [1, 1, 64, 64], strides = [1, 1, 1, 1]} : vector<3x3x64x64xbf16> to vector<1x1x64x64xbf16>
    %squeeze3A_716 = vector.shape_cast %slice3A_715 : vector<1x1x64x64xbf16> to vector<64x64xbf16>
    %slice3A_717 = vector.extract_strided_slice %select_n3A_161 {offsets = [0, 0], sizes = [64, 640], strides = [1, 1]} : vector<64x641xbf16> to vector<64x640xbf16>
    %dot_general3A_718 = arith.constant dense<0.000000e+00> : vector<64x640xf32>
    %dot_general3A_719 = tpu.matmul %squeeze3A_716, %slice3A_717, %dot_general3A_718 {dimension_numbers = #tpu.dot_dimension_numbers<[1], [0], [0], [1], [0, 0, 1, 1], [], []>, transpose_lhs_hint = false} : vector<64x64xbf16>, vector<64x640xbf16>, vector<64x640xf32> -> vector<64x640xf32>
    %add3A_720 = arith.addf %add3A_714, %dot_general3A_719 : vector<64x640xf32>
    %slice3A_721 = vector.extract_strided_slice %convert_element_type3A_694 {offsets = [2, 1, 0, 0], sizes = [1, 1, 64, 64], strides = [1, 1, 1, 1]} : vector<3x3x64x64xbf16> to vector<1x1x64x64xbf16>
    %squeeze3A_722 = vector.shape_cast %slice3A_721 : vector<1x1x64x64xbf16> to vector<64x64xbf16>
    %dot_general3A_723 = arith.constant dense<0.000000e+00> : vector<64x640xf32>
    %dot_general3A_724 = tpu.matmul %squeeze3A_722, %convert_element_type3A_112, %dot_general3A_723 {dimension_numbers = #tpu.dot_dimension_numbers<[1], [0], [0], [1], [0, 0, 1, 1], [], []>, transpose_lhs_hint = false} : vector<64x64xbf16>, vector<64x640xbf16>, vector<64x640xf32> -> vector<64x640xf32>
    %add3A_725 = arith.addf %add3A_720, %dot_general3A_724 : vector<64x640xf32>
    %slice3A_726 = vector.extract_strided_slice %convert_element_type3A_694 {offsets = [2, 2, 0, 0], sizes = [1, 1, 64, 64], strides = [1, 1, 1, 1]} : vector<3x3x64x64xbf16> to vector<1x1x64x64xbf16>
    %squeeze3A_727 = vector.shape_cast %slice3A_726 : vector<1x1x64x64xbf16> to vector<64x64xbf16>
    %slice3A_728 = vector.extract_strided_slice %select_n3A_161 {offsets = [0, 1], sizes = [64, 640], strides = [1, 1]} : vector<64x641xbf16> to vector<64x640xbf16>
    %dot_general3A_729 = arith.constant dense<0.000000e+00> : vector<64x640xf32>
    %dot_general3A_730 = tpu.matmul %squeeze3A_727, %slice3A_728, %dot_general3A_729 {dimension_numbers = #tpu.dot_dimension_numbers<[1], [0], [0], [1], [0, 0, 1, 1], [], []>, transpose_lhs_hint = false} : vector<64x64xbf16>, vector<64x640xbf16>, vector<64x640xf32> -> vector<64x640xf32>
    %add3A_731 = arith.addf %add3A_725, %dot_general3A_730 : vector<64x640xf32>
    %swap3A = arith.constant 0 : index
    %swap3A_732 = arith.constant 0 : index
    %swap3A_733 = arith.constant 0 : index
    %swap3A_734 = arith.constant 0 : index
    %swap3A_735 = vector.load %arg10[%swap3A, %swap3A_732, %swap3A_733, %swap3A_734] : memref<1x4x64x640xf32, #tpu.memory_space<vmem>>, vector<1x1x64x640xf32>
    %swap3A_736 = vector.shape_cast %swap3A_735 : vector<1x1x64x640xf32> to vector<64x640xf32>
    %swap3A_737 = vector.shape_cast %add3A_731 : vector<64x640xf32> to vector<1x1x64x640xf32>
    tpu.vector_store %arg10[%swap3A, %swap3A_732, %swap3A_733, %swap3A_734], %swap3A_737 {strides = array<i32>} : memref<1x4x64x640xf32, #tpu.memory_space<vmem>>, vector<1x1x64x640xf32>,
    %reduce_sum3A = arith.constant dense<0.000000e+00> : vector<64xf32>
    %reduce_sum3A_738 = vector.multi_reduction <add>, %add3A_731, %reduce_sum3A [1] : vector<64x640xf32> to vector<64xf32>
    %broadcast_in_dim3A_739 = vector.shape_cast %reduce_sum3A_738 : vector<64xf32> to vector<64x1xf32>
    %add3A_740 = arith.addf %broadcast_in_dim3A_686, %broadcast_in_dim3A_739 : vector<64x1xf32>
    %mul3A_741 = arith.mulf %add3A_731, %add3A_731 : vector<64x640xf32>
    %reduce_sum3A_742 = arith.constant dense<0.000000e+00> : vector<64xf32>
    %reduce_sum3A_743 = vector.multi_reduction <add>, %mul3A_741, %reduce_sum3A_742 [1] : vector<64x640xf32> to vector<64xf32>
    %broadcast_in_dim3A_744 = vector.shape_cast %reduce_sum3A_743 : vector<64xf32> to vector<64x1xf32>
    %add3A_745 = arith.addf %broadcast_in_dim3A_688, %broadcast_in_dim3A_744 : vector<64x1xf32>
    %get3A_746 = arith.constant 0 : index
    %get3A_747 = arith.constant 0 : index
    %get3A_748 = vector.load %arg9[%get3A_746, %get3A_747] : memref<64x1xf32, #tpu.memory_space<vmem>>, vector<64x1xf32>
    %broadcast_in_dim3A_749 = vector.shape_cast %get3A_748 : vector<64x1xf32> to vector<64x1xf32>
    %broadcast_in_dim3A_750 = vector.broadcast %broadcast_in_dim3A_749 : vector<64x1xf32> to vector<64x640xf32>
    %slice3A_751 = vector.extract_strided_slice %convert_element_type3A_694 {offsets = [0, 0, 0, 0], sizes = [1, 1, 64, 64], strides = [1, 1, 1, 1]} : vector<3x3x64x64xbf16> to vector<1x1x64x64xbf16>
    %squeeze3A_752 = vector.shape_cast %slice3A_751 : vector<1x1x64x64xbf16> to vector<64x64xbf16>
    %slice3A_753 = vector.extract_strided_slice %select_n3A_161 {offsets = [0, 0], sizes = [64, 640], strides = [1, 1]} : vector<64x641xbf16> to vector<64x640xbf16>
    %dot_general3A_754 = arith.constant dense<0.000000e+00> : vector<64x640xf32>
    %dot_general3A_755 = tpu.matmul %squeeze3A_752, %slice3A_753, %dot_general3A_754 {dimension_numbers = #tpu.dot_dimension_numbers<[1], [0], [0], [1], [0, 0, 1, 1], [], []>, transpose_lhs_hint = false} : vector<64x64xbf16>, vector<64x640xbf16>, vector<64x640xf32> -> vector<64x640xf32>
    %add3A_756 = arith.addf %broadcast_in_dim3A_750, %dot_general3A_755 : vector<64x640xf32>
    %slice3A_757 = vector.extract_strided_slice %convert_element_type3A_694 {offsets = [0, 1, 0, 0], sizes = [1, 1, 64, 64], strides = [1, 1, 1, 1]} : vector<3x3x64x64xbf16> to vector<1x1x64x64xbf16>
    %squeeze3A_758 = vector.shape_cast %slice3A_757 : vector<1x1x64x64xbf16> to vector<64x64xbf16>
    %dot_general3A_759 = arith.constant dense<0.000000e+00> : vector<64x640xf32>
    %dot_general3A_760 = tpu.matmul %squeeze3A_758, %convert_element_type3A_112, %dot_general3A_759 {dimension_numbers = #tpu.dot_dimension_numbers<[1], [0], [0], [1], [0, 0, 1, 1], [], []>, transpose_lhs_hint = false} : vector<64x64xbf16>, vector<64x640xbf16>, vector<64x640xf32> -> vector<64x640xf32>
    %add3A_761 = arith.addf %add3A_756, %dot_general3A_760 : vector<64x640xf32>
    %slice3A_762 = vector.extract_strided_slice %convert_element_type3A_694 {offsets = [0, 2, 0, 0], sizes = [1, 1, 64, 64], strides = [1, 1, 1, 1]} : vector<3x3x64x64xbf16> to vector<1x1x64x64xbf16>
    %squeeze3A_763 = vector.shape_cast %slice3A_762 : vector<1x1x64x64xbf16> to vector<64x64xbf16>
    %slice3A_764 = vector.extract_strided_slice %select_n3A_161 {offsets = [0, 1], sizes = [64, 640], strides = [1, 1]} : vector<64x641xbf16> to vector<64x640xbf16>
    %dot_general3A_765 = arith.constant dense<0.000000e+00> : vector<64x640xf32>
    %dot_general3A_766 = tpu.matmul %squeeze3A_763, %slice3A_764, %dot_general3A_765 {dimension_numbers = #tpu.dot_dimension_numbers<[1], [0], [0], [1], [0, 0, 1, 1], [], []>, transpose_lhs_hint = false} : vector<64x64xbf16>, vector<64x640xbf16>, vector<64x640xf32> -> vector<64x640xf32>
    %add3A_767 = arith.addf %add3A_761, %dot_general3A_766 : vector<64x640xf32>
    %slice3A_768 = vector.extract_strided_slice %convert_element_type3A_694 {offsets = [1, 0, 0, 0], sizes = [1, 1, 64, 64], strides = [1, 1, 1, 1]} : vector<3x3x64x64xbf16> to vector<1x1x64x64xbf16>
    %squeeze3A_769 = vector.shape_cast %slice3A_768 : vector<1x1x64x64xbf16> to vector<64x64xbf16>
    %slice3A_770 = vector.extract_strided_slice %select_n3A_247 {offsets = [0, 0], sizes = [64, 640], strides = [1, 1]} : vector<64x641xbf16> to vector<64x640xbf16>
    %dot_general3A_771 = arith.constant dense<0.000000e+00> : vector<64x640xf32>
    %dot_general3A_772 = tpu.matmul %squeeze3A_769, %slice3A_770, %dot_general3A_771 {dimension_numbers = #tpu.dot_dimension_numbers<[1], [0], [0], [1], [0, 0, 1, 1], [], []>, transpose_lhs_hint = false} : vector<64x64xbf16>, vector<64x640xbf16>, vector<64x640xf32> -> vector<64x640xf32>
    %add3A_773 = arith.addf %add3A_767, %dot_general3A_772 : vector<64x640xf32>
    %slice3A_774 = vector.extract_strided_slice %convert_element_type3A_694 {offsets = [1, 1, 0, 0], sizes = [1, 1, 64, 64], strides = [1, 1, 1, 1]} : vector<3x3x64x64xbf16> to vector<1x1x64x64xbf16>
    %squeeze3A_775 = vector.shape_cast %slice3A_774 : vector<1x1x64x64xbf16> to vector<64x64xbf16>
    %dot_general3A_776 = arith.constant dense<0.000000e+00> : vector<64x640xf32>
    %dot_general3A_777 = tpu.matmul %squeeze3A_775, %convert_element_type3A_198, %dot_general3A_776 {dimension_numbers = #tpu.dot_dimension_numbers<[1], [0], [0], [1], [0, 0, 1, 1], [], []>, transpose_lhs_hint = false} : vector<64x64xbf16>, vector<64x640xbf16>, vector<64x640xf32> -> vector<64x640xf32>
    %add3A_778 = arith.addf %add3A_773, %dot_general3A_777 : vector<64x640xf32>
    %slice3A_779 = vector.extract_strided_slice %convert_element_type3A_694 {offsets = [1, 2, 0, 0], sizes = [1, 1, 64, 64], strides = [1, 1, 1, 1]} : vector<3x3x64x64xbf16> to vector<1x1x64x64xbf16>
    %squeeze3A_780 = vector.shape_cast %slice3A_779 : vector<1x1x64x64xbf16> to vector<64x64xbf16>
    %slice3A_781 = vector.extract_strided_slice %select_n3A_247 {offsets = [0, 1], sizes = [64, 640], strides = [1, 1]} : vector<64x641xbf16> to vector<64x640xbf16>
    %dot_general3A_782 = arith.constant dense<0.000000e+00> : vector<64x640xf32>
    %dot_general3A_783 = tpu.matmul %squeeze3A_780, %slice3A_781, %dot_general3A_782 {dimension_numbers = #tpu.dot_dimension_numbers<[1], [0], [0], [1], [0, 0, 1, 1], [], []>, transpose_lhs_hint = false} : vector<64x64xbf16>, vector<64x640xbf16>, vector<64x640xf32> -> vector<64x640xf32>
    %add3A_784 = arith.addf %add3A_778, %dot_general3A_783 : vector<64x640xf32>
    %slice3A_785 = vector.extract_strided_slice %convert_element_type3A_694 {offsets = [2, 0, 0, 0], sizes = [1, 1, 64, 64], strides = [1, 1, 1, 1]} : vector<3x3x64x64xbf16> to vector<1x1x64x64xbf16>
    %squeeze3A_786 = vector.shape_cast %slice3A_785 : vector<1x1x64x64xbf16> to vector<64x64xbf16>
    %slice3A_787 = vector.extract_strided_slice %select_n3A_333 {offsets = [0, 0], sizes = [64, 640], strides = [1, 1]} : vector<64x641xbf16> to vector<64x640xbf16>
    %dot_general3A_788 = arith.constant dense<0.000000e+00> : vector<64x640xf32>
    %dot_general3A_789 = tpu.matmul %squeeze3A_786, %slice3A_787, %dot_general3A_788 {dimension_numbers = #tpu.dot_dimension_numbers<[1], [0], [0], [1], [0, 0, 1, 1], [], []>, transpose_lhs_hint = false} : vector<64x64xbf16>, vector<64x640xbf16>, vector<64x640xf32> -> vector<64x640xf32>
    %add3A_790 = arith.addf %add3A_784, %dot_general3A_789 : vector<64x640xf32>
    %slice3A_791 = vector.extract_strided_slice %convert_element_type3A_694 {offsets = [2, 1, 0, 0], sizes = [1, 1, 64, 64], strides = [1, 1, 1, 1]} : vector<3x3x64x64xbf16> to vector<1x1x64x64xbf16>
    %squeeze3A_792 = vector.shape_cast %slice3A_791 : vector<1x1x64x64xbf16> to vector<64x64xbf16>
    %dot_general3A_793 = arith.constant dense<0.000000e+00> : vector<64x640xf32>
    %dot_general3A_794 = tpu.matmul %squeeze3A_792, %convert_element_type3A_284, %dot_general3A_793 {dimension_numbers = #tpu.dot_dimension_numbers<[1], [0], [0], [1], [0, 0, 1, 1], [], []>, transpose_lhs_hint = false} : vector<64x64xbf16>, vector<64x640xbf16>, vector<64x640xf32> -> vector<64x640xf32>
    %add3A_795 = arith.addf %add3A_790, %dot_general3A_794 : vector<64x640xf32>
    %slice3A_796 = vector.extract_strided_slice %convert_element_type3A_694 {offsets = [2, 2, 0, 0], sizes = [1, 1, 64, 64], strides = [1, 1, 1, 1]} : vector<3x3x64x64xbf16> to vector<1x1x64x64xbf16>
    %squeeze3A_797 = vector.shape_cast %slice3A_796 : vector<1x1x64x64xbf16> to vector<64x64xbf16>
    %slice3A_798 = vector.extract_strided_slice %select_n3A_333 {offsets = [0, 1], sizes = [64, 640], strides = [1, 1]} : vector<64x641xbf16> to vector<64x640xbf16>
    %dot_general3A_799 = arith.constant dense<0.000000e+00> : vector<64x640xf32>
    %dot_general3A_800 = tpu.matmul %squeeze3A_797, %slice3A_798, %dot_general3A_799 {dimension_numbers = #tpu.dot_dimension_numbers<[1], [0], [0], [1], [0, 0, 1, 1], [], []>, transpose_lhs_hint = false} : vector<64x64xbf16>, vector<64x640xbf16>, vector<64x640xf32> -> vector<64x640xf32>
    %add3A_801 = arith.addf %add3A_795, %dot_general3A_800 : vector<64x640xf32>
    %swap3A_802 = arith.constant 0 : index
    %swap3A_803 = arith.constant 1 : index
    %swap3A_804 = arith.constant 0 : index
    %swap3A_805 = arith.constant 0 : index
    %swap3A_806 = vector.load %arg10[%swap3A_802, %swap3A_803, %swap3A_804, %swap3A_805] : memref<1x4x64x640xf32, #tpu.memory_space<vmem>>, vector<1x1x64x640xf32>
    %swap3A_807 = vector.shape_cast %swap3A_806 : vector<1x1x64x640xf32> to vector<64x640xf32>
    %swap3A_808 = vector.shape_cast %add3A_801 : vector<64x640xf32> to vector<1x1x64x640xf32>
    tpu.vector_store %arg10[%swap3A_802, %swap3A_803, %swap3A_804, %swap3A_805], %swap3A_808 {strides = array<i32>} : memref<1x4x64x640xf32, #tpu.memory_space<vmem>>, vector<1x1x64x640xf32>,
    %reduce_sum3A_809 = arith.constant dense<0.000000e+00> : vector<64xf32>
    %reduce_sum3A_810 = vector.multi_reduction <add>, %add3A_801, %reduce_sum3A_809 [1] : vector<64x640xf32> to vector<64xf32>
    %broadcast_in_dim3A_811 = vector.shape_cast %reduce_sum3A_810 : vector<64xf32> to vector<64x1xf32>
    %add3A_812 = arith.addf %add3A_740, %broadcast_in_dim3A_811 : vector<64x1xf32>
    %mul3A_813 = arith.mulf %add3A_801, %add3A_801 : vector<64x640xf32>
    %reduce_sum3A_814 = arith.constant dense<0.000000e+00> : vector<64xf32>
    %reduce_sum3A_815 = vector.multi_reduction <add>, %mul3A_813, %reduce_sum3A_814 [1] : vector<64x640xf32> to vector<64xf32>
    %broadcast_in_dim3A_816 = vector.shape_cast %reduce_sum3A_815 : vector<64xf32> to vector<64x1xf32>
    %add3A_817 = arith.addf %add3A_745, %broadcast_in_dim3A_816 : vector<64x1xf32>
    %get3A_818 = arith.constant 0 : index
    %get3A_819 = arith.constant 0 : index
    %get3A_820 = vector.load %arg9[%get3A_818, %get3A_819] : memref<64x1xf32, #tpu.memory_space<vmem>>, vector<64x1xf32>
    %broadcast_in_dim3A_821 = vector.shape_cast %get3A_820 : vector<64x1xf32> to vector<64x1xf32>
    %broadcast_in_dim3A_822 = vector.broadcast %broadcast_in_dim3A_821 : vector<64x1xf32> to vector<64x640xf32>
    %slice3A_823 = vector.extract_strided_slice %convert_element_type3A_694 {offsets = [0, 0, 0, 0], sizes = [1, 1, 64, 64], strides = [1, 1, 1, 1]} : vector<3x3x64x64xbf16> to vector<1x1x64x64xbf16>
    %squeeze3A_824 = vector.shape_cast %slice3A_823 : vector<1x1x64x64xbf16> to vector<64x64xbf16>
    %slice3A_825 = vector.extract_strided_slice %select_n3A_333 {offsets = [0, 0], sizes = [64, 640], strides = [1, 1]} : vector<64x641xbf16> to vector<64x640xbf16>
    %dot_general3A_826 = arith.constant dense<0.000000e+00> : vector<64x640xf32>
    %dot_general3A_827 = tpu.matmul %squeeze3A_824, %slice3A_825, %dot_general3A_826 {dimension_numbers = #tpu.dot_dimension_numbers<[1], [0], [0], [1], [0, 0, 1, 1], [], []>, transpose_lhs_hint = false} : vector<64x64xbf16>, vector<64x640xbf16>, vector<64x640xf32> -> vector<64x640xf32>
    %add3A_828 = arith.addf %broadcast_in_dim3A_822, %dot_general3A_827 : vector<64x640xf32>
    %slice3A_829 = vector.extract_strided_slice %convert_element_type3A_694 {offsets = [0, 1, 0, 0], sizes = [1, 1, 64, 64], strides = [1, 1, 1, 1]} : vector<3x3x64x64xbf16> to vector<1x1x64x64xbf16>
    %squeeze3A_830 = vector.shape_cast %slice3A_829 : vector<1x1x64x64xbf16> to vector<64x64xbf16>
    %dot_general3A_831 = arith.constant dense<0.000000e+00> : vector<64x640xf32>
    %dot_general3A_832 = tpu.matmul %squeeze3A_830, %convert_element_type3A_284, %dot_general3A_831 {dimension_numbers = #tpu.dot_dimension_numbers<[1], [0], [0], [1], [0, 0, 1, 1], [], []>, transpose_lhs_hint = false} : vector<64x64xbf16>, vector<64x640xbf16>, vector<64x640xf32> -> vector<64x640xf32>
    %add3A_833 = arith.addf %add3A_828, %dot_general3A_832 : vector<64x640xf32>
    %slice3A_834 = vector.extract_strided_slice %convert_element_type3A_694 {offsets = [0, 2, 0, 0], sizes = [1, 1, 64, 64], strides = [1, 1, 1, 1]} : vector<3x3x64x64xbf16> to vector<1x1x64x64xbf16>
    %squeeze3A_835 = vector.shape_cast %slice3A_834 : vector<1x1x64x64xbf16> to vector<64x64xbf16>
    %slice3A_836 = vector.extract_strided_slice %select_n3A_333 {offsets = [0, 1], sizes = [64, 640], strides = [1, 1]} : vector<64x641xbf16> to vector<64x640xbf16>
    %dot_general3A_837 = arith.constant dense<0.000000e+00> : vector<64x640xf32>
    %dot_general3A_838 = tpu.matmul %squeeze3A_835, %slice3A_836, %dot_general3A_837 {dimension_numbers = #tpu.dot_dimension_numbers<[1], [0], [0], [1], [0, 0, 1, 1], [], []>, transpose_lhs_hint = false} : vector<64x64xbf16>, vector<64x640xbf16>, vector<64x640xf32> -> vector<64x640xf32>
    %add3A_839 = arith.addf %add3A_833, %dot_general3A_838 : vector<64x640xf32>
    %slice3A_840 = vector.extract_strided_slice %convert_element_type3A_694 {offsets = [1, 0, 0, 0], sizes = [1, 1, 64, 64], strides = [1, 1, 1, 1]} : vector<3x3x64x64xbf16> to vector<1x1x64x64xbf16>
    %squeeze3A_841 = vector.shape_cast %slice3A_840 : vector<1x1x64x64xbf16> to vector<64x64xbf16>
    %slice3A_842 = vector.extract_strided_slice %select_n3A_419 {offsets = [0, 0], sizes = [64, 640], strides = [1, 1]} : vector<64x641xbf16> to vector<64x640xbf16>
    %dot_general3A_843 = arith.constant dense<0.000000e+00> : vector<64x640xf32>
    %dot_general3A_844 = tpu.matmul %squeeze3A_841, %slice3A_842, %dot_general3A_843 {dimension_numbers = #tpu.dot_dimension_numbers<[1], [0], [0], [1], [0, 0, 1, 1], [], []>, transpose_lhs_hint = false} : vector<64x64xbf16>, vector<64x640xbf16>, vector<64x640xf32> -> vector<64x640xf32>
    %add3A_845 = arith.addf %add3A_839, %dot_general3A_844 : vector<64x640xf32>
    %slice3A_846 = vector.extract_strided_slice %convert_element_type3A_694 {offsets = [1, 1, 0, 0], sizes = [1, 1, 64, 64], strides = [1, 1, 1, 1]} : vector<3x3x64x64xbf16> to vector<1x1x64x64xbf16>
    %squeeze3A_847 = vector.shape_cast %slice3A_846 : vector<1x1x64x64xbf16> to vector<64x64xbf16>
    %dot_general3A_848 = arith.constant dense<0.000000e+00> : vector<64x640xf32>
    %dot_general3A_849 = tpu.matmul %squeeze3A_847, %convert_element_type3A_370, %dot_general3A_848 {dimension_numbers = #tpu.dot_dimension_numbers<[1], [0], [0], [1], [0, 0, 1, 1], [], []>, transpose_lhs_hint = false} : vector<64x64xbf16>, vector<64x640xbf16>, vector<64x640xf32> -> vector<64x640xf32>
    %add3A_850 = arith.addf %add3A_845, %dot_general3A_849 : vector<64x640xf32>
    %slice3A_851 = vector.extract_strided_slice %convert_element_type3A_694 {offsets = [1, 2, 0, 0], sizes = [1, 1, 64, 64], strides = [1, 1, 1, 1]} : vector<3x3x64x64xbf16> to vector<1x1x64x64xbf16>
    %squeeze3A_852 = vector.shape_cast %slice3A_851 : vector<1x1x64x64xbf16> to vector<64x64xbf16>
    %slice3A_853 = vector.extract_strided_slice %select_n3A_419 {offsets = [0, 1], sizes = [64, 640], strides = [1, 1]} : vector<64x641xbf16> to vector<64x640xbf16>
    %dot_general3A_854 = arith.constant dense<0.000000e+00> : vector<64x640xf32>
    %dot_general3A_855 = tpu.matmul %squeeze3A_852, %slice3A_853, %dot_general3A_854 {dimension_numbers = #tpu.dot_dimension_numbers<[1], [0], [0], [1], [0, 0, 1, 1], [], []>, transpose_lhs_hint = false} : vector<64x64xbf16>, vector<64x640xbf16>, vector<64x640xf32> -> vector<64x640xf32>
    %add3A_856 = arith.addf %add3A_850, %dot_general3A_855 : vector<64x640xf32>
    %slice3A_857 = vector.extract_strided_slice %convert_element_type3A_694 {offsets = [2, 0, 0, 0], sizes = [1, 1, 64, 64], strides = [1, 1, 1, 1]} : vector<3x3x64x64xbf16> to vector<1x1x64x64xbf16>
    %squeeze3A_858 = vector.shape_cast %slice3A_857 : vector<1x1x64x64xbf16> to vector<64x64xbf16>
    %slice3A_859 = vector.extract_strided_slice %select_n3A_505 {offsets = [0, 0], sizes = [64, 640], strides = [1, 1]} : vector<64x641xbf16> to vector<64x640xbf16>
    %dot_general3A_860 = arith.constant dense<0.000000e+00> : vector<64x640xf32>
    %dot_general3A_861 = tpu.matmul %squeeze3A_858, %slice3A_859, %dot_general3A_860 {dimension_numbers = #tpu.dot_dimension_numbers<[1], [0], [0], [1], [0, 0, 1, 1], [], []>, transpose_lhs_hint = false} : vector<64x64xbf16>, vector<64x640xbf16>, vector<64x640xf32> -> vector<64x640xf32>
    %add3A_862 = arith.addf %add3A_856, %dot_general3A_861 : vector<64x640xf32>
    %slice3A_863 = vector.extract_strided_slice %convert_element_type3A_694 {offsets = [2, 1, 0, 0], sizes = [1, 1, 64, 64], strides = [1, 1, 1, 1]} : vector<3x3x64x64xbf16> to vector<1x1x64x64xbf16>
    %squeeze3A_864 = vector.shape_cast %slice3A_863 : vector<1x1x64x64xbf16> to vector<64x64xbf16>
    %dot_general3A_865 = arith.constant dense<0.000000e+00> : vector<64x640xf32>
    %dot_general3A_866 = tpu.matmul %squeeze3A_864, %convert_element_type3A_456, %dot_general3A_865 {dimension_numbers = #tpu.dot_dimension_numbers<[1], [0], [0], [1], [0, 0, 1, 1], [], []>, transpose_lhs_hint = false} : vector<64x64xbf16>, vector<64x640xbf16>, vector<64x640xf32> -> vector<64x640xf32>
    %add3A_867 = arith.addf %add3A_862, %dot_general3A_866 : vector<64x640xf32>
    %slice3A_868 = vector.extract_strided_slice %convert_element_type3A_694 {offsets = [2, 2, 0, 0], sizes = [1, 1, 64, 64], strides = [1, 1, 1, 1]} : vector<3x3x64x64xbf16> to vector<1x1x64x64xbf16>
    %squeeze3A_869 = vector.shape_cast %slice3A_868 : vector<1x1x64x64xbf16> to vector<64x64xbf16>
    %slice3A_870 = vector.extract_strided_slice %select_n3A_505 {offsets = [0, 1], sizes = [64, 640], strides = [1, 1]} : vector<64x641xbf16> to vector<64x640xbf16>
    %dot_general3A_871 = arith.constant dense<0.000000e+00> : vector<64x640xf32>
    %dot_general3A_872 = tpu.matmul %squeeze3A_869, %slice3A_870, %dot_general3A_871 {dimension_numbers = #tpu.dot_dimension_numbers<[1], [0], [0], [1], [0, 0, 1, 1], [], []>, transpose_lhs_hint = false} : vector<64x64xbf16>, vector<64x640xbf16>, vector<64x640xf32> -> vector<64x640xf32>
    %add3A_873 = arith.addf %add3A_867, %dot_general3A_872 : vector<64x640xf32>
    %swap3A_874 = arith.constant 0 : index
    %swap3A_875 = arith.constant 2 : index
    %swap3A_876 = arith.constant 0 : index
    %swap3A_877 = arith.constant 0 : index
    %swap3A_878 = vector.load %arg10[%swap3A_874, %swap3A_875, %swap3A_876, %swap3A_877] : memref<1x4x64x640xf32, #tpu.memory_space<vmem>>, vector<1x1x64x640xf32>
    %swap3A_879 = vector.shape_cast %swap3A_878 : vector<1x1x64x640xf32> to vector<64x640xf32>
    %swap3A_880 = vector.shape_cast %add3A_873 : vector<64x640xf32> to vector<1x1x64x640xf32>
    tpu.vector_store %arg10[%swap3A_874, %swap3A_875, %swap3A_876, %swap3A_877], %swap3A_880 {strides = array<i32>} : memref<1x4x64x640xf32, #tpu.memory_space<vmem>>, vector<1x1x64x640xf32>,
    %reduce_sum3A_881 = arith.constant dense<0.000000e+00> : vector<64xf32>
    %reduce_sum3A_882 = vector.multi_reduction <add>, %add3A_873, %reduce_sum3A_881 [1] : vector<64x640xf32> to vector<64xf32>
    %broadcast_in_dim3A_883 = vector.shape_cast %reduce_sum3A_882 : vector<64xf32> to vector<64x1xf32>
    %add3A_884 = arith.addf %add3A_812, %broadcast_in_dim3A_883 : vector<64x1xf32>
    %mul3A_885 = arith.mulf %add3A_873, %add3A_873 : vector<64x640xf32>
    %reduce_sum3A_886 = arith.constant dense<0.000000e+00> : vector<64xf32>
    %reduce_sum3A_887 = vector.multi_reduction <add>, %mul3A_885, %reduce_sum3A_886 [1] : vector<64x640xf32> to vector<64xf32>
    %broadcast_in_dim3A_888 = vector.shape_cast %reduce_sum3A_887 : vector<64xf32> to vector<64x1xf32>
    %add3A_889 = arith.addf %add3A_817, %broadcast_in_dim3A_888 : vector<64x1xf32>
    %get3A_890 = arith.constant 0 : index
    %get3A_891 = arith.constant 0 : index
    %get3A_892 = vector.load %arg9[%get3A_890, %get3A_891] : memref<64x1xf32, #tpu.memory_space<vmem>>, vector<64x1xf32>
    %broadcast_in_dim3A_893 = vector.shape_cast %get3A_892 : vector<64x1xf32> to vector<64x1xf32>
    %broadcast_in_dim3A_894 = vector.broadcast %broadcast_in_dim3A_893 : vector<64x1xf32> to vector<64x640xf32>
    %slice3A_895 = vector.extract_strided_slice %convert_element_type3A_694 {offsets = [0, 0, 0, 0], sizes = [1, 1, 64, 64], strides = [1, 1, 1, 1]} : vector<3x3x64x64xbf16> to vector<1x1x64x64xbf16>
    %squeeze3A_896 = vector.shape_cast %slice3A_895 : vector<1x1x64x64xbf16> to vector<64x64xbf16>
    %slice3A_897 = vector.extract_strided_slice %select_n3A_505 {offsets = [0, 0], sizes = [64, 640], strides = [1, 1]} : vector<64x641xbf16> to vector<64x640xbf16>
    %dot_general3A_898 = arith.constant dense<0.000000e+00> : vector<64x640xf32>
    %dot_general3A_899 = tpu.matmul %squeeze3A_896, %slice3A_897, %dot_general3A_898 {dimension_numbers = #tpu.dot_dimension_numbers<[1], [0], [0], [1], [0, 0, 1, 1], [], []>, transpose_lhs_hint = false} : vector<64x64xbf16>, vector<64x640xbf16>, vector<64x640xf32> -> vector<64x640xf32>
    %add3A_900 = arith.addf %broadcast_in_dim3A_894, %dot_general3A_899 : vector<64x640xf32>
    %slice3A_901 = vector.extract_strided_slice %convert_element_type3A_694 {offsets = [0, 1, 0, 0], sizes = [1, 1, 64, 64], strides = [1, 1, 1, 1]} : vector<3x3x64x64xbf16> to vector<1x1x64x64xbf16>
    %squeeze3A_902 = vector.shape_cast %slice3A_901 : vector<1x1x64x64xbf16> to vector<64x64xbf16>
    %dot_general3A_903 = arith.constant dense<0.000000e+00> : vector<64x640xf32>
    %dot_general3A_904 = tpu.matmul %squeeze3A_902, %convert_element_type3A_456, %dot_general3A_903 {dimension_numbers = #tpu.dot_dimension_numbers<[1], [0], [0], [1], [0, 0, 1, 1], [], []>, transpose_lhs_hint = false} : vector<64x64xbf16>, vector<64x640xbf16>, vector<64x640xf32> -> vector<64x640xf32>
    %add3A_905 = arith.addf %add3A_900, %dot_general3A_904 : vector<64x640xf32>
    %slice3A_906 = vector.extract_strided_slice %convert_element_type3A_694 {offsets = [0, 2, 0, 0], sizes = [1, 1, 64, 64], strides = [1, 1, 1, 1]} : vector<3x3x64x64xbf16> to vector<1x1x64x64xbf16>
    %squeeze3A_907 = vector.shape_cast %slice3A_906 : vector<1x1x64x64xbf16> to vector<64x64xbf16>
    %slice3A_908 = vector.extract_strided_slice %select_n3A_505 {offsets = [0, 1], sizes = [64, 640], strides = [1, 1]} : vector<64x641xbf16> to vector<64x640xbf16>
    %dot_general3A_909 = arith.constant dense<0.000000e+00> : vector<64x640xf32>
    %dot_general3A_910 = tpu.matmul %squeeze3A_907, %slice3A_908, %dot_general3A_909 {dimension_numbers = #tpu.dot_dimension_numbers<[1], [0], [0], [1], [0, 0, 1, 1], [], []>, transpose_lhs_hint = false} : vector<64x64xbf16>, vector<64x640xbf16>, vector<64x640xf32> -> vector<64x640xf32>
    %add3A_911 = arith.addf %add3A_905, %dot_general3A_910 : vector<64x640xf32>
    %slice3A_912 = vector.extract_strided_slice %convert_element_type3A_694 {offsets = [1, 0, 0, 0], sizes = [1, 1, 64, 64], strides = [1, 1, 1, 1]} : vector<3x3x64x64xbf16> to vector<1x1x64x64xbf16>
    %squeeze3A_913 = vector.shape_cast %slice3A_912 : vector<1x1x64x64xbf16> to vector<64x64xbf16>
    %slice3A_914 = vector.extract_strided_slice %select_n3A_591 {offsets = [0, 0], sizes = [64, 640], strides = [1, 1]} : vector<64x641xbf16> to vector<64x640xbf16>
    %dot_general3A_915 = arith.constant dense<0.000000e+00> : vector<64x640xf32>
    %dot_general3A_916 = tpu.matmul %squeeze3A_913, %slice3A_914, %dot_general3A_915 {dimension_numbers = #tpu.dot_dimension_numbers<[1], [0], [0], [1], [0, 0, 1, 1], [], []>, transpose_lhs_hint = false} : vector<64x64xbf16>, vector<64x640xbf16>, vector<64x640xf32> -> vector<64x640xf32>
    %add3A_917 = arith.addf %add3A_911, %dot_general3A_916 : vector<64x640xf32>
    %slice3A_918 = vector.extract_strided_slice %convert_element_type3A_694 {offsets = [1, 1, 0, 0], sizes = [1, 1, 64, 64], strides = [1, 1, 1, 1]} : vector<3x3x64x64xbf16> to vector<1x1x64x64xbf16>
    %squeeze3A_919 = vector.shape_cast %slice3A_918 : vector<1x1x64x64xbf16> to vector<64x64xbf16>
    %dot_general3A_920 = arith.constant dense<0.000000e+00> : vector<64x640xf32>
    %dot_general3A_921 = tpu.matmul %squeeze3A_919, %convert_element_type3A_542, %dot_general3A_920 {dimension_numbers = #tpu.dot_dimension_numbers<[1], [0], [0], [1], [0, 0, 1, 1], [], []>, transpose_lhs_hint = false} : vector<64x64xbf16>, vector<64x640xbf16>, vector<64x640xf32> -> vector<64x640xf32>
    %add3A_922 = arith.addf %add3A_917, %dot_general3A_921 : vector<64x640xf32>
    %slice3A_923 = vector.extract_strided_slice %convert_element_type3A_694 {offsets = [1, 2, 0, 0], sizes = [1, 1, 64, 64], strides = [1, 1, 1, 1]} : vector<3x3x64x64xbf16> to vector<1x1x64x64xbf16>
    %squeeze3A_924 = vector.shape_cast %slice3A_923 : vector<1x1x64x64xbf16> to vector<64x64xbf16>
    %slice3A_925 = vector.extract_strided_slice %select_n3A_591 {offsets = [0, 1], sizes = [64, 640], strides = [1, 1]} : vector<64x641xbf16> to vector<64x640xbf16>
    %dot_general3A_926 = arith.constant dense<0.000000e+00> : vector<64x640xf32>
    %dot_general3A_927 = tpu.matmul %squeeze3A_924, %slice3A_925, %dot_general3A_926 {dimension_numbers = #tpu.dot_dimension_numbers<[1], [0], [0], [1], [0, 0, 1, 1], [], []>, transpose_lhs_hint = false} : vector<64x64xbf16>, vector<64x640xbf16>, vector<64x640xf32> -> vector<64x640xf32>
    %add3A_928 = arith.addf %add3A_922, %dot_general3A_927 : vector<64x640xf32>
    %slice3A_929 = vector.extract_strided_slice %convert_element_type3A_694 {offsets = [2, 0, 0, 0], sizes = [1, 1, 64, 64], strides = [1, 1, 1, 1]} : vector<3x3x64x64xbf16> to vector<1x1x64x64xbf16>
    %squeeze3A_930 = vector.shape_cast %slice3A_929 : vector<1x1x64x64xbf16> to vector<64x64xbf16>
    %slice3A_931 = vector.extract_strided_slice %select_n3A_677 {offsets = [0, 0], sizes = [64, 640], strides = [1, 1]} : vector<64x641xbf16> to vector<64x640xbf16>
    %dot_general3A_932 = arith.constant dense<0.000000e+00> : vector<64x640xf32>
    %dot_general3A_933 = tpu.matmul %squeeze3A_930, %slice3A_931, %dot_general3A_932 {dimension_numbers = #tpu.dot_dimension_numbers<[1], [0], [0], [1], [0, 0, 1, 1], [], []>, transpose_lhs_hint = false} : vector<64x64xbf16>, vector<64x640xbf16>, vector<64x640xf32> -> vector<64x640xf32>
    %add3A_934 = arith.addf %add3A_928, %dot_general3A_933 : vector<64x640xf32>
    %slice3A_935 = vector.extract_strided_slice %convert_element_type3A_694 {offsets = [2, 1, 0, 0], sizes = [1, 1, 64, 64], strides = [1, 1, 1, 1]} : vector<3x3x64x64xbf16> to vector<1x1x64x64xbf16>
    %squeeze3A_936 = vector.shape_cast %slice3A_935 : vector<1x1x64x64xbf16> to vector<64x64xbf16>
    %dot_general3A_937 = arith.constant dense<0.000000e+00> : vector<64x640xf32>
    %dot_general3A_938 = tpu.matmul %squeeze3A_936, %convert_element_type3A_628, %dot_general3A_937 {dimension_numbers = #tpu.dot_dimension_numbers<[1], [0], [0], [1], [0, 0, 1, 1], [], []>, transpose_lhs_hint = false} : vector<64x64xbf16>, vector<64x640xbf16>, vector<64x640xf32> -> vector<64x640xf32>
    %add3A_939 = arith.addf %add3A_934, %dot_general3A_938 : vector<64x640xf32>
    %slice3A_940 = vector.extract_strided_slice %convert_element_type3A_694 {offsets = [2, 2, 0, 0], sizes = [1, 1, 64, 64], strides = [1, 1, 1, 1]} : vector<3x3x64x64xbf16> to vector<1x1x64x64xbf16>
    %squeeze3A_941 = vector.shape_cast %slice3A_940 : vector<1x1x64x64xbf16> to vector<64x64xbf16>
    %slice3A_942 = vector.extract_strided_slice %select_n3A_677 {offsets = [0, 1], sizes = [64, 640], strides = [1, 1]} : vector<64x641xbf16> to vector<64x640xbf16>
    %dot_general3A_943 = arith.constant dense<0.000000e+00> : vector<64x640xf32>
    %dot_general3A_944 = tpu.matmul %squeeze3A_941, %slice3A_942, %dot_general3A_943 {dimension_numbers = #tpu.dot_dimension_numbers<[1], [0], [0], [1], [0, 0, 1, 1], [], []>, transpose_lhs_hint = false} : vector<64x64xbf16>, vector<64x640xbf16>, vector<64x640xf32> -> vector<64x640xf32>
    %add3A_945 = arith.addf %add3A_939, %dot_general3A_944 : vector<64x640xf32>
    %swap3A_946 = arith.constant 0 : index
    %swap3A_947 = arith.constant 3 : index
    %swap3A_948 = arith.constant 0 : index
    %swap3A_949 = arith.constant 0 : index
    %swap3A_950 = vector.load %arg10[%swap3A_946, %swap3A_947, %swap3A_948, %swap3A_949] : memref<1x4x64x640xf32, #tpu.memory_space<vmem>>, vector<1x1x64x640xf32>
    %swap3A_951 = vector.shape_cast %swap3A_950 : vector<1x1x64x640xf32> to vector<64x640xf32>
    %swap3A_952 = vector.shape_cast %add3A_945 : vector<64x640xf32> to vector<1x1x64x640xf32>
    tpu.vector_store %arg10[%swap3A_946, %swap3A_947, %swap3A_948, %swap3A_949], %swap3A_952 {strides = array<i32>} : memref<1x4x64x640xf32, #tpu.memory_space<vmem>>, vector<1x1x64x640xf32>,
    %reduce_sum3A_953 = arith.constant dense<0.000000e+00> : vector<64xf32>
    %reduce_sum3A_954 = vector.multi_reduction <add>, %add3A_945, %reduce_sum3A_953 [1] : vector<64x640xf32> to vector<64xf32>
    %broadcast_in_dim3A_955 = vector.shape_cast %reduce_sum3A_954 : vector<64xf32> to vector<64x1xf32>
    %add3A_956 = arith.addf %add3A_884, %broadcast_in_dim3A_955 : vector<64x1xf32>
    %mul3A_957 = arith.mulf %add3A_945, %add3A_945 : vector<64x640xf32>
    %reduce_sum3A_958 = arith.constant dense<0.000000e+00> : vector<64xf32>
    %reduce_sum3A_959 = vector.multi_reduction <add>, %mul3A_957, %reduce_sum3A_958 [1] : vector<64x640xf32> to vector<64xf32>
    %broadcast_in_dim3A_960 = vector.shape_cast %reduce_sum3A_959 : vector<64xf32> to vector<64x1xf32>
    %add3A_961 = arith.addf %add3A_889, %broadcast_in_dim3A_960 : vector<64x1xf32>
    %get3A_962 = arith.constant 0 : index
    %get3A_963 = arith.constant 0 : index
    %get3A_964 = vector.load %arg11[%get3A_962, %get3A_963] : memref<64x1xf32, #tpu.memory_space<vmem>>, vector<64x1xf32>
    %add3A_965 = arith.addf %get3A_964, %add3A_956 : vector<64x1xf32>
    %swap3A_966 = arith.constant 0 : index
    %swap3A_967 = arith.constant 0 : index
    %swap3A_968 = vector.load %arg11[%swap3A_966, %swap3A_967] : memref<64x1xf32, #tpu.memory_space<vmem>>, vector<64x1xf32>
    tpu.vector_store %arg11[%swap3A_966, %swap3A_967], %add3A_965 {strides = array<i32>} : memref<64x1xf32, #tpu.memory_space<vmem>>, vector<64x1xf32>,
    %get3A_969 = arith.constant 0 : index
    %get3A_970 = arith.constant 0 : index
    %get3A_971 = vector.load %arg12[%get3A_969, %get3A_970] : memref<64x1xf32, #tpu.memory_space<vmem>>, vector<64x1xf32>
    %add3A_972 = arith.addf %get3A_971, %add3A_961 : vector<64x1xf32>
    %swap3A_973 = arith.constant 0 : index
    %swap3A_974 = arith.constant 0 : index
    %swap3A_975 = vector.load %arg12[%swap3A_973, %swap3A_974] : memref<64x1xf32, #tpu.memory_space<vmem>>, vector<64x1xf32>
    tpu.vector_store %arg12[%swap3A_973, %swap3A_974], %add3A_972 {strides = array<i32>} : memref<64x1xf32, #tpu.memory_space<vmem>>, vector<64x1xf32>,
    return
  }
  func.func @transform_0(%arg0: i32, %arg1: i32) -> (i32, i32, i32, i32) {
    %c0_i32 = arith.constant 0 : i32
    %c0_i32_0 = arith.constant 0 : i32
    %c0_i32_1 = arith.constant 0 : i32
    %c0_i32_2 = arith.constant 0 : i32
    return %arg0, %c0_i32, %c0_i32_0, %c0_i32_1 : i32, i32, i32, i32
  }
  func.func @transform_1(%arg0: i32, %arg1: i32) -> (i32, i32, i32, i32) {
    %c0_i32 = arith.constant 0 : i32
    %c0_i32_0 = arith.constant 0 : i32
    %c0_i32_1 = arith.constant 0 : i32
    %c0_i32_2 = arith.constant 0 : i32
    return %arg0, %c0_i32, %c0_i32_0, %c0_i32_1 : i32, i32, i32, i32
  }
  func.func @transform_2(%arg0: i32, %arg1: i32) -> (i32, i32) {
    %c0_i32 = arith.constant 0 : i32
    %c0_i32_0 = arith.constant 0 : i32
    %c0_i32_1 = arith.constant 0 : i32
    return %c0_i32, %c0_i32_0 : i32, i32
  }
  func.func @transform_3(%arg0: i32, %arg1: i32) -> (i32, i32) {
    %c0_i32 = arith.constant 0 : i32
    %c0_i32_0 = arith.constant 0 : i32
    %c0_i32_1 = arith.constant 0 : i32
    return %c0_i32, %c0_i32_0 : i32, i32
  }
  func.func @transform_4(%arg0: i32, %arg1: i32) -> (i32, i32) {
    %c0_i32 = arith.constant 0 : i32
    %c0_i32_0 = arith.constant 0 : i32
    %c0_i32_1 = arith.constant 0 : i32
    return %c0_i32, %c0_i32_0 : i32, i32
  }
  func.func @transform_5(%arg0: i32, %arg1: i32) -> (i32, i32) {
    %c0_i32 = arith.constant 0 : i32
    %c0_i32_0 = arith.constant 0 : i32
    %c0_i32_1 = arith.constant 0 : i32
    return %c0_i32, %c0_i32_0 : i32, i32
  }
  func.func @transform_6(%arg0: i32, %arg1: i32) -> (i32, i32, i32, i32) {
    %c0_i32 = arith.constant 0 : i32
    %c0_i32_0 = arith.constant 0 : i32
    %c0_i32_1 = arith.constant 0 : i32
    %c0_i32_2 = arith.constant 0 : i32
    %c0_i32_3 = arith.constant 0 : i32
    return %c0_i32, %c0_i32_0, %c0_i32_1, %c0_i32_2 : i32, i32, i32, i32
  }
  func.func @transform_7(%arg0: i32, %arg1: i32) -> (i32, i32) {
    %c0_i32 = arith.constant 0 : i32
    %c0_i32_0 = arith.constant 0 : i32
    %c0_i32_1 = arith.constant 0 : i32
    return %c0_i32, %c0_i32_0 : i32, i32
  }
  func.func @transform_8(%arg0: i32, %arg1: i32) -> (i32, i32, i32, i32) {
    %c0_i32 = arith.constant 0 : i32
    %c0_i32_0 = arith.constant 0 : i32
    %c0_i32_1 = arith.constant 0 : i32
    return %arg0, %c0_i32, %c0_i32_0, %arg1 : i32, i32, i32, i32
  }
  func.func @transform_9(%arg0: i32, %arg1: i32) -> (i32, i32) {
    %c0_i32 = arith.constant 0 : i32
    %c0_i32_0 = arith.constant 0 : i32
    %c0_i32_1 = arith.constant 0 : i32
    return %c0_i32, %c0_i32_0 : i32, i32
  }
  func.func @transform_10(%arg0: i32, %arg1: i32) -> (i32, i32) {
    %c0_i32 = arith.constant 0 : i32
    %c0_i32_0 = arith.constant 0 : i32
    %c0_i32_1 = arith.constant 0 : i32
    return %c0_i32, %c0_i32_0 : i32, i32
  }
}

module attributes {stable_mosaic.version = 14 : i64} {
  func.func @body(%arg0: i32, %arg1: i32, %arg2: memref<1x4x64x640xf32, #tpu.memory_space<vmem>>, %arg3: memref<1x4x64x640xf32, #tpu.memory_space<vmem>>, %arg4: memref<1x4x64x640xf32, #tpu.memory_space<vmem>>, %arg5: memref<3x3x128x64xf32, #tpu.memory_space<vmem>>, %arg6: memref<128x1xf32, #tpu.memory_space<vmem>>, %arg7: memref<64x1xf32, #tpu.memory_space<vmem>>, %arg8: memref<64x1xf32, #tpu.memory_space<vmem>>, %arg9: memref<128x64xf32, #tpu.memory_space<vmem>>, %arg10: memref<128x1xf32, #tpu.memory_space<vmem>>, %arg11: memref<1x4x128x640xf32, #tpu.memory_space<vmem>>, %arg12: memref<128x1xf32, #tpu.memory_space<vmem>>, %arg13: memref<128x1xf32, #tpu.memory_space<vmem>>, %arg14: memref<1x4x128x640xf32, #tpu.memory_space<vmem>>, %arg15: memref<128x1xf32, #tpu.memory_space<vmem>>, %arg16: memref<128x1xf32, #tpu.memory_space<vmem>>) attributes {dimension_semantics = [#tpu.dimension_semantics<arbitrary>, #tpu.dimension_semantics<arbitrary>], iteration_bounds = array<i64: 2, 20>, scalar_prefetch = 0 : i64, scratch_operands = 0 : i64, tpu.core_type = #tpu.core_type<tc>, window_params = [{transform_indices = @transform_0, window_bounds = array<i64: 1, 4, 64, 640>}, {transform_indices = @transform_1, window_bounds = array<i64: 1, 4, 64, 640>}, {transform_indices = @transform_2, window_bounds = array<i64: 1, 4, 64, 640>}, {pipeline_mode = #tpu.pipeline_mode<synchronous>, transform_indices = @transform_3, window_bounds = array<i64: 3, 3, 128, 64>}, {pipeline_mode = #tpu.pipeline_mode<synchronous>, transform_indices = @transform_4, window_bounds = array<i64: 128, 1>}, {pipeline_mode = #tpu.pipeline_mode<synchronous>, transform_indices = @transform_5, window_bounds = array<i64: 64, 1>}, {pipeline_mode = #tpu.pipeline_mode<synchronous>, transform_indices = @transform_6, window_bounds = array<i64: 64, 1>}, {pipeline_mode = #tpu.pipeline_mode<synchronous>, transform_indices = @transform_7, window_bounds = array<i64: 128, 64>}, {pipeline_mode = #tpu.pipeline_mode<synchronous>, transform_indices = @transform_8, window_bounds = array<i64: 128, 1>}, {transform_indices = @transform_9, window_bounds = array<i64: 1, 4, 128, 640>}, {pipeline_mode = #tpu.pipeline_mode<synchronous>, transform_indices = @transform_10, window_bounds = array<i64: 128, 1>}, {pipeline_mode = #tpu.pipeline_mode<synchronous>, transform_indices = @transform_11, window_bounds = array<i64: 128, 1>}, {transform_indices = @transform_12, window_bounds = array<i64: 1, 4, 128, 640>}, {pipeline_mode = #tpu.pipeline_mode<synchronous>, transform_indices = @transform_13, window_bounds = array<i64: 128, 1>}, {pipeline_mode = #tpu.pipeline_mode<synchronous>, transform_indices = @transform_14, window_bounds = array<i64: 128, 1>}]} {
    %eq3A = arith.constant 0 : i32
    %eq3A_0 = arith.cmpi eq, %arg1, %eq3A : i32
    %get3A = arith.constant 0 : index
    %get3A_1 = arith.constant 0 : index
    %get3A_2 = arith.constant 0 : index
    %get3A_3 = arith.constant 639 : index
    %get3A_4 = vector.load %arg2[%get3A, %get3A_1, %get3A_2, %get3A_3] : memref<1x4x64x640xf32, #tpu.memory_space<vmem>>, vector<1x1x64x1xf32>
    %get3A_5 = vector.shape_cast %get3A_4 : vector<1x1x64x1xf32> to vector<64x1xf32>
    %get3A_6 = arith.constant 0 : index
    %get3A_7 = arith.constant 0 : index
    %get3A_8 = vector.load %arg7[%get3A_6, %get3A_7] : memref<64x1xf32, #tpu.memory_space<vmem>>, vector<64x1xf32>
    %mul3A = arith.mulf %get3A_5, %get3A_8 : vector<64x1xf32>
    %get3A_9 = arith.constant 0 : index
    %get3A_10 = arith.constant 0 : index
    %get3A_11 = vector.load %arg8[%get3A_9, %get3A_10] : memref<64x1xf32, #tpu.memory_space<vmem>>, vector<64x1xf32>
    %add3A = arith.addf %mul3A, %get3A_11 : vector<64x1xf32>
    %max3A = arith.constant 0.000000e+00 : f32
    %max3A_12 = vector.broadcast %max3A : f32 to vector<64x1xf32>
    %max3A_13 = arith.maximumf %add3A, %max3A_12 : vector<64x1xf32>
    %convert_element_type3A = arith.truncf %max3A_13 : vector<64x1xf32> to vector<64x1xbf16>
    %jit3A = arith.constant 0.000000e+00 : bf16
    %broadcast_in_dim3A = vector.broadcast %jit3A : bf16 to vector<64x1xbf16>
    %select_n3A = arith.select %eq3A_0, %broadcast_in_dim3A, %convert_element_type3A : vector<64x1xbf16>
    %eq3A_14 = arith.constant 19 : i32
    %eq3A_15 = arith.cmpi eq, %arg1, %eq3A_14 : i32
    %get3A_16 = arith.constant 0 : index
    %get3A_17 = arith.constant 0 : index
    %get3A_18 = arith.constant 0 : index
    %get3A_19 = arith.constant 0 : index
    %get3A_20 = vector.load %arg4[%get3A_16, %get3A_17, %get3A_18, %get3A_19] : memref<1x4x64x640xf32, #tpu.memory_space<vmem>>, vector<1x1x64x1xf32>
    %get3A_21 = vector.shape_cast %get3A_20 : vector<1x1x64x1xf32> to vector<64x1xf32>
    %get3A_22 = arith.constant 0 : index
    %get3A_23 = arith.constant 0 : index
    %get3A_24 = vector.load %arg7[%get3A_22, %get3A_23] : memref<64x1xf32, #tpu.memory_space<vmem>>, vector<64x1xf32>
    %mul3A_25 = arith.mulf %get3A_21, %get3A_24 : vector<64x1xf32>
    %get3A_26 = arith.constant 0 : index
    %get3A_27 = arith.constant 0 : index
    %get3A_28 = vector.load %arg8[%get3A_26, %get3A_27] : memref<64x1xf32, #tpu.memory_space<vmem>>, vector<64x1xf32>
    %add3A_29 = arith.addf %mul3A_25, %get3A_28 : vector<64x1xf32>
    %max3A_30 = arith.constant 0.000000e+00 : f32
    %max3A_31 = vector.broadcast %max3A_30 : f32 to vector<64x1xf32>
    %max3A_32 = arith.maximumf %add3A_29, %max3A_31 : vector<64x1xf32>
    %convert_element_type3A_33 = arith.truncf %max3A_32 : vector<64x1xf32> to vector<64x1xbf16>
    %jit3A_34 = arith.constant 0.000000e+00 : bf16
    %broadcast_in_dim3A_35 = vector.broadcast %jit3A_34 : bf16 to vector<64x1xbf16>
    %select_n3A_36 = arith.select %eq3A_15, %broadcast_in_dim3A_35, %convert_element_type3A_33 : vector<64x1xbf16>
    %get3A_37 = arith.constant 0 : index
    %get3A_38 = arith.constant 0 : index
    %get3A_39 = arith.constant 0 : index
    %get3A_40 = arith.constant 0 : index
    %get3A_41 = vector.load %arg3[%get3A_37, %get3A_38, %get3A_39, %get3A_40] : memref<1x4x64x640xf32, #tpu.memory_space<vmem>>, vector<1x1x64x640xf32>
    %get3A_42 = vector.shape_cast %get3A_41 : vector<1x1x64x640xf32> to vector<64x640xf32>
    %get3A_43 = arith.constant 0 : index
    %get3A_44 = arith.constant 0 : index
    %get3A_45 = vector.load %arg7[%get3A_43, %get3A_44] : memref<64x1xf32, #tpu.memory_space<vmem>>, vector<64x1xf32>
    %mul3A_46 = vector.broadcast %get3A_45 : vector<64x1xf32> to vector<64x640xf32>
    %mul3A_47 = arith.mulf %get3A_42, %mul3A_46 : vector<64x640xf32>
    %get3A_48 = arith.constant 0 : index
    %get3A_49 = arith.constant 0 : index
    %get3A_50 = vector.load %arg8[%get3A_48, %get3A_49] : memref<64x1xf32, #tpu.memory_space<vmem>>, vector<64x1xf32>
    %add3A_51 = vector.broadcast %get3A_50 : vector<64x1xf32> to vector<64x640xf32>
    %add3A_52 = arith.addf %mul3A_47, %add3A_51 : vector<64x640xf32>
    %max3A_53 = arith.constant 0.000000e+00 : f32
    %max3A_54 = vector.broadcast %max3A_53 : f32 to vector<64x640xf32>
    %max3A_55 = arith.maximumf %add3A_52, %max3A_54 : vector<64x640xf32>
    %convert_element_type3A_56 = arith.truncf %max3A_55 : vector<64x640xf32> to vector<64x640xbf16>
    %concatenate3A = tpu.concatenate %select_n3A, %convert_element_type3A_56, %select_n3A_36 in 1 : vector<64x1xbf16>, vector<64x640xbf16>, vector<64x1xbf16> -> vector<64x642xbf16>
    %eq3A_57 = arith.constant 0 : i32
    %eq3A_58 = arith.cmpi eq, %arg1, %eq3A_57 : i32
    %get3A_59 = arith.constant 0 : index
    %get3A_60 = arith.constant 1 : index
    %get3A_61 = arith.constant 0 : index
    %get3A_62 = arith.constant 639 : index
    %get3A_63 = vector.load %arg2[%get3A_59, %get3A_60, %get3A_61, %get3A_62] : memref<1x4x64x640xf32, #tpu.memory_space<vmem>>, vector<1x1x64x1xf32>
    %get3A_64 = vector.shape_cast %get3A_63 : vector<1x1x64x1xf32> to vector<64x1xf32>
    %get3A_65 = arith.constant 0 : index
    %get3A_66 = arith.constant 0 : index
    %get3A_67 = vector.load %arg7[%get3A_65, %get3A_66] : memref<64x1xf32, #tpu.memory_space<vmem>>, vector<64x1xf32>
    %mul3A_68 = arith.mulf %get3A_64, %get3A_67 : vector<64x1xf32>
    %get3A_69 = arith.constant 0 : index
    %get3A_70 = arith.constant 0 : index
    %get3A_71 = vector.load %arg8[%get3A_69, %get3A_70] : memref<64x1xf32, #tpu.memory_space<vmem>>, vector<64x1xf32>
    %add3A_72 = arith.addf %mul3A_68, %get3A_71 : vector<64x1xf32>
    %max3A_73 = arith.constant 0.000000e+00 : f32
    %max3A_74 = vector.broadcast %max3A_73 : f32 to vector<64x1xf32>
    %max3A_75 = arith.maximumf %add3A_72, %max3A_74 : vector<64x1xf32>
    %convert_element_type3A_76 = arith.truncf %max3A_75 : vector<64x1xf32> to vector<64x1xbf16>
    %jit3A_77 = arith.constant 0.000000e+00 : bf16
    %broadcast_in_dim3A_78 = vector.broadcast %jit3A_77 : bf16 to vector<64x1xbf16>
    %select_n3A_79 = arith.select %eq3A_58, %broadcast_in_dim3A_78, %convert_element_type3A_76 : vector<64x1xbf16>
    %eq3A_80 = arith.constant 19 : i32
    %eq3A_81 = arith.cmpi eq, %arg1, %eq3A_80 : i32
    %get3A_82 = arith.constant 0 : index
    %get3A_83 = arith.constant 1 : index
    %get3A_84 = arith.constant 0 : index
    %get3A_85 = arith.constant 0 : index
    %get3A_86 = vector.load %arg4[%get3A_82, %get3A_83, %get3A_84, %get3A_85] : memref<1x4x64x640xf32, #tpu.memory_space<vmem>>, vector<1x1x64x1xf32>
    %get3A_87 = vector.shape_cast %get3A_86 : vector<1x1x64x1xf32> to vector<64x1xf32>
    %get3A_88 = arith.constant 0 : index
    %get3A_89 = arith.constant 0 : index
    %get3A_90 = vector.load %arg7[%get3A_88, %get3A_89] : memref<64x1xf32, #tpu.memory_space<vmem>>, vector<64x1xf32>
    %mul3A_91 = arith.mulf %get3A_87, %get3A_90 : vector<64x1xf32>
    %get3A_92 = arith.constant 0 : index
    %get3A_93 = arith.constant 0 : index
    %get3A_94 = vector.load %arg8[%get3A_92, %get3A_93] : memref<64x1xf32, #tpu.memory_space<vmem>>, vector<64x1xf32>
    %add3A_95 = arith.addf %mul3A_91, %get3A_94 : vector<64x1xf32>
    %max3A_96 = arith.constant 0.000000e+00 : f32
    %max3A_97 = vector.broadcast %max3A_96 : f32 to vector<64x1xf32>
    %max3A_98 = arith.maximumf %add3A_95, %max3A_97 : vector<64x1xf32>
    %convert_element_type3A_99 = arith.truncf %max3A_98 : vector<64x1xf32> to vector<64x1xbf16>
    %jit3A_100 = arith.constant 0.000000e+00 : bf16
    %broadcast_in_dim3A_101 = vector.broadcast %jit3A_100 : bf16 to vector<64x1xbf16>
    %select_n3A_102 = arith.select %eq3A_81, %broadcast_in_dim3A_101, %convert_element_type3A_99 : vector<64x1xbf16>
    %get3A_103 = arith.constant 0 : index
    %get3A_104 = arith.constant 1 : index
    %get3A_105 = arith.constant 0 : index
    %get3A_106 = arith.constant 0 : index
    %get3A_107 = vector.load %arg3[%get3A_103, %get3A_104, %get3A_105, %get3A_106] : memref<1x4x64x640xf32, #tpu.memory_space<vmem>>, vector<1x1x64x640xf32>
    %get3A_108 = vector.shape_cast %get3A_107 : vector<1x1x64x640xf32> to vector<64x640xf32>
    %get3A_109 = arith.constant 0 : index
    %get3A_110 = arith.constant 0 : index
    %get3A_111 = vector.load %arg7[%get3A_109, %get3A_110] : memref<64x1xf32, #tpu.memory_space<vmem>>, vector<64x1xf32>
    %mul3A_112 = vector.broadcast %get3A_111 : vector<64x1xf32> to vector<64x640xf32>
    %mul3A_113 = arith.mulf %get3A_108, %mul3A_112 : vector<64x640xf32>
    %get3A_114 = arith.constant 0 : index
    %get3A_115 = arith.constant 0 : index
    %get3A_116 = vector.load %arg8[%get3A_114, %get3A_115] : memref<64x1xf32, #tpu.memory_space<vmem>>, vector<64x1xf32>
    %add3A_117 = vector.broadcast %get3A_116 : vector<64x1xf32> to vector<64x640xf32>
    %add3A_118 = arith.addf %mul3A_113, %add3A_117 : vector<64x640xf32>
    %max3A_119 = arith.constant 0.000000e+00 : f32
    %max3A_120 = vector.broadcast %max3A_119 : f32 to vector<64x640xf32>
    %max3A_121 = arith.maximumf %add3A_118, %max3A_120 : vector<64x640xf32>
    %convert_element_type3A_122 = arith.truncf %max3A_121 : vector<64x640xf32> to vector<64x640xbf16>
    %concatenate3A_123 = tpu.concatenate %select_n3A_79, %convert_element_type3A_122, %select_n3A_102 in 1 : vector<64x1xbf16>, vector<64x640xbf16>, vector<64x1xbf16> -> vector<64x642xbf16>
    %eq3A_124 = arith.constant 0 : i32
    %eq3A_125 = arith.cmpi eq, %arg1, %eq3A_124 : i32
    %get3A_126 = arith.constant 0 : index
    %get3A_127 = arith.constant 2 : index
    %get3A_128 = arith.constant 0 : index
    %get3A_129 = arith.constant 639 : index
    %get3A_130 = vector.load %arg2[%get3A_126, %get3A_127, %get3A_128, %get3A_129] : memref<1x4x64x640xf32, #tpu.memory_space<vmem>>, vector<1x1x64x1xf32>
    %get3A_131 = vector.shape_cast %get3A_130 : vector<1x1x64x1xf32> to vector<64x1xf32>
    %get3A_132 = arith.constant 0 : index
    %get3A_133 = arith.constant 0 : index
    %get3A_134 = vector.load %arg7[%get3A_132, %get3A_133] : memref<64x1xf32, #tpu.memory_space<vmem>>, vector<64x1xf32>
    %mul3A_135 = arith.mulf %get3A_131, %get3A_134 : vector<64x1xf32>
    %get3A_136 = arith.constant 0 : index
    %get3A_137 = arith.constant 0 : index
    %get3A_138 = vector.load %arg8[%get3A_136, %get3A_137] : memref<64x1xf32, #tpu.memory_space<vmem>>, vector<64x1xf32>
    %add3A_139 = arith.addf %mul3A_135, %get3A_138 : vector<64x1xf32>
    %max3A_140 = arith.constant 0.000000e+00 : f32
    %max3A_141 = vector.broadcast %max3A_140 : f32 to vector<64x1xf32>
    %max3A_142 = arith.maximumf %add3A_139, %max3A_141 : vector<64x1xf32>
    %convert_element_type3A_143 = arith.truncf %max3A_142 : vector<64x1xf32> to vector<64x1xbf16>
    %jit3A_144 = arith.constant 0.000000e+00 : bf16
    %broadcast_in_dim3A_145 = vector.broadcast %jit3A_144 : bf16 to vector<64x1xbf16>
    %select_n3A_146 = arith.select %eq3A_125, %broadcast_in_dim3A_145, %convert_element_type3A_143 : vector<64x1xbf16>
    %eq3A_147 = arith.constant 19 : i32
    %eq3A_148 = arith.cmpi eq, %arg1, %eq3A_147 : i32
    %get3A_149 = arith.constant 0 : index
    %get3A_150 = arith.constant 2 : index
    %get3A_151 = arith.constant 0 : index
    %get3A_152 = arith.constant 0 : index
    %get3A_153 = vector.load %arg4[%get3A_149, %get3A_150, %get3A_151, %get3A_152] : memref<1x4x64x640xf32, #tpu.memory_space<vmem>>, vector<1x1x64x1xf32>
    %get3A_154 = vector.shape_cast %get3A_153 : vector<1x1x64x1xf32> to vector<64x1xf32>
    %get3A_155 = arith.constant 0 : index
    %get3A_156 = arith.constant 0 : index
    %get3A_157 = vector.load %arg7[%get3A_155, %get3A_156] : memref<64x1xf32, #tpu.memory_space<vmem>>, vector<64x1xf32>
    %mul3A_158 = arith.mulf %get3A_154, %get3A_157 : vector<64x1xf32>
    %get3A_159 = arith.constant 0 : index
    %get3A_160 = arith.constant 0 : index
    %get3A_161 = vector.load %arg8[%get3A_159, %get3A_160] : memref<64x1xf32, #tpu.memory_space<vmem>>, vector<64x1xf32>
    %add3A_162 = arith.addf %mul3A_158, %get3A_161 : vector<64x1xf32>
    %max3A_163 = arith.constant 0.000000e+00 : f32
    %max3A_164 = vector.broadcast %max3A_163 : f32 to vector<64x1xf32>
    %max3A_165 = arith.maximumf %add3A_162, %max3A_164 : vector<64x1xf32>
    %convert_element_type3A_166 = arith.truncf %max3A_165 : vector<64x1xf32> to vector<64x1xbf16>
    %jit3A_167 = arith.constant 0.000000e+00 : bf16
    %broadcast_in_dim3A_168 = vector.broadcast %jit3A_167 : bf16 to vector<64x1xbf16>
    %select_n3A_169 = arith.select %eq3A_148, %broadcast_in_dim3A_168, %convert_element_type3A_166 : vector<64x1xbf16>
    %get3A_170 = arith.constant 0 : index
    %get3A_171 = arith.constant 2 : index
    %get3A_172 = arith.constant 0 : index
    %get3A_173 = arith.constant 0 : index
    %get3A_174 = vector.load %arg3[%get3A_170, %get3A_171, %get3A_172, %get3A_173] : memref<1x4x64x640xf32, #tpu.memory_space<vmem>>, vector<1x1x64x640xf32>
    %get3A_175 = vector.shape_cast %get3A_174 : vector<1x1x64x640xf32> to vector<64x640xf32>
    %get3A_176 = arith.constant 0 : index
    %get3A_177 = arith.constant 0 : index
    %get3A_178 = vector.load %arg7[%get3A_176, %get3A_177] : memref<64x1xf32, #tpu.memory_space<vmem>>, vector<64x1xf32>
    %mul3A_179 = vector.broadcast %get3A_178 : vector<64x1xf32> to vector<64x640xf32>
    %mul3A_180 = arith.mulf %get3A_175, %mul3A_179 : vector<64x640xf32>
    %get3A_181 = arith.constant 0 : index
    %get3A_182 = arith.constant 0 : index
    %get3A_183 = vector.load %arg8[%get3A_181, %get3A_182] : memref<64x1xf32, #tpu.memory_space<vmem>>, vector<64x1xf32>
    %add3A_184 = vector.broadcast %get3A_183 : vector<64x1xf32> to vector<64x640xf32>
    %add3A_185 = arith.addf %mul3A_180, %add3A_184 : vector<64x640xf32>
    %max3A_186 = arith.constant 0.000000e+00 : f32
    %max3A_187 = vector.broadcast %max3A_186 : f32 to vector<64x640xf32>
    %max3A_188 = arith.maximumf %add3A_185, %max3A_187 : vector<64x640xf32>
    %convert_element_type3A_189 = arith.truncf %max3A_188 : vector<64x640xf32> to vector<64x640xbf16>
    %concatenate3A_190 = tpu.concatenate %select_n3A_146, %convert_element_type3A_189, %select_n3A_169 in 1 : vector<64x1xbf16>, vector<64x640xbf16>, vector<64x1xbf16> -> vector<64x642xbf16>
    %eq3A_191 = arith.constant 0 : i32
    %eq3A_192 = arith.cmpi eq, %arg1, %eq3A_191 : i32
    %get3A_193 = arith.constant 0 : index
    %get3A_194 = arith.constant 3 : index
    %get3A_195 = arith.constant 0 : index
    %get3A_196 = arith.constant 639 : index
    %get3A_197 = vector.load %arg2[%get3A_193, %get3A_194, %get3A_195, %get3A_196] : memref<1x4x64x640xf32, #tpu.memory_space<vmem>>, vector<1x1x64x1xf32>
    %get3A_198 = vector.shape_cast %get3A_197 : vector<1x1x64x1xf32> to vector<64x1xf32>
    %get3A_199 = arith.constant 0 : index
    %get3A_200 = arith.constant 0 : index
    %get3A_201 = vector.load %arg7[%get3A_199, %get3A_200] : memref<64x1xf32, #tpu.memory_space<vmem>>, vector<64x1xf32>
    %mul3A_202 = arith.mulf %get3A_198, %get3A_201 : vector<64x1xf32>
    %get3A_203 = arith.constant 0 : index
    %get3A_204 = arith.constant 0 : index
    %get3A_205 = vector.load %arg8[%get3A_203, %get3A_204] : memref<64x1xf32, #tpu.memory_space<vmem>>, vector<64x1xf32>
    %add3A_206 = arith.addf %mul3A_202, %get3A_205 : vector<64x1xf32>
    %max3A_207 = arith.constant 0.000000e+00 : f32
    %max3A_208 = vector.broadcast %max3A_207 : f32 to vector<64x1xf32>
    %max3A_209 = arith.maximumf %add3A_206, %max3A_208 : vector<64x1xf32>
    %convert_element_type3A_210 = arith.truncf %max3A_209 : vector<64x1xf32> to vector<64x1xbf16>
    %jit3A_211 = arith.constant 0.000000e+00 : bf16
    %broadcast_in_dim3A_212 = vector.broadcast %jit3A_211 : bf16 to vector<64x1xbf16>
    %select_n3A_213 = arith.select %eq3A_192, %broadcast_in_dim3A_212, %convert_element_type3A_210 : vector<64x1xbf16>
    %eq3A_214 = arith.constant 19 : i32
    %eq3A_215 = arith.cmpi eq, %arg1, %eq3A_214 : i32
    %get3A_216 = arith.constant 0 : index
    %get3A_217 = arith.constant 3 : index
    %get3A_218 = arith.constant 0 : index
    %get3A_219 = arith.constant 0 : index
    %get3A_220 = vector.load %arg4[%get3A_216, %get3A_217, %get3A_218, %get3A_219] : memref<1x4x64x640xf32, #tpu.memory_space<vmem>>, vector<1x1x64x1xf32>
    %get3A_221 = vector.shape_cast %get3A_220 : vector<1x1x64x1xf32> to vector<64x1xf32>
    %get3A_222 = arith.constant 0 : index
    %get3A_223 = arith.constant 0 : index
    %get3A_224 = vector.load %arg7[%get3A_222, %get3A_223] : memref<64x1xf32, #tpu.memory_space<vmem>>, vector<64x1xf32>
    %mul3A_225 = arith.mulf %get3A_221, %get3A_224 : vector<64x1xf32>
    %get3A_226 = arith.constant 0 : index
    %get3A_227 = arith.constant 0 : index
    %get3A_228 = vector.load %arg8[%get3A_226, %get3A_227] : memref<64x1xf32, #tpu.memory_space<vmem>>, vector<64x1xf32>
    %add3A_229 = arith.addf %mul3A_225, %get3A_228 : vector<64x1xf32>
    %max3A_230 = arith.constant 0.000000e+00 : f32
    %max3A_231 = vector.broadcast %max3A_230 : f32 to vector<64x1xf32>
    %max3A_232 = arith.maximumf %add3A_229, %max3A_231 : vector<64x1xf32>
    %convert_element_type3A_233 = arith.truncf %max3A_232 : vector<64x1xf32> to vector<64x1xbf16>
    %jit3A_234 = arith.constant 0.000000e+00 : bf16
    %broadcast_in_dim3A_235 = vector.broadcast %jit3A_234 : bf16 to vector<64x1xbf16>
    %select_n3A_236 = arith.select %eq3A_215, %broadcast_in_dim3A_235, %convert_element_type3A_233 : vector<64x1xbf16>
    %get3A_237 = arith.constant 0 : index
    %get3A_238 = arith.constant 3 : index
    %get3A_239 = arith.constant 0 : index
    %get3A_240 = arith.constant 0 : index
    %get3A_241 = vector.load %arg3[%get3A_237, %get3A_238, %get3A_239, %get3A_240] : memref<1x4x64x640xf32, #tpu.memory_space<vmem>>, vector<1x1x64x640xf32>
    %get3A_242 = vector.shape_cast %get3A_241 : vector<1x1x64x640xf32> to vector<64x640xf32>
    %get3A_243 = arith.constant 0 : index
    %get3A_244 = arith.constant 0 : index
    %get3A_245 = vector.load %arg7[%get3A_243, %get3A_244] : memref<64x1xf32, #tpu.memory_space<vmem>>, vector<64x1xf32>
    %mul3A_246 = vector.broadcast %get3A_245 : vector<64x1xf32> to vector<64x640xf32>
    %mul3A_247 = arith.mulf %get3A_242, %mul3A_246 : vector<64x640xf32>
    %get3A_248 = arith.constant 0 : index
    %get3A_249 = arith.constant 0 : index
    %get3A_250 = vector.load %arg8[%get3A_248, %get3A_249] : memref<64x1xf32, #tpu.memory_space<vmem>>, vector<64x1xf32>
    %add3A_251 = vector.broadcast %get3A_250 : vector<64x1xf32> to vector<64x640xf32>
    %add3A_252 = arith.addf %mul3A_247, %add3A_251 : vector<64x640xf32>
    %max3A_253 = arith.constant 0.000000e+00 : f32
    %max3A_254 = vector.broadcast %max3A_253 : f32 to vector<64x640xf32>
    %max3A_255 = arith.maximumf %add3A_252, %max3A_254 : vector<64x640xf32>
    %convert_element_type3A_256 = arith.truncf %max3A_255 : vector<64x640xf32> to vector<64x640xbf16>
    %concatenate3A_257 = tpu.concatenate %select_n3A_213, %convert_element_type3A_256, %select_n3A_236 in 1 : vector<64x1xbf16>, vector<64x640xbf16>, vector<64x1xbf16> -> vector<64x642xbf16>
    %eq3A_258 = arith.constant 0 : i32
    %eq3A_259 = arith.cmpi eq, %arg0, %eq3A_258 : i32
    %eq3A_260 = arith.constant 0 : i32
    %eq3A_261 = arith.cmpi eq, %arg1, %eq3A_260 : i32
    %and3A = arith.andi %eq3A_259, %eq3A_261 : i1
    %convert_element_type3A_262 = arith.extui %and3A : i1 to i32
    %cond3A = arith.constant 0 : i32
    %cond3A_263 = arith.cmpi ne, %convert_element_type3A_262, %cond3A : i32
    scf.if %cond3A_263 {
      %broadcast_in_dim3A_677 = arith.constant 0.000000e+00 : f32
      %broadcast_in_dim3A_678 = vector.broadcast %broadcast_in_dim3A_677 : f32 to vector<128x1xf32>
      %swap3A_679 = arith.constant 0 : index
      %swap3A_680 = arith.constant 0 : index
      %swap3A_681 = vector.load %arg12[%swap3A_679, %swap3A_680] : memref<128x1xf32, #tpu.memory_space<vmem>>, vector<128x1xf32>
      tpu.vector_store %arg12[%swap3A_679, %swap3A_680], %broadcast_in_dim3A_678 {strides = array<i32>} : memref<128x1xf32, #tpu.memory_space<vmem>>, vector<128x1xf32>,
      %broadcast_in_dim3A_682 = arith.constant 0.000000e+00 : f32
      %broadcast_in_dim3A_683 = vector.broadcast %broadcast_in_dim3A_682 : f32 to vector<128x1xf32>
      %swap3A_684 = arith.constant 0 : index
      %swap3A_685 = arith.constant 0 : index
      %swap3A_686 = vector.load %arg13[%swap3A_684, %swap3A_685] : memref<128x1xf32, #tpu.memory_space<vmem>>, vector<128x1xf32>
      tpu.vector_store %arg13[%swap3A_684, %swap3A_685], %broadcast_in_dim3A_683 {strides = array<i32>} : memref<128x1xf32, #tpu.memory_space<vmem>>, vector<128x1xf32>,
      %broadcast_in_dim3A_687 = arith.constant 0.000000e+00 : f32
      %broadcast_in_dim3A_688 = vector.broadcast %broadcast_in_dim3A_687 : f32 to vector<128x1xf32>
      %swap3A_689 = arith.constant 0 : index
      %swap3A_690 = arith.constant 0 : index
      %swap3A_691 = vector.load %arg15[%swap3A_689, %swap3A_690] : memref<128x1xf32, #tpu.memory_space<vmem>>, vector<128x1xf32>
      tpu.vector_store %arg15[%swap3A_689, %swap3A_690], %broadcast_in_dim3A_688 {strides = array<i32>} : memref<128x1xf32, #tpu.memory_space<vmem>>, vector<128x1xf32>,
      %broadcast_in_dim3A_692 = arith.constant 0.000000e+00 : f32
      %broadcast_in_dim3A_693 = vector.broadcast %broadcast_in_dim3A_692 : f32 to vector<128x1xf32>
      %swap3A_694 = arith.constant 0 : index
      %swap3A_695 = arith.constant 0 : index
      %swap3A_696 = vector.load %arg16[%swap3A_694, %swap3A_695] : memref<128x1xf32, #tpu.memory_space<vmem>>, vector<128x1xf32>
      tpu.vector_store %arg16[%swap3A_694, %swap3A_695], %broadcast_in_dim3A_693 {strides = array<i32>} : memref<128x1xf32, #tpu.memory_space<vmem>>, vector<128x1xf32>,
    } else {
    }
    %broadcast_in_dim3A_264 = arith.constant 0.000000e+00 : f32
    %broadcast_in_dim3A_265 = vector.broadcast %broadcast_in_dim3A_264 : f32 to vector<128x1xf32>
    %broadcast_in_dim3A_266 = arith.constant 0.000000e+00 : f32
    %broadcast_in_dim3A_267 = vector.broadcast %broadcast_in_dim3A_266 : f32 to vector<128x1xf32>
    %broadcast_in_dim3A_268 = arith.constant 0.000000e+00 : f32
    %broadcast_in_dim3A_269 = vector.broadcast %broadcast_in_dim3A_268 : f32 to vector<128x1xf32>
    %broadcast_in_dim3A_270 = arith.constant 0.000000e+00 : f32
    %broadcast_in_dim3A_271 = vector.broadcast %broadcast_in_dim3A_270 : f32 to vector<128x1xf32>
    %get3A_272 = arith.constant 0 : index
    %get3A_273 = arith.constant 0 : index
    %get3A_274 = arith.constant 0 : index
    %get3A_275 = arith.constant 0 : index
    %get3A_276 = vector.load %arg5[%get3A_272, %get3A_273, %get3A_274, %get3A_275] : memref<3x3x128x64xf32, #tpu.memory_space<vmem>>, vector<3x3x128x64xf32>
    %convert_element_type3A_277 = arith.truncf %get3A_276 : vector<3x3x128x64xf32> to vector<3x3x128x64xbf16>
    %get3A_278 = arith.constant 0 : index
    %get3A_279 = arith.constant 0 : index
    %get3A_280 = vector.load %arg6[%get3A_278, %get3A_279] : memref<128x1xf32, #tpu.memory_space<vmem>>, vector<128x1xf32>
    %broadcast_in_dim3A_281 = vector.shape_cast %get3A_280 : vector<128x1xf32> to vector<128x1xf32>
    %broadcast_in_dim3A_282 = vector.broadcast %broadcast_in_dim3A_281 : vector<128x1xf32> to vector<128x640xf32>
    %slice3A = vector.extract_strided_slice %convert_element_type3A_277 {offsets = [1, 0, 0, 0], sizes = [1, 1, 128, 64], strides = [1, 1, 1, 1]} : vector<3x3x128x64xbf16> to vector<1x1x128x64xbf16>
    %squeeze3A = vector.shape_cast %slice3A : vector<1x1x128x64xbf16> to vector<128x64xbf16>
    %slice3A_283 = vector.extract_strided_slice %concatenate3A {offsets = [0, 0], sizes = [64, 640], strides = [1, 1]} : vector<64x642xbf16> to vector<64x640xbf16>
    %dot_general3A = arith.constant dense<0.000000e+00> : vector<128x640xf32>
    %dot_general3A_284 = tpu.matmul %squeeze3A, %slice3A_283, %dot_general3A {dimension_numbers = #tpu.dot_dimension_numbers<[1], [0], [0], [1], [0, 0, 1, 1], [], []>, transpose_lhs_hint = false} : vector<128x64xbf16>, vector<64x640xbf16>, vector<128x640xf32> -> vector<128x640xf32>
    %add3A_285 = arith.addf %broadcast_in_dim3A_282, %dot_general3A_284 : vector<128x640xf32>
    %slice3A_286 = vector.extract_strided_slice %convert_element_type3A_277 {offsets = [1, 1, 0, 0], sizes = [1, 1, 128, 64], strides = [1, 1, 1, 1]} : vector<3x3x128x64xbf16> to vector<1x1x128x64xbf16>
    %squeeze3A_287 = vector.shape_cast %slice3A_286 : vector<1x1x128x64xbf16> to vector<128x64xbf16>
    %slice3A_288 = vector.extract_strided_slice %concatenate3A {offsets = [0, 1], sizes = [64, 640], strides = [1, 1]} : vector<64x642xbf16> to vector<64x640xbf16>
    %dot_general3A_289 = arith.constant dense<0.000000e+00> : vector<128x640xf32>
    %dot_general3A_290 = tpu.matmul %squeeze3A_287, %slice3A_288, %dot_general3A_289 {dimension_numbers = #tpu.dot_dimension_numbers<[1], [0], [0], [1], [0, 0, 1, 1], [], []>, transpose_lhs_hint = false} : vector<128x64xbf16>, vector<64x640xbf16>, vector<128x640xf32> -> vector<128x640xf32>
    %add3A_291 = arith.addf %add3A_285, %dot_general3A_290 : vector<128x640xf32>
    %slice3A_292 = vector.extract_strided_slice %convert_element_type3A_277 {offsets = [1, 2, 0, 0], sizes = [1, 1, 128, 64], strides = [1, 1, 1, 1]} : vector<3x3x128x64xbf16> to vector<1x1x128x64xbf16>
    %squeeze3A_293 = vector.shape_cast %slice3A_292 : vector<1x1x128x64xbf16> to vector<128x64xbf16>
    %slice3A_294 = vector.extract_strided_slice %concatenate3A {offsets = [0, 2], sizes = [64, 640], strides = [1, 1]} : vector<64x642xbf16> to vector<64x640xbf16>
    %dot_general3A_295 = arith.constant dense<0.000000e+00> : vector<128x640xf32>
    %dot_general3A_296 = tpu.matmul %squeeze3A_293, %slice3A_294, %dot_general3A_295 {dimension_numbers = #tpu.dot_dimension_numbers<[1], [0], [0], [1], [0, 0, 1, 1], [], []>, transpose_lhs_hint = false} : vector<128x64xbf16>, vector<64x640xbf16>, vector<128x640xf32> -> vector<128x640xf32>
    %add3A_297 = arith.addf %add3A_291, %dot_general3A_296 : vector<128x640xf32>
    %slice3A_298 = vector.extract_strided_slice %convert_element_type3A_277 {offsets = [2, 0, 0, 0], sizes = [1, 1, 128, 64], strides = [1, 1, 1, 1]} : vector<3x3x128x64xbf16> to vector<1x1x128x64xbf16>
    %squeeze3A_299 = vector.shape_cast %slice3A_298 : vector<1x1x128x64xbf16> to vector<128x64xbf16>
    %slice3A_300 = vector.extract_strided_slice %concatenate3A_123 {offsets = [0, 0], sizes = [64, 640], strides = [1, 1]} : vector<64x642xbf16> to vector<64x640xbf16>
    %dot_general3A_301 = arith.constant dense<0.000000e+00> : vector<128x640xf32>
    %dot_general3A_302 = tpu.matmul %squeeze3A_299, %slice3A_300, %dot_general3A_301 {dimension_numbers = #tpu.dot_dimension_numbers<[1], [0], [0], [1], [0, 0, 1, 1], [], []>, transpose_lhs_hint = false} : vector<128x64xbf16>, vector<64x640xbf16>, vector<128x640xf32> -> vector<128x640xf32>
    %add3A_303 = arith.addf %add3A_297, %dot_general3A_302 : vector<128x640xf32>
    %slice3A_304 = vector.extract_strided_slice %convert_element_type3A_277 {offsets = [2, 1, 0, 0], sizes = [1, 1, 128, 64], strides = [1, 1, 1, 1]} : vector<3x3x128x64xbf16> to vector<1x1x128x64xbf16>
    %squeeze3A_305 = vector.shape_cast %slice3A_304 : vector<1x1x128x64xbf16> to vector<128x64xbf16>
    %slice3A_306 = vector.extract_strided_slice %concatenate3A_123 {offsets = [0, 1], sizes = [64, 640], strides = [1, 1]} : vector<64x642xbf16> to vector<64x640xbf16>
    %dot_general3A_307 = arith.constant dense<0.000000e+00> : vector<128x640xf32>
    %dot_general3A_308 = tpu.matmul %squeeze3A_305, %slice3A_306, %dot_general3A_307 {dimension_numbers = #tpu.dot_dimension_numbers<[1], [0], [0], [1], [0, 0, 1, 1], [], []>, transpose_lhs_hint = false} : vector<128x64xbf16>, vector<64x640xbf16>, vector<128x640xf32> -> vector<128x640xf32>
    %add3A_309 = arith.addf %add3A_303, %dot_general3A_308 : vector<128x640xf32>
    %slice3A_310 = vector.extract_strided_slice %convert_element_type3A_277 {offsets = [2, 2, 0, 0], sizes = [1, 1, 128, 64], strides = [1, 1, 1, 1]} : vector<3x3x128x64xbf16> to vector<1x1x128x64xbf16>
    %squeeze3A_311 = vector.shape_cast %slice3A_310 : vector<1x1x128x64xbf16> to vector<128x64xbf16>
    %slice3A_312 = vector.extract_strided_slice %concatenate3A_123 {offsets = [0, 2], sizes = [64, 640], strides = [1, 1]} : vector<64x642xbf16> to vector<64x640xbf16>
    %dot_general3A_313 = arith.constant dense<0.000000e+00> : vector<128x640xf32>
    %dot_general3A_314 = tpu.matmul %squeeze3A_311, %slice3A_312, %dot_general3A_313 {dimension_numbers = #tpu.dot_dimension_numbers<[1], [0], [0], [1], [0, 0, 1, 1], [], []>, transpose_lhs_hint = false} : vector<128x64xbf16>, vector<64x640xbf16>, vector<128x640xf32> -> vector<128x640xf32>
    %add3A_315 = arith.addf %add3A_309, %dot_general3A_314 : vector<128x640xf32>
    %swap3A = arith.constant 0 : index
    %swap3A_316 = arith.constant 0 : index
    %swap3A_317 = arith.constant 0 : index
    %swap3A_318 = arith.constant 0 : index
    %swap3A_319 = vector.load %arg11[%swap3A, %swap3A_316, %swap3A_317, %swap3A_318] : memref<1x4x128x640xf32, #tpu.memory_space<vmem>>, vector<1x1x128x640xf32>
    %swap3A_320 = vector.shape_cast %swap3A_319 : vector<1x1x128x640xf32> to vector<128x640xf32>
    %swap3A_321 = vector.shape_cast %add3A_315 : vector<128x640xf32> to vector<1x1x128x640xf32>
    tpu.vector_store %arg11[%swap3A, %swap3A_316, %swap3A_317, %swap3A_318], %swap3A_321 {strides = array<i32>} : memref<1x4x128x640xf32, #tpu.memory_space<vmem>>, vector<1x1x128x640xf32>,
    %reduce_sum3A = arith.constant dense<0.000000e+00> : vector<128xf32>
    %reduce_sum3A_322 = vector.multi_reduction <add>, %add3A_315, %reduce_sum3A [1] : vector<128x640xf32> to vector<128xf32>
    %broadcast_in_dim3A_323 = vector.shape_cast %reduce_sum3A_322 : vector<128xf32> to vector<128x1xf32>
    %add3A_324 = arith.addf %broadcast_in_dim3A_265, %broadcast_in_dim3A_323 : vector<128x1xf32>
    %mul3A_325 = arith.mulf %add3A_315, %add3A_315 : vector<128x640xf32>
    %reduce_sum3A_326 = arith.constant dense<0.000000e+00> : vector<128xf32>
    %reduce_sum3A_327 = vector.multi_reduction <add>, %mul3A_325, %reduce_sum3A_326 [1] : vector<128x640xf32> to vector<128xf32>
    %broadcast_in_dim3A_328 = vector.shape_cast %reduce_sum3A_327 : vector<128xf32> to vector<128x1xf32>
    %add3A_329 = arith.addf %broadcast_in_dim3A_267, %broadcast_in_dim3A_328 : vector<128x1xf32>
    %get3A_330 = arith.constant 0 : index
    %get3A_331 = arith.constant 0 : index
    %get3A_332 = vector.load %arg9[%get3A_330, %get3A_331] : memref<128x64xf32, #tpu.memory_space<vmem>>, vector<128x64xf32>
    %convert_element_type3A_333 = arith.truncf %get3A_332 : vector<128x64xf32> to vector<128x64xbf16>
    %slice3A_334 = vector.extract_strided_slice %concatenate3A {offsets = [0, 1], sizes = [64, 640], strides = [1, 1]} : vector<64x642xbf16> to vector<64x640xbf16>
    %dot_general3A_335 = arith.constant dense<0.000000e+00> : vector<128x640xf32>
    %dot_general3A_336 = tpu.matmul %convert_element_type3A_333, %slice3A_334, %dot_general3A_335 {dimension_numbers = #tpu.dot_dimension_numbers<[1], [0], [0], [1], [0, 0, 1, 1], [], []>, transpose_lhs_hint = false} : vector<128x64xbf16>, vector<64x640xbf16>, vector<128x640xf32> -> vector<128x640xf32>
    %get3A_337 = arith.constant 0 : index
    %get3A_338 = arith.constant 0 : index
    %get3A_339 = vector.load %arg10[%get3A_337, %get3A_338] : memref<128x1xf32, #tpu.memory_space<vmem>>, vector<128x1xf32>
    %add3A_340 = vector.broadcast %get3A_339 : vector<128x1xf32> to vector<128x640xf32>
    %add3A_341 = arith.addf %dot_general3A_336, %add3A_340 : vector<128x640xf32>
    %swap3A_342 = arith.constant 0 : index
    %swap3A_343 = arith.constant 0 : index
    %swap3A_344 = arith.constant 0 : index
    %swap3A_345 = arith.constant 0 : index
    %swap3A_346 = vector.load %arg14[%swap3A_342, %swap3A_343, %swap3A_344, %swap3A_345] : memref<1x4x128x640xf32, #tpu.memory_space<vmem>>, vector<1x1x128x640xf32>
    %swap3A_347 = vector.shape_cast %swap3A_346 : vector<1x1x128x640xf32> to vector<128x640xf32>
    %swap3A_348 = vector.shape_cast %add3A_341 : vector<128x640xf32> to vector<1x1x128x640xf32>
    tpu.vector_store %arg14[%swap3A_342, %swap3A_343, %swap3A_344, %swap3A_345], %swap3A_348 {strides = array<i32>} : memref<1x4x128x640xf32, #tpu.memory_space<vmem>>, vector<1x1x128x640xf32>,
    %reduce_sum3A_349 = arith.constant dense<0.000000e+00> : vector<128xf32>
    %reduce_sum3A_350 = vector.multi_reduction <add>, %add3A_341, %reduce_sum3A_349 [1] : vector<128x640xf32> to vector<128xf32>
    %broadcast_in_dim3A_351 = vector.shape_cast %reduce_sum3A_350 : vector<128xf32> to vector<128x1xf32>
    %add3A_352 = arith.addf %broadcast_in_dim3A_269, %broadcast_in_dim3A_351 : vector<128x1xf32>
    %mul3A_353 = arith.mulf %add3A_341, %add3A_341 : vector<128x640xf32>
    %reduce_sum3A_354 = arith.constant dense<0.000000e+00> : vector<128xf32>
    %reduce_sum3A_355 = vector.multi_reduction <add>, %mul3A_353, %reduce_sum3A_354 [1] : vector<128x640xf32> to vector<128xf32>
    %broadcast_in_dim3A_356 = vector.shape_cast %reduce_sum3A_355 : vector<128xf32> to vector<128x1xf32>
    %add3A_357 = arith.addf %broadcast_in_dim3A_271, %broadcast_in_dim3A_356 : vector<128x1xf32>
    %get3A_358 = arith.constant 0 : index
    %get3A_359 = arith.constant 0 : index
    %get3A_360 = vector.load %arg6[%get3A_358, %get3A_359] : memref<128x1xf32, #tpu.memory_space<vmem>>, vector<128x1xf32>
    %broadcast_in_dim3A_361 = vector.shape_cast %get3A_360 : vector<128x1xf32> to vector<128x1xf32>
    %broadcast_in_dim3A_362 = vector.broadcast %broadcast_in_dim3A_361 : vector<128x1xf32> to vector<128x640xf32>
    %slice3A_363 = vector.extract_strided_slice %convert_element_type3A_277 {offsets = [0, 0, 0, 0], sizes = [1, 1, 128, 64], strides = [1, 1, 1, 1]} : vector<3x3x128x64xbf16> to vector<1x1x128x64xbf16>
    %squeeze3A_364 = vector.shape_cast %slice3A_363 : vector<1x1x128x64xbf16> to vector<128x64xbf16>
    %slice3A_365 = vector.extract_strided_slice %concatenate3A {offsets = [0, 0], sizes = [64, 640], strides = [1, 1]} : vector<64x642xbf16> to vector<64x640xbf16>
    %dot_general3A_366 = arith.constant dense<0.000000e+00> : vector<128x640xf32>
    %dot_general3A_367 = tpu.matmul %squeeze3A_364, %slice3A_365, %dot_general3A_366 {dimension_numbers = #tpu.dot_dimension_numbers<[1], [0], [0], [1], [0, 0, 1, 1], [], []>, transpose_lhs_hint = false} : vector<128x64xbf16>, vector<64x640xbf16>, vector<128x640xf32> -> vector<128x640xf32>
    %add3A_368 = arith.addf %broadcast_in_dim3A_362, %dot_general3A_367 : vector<128x640xf32>
    %slice3A_369 = vector.extract_strided_slice %convert_element_type3A_277 {offsets = [0, 1, 0, 0], sizes = [1, 1, 128, 64], strides = [1, 1, 1, 1]} : vector<3x3x128x64xbf16> to vector<1x1x128x64xbf16>
    %squeeze3A_370 = vector.shape_cast %slice3A_369 : vector<1x1x128x64xbf16> to vector<128x64xbf16>
    %slice3A_371 = vector.extract_strided_slice %concatenate3A {offsets = [0, 1], sizes = [64, 640], strides = [1, 1]} : vector<64x642xbf16> to vector<64x640xbf16>
    %dot_general3A_372 = arith.constant dense<0.000000e+00> : vector<128x640xf32>
    %dot_general3A_373 = tpu.matmul %squeeze3A_370, %slice3A_371, %dot_general3A_372 {dimension_numbers = #tpu.dot_dimension_numbers<[1], [0], [0], [1], [0, 0, 1, 1], [], []>, transpose_lhs_hint = false} : vector<128x64xbf16>, vector<64x640xbf16>, vector<128x640xf32> -> vector<128x640xf32>
    %add3A_374 = arith.addf %add3A_368, %dot_general3A_373 : vector<128x640xf32>
    %slice3A_375 = vector.extract_strided_slice %convert_element_type3A_277 {offsets = [0, 2, 0, 0], sizes = [1, 1, 128, 64], strides = [1, 1, 1, 1]} : vector<3x3x128x64xbf16> to vector<1x1x128x64xbf16>
    %squeeze3A_376 = vector.shape_cast %slice3A_375 : vector<1x1x128x64xbf16> to vector<128x64xbf16>
    %slice3A_377 = vector.extract_strided_slice %concatenate3A {offsets = [0, 2], sizes = [64, 640], strides = [1, 1]} : vector<64x642xbf16> to vector<64x640xbf16>
    %dot_general3A_378 = arith.constant dense<0.000000e+00> : vector<128x640xf32>
    %dot_general3A_379 = tpu.matmul %squeeze3A_376, %slice3A_377, %dot_general3A_378 {dimension_numbers = #tpu.dot_dimension_numbers<[1], [0], [0], [1], [0, 0, 1, 1], [], []>, transpose_lhs_hint = false} : vector<128x64xbf16>, vector<64x640xbf16>, vector<128x640xf32> -> vector<128x640xf32>
    %add3A_380 = arith.addf %add3A_374, %dot_general3A_379 : vector<128x640xf32>
    %slice3A_381 = vector.extract_strided_slice %convert_element_type3A_277 {offsets = [1, 0, 0, 0], sizes = [1, 1, 128, 64], strides = [1, 1, 1, 1]} : vector<3x3x128x64xbf16> to vector<1x1x128x64xbf16>
    %squeeze3A_382 = vector.shape_cast %slice3A_381 : vector<1x1x128x64xbf16> to vector<128x64xbf16>
    %slice3A_383 = vector.extract_strided_slice %concatenate3A_123 {offsets = [0, 0], sizes = [64, 640], strides = [1, 1]} : vector<64x642xbf16> to vector<64x640xbf16>
    %dot_general3A_384 = arith.constant dense<0.000000e+00> : vector<128x640xf32>
    %dot_general3A_385 = tpu.matmul %squeeze3A_382, %slice3A_383, %dot_general3A_384 {dimension_numbers = #tpu.dot_dimension_numbers<[1], [0], [0], [1], [0, 0, 1, 1], [], []>, transpose_lhs_hint = false} : vector<128x64xbf16>, vector<64x640xbf16>, vector<128x640xf32> -> vector<128x640xf32>
    %add3A_386 = arith.addf %add3A_380, %dot_general3A_385 : vector<128x640xf32>
    %slice3A_387 = vector.extract_strided_slice %convert_element_type3A_277 {offsets = [1, 1, 0, 0], sizes = [1, 1, 128, 64], strides = [1, 1, 1, 1]} : vector<3x3x128x64xbf16> to vector<1x1x128x64xbf16>
    %squeeze3A_388 = vector.shape_cast %slice3A_387 : vector<1x1x128x64xbf16> to vector<128x64xbf16>
    %slice3A_389 = vector.extract_strided_slice %concatenate3A_123 {offsets = [0, 1], sizes = [64, 640], strides = [1, 1]} : vector<64x642xbf16> to vector<64x640xbf16>
    %dot_general3A_390 = arith.constant dense<0.000000e+00> : vector<128x640xf32>
    %dot_general3A_391 = tpu.matmul %squeeze3A_388, %slice3A_389, %dot_general3A_390 {dimension_numbers = #tpu.dot_dimension_numbers<[1], [0], [0], [1], [0, 0, 1, 1], [], []>, transpose_lhs_hint = false} : vector<128x64xbf16>, vector<64x640xbf16>, vector<128x640xf32> -> vector<128x640xf32>
    %add3A_392 = arith.addf %add3A_386, %dot_general3A_391 : vector<128x640xf32>
    %slice3A_393 = vector.extract_strided_slice %convert_element_type3A_277 {offsets = [1, 2, 0, 0], sizes = [1, 1, 128, 64], strides = [1, 1, 1, 1]} : vector<3x3x128x64xbf16> to vector<1x1x128x64xbf16>
    %squeeze3A_394 = vector.shape_cast %slice3A_393 : vector<1x1x128x64xbf16> to vector<128x64xbf16>
    %slice3A_395 = vector.extract_strided_slice %concatenate3A_123 {offsets = [0, 2], sizes = [64, 640], strides = [1, 1]} : vector<64x642xbf16> to vector<64x640xbf16>
    %dot_general3A_396 = arith.constant dense<0.000000e+00> : vector<128x640xf32>
    %dot_general3A_397 = tpu.matmul %squeeze3A_394, %slice3A_395, %dot_general3A_396 {dimension_numbers = #tpu.dot_dimension_numbers<[1], [0], [0], [1], [0, 0, 1, 1], [], []>, transpose_lhs_hint = false} : vector<128x64xbf16>, vector<64x640xbf16>, vector<128x640xf32> -> vector<128x640xf32>
    %add3A_398 = arith.addf %add3A_392, %dot_general3A_397 : vector<128x640xf32>
    %slice3A_399 = vector.extract_strided_slice %convert_element_type3A_277 {offsets = [2, 0, 0, 0], sizes = [1, 1, 128, 64], strides = [1, 1, 1, 1]} : vector<3x3x128x64xbf16> to vector<1x1x128x64xbf16>
    %squeeze3A_400 = vector.shape_cast %slice3A_399 : vector<1x1x128x64xbf16> to vector<128x64xbf16>
    %slice3A_401 = vector.extract_strided_slice %concatenate3A_190 {offsets = [0, 0], sizes = [64, 640], strides = [1, 1]} : vector<64x642xbf16> to vector<64x640xbf16>
    %dot_general3A_402 = arith.constant dense<0.000000e+00> : vector<128x640xf32>
    %dot_general3A_403 = tpu.matmul %squeeze3A_400, %slice3A_401, %dot_general3A_402 {dimension_numbers = #tpu.dot_dimension_numbers<[1], [0], [0], [1], [0, 0, 1, 1], [], []>, transpose_lhs_hint = false} : vector<128x64xbf16>, vector<64x640xbf16>, vector<128x640xf32> -> vector<128x640xf32>
    %add3A_404 = arith.addf %add3A_398, %dot_general3A_403 : vector<128x640xf32>
    %slice3A_405 = vector.extract_strided_slice %convert_element_type3A_277 {offsets = [2, 1, 0, 0], sizes = [1, 1, 128, 64], strides = [1, 1, 1, 1]} : vector<3x3x128x64xbf16> to vector<1x1x128x64xbf16>
    %squeeze3A_406 = vector.shape_cast %slice3A_405 : vector<1x1x128x64xbf16> to vector<128x64xbf16>
    %slice3A_407 = vector.extract_strided_slice %concatenate3A_190 {offsets = [0, 1], sizes = [64, 640], strides = [1, 1]} : vector<64x642xbf16> to vector<64x640xbf16>
    %dot_general3A_408 = arith.constant dense<0.000000e+00> : vector<128x640xf32>
    %dot_general3A_409 = tpu.matmul %squeeze3A_406, %slice3A_407, %dot_general3A_408 {dimension_numbers = #tpu.dot_dimension_numbers<[1], [0], [0], [1], [0, 0, 1, 1], [], []>, transpose_lhs_hint = false} : vector<128x64xbf16>, vector<64x640xbf16>, vector<128x640xf32> -> vector<128x640xf32>
    %add3A_410 = arith.addf %add3A_404, %dot_general3A_409 : vector<128x640xf32>
    %slice3A_411 = vector.extract_strided_slice %convert_element_type3A_277 {offsets = [2, 2, 0, 0], sizes = [1, 1, 128, 64], strides = [1, 1, 1, 1]} : vector<3x3x128x64xbf16> to vector<1x1x128x64xbf16>
    %squeeze3A_412 = vector.shape_cast %slice3A_411 : vector<1x1x128x64xbf16> to vector<128x64xbf16>
    %slice3A_413 = vector.extract_strided_slice %concatenate3A_190 {offsets = [0, 2], sizes = [64, 640], strides = [1, 1]} : vector<64x642xbf16> to vector<64x640xbf16>
    %dot_general3A_414 = arith.constant dense<0.000000e+00> : vector<128x640xf32>
    %dot_general3A_415 = tpu.matmul %squeeze3A_412, %slice3A_413, %dot_general3A_414 {dimension_numbers = #tpu.dot_dimension_numbers<[1], [0], [0], [1], [0, 0, 1, 1], [], []>, transpose_lhs_hint = false} : vector<128x64xbf16>, vector<64x640xbf16>, vector<128x640xf32> -> vector<128x640xf32>
    %add3A_416 = arith.addf %add3A_410, %dot_general3A_415 : vector<128x640xf32>
    %swap3A_417 = arith.constant 0 : index
    %swap3A_418 = arith.constant 1 : index
    %swap3A_419 = arith.constant 0 : index
    %swap3A_420 = arith.constant 0 : index
    %swap3A_421 = vector.load %arg11[%swap3A_417, %swap3A_418, %swap3A_419, %swap3A_420] : memref<1x4x128x640xf32, #tpu.memory_space<vmem>>, vector<1x1x128x640xf32>
    %swap3A_422 = vector.shape_cast %swap3A_421 : vector<1x1x128x640xf32> to vector<128x640xf32>
    %swap3A_423 = vector.shape_cast %add3A_416 : vector<128x640xf32> to vector<1x1x128x640xf32>
    tpu.vector_store %arg11[%swap3A_417, %swap3A_418, %swap3A_419, %swap3A_420], %swap3A_423 {strides = array<i32>} : memref<1x4x128x640xf32, #tpu.memory_space<vmem>>, vector<1x1x128x640xf32>,
    %reduce_sum3A_424 = arith.constant dense<0.000000e+00> : vector<128xf32>
    %reduce_sum3A_425 = vector.multi_reduction <add>, %add3A_416, %reduce_sum3A_424 [1] : vector<128x640xf32> to vector<128xf32>
    %broadcast_in_dim3A_426 = vector.shape_cast %reduce_sum3A_425 : vector<128xf32> to vector<128x1xf32>
    %add3A_427 = arith.addf %add3A_324, %broadcast_in_dim3A_426 : vector<128x1xf32>
    %mul3A_428 = arith.mulf %add3A_416, %add3A_416 : vector<128x640xf32>
    %reduce_sum3A_429 = arith.constant dense<0.000000e+00> : vector<128xf32>
    %reduce_sum3A_430 = vector.multi_reduction <add>, %mul3A_428, %reduce_sum3A_429 [1] : vector<128x640xf32> to vector<128xf32>
    %broadcast_in_dim3A_431 = vector.shape_cast %reduce_sum3A_430 : vector<128xf32> to vector<128x1xf32>
    %add3A_432 = arith.addf %add3A_329, %broadcast_in_dim3A_431 : vector<128x1xf32>
    %get3A_433 = arith.constant 0 : index
    %get3A_434 = arith.constant 0 : index
    %get3A_435 = vector.load %arg9[%get3A_433, %get3A_434] : memref<128x64xf32, #tpu.memory_space<vmem>>, vector<128x64xf32>
    %convert_element_type3A_436 = arith.truncf %get3A_435 : vector<128x64xf32> to vector<128x64xbf16>
    %slice3A_437 = vector.extract_strided_slice %concatenate3A_123 {offsets = [0, 1], sizes = [64, 640], strides = [1, 1]} : vector<64x642xbf16> to vector<64x640xbf16>
    %dot_general3A_438 = arith.constant dense<0.000000e+00> : vector<128x640xf32>
    %dot_general3A_439 = tpu.matmul %convert_element_type3A_436, %slice3A_437, %dot_general3A_438 {dimension_numbers = #tpu.dot_dimension_numbers<[1], [0], [0], [1], [0, 0, 1, 1], [], []>, transpose_lhs_hint = false} : vector<128x64xbf16>, vector<64x640xbf16>, vector<128x640xf32> -> vector<128x640xf32>
    %get3A_440 = arith.constant 0 : index
    %get3A_441 = arith.constant 0 : index
    %get3A_442 = vector.load %arg10[%get3A_440, %get3A_441] : memref<128x1xf32, #tpu.memory_space<vmem>>, vector<128x1xf32>
    %add3A_443 = vector.broadcast %get3A_442 : vector<128x1xf32> to vector<128x640xf32>
    %add3A_444 = arith.addf %dot_general3A_439, %add3A_443 : vector<128x640xf32>
    %swap3A_445 = arith.constant 0 : index
    %swap3A_446 = arith.constant 1 : index
    %swap3A_447 = arith.constant 0 : index
    %swap3A_448 = arith.constant 0 : index
    %swap3A_449 = vector.load %arg14[%swap3A_445, %swap3A_446, %swap3A_447, %swap3A_448] : memref<1x4x128x640xf32, #tpu.memory_space<vmem>>, vector<1x1x128x640xf32>
    %swap3A_450 = vector.shape_cast %swap3A_449 : vector<1x1x128x640xf32> to vector<128x640xf32>
    %swap3A_451 = vector.shape_cast %add3A_444 : vector<128x640xf32> to vector<1x1x128x640xf32>
    tpu.vector_store %arg14[%swap3A_445, %swap3A_446, %swap3A_447, %swap3A_448], %swap3A_451 {strides = array<i32>} : memref<1x4x128x640xf32, #tpu.memory_space<vmem>>, vector<1x1x128x640xf32>,
    %reduce_sum3A_452 = arith.constant dense<0.000000e+00> : vector<128xf32>
    %reduce_sum3A_453 = vector.multi_reduction <add>, %add3A_444, %reduce_sum3A_452 [1] : vector<128x640xf32> to vector<128xf32>
    %broadcast_in_dim3A_454 = vector.shape_cast %reduce_sum3A_453 : vector<128xf32> to vector<128x1xf32>
    %add3A_455 = arith.addf %add3A_352, %broadcast_in_dim3A_454 : vector<128x1xf32>
    %mul3A_456 = arith.mulf %add3A_444, %add3A_444 : vector<128x640xf32>
    %reduce_sum3A_457 = arith.constant dense<0.000000e+00> : vector<128xf32>
    %reduce_sum3A_458 = vector.multi_reduction <add>, %mul3A_456, %reduce_sum3A_457 [1] : vector<128x640xf32> to vector<128xf32>
    %broadcast_in_dim3A_459 = vector.shape_cast %reduce_sum3A_458 : vector<128xf32> to vector<128x1xf32>
    %add3A_460 = arith.addf %add3A_357, %broadcast_in_dim3A_459 : vector<128x1xf32>
    %get3A_461 = arith.constant 0 : index
    %get3A_462 = arith.constant 0 : index
    %get3A_463 = vector.load %arg6[%get3A_461, %get3A_462] : memref<128x1xf32, #tpu.memory_space<vmem>>, vector<128x1xf32>
    %broadcast_in_dim3A_464 = vector.shape_cast %get3A_463 : vector<128x1xf32> to vector<128x1xf32>
    %broadcast_in_dim3A_465 = vector.broadcast %broadcast_in_dim3A_464 : vector<128x1xf32> to vector<128x640xf32>
    %slice3A_466 = vector.extract_strided_slice %convert_element_type3A_277 {offsets = [0, 0, 0, 0], sizes = [1, 1, 128, 64], strides = [1, 1, 1, 1]} : vector<3x3x128x64xbf16> to vector<1x1x128x64xbf16>
    %squeeze3A_467 = vector.shape_cast %slice3A_466 : vector<1x1x128x64xbf16> to vector<128x64xbf16>
    %slice3A_468 = vector.extract_strided_slice %concatenate3A_123 {offsets = [0, 0], sizes = [64, 640], strides = [1, 1]} : vector<64x642xbf16> to vector<64x640xbf16>
    %dot_general3A_469 = arith.constant dense<0.000000e+00> : vector<128x640xf32>
    %dot_general3A_470 = tpu.matmul %squeeze3A_467, %slice3A_468, %dot_general3A_469 {dimension_numbers = #tpu.dot_dimension_numbers<[1], [0], [0], [1], [0, 0, 1, 1], [], []>, transpose_lhs_hint = false} : vector<128x64xbf16>, vector<64x640xbf16>, vector<128x640xf32> -> vector<128x640xf32>
    %add3A_471 = arith.addf %broadcast_in_dim3A_465, %dot_general3A_470 : vector<128x640xf32>
    %slice3A_472 = vector.extract_strided_slice %convert_element_type3A_277 {offsets = [0, 1, 0, 0], sizes = [1, 1, 128, 64], strides = [1, 1, 1, 1]} : vector<3x3x128x64xbf16> to vector<1x1x128x64xbf16>
    %squeeze3A_473 = vector.shape_cast %slice3A_472 : vector<1x1x128x64xbf16> to vector<128x64xbf16>
    %slice3A_474 = vector.extract_strided_slice %concatenate3A_123 {offsets = [0, 1], sizes = [64, 640], strides = [1, 1]} : vector<64x642xbf16> to vector<64x640xbf16>
    %dot_general3A_475 = arith.constant dense<0.000000e+00> : vector<128x640xf32>
    %dot_general3A_476 = tpu.matmul %squeeze3A_473, %slice3A_474, %dot_general3A_475 {dimension_numbers = #tpu.dot_dimension_numbers<[1], [0], [0], [1], [0, 0, 1, 1], [], []>, transpose_lhs_hint = false} : vector<128x64xbf16>, vector<64x640xbf16>, vector<128x640xf32> -> vector<128x640xf32>
    %add3A_477 = arith.addf %add3A_471, %dot_general3A_476 : vector<128x640xf32>
    %slice3A_478 = vector.extract_strided_slice %convert_element_type3A_277 {offsets = [0, 2, 0, 0], sizes = [1, 1, 128, 64], strides = [1, 1, 1, 1]} : vector<3x3x128x64xbf16> to vector<1x1x128x64xbf16>
    %squeeze3A_479 = vector.shape_cast %slice3A_478 : vector<1x1x128x64xbf16> to vector<128x64xbf16>
    %slice3A_480 = vector.extract_strided_slice %concatenate3A_123 {offsets = [0, 2], sizes = [64, 640], strides = [1, 1]} : vector<64x642xbf16> to vector<64x640xbf16>
    %dot_general3A_481 = arith.constant dense<0.000000e+00> : vector<128x640xf32>
    %dot_general3A_482 = tpu.matmul %squeeze3A_479, %slice3A_480, %dot_general3A_481 {dimension_numbers = #tpu.dot_dimension_numbers<[1], [0], [0], [1], [0, 0, 1, 1], [], []>, transpose_lhs_hint = false} : vector<128x64xbf16>, vector<64x640xbf16>, vector<128x640xf32> -> vector<128x640xf32>
    %add3A_483 = arith.addf %add3A_477, %dot_general3A_482 : vector<128x640xf32>
    %slice3A_484 = vector.extract_strided_slice %convert_element_type3A_277 {offsets = [1, 0, 0, 0], sizes = [1, 1, 128, 64], strides = [1, 1, 1, 1]} : vector<3x3x128x64xbf16> to vector<1x1x128x64xbf16>
    %squeeze3A_485 = vector.shape_cast %slice3A_484 : vector<1x1x128x64xbf16> to vector<128x64xbf16>
    %slice3A_486 = vector.extract_strided_slice %concatenate3A_190 {offsets = [0, 0], sizes = [64, 640], strides = [1, 1]} : vector<64x642xbf16> to vector<64x640xbf16>
    %dot_general3A_487 = arith.constant dense<0.000000e+00> : vector<128x640xf32>
    %dot_general3A_488 = tpu.matmul %squeeze3A_485, %slice3A_486, %dot_general3A_487 {dimension_numbers = #tpu.dot_dimension_numbers<[1], [0], [0], [1], [0, 0, 1, 1], [], []>, transpose_lhs_hint = false} : vector<128x64xbf16>, vector<64x640xbf16>, vector<128x640xf32> -> vector<128x640xf32>
    %add3A_489 = arith.addf %add3A_483, %dot_general3A_488 : vector<128x640xf32>
    %slice3A_490 = vector.extract_strided_slice %convert_element_type3A_277 {offsets = [1, 1, 0, 0], sizes = [1, 1, 128, 64], strides = [1, 1, 1, 1]} : vector<3x3x128x64xbf16> to vector<1x1x128x64xbf16>
    %squeeze3A_491 = vector.shape_cast %slice3A_490 : vector<1x1x128x64xbf16> to vector<128x64xbf16>
    %slice3A_492 = vector.extract_strided_slice %concatenate3A_190 {offsets = [0, 1], sizes = [64, 640], strides = [1, 1]} : vector<64x642xbf16> to vector<64x640xbf16>
    %dot_general3A_493 = arith.constant dense<0.000000e+00> : vector<128x640xf32>
    %dot_general3A_494 = tpu.matmul %squeeze3A_491, %slice3A_492, %dot_general3A_493 {dimension_numbers = #tpu.dot_dimension_numbers<[1], [0], [0], [1], [0, 0, 1, 1], [], []>, transpose_lhs_hint = false} : vector<128x64xbf16>, vector<64x640xbf16>, vector<128x640xf32> -> vector<128x640xf32>
    %add3A_495 = arith.addf %add3A_489, %dot_general3A_494 : vector<128x640xf32>
    %slice3A_496 = vector.extract_strided_slice %convert_element_type3A_277 {offsets = [1, 2, 0, 0], sizes = [1, 1, 128, 64], strides = [1, 1, 1, 1]} : vector<3x3x128x64xbf16> to vector<1x1x128x64xbf16>
    %squeeze3A_497 = vector.shape_cast %slice3A_496 : vector<1x1x128x64xbf16> to vector<128x64xbf16>
    %slice3A_498 = vector.extract_strided_slice %concatenate3A_190 {offsets = [0, 2], sizes = [64, 640], strides = [1, 1]} : vector<64x642xbf16> to vector<64x640xbf16>
    %dot_general3A_499 = arith.constant dense<0.000000e+00> : vector<128x640xf32>
    %dot_general3A_500 = tpu.matmul %squeeze3A_497, %slice3A_498, %dot_general3A_499 {dimension_numbers = #tpu.dot_dimension_numbers<[1], [0], [0], [1], [0, 0, 1, 1], [], []>, transpose_lhs_hint = false} : vector<128x64xbf16>, vector<64x640xbf16>, vector<128x640xf32> -> vector<128x640xf32>
    %add3A_501 = arith.addf %add3A_495, %dot_general3A_500 : vector<128x640xf32>
    %slice3A_502 = vector.extract_strided_slice %convert_element_type3A_277 {offsets = [2, 0, 0, 0], sizes = [1, 1, 128, 64], strides = [1, 1, 1, 1]} : vector<3x3x128x64xbf16> to vector<1x1x128x64xbf16>
    %squeeze3A_503 = vector.shape_cast %slice3A_502 : vector<1x1x128x64xbf16> to vector<128x64xbf16>
    %slice3A_504 = vector.extract_strided_slice %concatenate3A_257 {offsets = [0, 0], sizes = [64, 640], strides = [1, 1]} : vector<64x642xbf16> to vector<64x640xbf16>
    %dot_general3A_505 = arith.constant dense<0.000000e+00> : vector<128x640xf32>
    %dot_general3A_506 = tpu.matmul %squeeze3A_503, %slice3A_504, %dot_general3A_505 {dimension_numbers = #tpu.dot_dimension_numbers<[1], [0], [0], [1], [0, 0, 1, 1], [], []>, transpose_lhs_hint = false} : vector<128x64xbf16>, vector<64x640xbf16>, vector<128x640xf32> -> vector<128x640xf32>
    %add3A_507 = arith.addf %add3A_501, %dot_general3A_506 : vector<128x640xf32>
    %slice3A_508 = vector.extract_strided_slice %convert_element_type3A_277 {offsets = [2, 1, 0, 0], sizes = [1, 1, 128, 64], strides = [1, 1, 1, 1]} : vector<3x3x128x64xbf16> to vector<1x1x128x64xbf16>
    %squeeze3A_509 = vector.shape_cast %slice3A_508 : vector<1x1x128x64xbf16> to vector<128x64xbf16>
    %slice3A_510 = vector.extract_strided_slice %concatenate3A_257 {offsets = [0, 1], sizes = [64, 640], strides = [1, 1]} : vector<64x642xbf16> to vector<64x640xbf16>
    %dot_general3A_511 = arith.constant dense<0.000000e+00> : vector<128x640xf32>
    %dot_general3A_512 = tpu.matmul %squeeze3A_509, %slice3A_510, %dot_general3A_511 {dimension_numbers = #tpu.dot_dimension_numbers<[1], [0], [0], [1], [0, 0, 1, 1], [], []>, transpose_lhs_hint = false} : vector<128x64xbf16>, vector<64x640xbf16>, vector<128x640xf32> -> vector<128x640xf32>
    %add3A_513 = arith.addf %add3A_507, %dot_general3A_512 : vector<128x640xf32>
    %slice3A_514 = vector.extract_strided_slice %convert_element_type3A_277 {offsets = [2, 2, 0, 0], sizes = [1, 1, 128, 64], strides = [1, 1, 1, 1]} : vector<3x3x128x64xbf16> to vector<1x1x128x64xbf16>
    %squeeze3A_515 = vector.shape_cast %slice3A_514 : vector<1x1x128x64xbf16> to vector<128x64xbf16>
    %slice3A_516 = vector.extract_strided_slice %concatenate3A_257 {offsets = [0, 2], sizes = [64, 640], strides = [1, 1]} : vector<64x642xbf16> to vector<64x640xbf16>
    %dot_general3A_517 = arith.constant dense<0.000000e+00> : vector<128x640xf32>
    %dot_general3A_518 = tpu.matmul %squeeze3A_515, %slice3A_516, %dot_general3A_517 {dimension_numbers = #tpu.dot_dimension_numbers<[1], [0], [0], [1], [0, 0, 1, 1], [], []>, transpose_lhs_hint = false} : vector<128x64xbf16>, vector<64x640xbf16>, vector<128x640xf32> -> vector<128x640xf32>
    %add3A_519 = arith.addf %add3A_513, %dot_general3A_518 : vector<128x640xf32>
    %swap3A_520 = arith.constant 0 : index
    %swap3A_521 = arith.constant 2 : index
    %swap3A_522 = arith.constant 0 : index
    %swap3A_523 = arith.constant 0 : index
    %swap3A_524 = vector.load %arg11[%swap3A_520, %swap3A_521, %swap3A_522, %swap3A_523] : memref<1x4x128x640xf32, #tpu.memory_space<vmem>>, vector<1x1x128x640xf32>
    %swap3A_525 = vector.shape_cast %swap3A_524 : vector<1x1x128x640xf32> to vector<128x640xf32>
    %swap3A_526 = vector.shape_cast %add3A_519 : vector<128x640xf32> to vector<1x1x128x640xf32>
    tpu.vector_store %arg11[%swap3A_520, %swap3A_521, %swap3A_522, %swap3A_523], %swap3A_526 {strides = array<i32>} : memref<1x4x128x640xf32, #tpu.memory_space<vmem>>, vector<1x1x128x640xf32>,
    %reduce_sum3A_527 = arith.constant dense<0.000000e+00> : vector<128xf32>
    %reduce_sum3A_528 = vector.multi_reduction <add>, %add3A_519, %reduce_sum3A_527 [1] : vector<128x640xf32> to vector<128xf32>
    %broadcast_in_dim3A_529 = vector.shape_cast %reduce_sum3A_528 : vector<128xf32> to vector<128x1xf32>
    %add3A_530 = arith.addf %add3A_427, %broadcast_in_dim3A_529 : vector<128x1xf32>
    %mul3A_531 = arith.mulf %add3A_519, %add3A_519 : vector<128x640xf32>
    %reduce_sum3A_532 = arith.constant dense<0.000000e+00> : vector<128xf32>
    %reduce_sum3A_533 = vector.multi_reduction <add>, %mul3A_531, %reduce_sum3A_532 [1] : vector<128x640xf32> to vector<128xf32>
    %broadcast_in_dim3A_534 = vector.shape_cast %reduce_sum3A_533 : vector<128xf32> to vector<128x1xf32>
    %add3A_535 = arith.addf %add3A_432, %broadcast_in_dim3A_534 : vector<128x1xf32>
    %get3A_536 = arith.constant 0 : index
    %get3A_537 = arith.constant 0 : index
    %get3A_538 = vector.load %arg9[%get3A_536, %get3A_537] : memref<128x64xf32, #tpu.memory_space<vmem>>, vector<128x64xf32>
    %convert_element_type3A_539 = arith.truncf %get3A_538 : vector<128x64xf32> to vector<128x64xbf16>
    %slice3A_540 = vector.extract_strided_slice %concatenate3A_190 {offsets = [0, 1], sizes = [64, 640], strides = [1, 1]} : vector<64x642xbf16> to vector<64x640xbf16>
    %dot_general3A_541 = arith.constant dense<0.000000e+00> : vector<128x640xf32>
    %dot_general3A_542 = tpu.matmul %convert_element_type3A_539, %slice3A_540, %dot_general3A_541 {dimension_numbers = #tpu.dot_dimension_numbers<[1], [0], [0], [1], [0, 0, 1, 1], [], []>, transpose_lhs_hint = false} : vector<128x64xbf16>, vector<64x640xbf16>, vector<128x640xf32> -> vector<128x640xf32>
    %get3A_543 = arith.constant 0 : index
    %get3A_544 = arith.constant 0 : index
    %get3A_545 = vector.load %arg10[%get3A_543, %get3A_544] : memref<128x1xf32, #tpu.memory_space<vmem>>, vector<128x1xf32>
    %add3A_546 = vector.broadcast %get3A_545 : vector<128x1xf32> to vector<128x640xf32>
    %add3A_547 = arith.addf %dot_general3A_542, %add3A_546 : vector<128x640xf32>
    %swap3A_548 = arith.constant 0 : index
    %swap3A_549 = arith.constant 2 : index
    %swap3A_550 = arith.constant 0 : index
    %swap3A_551 = arith.constant 0 : index
    %swap3A_552 = vector.load %arg14[%swap3A_548, %swap3A_549, %swap3A_550, %swap3A_551] : memref<1x4x128x640xf32, #tpu.memory_space<vmem>>, vector<1x1x128x640xf32>
    %swap3A_553 = vector.shape_cast %swap3A_552 : vector<1x1x128x640xf32> to vector<128x640xf32>
    %swap3A_554 = vector.shape_cast %add3A_547 : vector<128x640xf32> to vector<1x1x128x640xf32>
    tpu.vector_store %arg14[%swap3A_548, %swap3A_549, %swap3A_550, %swap3A_551], %swap3A_554 {strides = array<i32>} : memref<1x4x128x640xf32, #tpu.memory_space<vmem>>, vector<1x1x128x640xf32>,
    %reduce_sum3A_555 = arith.constant dense<0.000000e+00> : vector<128xf32>
    %reduce_sum3A_556 = vector.multi_reduction <add>, %add3A_547, %reduce_sum3A_555 [1] : vector<128x640xf32> to vector<128xf32>
    %broadcast_in_dim3A_557 = vector.shape_cast %reduce_sum3A_556 : vector<128xf32> to vector<128x1xf32>
    %add3A_558 = arith.addf %add3A_455, %broadcast_in_dim3A_557 : vector<128x1xf32>
    %mul3A_559 = arith.mulf %add3A_547, %add3A_547 : vector<128x640xf32>
    %reduce_sum3A_560 = arith.constant dense<0.000000e+00> : vector<128xf32>
    %reduce_sum3A_561 = vector.multi_reduction <add>, %mul3A_559, %reduce_sum3A_560 [1] : vector<128x640xf32> to vector<128xf32>
    %broadcast_in_dim3A_562 = vector.shape_cast %reduce_sum3A_561 : vector<128xf32> to vector<128x1xf32>
    %add3A_563 = arith.addf %add3A_460, %broadcast_in_dim3A_562 : vector<128x1xf32>
    %get3A_564 = arith.constant 0 : index
    %get3A_565 = arith.constant 0 : index
    %get3A_566 = vector.load %arg6[%get3A_564, %get3A_565] : memref<128x1xf32, #tpu.memory_space<vmem>>, vector<128x1xf32>
    %broadcast_in_dim3A_567 = vector.shape_cast %get3A_566 : vector<128x1xf32> to vector<128x1xf32>
    %broadcast_in_dim3A_568 = vector.broadcast %broadcast_in_dim3A_567 : vector<128x1xf32> to vector<128x640xf32>
    %slice3A_569 = vector.extract_strided_slice %convert_element_type3A_277 {offsets = [0, 0, 0, 0], sizes = [1, 1, 128, 64], strides = [1, 1, 1, 1]} : vector<3x3x128x64xbf16> to vector<1x1x128x64xbf16>
    %squeeze3A_570 = vector.shape_cast %slice3A_569 : vector<1x1x128x64xbf16> to vector<128x64xbf16>
    %slice3A_571 = vector.extract_strided_slice %concatenate3A_190 {offsets = [0, 0], sizes = [64, 640], strides = [1, 1]} : vector<64x642xbf16> to vector<64x640xbf16>
    %dot_general3A_572 = arith.constant dense<0.000000e+00> : vector<128x640xf32>
    %dot_general3A_573 = tpu.matmul %squeeze3A_570, %slice3A_571, %dot_general3A_572 {dimension_numbers = #tpu.dot_dimension_numbers<[1], [0], [0], [1], [0, 0, 1, 1], [], []>, transpose_lhs_hint = false} : vector<128x64xbf16>, vector<64x640xbf16>, vector<128x640xf32> -> vector<128x640xf32>
    %add3A_574 = arith.addf %broadcast_in_dim3A_568, %dot_general3A_573 : vector<128x640xf32>
    %slice3A_575 = vector.extract_strided_slice %convert_element_type3A_277 {offsets = [0, 1, 0, 0], sizes = [1, 1, 128, 64], strides = [1, 1, 1, 1]} : vector<3x3x128x64xbf16> to vector<1x1x128x64xbf16>
    %squeeze3A_576 = vector.shape_cast %slice3A_575 : vector<1x1x128x64xbf16> to vector<128x64xbf16>
    %slice3A_577 = vector.extract_strided_slice %concatenate3A_190 {offsets = [0, 1], sizes = [64, 640], strides = [1, 1]} : vector<64x642xbf16> to vector<64x640xbf16>
    %dot_general3A_578 = arith.constant dense<0.000000e+00> : vector<128x640xf32>
    %dot_general3A_579 = tpu.matmul %squeeze3A_576, %slice3A_577, %dot_general3A_578 {dimension_numbers = #tpu.dot_dimension_numbers<[1], [0], [0], [1], [0, 0, 1, 1], [], []>, transpose_lhs_hint = false} : vector<128x64xbf16>, vector<64x640xbf16>, vector<128x640xf32> -> vector<128x640xf32>
    %add3A_580 = arith.addf %add3A_574, %dot_general3A_579 : vector<128x640xf32>
    %slice3A_581 = vector.extract_strided_slice %convert_element_type3A_277 {offsets = [0, 2, 0, 0], sizes = [1, 1, 128, 64], strides = [1, 1, 1, 1]} : vector<3x3x128x64xbf16> to vector<1x1x128x64xbf16>
    %squeeze3A_582 = vector.shape_cast %slice3A_581 : vector<1x1x128x64xbf16> to vector<128x64xbf16>
    %slice3A_583 = vector.extract_strided_slice %concatenate3A_190 {offsets = [0, 2], sizes = [64, 640], strides = [1, 1]} : vector<64x642xbf16> to vector<64x640xbf16>
    %dot_general3A_584 = arith.constant dense<0.000000e+00> : vector<128x640xf32>
    %dot_general3A_585 = tpu.matmul %squeeze3A_582, %slice3A_583, %dot_general3A_584 {dimension_numbers = #tpu.dot_dimension_numbers<[1], [0], [0], [1], [0, 0, 1, 1], [], []>, transpose_lhs_hint = false} : vector<128x64xbf16>, vector<64x640xbf16>, vector<128x640xf32> -> vector<128x640xf32>
    %add3A_586 = arith.addf %add3A_580, %dot_general3A_585 : vector<128x640xf32>
    %slice3A_587 = vector.extract_strided_slice %convert_element_type3A_277 {offsets = [1, 0, 0, 0], sizes = [1, 1, 128, 64], strides = [1, 1, 1, 1]} : vector<3x3x128x64xbf16> to vector<1x1x128x64xbf16>
    %squeeze3A_588 = vector.shape_cast %slice3A_587 : vector<1x1x128x64xbf16> to vector<128x64xbf16>
    %slice3A_589 = vector.extract_strided_slice %concatenate3A_257 {offsets = [0, 0], sizes = [64, 640], strides = [1, 1]} : vector<64x642xbf16> to vector<64x640xbf16>
    %dot_general3A_590 = arith.constant dense<0.000000e+00> : vector<128x640xf32>
    %dot_general3A_591 = tpu.matmul %squeeze3A_588, %slice3A_589, %dot_general3A_590 {dimension_numbers = #tpu.dot_dimension_numbers<[1], [0], [0], [1], [0, 0, 1, 1], [], []>, transpose_lhs_hint = false} : vector<128x64xbf16>, vector<64x640xbf16>, vector<128x640xf32> -> vector<128x640xf32>
    %add3A_592 = arith.addf %add3A_586, %dot_general3A_591 : vector<128x640xf32>
    %slice3A_593 = vector.extract_strided_slice %convert_element_type3A_277 {offsets = [1, 1, 0, 0], sizes = [1, 1, 128, 64], strides = [1, 1, 1, 1]} : vector<3x3x128x64xbf16> to vector<1x1x128x64xbf16>
    %squeeze3A_594 = vector.shape_cast %slice3A_593 : vector<1x1x128x64xbf16> to vector<128x64xbf16>
    %slice3A_595 = vector.extract_strided_slice %concatenate3A_257 {offsets = [0, 1], sizes = [64, 640], strides = [1, 1]} : vector<64x642xbf16> to vector<64x640xbf16>
    %dot_general3A_596 = arith.constant dense<0.000000e+00> : vector<128x640xf32>
    %dot_general3A_597 = tpu.matmul %squeeze3A_594, %slice3A_595, %dot_general3A_596 {dimension_numbers = #tpu.dot_dimension_numbers<[1], [0], [0], [1], [0, 0, 1, 1], [], []>, transpose_lhs_hint = false} : vector<128x64xbf16>, vector<64x640xbf16>, vector<128x640xf32> -> vector<128x640xf32>
    %add3A_598 = arith.addf %add3A_592, %dot_general3A_597 : vector<128x640xf32>
    %slice3A_599 = vector.extract_strided_slice %convert_element_type3A_277 {offsets = [1, 2, 0, 0], sizes = [1, 1, 128, 64], strides = [1, 1, 1, 1]} : vector<3x3x128x64xbf16> to vector<1x1x128x64xbf16>
    %squeeze3A_600 = vector.shape_cast %slice3A_599 : vector<1x1x128x64xbf16> to vector<128x64xbf16>
    %slice3A_601 = vector.extract_strided_slice %concatenate3A_257 {offsets = [0, 2], sizes = [64, 640], strides = [1, 1]} : vector<64x642xbf16> to vector<64x640xbf16>
    %dot_general3A_602 = arith.constant dense<0.000000e+00> : vector<128x640xf32>
    %dot_general3A_603 = tpu.matmul %squeeze3A_600, %slice3A_601, %dot_general3A_602 {dimension_numbers = #tpu.dot_dimension_numbers<[1], [0], [0], [1], [0, 0, 1, 1], [], []>, transpose_lhs_hint = false} : vector<128x64xbf16>, vector<64x640xbf16>, vector<128x640xf32> -> vector<128x640xf32>
    %add3A_604 = arith.addf %add3A_598, %dot_general3A_603 : vector<128x640xf32>
    %swap3A_605 = arith.constant 0 : index
    %swap3A_606 = arith.constant 3 : index
    %swap3A_607 = arith.constant 0 : index
    %swap3A_608 = arith.constant 0 : index
    %swap3A_609 = vector.load %arg11[%swap3A_605, %swap3A_606, %swap3A_607, %swap3A_608] : memref<1x4x128x640xf32, #tpu.memory_space<vmem>>, vector<1x1x128x640xf32>
    %swap3A_610 = vector.shape_cast %swap3A_609 : vector<1x1x128x640xf32> to vector<128x640xf32>
    %swap3A_611 = vector.shape_cast %add3A_604 : vector<128x640xf32> to vector<1x1x128x640xf32>
    tpu.vector_store %arg11[%swap3A_605, %swap3A_606, %swap3A_607, %swap3A_608], %swap3A_611 {strides = array<i32>} : memref<1x4x128x640xf32, #tpu.memory_space<vmem>>, vector<1x1x128x640xf32>,
    %reduce_sum3A_612 = arith.constant dense<0.000000e+00> : vector<128xf32>
    %reduce_sum3A_613 = vector.multi_reduction <add>, %add3A_604, %reduce_sum3A_612 [1] : vector<128x640xf32> to vector<128xf32>
    %broadcast_in_dim3A_614 = vector.shape_cast %reduce_sum3A_613 : vector<128xf32> to vector<128x1xf32>
    %add3A_615 = arith.addf %add3A_530, %broadcast_in_dim3A_614 : vector<128x1xf32>
    %mul3A_616 = arith.mulf %add3A_604, %add3A_604 : vector<128x640xf32>
    %reduce_sum3A_617 = arith.constant dense<0.000000e+00> : vector<128xf32>
    %reduce_sum3A_618 = vector.multi_reduction <add>, %mul3A_616, %reduce_sum3A_617 [1] : vector<128x640xf32> to vector<128xf32>
    %broadcast_in_dim3A_619 = vector.shape_cast %reduce_sum3A_618 : vector<128xf32> to vector<128x1xf32>
    %add3A_620 = arith.addf %add3A_535, %broadcast_in_dim3A_619 : vector<128x1xf32>
    %get3A_621 = arith.constant 0 : index
    %get3A_622 = arith.constant 0 : index
    %get3A_623 = vector.load %arg9[%get3A_621, %get3A_622] : memref<128x64xf32, #tpu.memory_space<vmem>>, vector<128x64xf32>
    %convert_element_type3A_624 = arith.truncf %get3A_623 : vector<128x64xf32> to vector<128x64xbf16>
    %slice3A_625 = vector.extract_strided_slice %concatenate3A_257 {offsets = [0, 1], sizes = [64, 640], strides = [1, 1]} : vector<64x642xbf16> to vector<64x640xbf16>
    %dot_general3A_626 = arith.constant dense<0.000000e+00> : vector<128x640xf32>
    %dot_general3A_627 = tpu.matmul %convert_element_type3A_624, %slice3A_625, %dot_general3A_626 {dimension_numbers = #tpu.dot_dimension_numbers<[1], [0], [0], [1], [0, 0, 1, 1], [], []>, transpose_lhs_hint = false} : vector<128x64xbf16>, vector<64x640xbf16>, vector<128x640xf32> -> vector<128x640xf32>
    %get3A_628 = arith.constant 0 : index
    %get3A_629 = arith.constant 0 : index
    %get3A_630 = vector.load %arg10[%get3A_628, %get3A_629] : memref<128x1xf32, #tpu.memory_space<vmem>>, vector<128x1xf32>
    %add3A_631 = vector.broadcast %get3A_630 : vector<128x1xf32> to vector<128x640xf32>
    %add3A_632 = arith.addf %dot_general3A_627, %add3A_631 : vector<128x640xf32>
    %swap3A_633 = arith.constant 0 : index
    %swap3A_634 = arith.constant 3 : index
    %swap3A_635 = arith.constant 0 : index
    %swap3A_636 = arith.constant 0 : index
    %swap3A_637 = vector.load %arg14[%swap3A_633, %swap3A_634, %swap3A_635, %swap3A_636] : memref<1x4x128x640xf32, #tpu.memory_space<vmem>>, vector<1x1x128x640xf32>
    %swap3A_638 = vector.shape_cast %swap3A_637 : vector<1x1x128x640xf32> to vector<128x640xf32>
    %swap3A_639 = vector.shape_cast %add3A_632 : vector<128x640xf32> to vector<1x1x128x640xf32>
    tpu.vector_store %arg14[%swap3A_633, %swap3A_634, %swap3A_635, %swap3A_636], %swap3A_639 {strides = array<i32>} : memref<1x4x128x640xf32, #tpu.memory_space<vmem>>, vector<1x1x128x640xf32>,
    %reduce_sum3A_640 = arith.constant dense<0.000000e+00> : vector<128xf32>
    %reduce_sum3A_641 = vector.multi_reduction <add>, %add3A_632, %reduce_sum3A_640 [1] : vector<128x640xf32> to vector<128xf32>
    %broadcast_in_dim3A_642 = vector.shape_cast %reduce_sum3A_641 : vector<128xf32> to vector<128x1xf32>
    %add3A_643 = arith.addf %add3A_558, %broadcast_in_dim3A_642 : vector<128x1xf32>
    %mul3A_644 = arith.mulf %add3A_632, %add3A_632 : vector<128x640xf32>
    %reduce_sum3A_645 = arith.constant dense<0.000000e+00> : vector<128xf32>
    %reduce_sum3A_646 = vector.multi_reduction <add>, %mul3A_644, %reduce_sum3A_645 [1] : vector<128x640xf32> to vector<128xf32>
    %broadcast_in_dim3A_647 = vector.shape_cast %reduce_sum3A_646 : vector<128xf32> to vector<128x1xf32>
    %add3A_648 = arith.addf %add3A_563, %broadcast_in_dim3A_647 : vector<128x1xf32>
    %get3A_649 = arith.constant 0 : index
    %get3A_650 = arith.constant 0 : index
    %get3A_651 = vector.load %arg12[%get3A_649, %get3A_650] : memref<128x1xf32, #tpu.memory_space<vmem>>, vector<128x1xf32>
    %add3A_652 = arith.addf %get3A_651, %add3A_615 : vector<128x1xf32>
    %swap3A_653 = arith.constant 0 : index
    %swap3A_654 = arith.constant 0 : index
    %swap3A_655 = vector.load %arg12[%swap3A_653, %swap3A_654] : memref<128x1xf32, #tpu.memory_space<vmem>>, vector<128x1xf32>
    tpu.vector_store %arg12[%swap3A_653, %swap3A_654], %add3A_652 {strides = array<i32>} : memref<128x1xf32, #tpu.memory_space<vmem>>, vector<128x1xf32>,
    %get3A_656 = arith.constant 0 : index
    %get3A_657 = arith.constant 0 : index
    %get3A_658 = vector.load %arg13[%get3A_656, %get3A_657] : memref<128x1xf32, #tpu.memory_space<vmem>>, vector<128x1xf32>
    %add3A_659 = arith.addf %get3A_658, %add3A_620 : vector<128x1xf32>
    %swap3A_660 = arith.constant 0 : index
    %swap3A_661 = arith.constant 0 : index
    %swap3A_662 = vector.load %arg13[%swap3A_660, %swap3A_661] : memref<128x1xf32, #tpu.memory_space<vmem>>, vector<128x1xf32>
    tpu.vector_store %arg13[%swap3A_660, %swap3A_661], %add3A_659 {strides = array<i32>} : memref<128x1xf32, #tpu.memory_space<vmem>>, vector<128x1xf32>,
    %get3A_663 = arith.constant 0 : index
    %get3A_664 = arith.constant 0 : index
    %get3A_665 = vector.load %arg15[%get3A_663, %get3A_664] : memref<128x1xf32, #tpu.memory_space<vmem>>, vector<128x1xf32>
    %add3A_666 = arith.addf %get3A_665, %add3A_643 : vector<128x1xf32>
    %swap3A_667 = arith.constant 0 : index
    %swap3A_668 = arith.constant 0 : index
    %swap3A_669 = vector.load %arg15[%swap3A_667, %swap3A_668] : memref<128x1xf32, #tpu.memory_space<vmem>>, vector<128x1xf32>
    tpu.vector_store %arg15[%swap3A_667, %swap3A_668], %add3A_666 {strides = array<i32>} : memref<128x1xf32, #tpu.memory_space<vmem>>, vector<128x1xf32>,
    %get3A_670 = arith.constant 0 : index
    %get3A_671 = arith.constant 0 : index
    %get3A_672 = vector.load %arg16[%get3A_670, %get3A_671] : memref<128x1xf32, #tpu.memory_space<vmem>>, vector<128x1xf32>
    %add3A_673 = arith.addf %get3A_672, %add3A_648 : vector<128x1xf32>
    %swap3A_674 = arith.constant 0 : index
    %swap3A_675 = arith.constant 0 : index
    %swap3A_676 = vector.load %arg16[%swap3A_674, %swap3A_675] : memref<128x1xf32, #tpu.memory_space<vmem>>, vector<128x1xf32>
    tpu.vector_store %arg16[%swap3A_674, %swap3A_675], %add3A_673 {strides = array<i32>} : memref<128x1xf32, #tpu.memory_space<vmem>>, vector<128x1xf32>,
    return
  }
  func.func @transform_0(%arg0: i32, %arg1: i32) -> (i32, i32, i32, i32) {
    %sub3A = arith.constant 1 : i32
    %sub3A_0 = arith.subi %arg1, %sub3A : i32
    %max3A = arith.constant 0 : i32
    %max3A_1 = arith.maxsi %sub3A_0, %max3A : i32
    %c0_i32 = arith.constant 0 : i32
    %c0_i32_2 = arith.constant 0 : i32
    %c0_i32_3 = arith.constant 0 : i32
    return %arg0, %c0_i32, %c0_i32_2, %max3A_1 : i32, i32, i32, i32
  }
  func.func @transform_1(%arg0: i32, %arg1: i32) -> (i32, i32, i32, i32) {
    %c0_i32 = arith.constant 0 : i32
    %c0_i32_0 = arith.constant 0 : i32
    %c0_i32_1 = arith.constant 0 : i32
    return %arg0, %c0_i32, %c0_i32_0, %arg1 : i32, i32, i32, i32
  }
  func.func @transform_2(%arg0: i32, %arg1: i32) -> (i32, i32, i32, i32) {
    %add3A = arith.constant 1 : i32
    %add3A_0 = arith.addi %arg1, %add3A : i32
    %min3A = arith.constant 19 : i32
    %min3A_1 = arith.minsi %add3A_0, %min3A : i32
    %c0_i32 = arith.constant 0 : i32
    %c0_i32_2 = arith.constant 0 : i32
    %c0_i32_3 = arith.constant 0 : i32
    return %arg0, %c0_i32, %c0_i32_2, %min3A_1 : i32, i32, i32, i32
  }
  func.func @transform_3(%arg0: i32, %arg1: i32) -> (i32, i32, i32, i32) {
    %c0_i32 = arith.constant 0 : i32
    %c0_i32_0 = arith.constant 0 : i32
    %c0_i32_1 = arith.constant 0 : i32
    %c0_i32_2 = arith.constant 0 : i32
    %c0_i32_3 = arith.constant 0 : i32
    return %c0_i32, %c0_i32_0, %c0_i32_1, %c0_i32_2 : i32, i32, i32, i32
  }
  func.func @transform_4(%arg0: i32, %arg1: i32) -> (i32, i32) {
    %c0_i32 = arith.constant 0 : i32
    %c0_i32_0 = arith.constant 0 : i32
    %c0_i32_1 = arith.constant 0 : i32
    return %c0_i32, %c0_i32_0 : i32, i32
  }
  func.func @transform_5(%arg0: i32, %arg1: i32) -> (i32, i32) {
    %c0_i32 = arith.constant 0 : i32
    %c0_i32_0 = arith.constant 0 : i32
    %c0_i32_1 = arith.constant 0 : i32
    return %c0_i32, %c0_i32_0 : i32, i32
  }
  func.func @transform_6(%arg0: i32, %arg1: i32) -> (i32, i32) {
    %c0_i32 = arith.constant 0 : i32
    %c0_i32_0 = arith.constant 0 : i32
    %c0_i32_1 = arith.constant 0 : i32
    return %c0_i32, %c0_i32_0 : i32, i32
  }
  func.func @transform_7(%arg0: i32, %arg1: i32) -> (i32, i32) {
    %c0_i32 = arith.constant 0 : i32
    %c0_i32_0 = arith.constant 0 : i32
    %c0_i32_1 = arith.constant 0 : i32
    return %c0_i32, %c0_i32_0 : i32, i32
  }
  func.func @transform_8(%arg0: i32, %arg1: i32) -> (i32, i32) {
    %c0_i32 = arith.constant 0 : i32
    %c0_i32_0 = arith.constant 0 : i32
    %c0_i32_1 = arith.constant 0 : i32
    return %c0_i32, %c0_i32_0 : i32, i32
  }
  func.func @transform_9(%arg0: i32, %arg1: i32) -> (i32, i32, i32, i32) {
    %c0_i32 = arith.constant 0 : i32
    %c0_i32_0 = arith.constant 0 : i32
    %c0_i32_1 = arith.constant 0 : i32
    return %arg0, %c0_i32, %c0_i32_0, %arg1 : i32, i32, i32, i32
  }
  func.func @transform_10(%arg0: i32, %arg1: i32) -> (i32, i32) {
    %c0_i32 = arith.constant 0 : i32
    %c0_i32_0 = arith.constant 0 : i32
    %c0_i32_1 = arith.constant 0 : i32
    return %c0_i32, %c0_i32_0 : i32, i32
  }
  func.func @transform_11(%arg0: i32, %arg1: i32) -> (i32, i32) {
    %c0_i32 = arith.constant 0 : i32
    %c0_i32_0 = arith.constant 0 : i32
    %c0_i32_1 = arith.constant 0 : i32
    return %c0_i32, %c0_i32_0 : i32, i32
  }
  func.func @transform_12(%arg0: i32, %arg1: i32) -> (i32, i32, i32, i32) {
    %c0_i32 = arith.constant 0 : i32
    %c0_i32_0 = arith.constant 0 : i32
    %c0_i32_1 = arith.constant 0 : i32
    return %arg0, %c0_i32, %c0_i32_0, %arg1 : i32, i32, i32, i32
  }
  func.func @transform_13(%arg0: i32, %arg1: i32) -> (i32, i32) {
    %c0_i32 = arith.constant 0 : i32
    %c0_i32_0 = arith.constant 0 : i32
    %c0_i32_1 = arith.constant 0 : i32
    return %c0_i32, %c0_i32_0 : i32, i32
  }
  func.func @transform_14(%arg0: i32, %arg1: i32) -> (i32, i32) {
    %c0_i32 = arith.constant 0 : i32
    %c0_i32_0 = arith.constant 0 : i32
    %c0_i32_1 = arith.constant 0 : i32
    return %c0_i32, %c0_i32_0 : i32, i32
  }
}

module attributes {stable_mosaic.version = 14 : i64} {
  func.func @body(%arg0: i32, %arg1: i32, %arg2: memref<1x4x128x640xf32, #tpu.memory_space<vmem>>, %arg3: memref<1x4x128x640xf32, #tpu.memory_space<vmem>>, %arg4: memref<1x4x128x640xf32, #tpu.memory_space<vmem>>, %arg5: memref<3x3x128x128xf32, #tpu.memory_space<vmem>>, %arg6: memref<128x1xf32, #tpu.memory_space<vmem>>, %arg7: memref<128x1xf32, #tpu.memory_space<vmem>>, %arg8: memref<128x1xf32, #tpu.memory_space<vmem>>, %arg9: memref<1x4x128x640xf32, #tpu.memory_space<vmem>>, %arg10: memref<128x1xf32, #tpu.memory_space<vmem>>, %arg11: memref<128x1xf32, #tpu.memory_space<vmem>>) attributes {dimension_semantics = [#tpu.dimension_semantics<arbitrary>, #tpu.dimension_semantics<arbitrary>], iteration_bounds = array<i64: 2, 20>, scalar_prefetch = 0 : i64, scratch_operands = 0 : i64, tpu.core_type = #tpu.core_type<tc>, window_params = [{transform_indices = @transform_0, window_bounds = array<i64: 1, 4, 128, 640>}, {transform_indices = @transform_1, window_bounds = array<i64: 1, 4, 128, 640>}, {transform_indices = @transform_2, window_bounds = array<i64: 1, 4, 128, 640>}, {pipeline_mode = #tpu.pipeline_mode<synchronous>, transform_indices = @transform_3, window_bounds = array<i64: 3, 3, 128, 128>}, {pipeline_mode = #tpu.pipeline_mode<synchronous>, transform_indices = @transform_4, window_bounds = array<i64: 128, 1>}, {pipeline_mode = #tpu.pipeline_mode<synchronous>, transform_indices = @transform_5, window_bounds = array<i64: 128, 1>}, {pipeline_mode = #tpu.pipeline_mode<synchronous>, transform_indices = @transform_6, window_bounds = array<i64: 128, 1>}, {transform_indices = @transform_7, window_bounds = array<i64: 1, 4, 128, 640>}, {pipeline_mode = #tpu.pipeline_mode<synchronous>, transform_indices = @transform_8, window_bounds = array<i64: 128, 1>}, {pipeline_mode = #tpu.pipeline_mode<synchronous>, transform_indices = @transform_9, window_bounds = array<i64: 128, 1>}]} {
    %eq3A = arith.constant 0 : i32
    %eq3A_0 = arith.cmpi eq, %arg1, %eq3A : i32
    %get3A = arith.constant 0 : index
    %get3A_1 = arith.constant 0 : index
    %get3A_2 = arith.constant 0 : index
    %get3A_3 = arith.constant 639 : index
    %get3A_4 = vector.load %arg2[%get3A, %get3A_1, %get3A_2, %get3A_3] : memref<1x4x128x640xf32, #tpu.memory_space<vmem>>, vector<1x1x128x1xf32>
    %get3A_5 = vector.shape_cast %get3A_4 : vector<1x1x128x1xf32> to vector<128x1xf32>
    %get3A_6 = arith.constant 0 : index
    %get3A_7 = arith.constant 0 : index
    %get3A_8 = vector.load %arg7[%get3A_6, %get3A_7] : memref<128x1xf32, #tpu.memory_space<vmem>>, vector<128x1xf32>
    %mul3A = arith.mulf %get3A_5, %get3A_8 : vector<128x1xf32>
    %get3A_9 = arith.constant 0 : index
    %get3A_10 = arith.constant 0 : index
    %get3A_11 = vector.load %arg8[%get3A_9, %get3A_10] : memref<128x1xf32, #tpu.memory_space<vmem>>, vector<128x1xf32>
    %add3A = arith.addf %mul3A, %get3A_11 : vector<128x1xf32>
    %max3A = arith.constant 0.000000e+00 : f32
    %max3A_12 = vector.broadcast %max3A : f32 to vector<128x1xf32>
    %max3A_13 = arith.maximumf %add3A, %max3A_12 : vector<128x1xf32>
    %convert_element_type3A = arith.truncf %max3A_13 : vector<128x1xf32> to vector<128x1xbf16>
    %jit3A = arith.constant 0.000000e+00 : bf16
    %broadcast_in_dim3A = vector.broadcast %jit3A : bf16 to vector<128x1xbf16>
    %select_n3A = arith.select %eq3A_0, %broadcast_in_dim3A, %convert_element_type3A : vector<128x1xbf16>
    %eq3A_14 = arith.constant 19 : i32
    %eq3A_15 = arith.cmpi eq, %arg1, %eq3A_14 : i32
    %get3A_16 = arith.constant 0 : index
    %get3A_17 = arith.constant 0 : index
    %get3A_18 = arith.constant 0 : index
    %get3A_19 = arith.constant 0 : index
    %get3A_20 = vector.load %arg4[%get3A_16, %get3A_17, %get3A_18, %get3A_19] : memref<1x4x128x640xf32, #tpu.memory_space<vmem>>, vector<1x1x128x1xf32>
    %get3A_21 = vector.shape_cast %get3A_20 : vector<1x1x128x1xf32> to vector<128x1xf32>
    %get3A_22 = arith.constant 0 : index
    %get3A_23 = arith.constant 0 : index
    %get3A_24 = vector.load %arg7[%get3A_22, %get3A_23] : memref<128x1xf32, #tpu.memory_space<vmem>>, vector<128x1xf32>
    %mul3A_25 = arith.mulf %get3A_21, %get3A_24 : vector<128x1xf32>
    %get3A_26 = arith.constant 0 : index
    %get3A_27 = arith.constant 0 : index
    %get3A_28 = vector.load %arg8[%get3A_26, %get3A_27] : memref<128x1xf32, #tpu.memory_space<vmem>>, vector<128x1xf32>
    %add3A_29 = arith.addf %mul3A_25, %get3A_28 : vector<128x1xf32>
    %max3A_30 = arith.constant 0.000000e+00 : f32
    %max3A_31 = vector.broadcast %max3A_30 : f32 to vector<128x1xf32>
    %max3A_32 = arith.maximumf %add3A_29, %max3A_31 : vector<128x1xf32>
    %convert_element_type3A_33 = arith.truncf %max3A_32 : vector<128x1xf32> to vector<128x1xbf16>
    %jit3A_34 = arith.constant 0.000000e+00 : bf16
    %broadcast_in_dim3A_35 = vector.broadcast %jit3A_34 : bf16 to vector<128x1xbf16>
    %select_n3A_36 = arith.select %eq3A_15, %broadcast_in_dim3A_35, %convert_element_type3A_33 : vector<128x1xbf16>
    %get3A_37 = arith.constant 0 : index
    %get3A_38 = arith.constant 0 : index
    %get3A_39 = arith.constant 0 : index
    %get3A_40 = arith.constant 0 : index
    %get3A_41 = vector.load %arg3[%get3A_37, %get3A_38, %get3A_39, %get3A_40] : memref<1x4x128x640xf32, #tpu.memory_space<vmem>>, vector<1x1x128x640xf32>
    %get3A_42 = vector.shape_cast %get3A_41 : vector<1x1x128x640xf32> to vector<128x640xf32>
    %get3A_43 = arith.constant 0 : index
    %get3A_44 = arith.constant 0 : index
    %get3A_45 = vector.load %arg7[%get3A_43, %get3A_44] : memref<128x1xf32, #tpu.memory_space<vmem>>, vector<128x1xf32>
    %mul3A_46 = vector.broadcast %get3A_45 : vector<128x1xf32> to vector<128x640xf32>
    %mul3A_47 = arith.mulf %get3A_42, %mul3A_46 : vector<128x640xf32>
    %get3A_48 = arith.constant 0 : index
    %get3A_49 = arith.constant 0 : index
    %get3A_50 = vector.load %arg8[%get3A_48, %get3A_49] : memref<128x1xf32, #tpu.memory_space<vmem>>, vector<128x1xf32>
    %add3A_51 = vector.broadcast %get3A_50 : vector<128x1xf32> to vector<128x640xf32>
    %add3A_52 = arith.addf %mul3A_47, %add3A_51 : vector<128x640xf32>
    %max3A_53 = arith.constant 0.000000e+00 : f32
    %max3A_54 = vector.broadcast %max3A_53 : f32 to vector<128x640xf32>
    %max3A_55 = arith.maximumf %add3A_52, %max3A_54 : vector<128x640xf32>
    %convert_element_type3A_56 = arith.truncf %max3A_55 : vector<128x640xf32> to vector<128x640xbf16>
    %concatenate3A = tpu.concatenate %select_n3A, %convert_element_type3A_56, %select_n3A_36 in 1 : vector<128x1xbf16>, vector<128x640xbf16>, vector<128x1xbf16> -> vector<128x642xbf16>
    %eq3A_57 = arith.constant 0 : i32
    %eq3A_58 = arith.cmpi eq, %arg1, %eq3A_57 : i32
    %get3A_59 = arith.constant 0 : index
    %get3A_60 = arith.constant 1 : index
    %get3A_61 = arith.constant 0 : index
    %get3A_62 = arith.constant 639 : index
    %get3A_63 = vector.load %arg2[%get3A_59, %get3A_60, %get3A_61, %get3A_62] : memref<1x4x128x640xf32, #tpu.memory_space<vmem>>, vector<1x1x128x1xf32>
    %get3A_64 = vector.shape_cast %get3A_63 : vector<1x1x128x1xf32> to vector<128x1xf32>
    %get3A_65 = arith.constant 0 : index
    %get3A_66 = arith.constant 0 : index
    %get3A_67 = vector.load %arg7[%get3A_65, %get3A_66] : memref<128x1xf32, #tpu.memory_space<vmem>>, vector<128x1xf32>
    %mul3A_68 = arith.mulf %get3A_64, %get3A_67 : vector<128x1xf32>
    %get3A_69 = arith.constant 0 : index
    %get3A_70 = arith.constant 0 : index
    %get3A_71 = vector.load %arg8[%get3A_69, %get3A_70] : memref<128x1xf32, #tpu.memory_space<vmem>>, vector<128x1xf32>
    %add3A_72 = arith.addf %mul3A_68, %get3A_71 : vector<128x1xf32>
    %max3A_73 = arith.constant 0.000000e+00 : f32
    %max3A_74 = vector.broadcast %max3A_73 : f32 to vector<128x1xf32>
    %max3A_75 = arith.maximumf %add3A_72, %max3A_74 : vector<128x1xf32>
    %convert_element_type3A_76 = arith.truncf %max3A_75 : vector<128x1xf32> to vector<128x1xbf16>
    %jit3A_77 = arith.constant 0.000000e+00 : bf16
    %broadcast_in_dim3A_78 = vector.broadcast %jit3A_77 : bf16 to vector<128x1xbf16>
    %select_n3A_79 = arith.select %eq3A_58, %broadcast_in_dim3A_78, %convert_element_type3A_76 : vector<128x1xbf16>
    %eq3A_80 = arith.constant 19 : i32
    %eq3A_81 = arith.cmpi eq, %arg1, %eq3A_80 : i32
    %get3A_82 = arith.constant 0 : index
    %get3A_83 = arith.constant 1 : index
    %get3A_84 = arith.constant 0 : index
    %get3A_85 = arith.constant 0 : index
    %get3A_86 = vector.load %arg4[%get3A_82, %get3A_83, %get3A_84, %get3A_85] : memref<1x4x128x640xf32, #tpu.memory_space<vmem>>, vector<1x1x128x1xf32>
    %get3A_87 = vector.shape_cast %get3A_86 : vector<1x1x128x1xf32> to vector<128x1xf32>
    %get3A_88 = arith.constant 0 : index
    %get3A_89 = arith.constant 0 : index
    %get3A_90 = vector.load %arg7[%get3A_88, %get3A_89] : memref<128x1xf32, #tpu.memory_space<vmem>>, vector<128x1xf32>
    %mul3A_91 = arith.mulf %get3A_87, %get3A_90 : vector<128x1xf32>
    %get3A_92 = arith.constant 0 : index
    %get3A_93 = arith.constant 0 : index
    %get3A_94 = vector.load %arg8[%get3A_92, %get3A_93] : memref<128x1xf32, #tpu.memory_space<vmem>>, vector<128x1xf32>
    %add3A_95 = arith.addf %mul3A_91, %get3A_94 : vector<128x1xf32>
    %max3A_96 = arith.constant 0.000000e+00 : f32
    %max3A_97 = vector.broadcast %max3A_96 : f32 to vector<128x1xf32>
    %max3A_98 = arith.maximumf %add3A_95, %max3A_97 : vector<128x1xf32>
    %convert_element_type3A_99 = arith.truncf %max3A_98 : vector<128x1xf32> to vector<128x1xbf16>
    %jit3A_100 = arith.constant 0.000000e+00 : bf16
    %broadcast_in_dim3A_101 = vector.broadcast %jit3A_100 : bf16 to vector<128x1xbf16>
    %select_n3A_102 = arith.select %eq3A_81, %broadcast_in_dim3A_101, %convert_element_type3A_99 : vector<128x1xbf16>
    %get3A_103 = arith.constant 0 : index
    %get3A_104 = arith.constant 1 : index
    %get3A_105 = arith.constant 0 : index
    %get3A_106 = arith.constant 0 : index
    %get3A_107 = vector.load %arg3[%get3A_103, %get3A_104, %get3A_105, %get3A_106] : memref<1x4x128x640xf32, #tpu.memory_space<vmem>>, vector<1x1x128x640xf32>
    %get3A_108 = vector.shape_cast %get3A_107 : vector<1x1x128x640xf32> to vector<128x640xf32>
    %get3A_109 = arith.constant 0 : index
    %get3A_110 = arith.constant 0 : index
    %get3A_111 = vector.load %arg7[%get3A_109, %get3A_110] : memref<128x1xf32, #tpu.memory_space<vmem>>, vector<128x1xf32>
    %mul3A_112 = vector.broadcast %get3A_111 : vector<128x1xf32> to vector<128x640xf32>
    %mul3A_113 = arith.mulf %get3A_108, %mul3A_112 : vector<128x640xf32>
    %get3A_114 = arith.constant 0 : index
    %get3A_115 = arith.constant 0 : index
    %get3A_116 = vector.load %arg8[%get3A_114, %get3A_115] : memref<128x1xf32, #tpu.memory_space<vmem>>, vector<128x1xf32>
    %add3A_117 = vector.broadcast %get3A_116 : vector<128x1xf32> to vector<128x640xf32>
    %add3A_118 = arith.addf %mul3A_113, %add3A_117 : vector<128x640xf32>
    %max3A_119 = arith.constant 0.000000e+00 : f32
    %max3A_120 = vector.broadcast %max3A_119 : f32 to vector<128x640xf32>
    %max3A_121 = arith.maximumf %add3A_118, %max3A_120 : vector<128x640xf32>
    %convert_element_type3A_122 = arith.truncf %max3A_121 : vector<128x640xf32> to vector<128x640xbf16>
    %concatenate3A_123 = tpu.concatenate %select_n3A_79, %convert_element_type3A_122, %select_n3A_102 in 1 : vector<128x1xbf16>, vector<128x640xbf16>, vector<128x1xbf16> -> vector<128x642xbf16>
    %eq3A_124 = arith.constant 0 : i32
    %eq3A_125 = arith.cmpi eq, %arg1, %eq3A_124 : i32
    %get3A_126 = arith.constant 0 : index
    %get3A_127 = arith.constant 2 : index
    %get3A_128 = arith.constant 0 : index
    %get3A_129 = arith.constant 639 : index
    %get3A_130 = vector.load %arg2[%get3A_126, %get3A_127, %get3A_128, %get3A_129] : memref<1x4x128x640xf32, #tpu.memory_space<vmem>>, vector<1x1x128x1xf32>
    %get3A_131 = vector.shape_cast %get3A_130 : vector<1x1x128x1xf32> to vector<128x1xf32>
    %get3A_132 = arith.constant 0 : index
    %get3A_133 = arith.constant 0 : index
    %get3A_134 = vector.load %arg7[%get3A_132, %get3A_133] : memref<128x1xf32, #tpu.memory_space<vmem>>, vector<128x1xf32>
    %mul3A_135 = arith.mulf %get3A_131, %get3A_134 : vector<128x1xf32>
    %get3A_136 = arith.constant 0 : index
    %get3A_137 = arith.constant 0 : index
    %get3A_138 = vector.load %arg8[%get3A_136, %get3A_137] : memref<128x1xf32, #tpu.memory_space<vmem>>, vector<128x1xf32>
    %add3A_139 = arith.addf %mul3A_135, %get3A_138 : vector<128x1xf32>
    %max3A_140 = arith.constant 0.000000e+00 : f32
    %max3A_141 = vector.broadcast %max3A_140 : f32 to vector<128x1xf32>
    %max3A_142 = arith.maximumf %add3A_139, %max3A_141 : vector<128x1xf32>
    %convert_element_type3A_143 = arith.truncf %max3A_142 : vector<128x1xf32> to vector<128x1xbf16>
    %jit3A_144 = arith.constant 0.000000e+00 : bf16
    %broadcast_in_dim3A_145 = vector.broadcast %jit3A_144 : bf16 to vector<128x1xbf16>
    %select_n3A_146 = arith.select %eq3A_125, %broadcast_in_dim3A_145, %convert_element_type3A_143 : vector<128x1xbf16>
    %eq3A_147 = arith.constant 19 : i32
    %eq3A_148 = arith.cmpi eq, %arg1, %eq3A_147 : i32
    %get3A_149 = arith.constant 0 : index
    %get3A_150 = arith.constant 2 : index
    %get3A_151 = arith.constant 0 : index
    %get3A_152 = arith.constant 0 : index
    %get3A_153 = vector.load %arg4[%get3A_149, %get3A_150, %get3A_151, %get3A_152] : memref<1x4x128x640xf32, #tpu.memory_space<vmem>>, vector<1x1x128x1xf32>
    %get3A_154 = vector.shape_cast %get3A_153 : vector<1x1x128x1xf32> to vector<128x1xf32>
    %get3A_155 = arith.constant 0 : index
    %get3A_156 = arith.constant 0 : index
    %get3A_157 = vector.load %arg7[%get3A_155, %get3A_156] : memref<128x1xf32, #tpu.memory_space<vmem>>, vector<128x1xf32>
    %mul3A_158 = arith.mulf %get3A_154, %get3A_157 : vector<128x1xf32>
    %get3A_159 = arith.constant 0 : index
    %get3A_160 = arith.constant 0 : index
    %get3A_161 = vector.load %arg8[%get3A_159, %get3A_160] : memref<128x1xf32, #tpu.memory_space<vmem>>, vector<128x1xf32>
    %add3A_162 = arith.addf %mul3A_158, %get3A_161 : vector<128x1xf32>
    %max3A_163 = arith.constant 0.000000e+00 : f32
    %max3A_164 = vector.broadcast %max3A_163 : f32 to vector<128x1xf32>
    %max3A_165 = arith.maximumf %add3A_162, %max3A_164 : vector<128x1xf32>
    %convert_element_type3A_166 = arith.truncf %max3A_165 : vector<128x1xf32> to vector<128x1xbf16>
    %jit3A_167 = arith.constant 0.000000e+00 : bf16
    %broadcast_in_dim3A_168 = vector.broadcast %jit3A_167 : bf16 to vector<128x1xbf16>
    %select_n3A_169 = arith.select %eq3A_148, %broadcast_in_dim3A_168, %convert_element_type3A_166 : vector<128x1xbf16>
    %get3A_170 = arith.constant 0 : index
    %get3A_171 = arith.constant 2 : index
    %get3A_172 = arith.constant 0 : index
    %get3A_173 = arith.constant 0 : index
    %get3A_174 = vector.load %arg3[%get3A_170, %get3A_171, %get3A_172, %get3A_173] : memref<1x4x128x640xf32, #tpu.memory_space<vmem>>, vector<1x1x128x640xf32>
    %get3A_175 = vector.shape_cast %get3A_174 : vector<1x1x128x640xf32> to vector<128x640xf32>
    %get3A_176 = arith.constant 0 : index
    %get3A_177 = arith.constant 0 : index
    %get3A_178 = vector.load %arg7[%get3A_176, %get3A_177] : memref<128x1xf32, #tpu.memory_space<vmem>>, vector<128x1xf32>
    %mul3A_179 = vector.broadcast %get3A_178 : vector<128x1xf32> to vector<128x640xf32>
    %mul3A_180 = arith.mulf %get3A_175, %mul3A_179 : vector<128x640xf32>
    %get3A_181 = arith.constant 0 : index
    %get3A_182 = arith.constant 0 : index
    %get3A_183 = vector.load %arg8[%get3A_181, %get3A_182] : memref<128x1xf32, #tpu.memory_space<vmem>>, vector<128x1xf32>
    %add3A_184 = vector.broadcast %get3A_183 : vector<128x1xf32> to vector<128x640xf32>
    %add3A_185 = arith.addf %mul3A_180, %add3A_184 : vector<128x640xf32>
    %max3A_186 = arith.constant 0.000000e+00 : f32
    %max3A_187 = vector.broadcast %max3A_186 : f32 to vector<128x640xf32>
    %max3A_188 = arith.maximumf %add3A_185, %max3A_187 : vector<128x640xf32>
    %convert_element_type3A_189 = arith.truncf %max3A_188 : vector<128x640xf32> to vector<128x640xbf16>
    %concatenate3A_190 = tpu.concatenate %select_n3A_146, %convert_element_type3A_189, %select_n3A_169 in 1 : vector<128x1xbf16>, vector<128x640xbf16>, vector<128x1xbf16> -> vector<128x642xbf16>
    %eq3A_191 = arith.constant 0 : i32
    %eq3A_192 = arith.cmpi eq, %arg1, %eq3A_191 : i32
    %get3A_193 = arith.constant 0 : index
    %get3A_194 = arith.constant 3 : index
    %get3A_195 = arith.constant 0 : index
    %get3A_196 = arith.constant 639 : index
    %get3A_197 = vector.load %arg2[%get3A_193, %get3A_194, %get3A_195, %get3A_196] : memref<1x4x128x640xf32, #tpu.memory_space<vmem>>, vector<1x1x128x1xf32>
    %get3A_198 = vector.shape_cast %get3A_197 : vector<1x1x128x1xf32> to vector<128x1xf32>
    %get3A_199 = arith.constant 0 : index
    %get3A_200 = arith.constant 0 : index
    %get3A_201 = vector.load %arg7[%get3A_199, %get3A_200] : memref<128x1xf32, #tpu.memory_space<vmem>>, vector<128x1xf32>
    %mul3A_202 = arith.mulf %get3A_198, %get3A_201 : vector<128x1xf32>
    %get3A_203 = arith.constant 0 : index
    %get3A_204 = arith.constant 0 : index
    %get3A_205 = vector.load %arg8[%get3A_203, %get3A_204] : memref<128x1xf32, #tpu.memory_space<vmem>>, vector<128x1xf32>
    %add3A_206 = arith.addf %mul3A_202, %get3A_205 : vector<128x1xf32>
    %max3A_207 = arith.constant 0.000000e+00 : f32
    %max3A_208 = vector.broadcast %max3A_207 : f32 to vector<128x1xf32>
    %max3A_209 = arith.maximumf %add3A_206, %max3A_208 : vector<128x1xf32>
    %convert_element_type3A_210 = arith.truncf %max3A_209 : vector<128x1xf32> to vector<128x1xbf16>
    %jit3A_211 = arith.constant 0.000000e+00 : bf16
    %broadcast_in_dim3A_212 = vector.broadcast %jit3A_211 : bf16 to vector<128x1xbf16>
    %select_n3A_213 = arith.select %eq3A_192, %broadcast_in_dim3A_212, %convert_element_type3A_210 : vector<128x1xbf16>
    %eq3A_214 = arith.constant 19 : i32
    %eq3A_215 = arith.cmpi eq, %arg1, %eq3A_214 : i32
    %get3A_216 = arith.constant 0 : index
    %get3A_217 = arith.constant 3 : index
    %get3A_218 = arith.constant 0 : index
    %get3A_219 = arith.constant 0 : index
    %get3A_220 = vector.load %arg4[%get3A_216, %get3A_217, %get3A_218, %get3A_219] : memref<1x4x128x640xf32, #tpu.memory_space<vmem>>, vector<1x1x128x1xf32>
    %get3A_221 = vector.shape_cast %get3A_220 : vector<1x1x128x1xf32> to vector<128x1xf32>
    %get3A_222 = arith.constant 0 : index
    %get3A_223 = arith.constant 0 : index
    %get3A_224 = vector.load %arg7[%get3A_222, %get3A_223] : memref<128x1xf32, #tpu.memory_space<vmem>>, vector<128x1xf32>
    %mul3A_225 = arith.mulf %get3A_221, %get3A_224 : vector<128x1xf32>
    %get3A_226 = arith.constant 0 : index
    %get3A_227 = arith.constant 0 : index
    %get3A_228 = vector.load %arg8[%get3A_226, %get3A_227] : memref<128x1xf32, #tpu.memory_space<vmem>>, vector<128x1xf32>
    %add3A_229 = arith.addf %mul3A_225, %get3A_228 : vector<128x1xf32>
    %max3A_230 = arith.constant 0.000000e+00 : f32
    %max3A_231 = vector.broadcast %max3A_230 : f32 to vector<128x1xf32>
    %max3A_232 = arith.maximumf %add3A_229, %max3A_231 : vector<128x1xf32>
    %convert_element_type3A_233 = arith.truncf %max3A_232 : vector<128x1xf32> to vector<128x1xbf16>
    %jit3A_234 = arith.constant 0.000000e+00 : bf16
    %broadcast_in_dim3A_235 = vector.broadcast %jit3A_234 : bf16 to vector<128x1xbf16>
    %select_n3A_236 = arith.select %eq3A_215, %broadcast_in_dim3A_235, %convert_element_type3A_233 : vector<128x1xbf16>
    %get3A_237 = arith.constant 0 : index
    %get3A_238 = arith.constant 3 : index
    %get3A_239 = arith.constant 0 : index
    %get3A_240 = arith.constant 0 : index
    %get3A_241 = vector.load %arg3[%get3A_237, %get3A_238, %get3A_239, %get3A_240] : memref<1x4x128x640xf32, #tpu.memory_space<vmem>>, vector<1x1x128x640xf32>
    %get3A_242 = vector.shape_cast %get3A_241 : vector<1x1x128x640xf32> to vector<128x640xf32>
    %get3A_243 = arith.constant 0 : index
    %get3A_244 = arith.constant 0 : index
    %get3A_245 = vector.load %arg7[%get3A_243, %get3A_244] : memref<128x1xf32, #tpu.memory_space<vmem>>, vector<128x1xf32>
    %mul3A_246 = vector.broadcast %get3A_245 : vector<128x1xf32> to vector<128x640xf32>
    %mul3A_247 = arith.mulf %get3A_242, %mul3A_246 : vector<128x640xf32>
    %get3A_248 = arith.constant 0 : index
    %get3A_249 = arith.constant 0 : index
    %get3A_250 = vector.load %arg8[%get3A_248, %get3A_249] : memref<128x1xf32, #tpu.memory_space<vmem>>, vector<128x1xf32>
    %add3A_251 = vector.broadcast %get3A_250 : vector<128x1xf32> to vector<128x640xf32>
    %add3A_252 = arith.addf %mul3A_247, %add3A_251 : vector<128x640xf32>
    %max3A_253 = arith.constant 0.000000e+00 : f32
    %max3A_254 = vector.broadcast %max3A_253 : f32 to vector<128x640xf32>
    %max3A_255 = arith.maximumf %add3A_252, %max3A_254 : vector<128x640xf32>
    %convert_element_type3A_256 = arith.truncf %max3A_255 : vector<128x640xf32> to vector<128x640xbf16>
    %concatenate3A_257 = tpu.concatenate %select_n3A_213, %convert_element_type3A_256, %select_n3A_236 in 1 : vector<128x1xbf16>, vector<128x640xbf16>, vector<128x1xbf16> -> vector<128x642xbf16>
    %eq3A_258 = arith.constant 0 : i32
    %eq3A_259 = arith.cmpi eq, %arg0, %eq3A_258 : i32
    %eq3A_260 = arith.constant 0 : i32
    %eq3A_261 = arith.cmpi eq, %arg1, %eq3A_260 : i32
    %and3A = arith.andi %eq3A_259, %eq3A_261 : i1
    %convert_element_type3A_262 = arith.extui %and3A : i1 to i32
    %cond3A = arith.constant 0 : i32
    %cond3A_263 = arith.cmpi ne, %convert_element_type3A_262, %cond3A : i32
    scf.if %cond3A_263 {
      %broadcast_in_dim3A_547 = arith.constant 0.000000e+00 : f32
      %broadcast_in_dim3A_548 = vector.broadcast %broadcast_in_dim3A_547 : f32 to vector<128x1xf32>
      %swap3A_549 = arith.constant 0 : index
      %swap3A_550 = arith.constant 0 : index
      %swap3A_551 = vector.load %arg10[%swap3A_549, %swap3A_550] : memref<128x1xf32, #tpu.memory_space<vmem>>, vector<128x1xf32>
      tpu.vector_store %arg10[%swap3A_549, %swap3A_550], %broadcast_in_dim3A_548 {strides = array<i32>} : memref<128x1xf32, #tpu.memory_space<vmem>>, vector<128x1xf32>,
      %broadcast_in_dim3A_552 = arith.constant 0.000000e+00 : f32
      %broadcast_in_dim3A_553 = vector.broadcast %broadcast_in_dim3A_552 : f32 to vector<128x1xf32>
      %swap3A_554 = arith.constant 0 : index
      %swap3A_555 = arith.constant 0 : index
      %swap3A_556 = vector.load %arg11[%swap3A_554, %swap3A_555] : memref<128x1xf32, #tpu.memory_space<vmem>>, vector<128x1xf32>
      tpu.vector_store %arg11[%swap3A_554, %swap3A_555], %broadcast_in_dim3A_553 {strides = array<i32>} : memref<128x1xf32, #tpu.memory_space<vmem>>, vector<128x1xf32>,
    } else {
    }
    %broadcast_in_dim3A_264 = arith.constant 0.000000e+00 : f32
    %broadcast_in_dim3A_265 = vector.broadcast %broadcast_in_dim3A_264 : f32 to vector<128x1xf32>
    %broadcast_in_dim3A_266 = arith.constant 0.000000e+00 : f32
    %broadcast_in_dim3A_267 = vector.broadcast %broadcast_in_dim3A_266 : f32 to vector<128x1xf32>
    %get3A_268 = arith.constant 0 : index
    %get3A_269 = arith.constant 0 : index
    %get3A_270 = arith.constant 0 : index
    %get3A_271 = arith.constant 0 : index
    %get3A_272 = vector.load %arg5[%get3A_268, %get3A_269, %get3A_270, %get3A_271] : memref<3x3x128x128xf32, #tpu.memory_space<vmem>>, vector<3x3x128x128xf32>
    %convert_element_type3A_273 = arith.truncf %get3A_272 : vector<3x3x128x128xf32> to vector<3x3x128x128xbf16>
    %get3A_274 = arith.constant 0 : index
    %get3A_275 = arith.constant 0 : index
    %get3A_276 = vector.load %arg6[%get3A_274, %get3A_275] : memref<128x1xf32, #tpu.memory_space<vmem>>, vector<128x1xf32>
    %broadcast_in_dim3A_277 = vector.shape_cast %get3A_276 : vector<128x1xf32> to vector<128x1xf32>
    %broadcast_in_dim3A_278 = vector.broadcast %broadcast_in_dim3A_277 : vector<128x1xf32> to vector<128x640xf32>
    %slice3A = vector.extract_strided_slice %convert_element_type3A_273 {offsets = [1, 0, 0, 0], sizes = [1, 1, 128, 128], strides = [1, 1, 1, 1]} : vector<3x3x128x128xbf16> to vector<1x1x128x128xbf16>
    %squeeze3A = vector.shape_cast %slice3A : vector<1x1x128x128xbf16> to vector<128x128xbf16>
    %slice3A_279 = vector.extract_strided_slice %concatenate3A {offsets = [0, 0], sizes = [128, 640], strides = [1, 1]} : vector<128x642xbf16> to vector<128x640xbf16>
    %dot_general3A = arith.constant dense<0.000000e+00> : vector<128x640xf32>
    %dot_general3A_280 = tpu.matmul %squeeze3A, %slice3A_279, %dot_general3A {dimension_numbers = #tpu.dot_dimension_numbers<[1], [0], [0], [1], [0, 0, 1, 1], [], []>, transpose_lhs_hint = false} : vector<128x128xbf16>, vector<128x640xbf16>, vector<128x640xf32> -> vector<128x640xf32>
    %add3A_281 = arith.addf %broadcast_in_dim3A_278, %dot_general3A_280 : vector<128x640xf32>
    %slice3A_282 = vector.extract_strided_slice %convert_element_type3A_273 {offsets = [1, 1, 0, 0], sizes = [1, 1, 128, 128], strides = [1, 1, 1, 1]} : vector<3x3x128x128xbf16> to vector<1x1x128x128xbf16>
    %squeeze3A_283 = vector.shape_cast %slice3A_282 : vector<1x1x128x128xbf16> to vector<128x128xbf16>
    %slice3A_284 = vector.extract_strided_slice %concatenate3A {offsets = [0, 1], sizes = [128, 640], strides = [1, 1]} : vector<128x642xbf16> to vector<128x640xbf16>
    %dot_general3A_285 = arith.constant dense<0.000000e+00> : vector<128x640xf32>
    %dot_general3A_286 = tpu.matmul %squeeze3A_283, %slice3A_284, %dot_general3A_285 {dimension_numbers = #tpu.dot_dimension_numbers<[1], [0], [0], [1], [0, 0, 1, 1], [], []>, transpose_lhs_hint = false} : vector<128x128xbf16>, vector<128x640xbf16>, vector<128x640xf32> -> vector<128x640xf32>
    %add3A_287 = arith.addf %add3A_281, %dot_general3A_286 : vector<128x640xf32>
    %slice3A_288 = vector.extract_strided_slice %convert_element_type3A_273 {offsets = [1, 2, 0, 0], sizes = [1, 1, 128, 128], strides = [1, 1, 1, 1]} : vector<3x3x128x128xbf16> to vector<1x1x128x128xbf16>
    %squeeze3A_289 = vector.shape_cast %slice3A_288 : vector<1x1x128x128xbf16> to vector<128x128xbf16>
    %slice3A_290 = vector.extract_strided_slice %concatenate3A {offsets = [0, 2], sizes = [128, 640], strides = [1, 1]} : vector<128x642xbf16> to vector<128x640xbf16>
    %dot_general3A_291 = arith.constant dense<0.000000e+00> : vector<128x640xf32>
    %dot_general3A_292 = tpu.matmul %squeeze3A_289, %slice3A_290, %dot_general3A_291 {dimension_numbers = #tpu.dot_dimension_numbers<[1], [0], [0], [1], [0, 0, 1, 1], [], []>, transpose_lhs_hint = false} : vector<128x128xbf16>, vector<128x640xbf16>, vector<128x640xf32> -> vector<128x640xf32>
    %add3A_293 = arith.addf %add3A_287, %dot_general3A_292 : vector<128x640xf32>
    %slice3A_294 = vector.extract_strided_slice %convert_element_type3A_273 {offsets = [2, 0, 0, 0], sizes = [1, 1, 128, 128], strides = [1, 1, 1, 1]} : vector<3x3x128x128xbf16> to vector<1x1x128x128xbf16>
    %squeeze3A_295 = vector.shape_cast %slice3A_294 : vector<1x1x128x128xbf16> to vector<128x128xbf16>
    %slice3A_296 = vector.extract_strided_slice %concatenate3A_123 {offsets = [0, 0], sizes = [128, 640], strides = [1, 1]} : vector<128x642xbf16> to vector<128x640xbf16>
    %dot_general3A_297 = arith.constant dense<0.000000e+00> : vector<128x640xf32>
    %dot_general3A_298 = tpu.matmul %squeeze3A_295, %slice3A_296, %dot_general3A_297 {dimension_numbers = #tpu.dot_dimension_numbers<[1], [0], [0], [1], [0, 0, 1, 1], [], []>, transpose_lhs_hint = false} : vector<128x128xbf16>, vector<128x640xbf16>, vector<128x640xf32> -> vector<128x640xf32>
    %add3A_299 = arith.addf %add3A_293, %dot_general3A_298 : vector<128x640xf32>
    %slice3A_300 = vector.extract_strided_slice %convert_element_type3A_273 {offsets = [2, 1, 0, 0], sizes = [1, 1, 128, 128], strides = [1, 1, 1, 1]} : vector<3x3x128x128xbf16> to vector<1x1x128x128xbf16>
    %squeeze3A_301 = vector.shape_cast %slice3A_300 : vector<1x1x128x128xbf16> to vector<128x128xbf16>
    %slice3A_302 = vector.extract_strided_slice %concatenate3A_123 {offsets = [0, 1], sizes = [128, 640], strides = [1, 1]} : vector<128x642xbf16> to vector<128x640xbf16>
    %dot_general3A_303 = arith.constant dense<0.000000e+00> : vector<128x640xf32>
    %dot_general3A_304 = tpu.matmul %squeeze3A_301, %slice3A_302, %dot_general3A_303 {dimension_numbers = #tpu.dot_dimension_numbers<[1], [0], [0], [1], [0, 0, 1, 1], [], []>, transpose_lhs_hint = false} : vector<128x128xbf16>, vector<128x640xbf16>, vector<128x640xf32> -> vector<128x640xf32>
    %add3A_305 = arith.addf %add3A_299, %dot_general3A_304 : vector<128x640xf32>
    %slice3A_306 = vector.extract_strided_slice %convert_element_type3A_273 {offsets = [2, 2, 0, 0], sizes = [1, 1, 128, 128], strides = [1, 1, 1, 1]} : vector<3x3x128x128xbf16> to vector<1x1x128x128xbf16>
    %squeeze3A_307 = vector.shape_cast %slice3A_306 : vector<1x1x128x128xbf16> to vector<128x128xbf16>
    %slice3A_308 = vector.extract_strided_slice %concatenate3A_123 {offsets = [0, 2], sizes = [128, 640], strides = [1, 1]} : vector<128x642xbf16> to vector<128x640xbf16>
    %dot_general3A_309 = arith.constant dense<0.000000e+00> : vector<128x640xf32>
    %dot_general3A_310 = tpu.matmul %squeeze3A_307, %slice3A_308, %dot_general3A_309 {dimension_numbers = #tpu.dot_dimension_numbers<[1], [0], [0], [1], [0, 0, 1, 1], [], []>, transpose_lhs_hint = false} : vector<128x128xbf16>, vector<128x640xbf16>, vector<128x640xf32> -> vector<128x640xf32>
    %add3A_311 = arith.addf %add3A_305, %dot_general3A_310 : vector<128x640xf32>
    %swap3A = arith.constant 0 : index
    %swap3A_312 = arith.constant 0 : index
    %swap3A_313 = arith.constant 0 : index
    %swap3A_314 = arith.constant 0 : index
    %swap3A_315 = vector.load %arg9[%swap3A, %swap3A_312, %swap3A_313, %swap3A_314] : memref<1x4x128x640xf32, #tpu.memory_space<vmem>>, vector<1x1x128x640xf32>
    %swap3A_316 = vector.shape_cast %swap3A_315 : vector<1x1x128x640xf32> to vector<128x640xf32>
    %swap3A_317 = vector.shape_cast %add3A_311 : vector<128x640xf32> to vector<1x1x128x640xf32>
    tpu.vector_store %arg9[%swap3A, %swap3A_312, %swap3A_313, %swap3A_314], %swap3A_317 {strides = array<i32>} : memref<1x4x128x640xf32, #tpu.memory_space<vmem>>, vector<1x1x128x640xf32>,
    %reduce_sum3A = arith.constant dense<0.000000e+00> : vector<128xf32>
    %reduce_sum3A_318 = vector.multi_reduction <add>, %add3A_311, %reduce_sum3A [1] : vector<128x640xf32> to vector<128xf32>
    %broadcast_in_dim3A_319 = vector.shape_cast %reduce_sum3A_318 : vector<128xf32> to vector<128x1xf32>
    %add3A_320 = arith.addf %broadcast_in_dim3A_265, %broadcast_in_dim3A_319 : vector<128x1xf32>
    %mul3A_321 = arith.mulf %add3A_311, %add3A_311 : vector<128x640xf32>
    %reduce_sum3A_322 = arith.constant dense<0.000000e+00> : vector<128xf32>
    %reduce_sum3A_323 = vector.multi_reduction <add>, %mul3A_321, %reduce_sum3A_322 [1] : vector<128x640xf32> to vector<128xf32>
    %broadcast_in_dim3A_324 = vector.shape_cast %reduce_sum3A_323 : vector<128xf32> to vector<128x1xf32>
    %add3A_325 = arith.addf %broadcast_in_dim3A_267, %broadcast_in_dim3A_324 : vector<128x1xf32>
    %get3A_326 = arith.constant 0 : index
    %get3A_327 = arith.constant 0 : index
    %get3A_328 = vector.load %arg6[%get3A_326, %get3A_327] : memref<128x1xf32, #tpu.memory_space<vmem>>, vector<128x1xf32>
    %broadcast_in_dim3A_329 = vector.shape_cast %get3A_328 : vector<128x1xf32> to vector<128x1xf32>
    %broadcast_in_dim3A_330 = vector.broadcast %broadcast_in_dim3A_329 : vector<128x1xf32> to vector<128x640xf32>
    %slice3A_331 = vector.extract_strided_slice %convert_element_type3A_273 {offsets = [0, 0, 0, 0], sizes = [1, 1, 128, 128], strides = [1, 1, 1, 1]} : vector<3x3x128x128xbf16> to vector<1x1x128x128xbf16>
    %squeeze3A_332 = vector.shape_cast %slice3A_331 : vector<1x1x128x128xbf16> to vector<128x128xbf16>
    %slice3A_333 = vector.extract_strided_slice %concatenate3A {offsets = [0, 0], sizes = [128, 640], strides = [1, 1]} : vector<128x642xbf16> to vector<128x640xbf16>
    %dot_general3A_334 = arith.constant dense<0.000000e+00> : vector<128x640xf32>
    %dot_general3A_335 = tpu.matmul %squeeze3A_332, %slice3A_333, %dot_general3A_334 {dimension_numbers = #tpu.dot_dimension_numbers<[1], [0], [0], [1], [0, 0, 1, 1], [], []>, transpose_lhs_hint = false} : vector<128x128xbf16>, vector<128x640xbf16>, vector<128x640xf32> -> vector<128x640xf32>
    %add3A_336 = arith.addf %broadcast_in_dim3A_330, %dot_general3A_335 : vector<128x640xf32>
    %slice3A_337 = vector.extract_strided_slice %convert_element_type3A_273 {offsets = [0, 1, 0, 0], sizes = [1, 1, 128, 128], strides = [1, 1, 1, 1]} : vector<3x3x128x128xbf16> to vector<1x1x128x128xbf16>
    %squeeze3A_338 = vector.shape_cast %slice3A_337 : vector<1x1x128x128xbf16> to vector<128x128xbf16>
    %slice3A_339 = vector.extract_strided_slice %concatenate3A {offsets = [0, 1], sizes = [128, 640], strides = [1, 1]} : vector<128x642xbf16> to vector<128x640xbf16>
    %dot_general3A_340 = arith.constant dense<0.000000e+00> : vector<128x640xf32>
    %dot_general3A_341 = tpu.matmul %squeeze3A_338, %slice3A_339, %dot_general3A_340 {dimension_numbers = #tpu.dot_dimension_numbers<[1], [0], [0], [1], [0, 0, 1, 1], [], []>, transpose_lhs_hint = false} : vector<128x128xbf16>, vector<128x640xbf16>, vector<128x640xf32> -> vector<128x640xf32>
    %add3A_342 = arith.addf %add3A_336, %dot_general3A_341 : vector<128x640xf32>
    %slice3A_343 = vector.extract_strided_slice %convert_element_type3A_273 {offsets = [0, 2, 0, 0], sizes = [1, 1, 128, 128], strides = [1, 1, 1, 1]} : vector<3x3x128x128xbf16> to vector<1x1x128x128xbf16>
    %squeeze3A_344 = vector.shape_cast %slice3A_343 : vector<1x1x128x128xbf16> to vector<128x128xbf16>
    %slice3A_345 = vector.extract_strided_slice %concatenate3A {offsets = [0, 2], sizes = [128, 640], strides = [1, 1]} : vector<128x642xbf16> to vector<128x640xbf16>
    %dot_general3A_346 = arith.constant dense<0.000000e+00> : vector<128x640xf32>
    %dot_general3A_347 = tpu.matmul %squeeze3A_344, %slice3A_345, %dot_general3A_346 {dimension_numbers = #tpu.dot_dimension_numbers<[1], [0], [0], [1], [0, 0, 1, 1], [], []>, transpose_lhs_hint = false} : vector<128x128xbf16>, vector<128x640xbf16>, vector<128x640xf32> -> vector<128x640xf32>
    %add3A_348 = arith.addf %add3A_342, %dot_general3A_347 : vector<128x640xf32>
    %slice3A_349 = vector.extract_strided_slice %convert_element_type3A_273 {offsets = [1, 0, 0, 0], sizes = [1, 1, 128, 128], strides = [1, 1, 1, 1]} : vector<3x3x128x128xbf16> to vector<1x1x128x128xbf16>
    %squeeze3A_350 = vector.shape_cast %slice3A_349 : vector<1x1x128x128xbf16> to vector<128x128xbf16>
    %slice3A_351 = vector.extract_strided_slice %concatenate3A_123 {offsets = [0, 0], sizes = [128, 640], strides = [1, 1]} : vector<128x642xbf16> to vector<128x640xbf16>
    %dot_general3A_352 = arith.constant dense<0.000000e+00> : vector<128x640xf32>
    %dot_general3A_353 = tpu.matmul %squeeze3A_350, %slice3A_351, %dot_general3A_352 {dimension_numbers = #tpu.dot_dimension_numbers<[1], [0], [0], [1], [0, 0, 1, 1], [], []>, transpose_lhs_hint = false} : vector<128x128xbf16>, vector<128x640xbf16>, vector<128x640xf32> -> vector<128x640xf32>
    %add3A_354 = arith.addf %add3A_348, %dot_general3A_353 : vector<128x640xf32>
    %slice3A_355 = vector.extract_strided_slice %convert_element_type3A_273 {offsets = [1, 1, 0, 0], sizes = [1, 1, 128, 128], strides = [1, 1, 1, 1]} : vector<3x3x128x128xbf16> to vector<1x1x128x128xbf16>
    %squeeze3A_356 = vector.shape_cast %slice3A_355 : vector<1x1x128x128xbf16> to vector<128x128xbf16>
    %slice3A_357 = vector.extract_strided_slice %concatenate3A_123 {offsets = [0, 1], sizes = [128, 640], strides = [1, 1]} : vector<128x642xbf16> to vector<128x640xbf16>
    %dot_general3A_358 = arith.constant dense<0.000000e+00> : vector<128x640xf32>
    %dot_general3A_359 = tpu.matmul %squeeze3A_356, %slice3A_357, %dot_general3A_358 {dimension_numbers = #tpu.dot_dimension_numbers<[1], [0], [0], [1], [0, 0, 1, 1], [], []>, transpose_lhs_hint = false} : vector<128x128xbf16>, vector<128x640xbf16>, vector<128x640xf32> -> vector<128x640xf32>
    %add3A_360 = arith.addf %add3A_354, %dot_general3A_359 : vector<128x640xf32>
    %slice3A_361 = vector.extract_strided_slice %convert_element_type3A_273 {offsets = [1, 2, 0, 0], sizes = [1, 1, 128, 128], strides = [1, 1, 1, 1]} : vector<3x3x128x128xbf16> to vector<1x1x128x128xbf16>
    %squeeze3A_362 = vector.shape_cast %slice3A_361 : vector<1x1x128x128xbf16> to vector<128x128xbf16>
    %slice3A_363 = vector.extract_strided_slice %concatenate3A_123 {offsets = [0, 2], sizes = [128, 640], strides = [1, 1]} : vector<128x642xbf16> to vector<128x640xbf16>
    %dot_general3A_364 = arith.constant dense<0.000000e+00> : vector<128x640xf32>
    %dot_general3A_365 = tpu.matmul %squeeze3A_362, %slice3A_363, %dot_general3A_364 {dimension_numbers = #tpu.dot_dimension_numbers<[1], [0], [0], [1], [0, 0, 1, 1], [], []>, transpose_lhs_hint = false} : vector<128x128xbf16>, vector<128x640xbf16>, vector<128x640xf32> -> vector<128x640xf32>
    %add3A_366 = arith.addf %add3A_360, %dot_general3A_365 : vector<128x640xf32>
    %slice3A_367 = vector.extract_strided_slice %convert_element_type3A_273 {offsets = [2, 0, 0, 0], sizes = [1, 1, 128, 128], strides = [1, 1, 1, 1]} : vector<3x3x128x128xbf16> to vector<1x1x128x128xbf16>
    %squeeze3A_368 = vector.shape_cast %slice3A_367 : vector<1x1x128x128xbf16> to vector<128x128xbf16>
    %slice3A_369 = vector.extract_strided_slice %concatenate3A_190 {offsets = [0, 0], sizes = [128, 640], strides = [1, 1]} : vector<128x642xbf16> to vector<128x640xbf16>
    %dot_general3A_370 = arith.constant dense<0.000000e+00> : vector<128x640xf32>
    %dot_general3A_371 = tpu.matmul %squeeze3A_368, %slice3A_369, %dot_general3A_370 {dimension_numbers = #tpu.dot_dimension_numbers<[1], [0], [0], [1], [0, 0, 1, 1], [], []>, transpose_lhs_hint = false} : vector<128x128xbf16>, vector<128x640xbf16>, vector<128x640xf32> -> vector<128x640xf32>
    %add3A_372 = arith.addf %add3A_366, %dot_general3A_371 : vector<128x640xf32>
    %slice3A_373 = vector.extract_strided_slice %convert_element_type3A_273 {offsets = [2, 1, 0, 0], sizes = [1, 1, 128, 128], strides = [1, 1, 1, 1]} : vector<3x3x128x128xbf16> to vector<1x1x128x128xbf16>
    %squeeze3A_374 = vector.shape_cast %slice3A_373 : vector<1x1x128x128xbf16> to vector<128x128xbf16>
    %slice3A_375 = vector.extract_strided_slice %concatenate3A_190 {offsets = [0, 1], sizes = [128, 640], strides = [1, 1]} : vector<128x642xbf16> to vector<128x640xbf16>
    %dot_general3A_376 = arith.constant dense<0.000000e+00> : vector<128x640xf32>
    %dot_general3A_377 = tpu.matmul %squeeze3A_374, %slice3A_375, %dot_general3A_376 {dimension_numbers = #tpu.dot_dimension_numbers<[1], [0], [0], [1], [0, 0, 1, 1], [], []>, transpose_lhs_hint = false} : vector<128x128xbf16>, vector<128x640xbf16>, vector<128x640xf32> -> vector<128x640xf32>
    %add3A_378 = arith.addf %add3A_372, %dot_general3A_377 : vector<128x640xf32>
    %slice3A_379 = vector.extract_strided_slice %convert_element_type3A_273 {offsets = [2, 2, 0, 0], sizes = [1, 1, 128, 128], strides = [1, 1, 1, 1]} : vector<3x3x128x128xbf16> to vector<1x1x128x128xbf16>
    %squeeze3A_380 = vector.shape_cast %slice3A_379 : vector<1x1x128x128xbf16> to vector<128x128xbf16>
    %slice3A_381 = vector.extract_strided_slice %concatenate3A_190 {offsets = [0, 2], sizes = [128, 640], strides = [1, 1]} : vector<128x642xbf16> to vector<128x640xbf16>
    %dot_general3A_382 = arith.constant dense<0.000000e+00> : vector<128x640xf32>
    %dot_general3A_383 = tpu.matmul %squeeze3A_380, %slice3A_381, %dot_general3A_382 {dimension_numbers = #tpu.dot_dimension_numbers<[1], [0], [0], [1], [0, 0, 1, 1], [], []>, transpose_lhs_hint = false} : vector<128x128xbf16>, vector<128x640xbf16>, vector<128x640xf32> -> vector<128x640xf32>
    %add3A_384 = arith.addf %add3A_378, %dot_general3A_383 : vector<128x640xf32>
    %swap3A_385 = arith.constant 0 : index
    %swap3A_386 = arith.constant 1 : index
    %swap3A_387 = arith.constant 0 : index
    %swap3A_388 = arith.constant 0 : index
    %swap3A_389 = vector.load %arg9[%swap3A_385, %swap3A_386, %swap3A_387, %swap3A_388] : memref<1x4x128x640xf32, #tpu.memory_space<vmem>>, vector<1x1x128x640xf32>
    %swap3A_390 = vector.shape_cast %swap3A_389 : vector<1x1x128x640xf32> to vector<128x640xf32>
    %swap3A_391 = vector.shape_cast %add3A_384 : vector<128x640xf32> to vector<1x1x128x640xf32>
    tpu.vector_store %arg9[%swap3A_385, %swap3A_386, %swap3A_387, %swap3A_388], %swap3A_391 {strides = array<i32>} : memref<1x4x128x640xf32, #tpu.memory_space<vmem>>, vector<1x1x128x640xf32>,
    %reduce_sum3A_392 = arith.constant dense<0.000000e+00> : vector<128xf32>
    %reduce_sum3A_393 = vector.multi_reduction <add>, %add3A_384, %reduce_sum3A_392 [1] : vector<128x640xf32> to vector<128xf32>
    %broadcast_in_dim3A_394 = vector.shape_cast %reduce_sum3A_393 : vector<128xf32> to vector<128x1xf32>
    %add3A_395 = arith.addf %add3A_320, %broadcast_in_dim3A_394 : vector<128x1xf32>
    %mul3A_396 = arith.mulf %add3A_384, %add3A_384 : vector<128x640xf32>
    %reduce_sum3A_397 = arith.constant dense<0.000000e+00> : vector<128xf32>
    %reduce_sum3A_398 = vector.multi_reduction <add>, %mul3A_396, %reduce_sum3A_397 [1] : vector<128x640xf32> to vector<128xf32>
    %broadcast_in_dim3A_399 = vector.shape_cast %reduce_sum3A_398 : vector<128xf32> to vector<128x1xf32>
    %add3A_400 = arith.addf %add3A_325, %broadcast_in_dim3A_399 : vector<128x1xf32>
    %get3A_401 = arith.constant 0 : index
    %get3A_402 = arith.constant 0 : index
    %get3A_403 = vector.load %arg6[%get3A_401, %get3A_402] : memref<128x1xf32, #tpu.memory_space<vmem>>, vector<128x1xf32>
    %broadcast_in_dim3A_404 = vector.shape_cast %get3A_403 : vector<128x1xf32> to vector<128x1xf32>
    %broadcast_in_dim3A_405 = vector.broadcast %broadcast_in_dim3A_404 : vector<128x1xf32> to vector<128x640xf32>
    %slice3A_406 = vector.extract_strided_slice %convert_element_type3A_273 {offsets = [0, 0, 0, 0], sizes = [1, 1, 128, 128], strides = [1, 1, 1, 1]} : vector<3x3x128x128xbf16> to vector<1x1x128x128xbf16>
    %squeeze3A_407 = vector.shape_cast %slice3A_406 : vector<1x1x128x128xbf16> to vector<128x128xbf16>
    %slice3A_408 = vector.extract_strided_slice %concatenate3A_123 {offsets = [0, 0], sizes = [128, 640], strides = [1, 1]} : vector<128x642xbf16> to vector<128x640xbf16>
    %dot_general3A_409 = arith.constant dense<0.000000e+00> : vector<128x640xf32>
    %dot_general3A_410 = tpu.matmul %squeeze3A_407, %slice3A_408, %dot_general3A_409 {dimension_numbers = #tpu.dot_dimension_numbers<[1], [0], [0], [1], [0, 0, 1, 1], [], []>, transpose_lhs_hint = false} : vector<128x128xbf16>, vector<128x640xbf16>, vector<128x640xf32> -> vector<128x640xf32>
    %add3A_411 = arith.addf %broadcast_in_dim3A_405, %dot_general3A_410 : vector<128x640xf32>
    %slice3A_412 = vector.extract_strided_slice %convert_element_type3A_273 {offsets = [0, 1, 0, 0], sizes = [1, 1, 128, 128], strides = [1, 1, 1, 1]} : vector<3x3x128x128xbf16> to vector<1x1x128x128xbf16>
    %squeeze3A_413 = vector.shape_cast %slice3A_412 : vector<1x1x128x128xbf16> to vector<128x128xbf16>
    %slice3A_414 = vector.extract_strided_slice %concatenate3A_123 {offsets = [0, 1], sizes = [128, 640], strides = [1, 1]} : vector<128x642xbf16> to vector<128x640xbf16>
    %dot_general3A_415 = arith.constant dense<0.000000e+00> : vector<128x640xf32>
    %dot_general3A_416 = tpu.matmul %squeeze3A_413, %slice3A_414, %dot_general3A_415 {dimension_numbers = #tpu.dot_dimension_numbers<[1], [0], [0], [1], [0, 0, 1, 1], [], []>, transpose_lhs_hint = false} : vector<128x128xbf16>, vector<128x640xbf16>, vector<128x640xf32> -> vector<128x640xf32>
    %add3A_417 = arith.addf %add3A_411, %dot_general3A_416 : vector<128x640xf32>
    %slice3A_418 = vector.extract_strided_slice %convert_element_type3A_273 {offsets = [0, 2, 0, 0], sizes = [1, 1, 128, 128], strides = [1, 1, 1, 1]} : vector<3x3x128x128xbf16> to vector<1x1x128x128xbf16>
    %squeeze3A_419 = vector.shape_cast %slice3A_418 : vector<1x1x128x128xbf16> to vector<128x128xbf16>
    %slice3A_420 = vector.extract_strided_slice %concatenate3A_123 {offsets = [0, 2], sizes = [128, 640], strides = [1, 1]} : vector<128x642xbf16> to vector<128x640xbf16>
    %dot_general3A_421 = arith.constant dense<0.000000e+00> : vector<128x640xf32>
    %dot_general3A_422 = tpu.matmul %squeeze3A_419, %slice3A_420, %dot_general3A_421 {dimension_numbers = #tpu.dot_dimension_numbers<[1], [0], [0], [1], [0, 0, 1, 1], [], []>, transpose_lhs_hint = false} : vector<128x128xbf16>, vector<128x640xbf16>, vector<128x640xf32> -> vector<128x640xf32>
    %add3A_423 = arith.addf %add3A_417, %dot_general3A_422 : vector<128x640xf32>
    %slice3A_424 = vector.extract_strided_slice %convert_element_type3A_273 {offsets = [1, 0, 0, 0], sizes = [1, 1, 128, 128], strides = [1, 1, 1, 1]} : vector<3x3x128x128xbf16> to vector<1x1x128x128xbf16>
    %squeeze3A_425 = vector.shape_cast %slice3A_424 : vector<1x1x128x128xbf16> to vector<128x128xbf16>
    %slice3A_426 = vector.extract_strided_slice %concatenate3A_190 {offsets = [0, 0], sizes = [128, 640], strides = [1, 1]} : vector<128x642xbf16> to vector<128x640xbf16>
    %dot_general3A_427 = arith.constant dense<0.000000e+00> : vector<128x640xf32>
    %dot_general3A_428 = tpu.matmul %squeeze3A_425, %slice3A_426, %dot_general3A_427 {dimension_numbers = #tpu.dot_dimension_numbers<[1], [0], [0], [1], [0, 0, 1, 1], [], []>, transpose_lhs_hint = false} : vector<128x128xbf16>, vector<128x640xbf16>, vector<128x640xf32> -> vector<128x640xf32>
    %add3A_429 = arith.addf %add3A_423, %dot_general3A_428 : vector<128x640xf32>
    %slice3A_430 = vector.extract_strided_slice %convert_element_type3A_273 {offsets = [1, 1, 0, 0], sizes = [1, 1, 128, 128], strides = [1, 1, 1, 1]} : vector<3x3x128x128xbf16> to vector<1x1x128x128xbf16>
    %squeeze3A_431 = vector.shape_cast %slice3A_430 : vector<1x1x128x128xbf16> to vector<128x128xbf16>
    %slice3A_432 = vector.extract_strided_slice %concatenate3A_190 {offsets = [0, 1], sizes = [128, 640], strides = [1, 1]} : vector<128x642xbf16> to vector<128x640xbf16>
    %dot_general3A_433 = arith.constant dense<0.000000e+00> : vector<128x640xf32>
    %dot_general3A_434 = tpu.matmul %squeeze3A_431, %slice3A_432, %dot_general3A_433 {dimension_numbers = #tpu.dot_dimension_numbers<[1], [0], [0], [1], [0, 0, 1, 1], [], []>, transpose_lhs_hint = false} : vector<128x128xbf16>, vector<128x640xbf16>, vector<128x640xf32> -> vector<128x640xf32>
    %add3A_435 = arith.addf %add3A_429, %dot_general3A_434 : vector<128x640xf32>
    %slice3A_436 = vector.extract_strided_slice %convert_element_type3A_273 {offsets = [1, 2, 0, 0], sizes = [1, 1, 128, 128], strides = [1, 1, 1, 1]} : vector<3x3x128x128xbf16> to vector<1x1x128x128xbf16>
    %squeeze3A_437 = vector.shape_cast %slice3A_436 : vector<1x1x128x128xbf16> to vector<128x128xbf16>
    %slice3A_438 = vector.extract_strided_slice %concatenate3A_190 {offsets = [0, 2], sizes = [128, 640], strides = [1, 1]} : vector<128x642xbf16> to vector<128x640xbf16>
    %dot_general3A_439 = arith.constant dense<0.000000e+00> : vector<128x640xf32>
    %dot_general3A_440 = tpu.matmul %squeeze3A_437, %slice3A_438, %dot_general3A_439 {dimension_numbers = #tpu.dot_dimension_numbers<[1], [0], [0], [1], [0, 0, 1, 1], [], []>, transpose_lhs_hint = false} : vector<128x128xbf16>, vector<128x640xbf16>, vector<128x640xf32> -> vector<128x640xf32>
    %add3A_441 = arith.addf %add3A_435, %dot_general3A_440 : vector<128x640xf32>
    %slice3A_442 = vector.extract_strided_slice %convert_element_type3A_273 {offsets = [2, 0, 0, 0], sizes = [1, 1, 128, 128], strides = [1, 1, 1, 1]} : vector<3x3x128x128xbf16> to vector<1x1x128x128xbf16>
    %squeeze3A_443 = vector.shape_cast %slice3A_442 : vector<1x1x128x128xbf16> to vector<128x128xbf16>
    %slice3A_444 = vector.extract_strided_slice %concatenate3A_257 {offsets = [0, 0], sizes = [128, 640], strides = [1, 1]} : vector<128x642xbf16> to vector<128x640xbf16>
    %dot_general3A_445 = arith.constant dense<0.000000e+00> : vector<128x640xf32>
    %dot_general3A_446 = tpu.matmul %squeeze3A_443, %slice3A_444, %dot_general3A_445 {dimension_numbers = #tpu.dot_dimension_numbers<[1], [0], [0], [1], [0, 0, 1, 1], [], []>, transpose_lhs_hint = false} : vector<128x128xbf16>, vector<128x640xbf16>, vector<128x640xf32> -> vector<128x640xf32>
    %add3A_447 = arith.addf %add3A_441, %dot_general3A_446 : vector<128x640xf32>
    %slice3A_448 = vector.extract_strided_slice %convert_element_type3A_273 {offsets = [2, 1, 0, 0], sizes = [1, 1, 128, 128], strides = [1, 1, 1, 1]} : vector<3x3x128x128xbf16> to vector<1x1x128x128xbf16>
    %squeeze3A_449 = vector.shape_cast %slice3A_448 : vector<1x1x128x128xbf16> to vector<128x128xbf16>
    %slice3A_450 = vector.extract_strided_slice %concatenate3A_257 {offsets = [0, 1], sizes = [128, 640], strides = [1, 1]} : vector<128x642xbf16> to vector<128x640xbf16>
    %dot_general3A_451 = arith.constant dense<0.000000e+00> : vector<128x640xf32>
    %dot_general3A_452 = tpu.matmul %squeeze3A_449, %slice3A_450, %dot_general3A_451 {dimension_numbers = #tpu.dot_dimension_numbers<[1], [0], [0], [1], [0, 0, 1, 1], [], []>, transpose_lhs_hint = false} : vector<128x128xbf16>, vector<128x640xbf16>, vector<128x640xf32> -> vector<128x640xf32>
    %add3A_453 = arith.addf %add3A_447, %dot_general3A_452 : vector<128x640xf32>
    %slice3A_454 = vector.extract_strided_slice %convert_element_type3A_273 {offsets = [2, 2, 0, 0], sizes = [1, 1, 128, 128], strides = [1, 1, 1, 1]} : vector<3x3x128x128xbf16> to vector<1x1x128x128xbf16>
    %squeeze3A_455 = vector.shape_cast %slice3A_454 : vector<1x1x128x128xbf16> to vector<128x128xbf16>
    %slice3A_456 = vector.extract_strided_slice %concatenate3A_257 {offsets = [0, 2], sizes = [128, 640], strides = [1, 1]} : vector<128x642xbf16> to vector<128x640xbf16>
    %dot_general3A_457 = arith.constant dense<0.000000e+00> : vector<128x640xf32>
    %dot_general3A_458 = tpu.matmul %squeeze3A_455, %slice3A_456, %dot_general3A_457 {dimension_numbers = #tpu.dot_dimension_numbers<[1], [0], [0], [1], [0, 0, 1, 1], [], []>, transpose_lhs_hint = false} : vector<128x128xbf16>, vector<128x640xbf16>, vector<128x640xf32> -> vector<128x640xf32>
    %add3A_459 = arith.addf %add3A_453, %dot_general3A_458 : vector<128x640xf32>
    %swap3A_460 = arith.constant 0 : index
    %swap3A_461 = arith.constant 2 : index
    %swap3A_462 = arith.constant 0 : index
    %swap3A_463 = arith.constant 0 : index
    %swap3A_464 = vector.load %arg9[%swap3A_460, %swap3A_461, %swap3A_462, %swap3A_463] : memref<1x4x128x640xf32, #tpu.memory_space<vmem>>, vector<1x1x128x640xf32>
    %swap3A_465 = vector.shape_cast %swap3A_464 : vector<1x1x128x640xf32> to vector<128x640xf32>
    %swap3A_466 = vector.shape_cast %add3A_459 : vector<128x640xf32> to vector<1x1x128x640xf32>
    tpu.vector_store %arg9[%swap3A_460, %swap3A_461, %swap3A_462, %swap3A_463], %swap3A_466 {strides = array<i32>} : memref<1x4x128x640xf32, #tpu.memory_space<vmem>>, vector<1x1x128x640xf32>,
    %reduce_sum3A_467 = arith.constant dense<0.000000e+00> : vector<128xf32>
    %reduce_sum3A_468 = vector.multi_reduction <add>, %add3A_459, %reduce_sum3A_467 [1] : vector<128x640xf32> to vector<128xf32>
    %broadcast_in_dim3A_469 = vector.shape_cast %reduce_sum3A_468 : vector<128xf32> to vector<128x1xf32>
    %add3A_470 = arith.addf %add3A_395, %broadcast_in_dim3A_469 : vector<128x1xf32>
    %mul3A_471 = arith.mulf %add3A_459, %add3A_459 : vector<128x640xf32>
    %reduce_sum3A_472 = arith.constant dense<0.000000e+00> : vector<128xf32>
    %reduce_sum3A_473 = vector.multi_reduction <add>, %mul3A_471, %reduce_sum3A_472 [1] : vector<128x640xf32> to vector<128xf32>
    %broadcast_in_dim3A_474 = vector.shape_cast %reduce_sum3A_473 : vector<128xf32> to vector<128x1xf32>
    %add3A_475 = arith.addf %add3A_400, %broadcast_in_dim3A_474 : vector<128x1xf32>
    %get3A_476 = arith.constant 0 : index
    %get3A_477 = arith.constant 0 : index
    %get3A_478 = vector.load %arg6[%get3A_476, %get3A_477] : memref<128x1xf32, #tpu.memory_space<vmem>>, vector<128x1xf32>
    %broadcast_in_dim3A_479 = vector.shape_cast %get3A_478 : vector<128x1xf32> to vector<128x1xf32>
    %broadcast_in_dim3A_480 = vector.broadcast %broadcast_in_dim3A_479 : vector<128x1xf32> to vector<128x640xf32>
    %slice3A_481 = vector.extract_strided_slice %convert_element_type3A_273 {offsets = [0, 0, 0, 0], sizes = [1, 1, 128, 128], strides = [1, 1, 1, 1]} : vector<3x3x128x128xbf16> to vector<1x1x128x128xbf16>
    %squeeze3A_482 = vector.shape_cast %slice3A_481 : vector<1x1x128x128xbf16> to vector<128x128xbf16>
    %slice3A_483 = vector.extract_strided_slice %concatenate3A_190 {offsets = [0, 0], sizes = [128, 640], strides = [1, 1]} : vector<128x642xbf16> to vector<128x640xbf16>
    %dot_general3A_484 = arith.constant dense<0.000000e+00> : vector<128x640xf32>
    %dot_general3A_485 = tpu.matmul %squeeze3A_482, %slice3A_483, %dot_general3A_484 {dimension_numbers = #tpu.dot_dimension_numbers<[1], [0], [0], [1], [0, 0, 1, 1], [], []>, transpose_lhs_hint = false} : vector<128x128xbf16>, vector<128x640xbf16>, vector<128x640xf32> -> vector<128x640xf32>
    %add3A_486 = arith.addf %broadcast_in_dim3A_480, %dot_general3A_485 : vector<128x640xf32>
    %slice3A_487 = vector.extract_strided_slice %convert_element_type3A_273 {offsets = [0, 1, 0, 0], sizes = [1, 1, 128, 128], strides = [1, 1, 1, 1]} : vector<3x3x128x128xbf16> to vector<1x1x128x128xbf16>
    %squeeze3A_488 = vector.shape_cast %slice3A_487 : vector<1x1x128x128xbf16> to vector<128x128xbf16>
    %slice3A_489 = vector.extract_strided_slice %concatenate3A_190 {offsets = [0, 1], sizes = [128, 640], strides = [1, 1]} : vector<128x642xbf16> to vector<128x640xbf16>
    %dot_general3A_490 = arith.constant dense<0.000000e+00> : vector<128x640xf32>
    %dot_general3A_491 = tpu.matmul %squeeze3A_488, %slice3A_489, %dot_general3A_490 {dimension_numbers = #tpu.dot_dimension_numbers<[1], [0], [0], [1], [0, 0, 1, 1], [], []>, transpose_lhs_hint = false} : vector<128x128xbf16>, vector<128x640xbf16>, vector<128x640xf32> -> vector<128x640xf32>
    %add3A_492 = arith.addf %add3A_486, %dot_general3A_491 : vector<128x640xf32>
    %slice3A_493 = vector.extract_strided_slice %convert_element_type3A_273 {offsets = [0, 2, 0, 0], sizes = [1, 1, 128, 128], strides = [1, 1, 1, 1]} : vector<3x3x128x128xbf16> to vector<1x1x128x128xbf16>
    %squeeze3A_494 = vector.shape_cast %slice3A_493 : vector<1x1x128x128xbf16> to vector<128x128xbf16>
    %slice3A_495 = vector.extract_strided_slice %concatenate3A_190 {offsets = [0, 2], sizes = [128, 640], strides = [1, 1]} : vector<128x642xbf16> to vector<128x640xbf16>
    %dot_general3A_496 = arith.constant dense<0.000000e+00> : vector<128x640xf32>
    %dot_general3A_497 = tpu.matmul %squeeze3A_494, %slice3A_495, %dot_general3A_496 {dimension_numbers = #tpu.dot_dimension_numbers<[1], [0], [0], [1], [0, 0, 1, 1], [], []>, transpose_lhs_hint = false} : vector<128x128xbf16>, vector<128x640xbf16>, vector<128x640xf32> -> vector<128x640xf32>
    %add3A_498 = arith.addf %add3A_492, %dot_general3A_497 : vector<128x640xf32>
    %slice3A_499 = vector.extract_strided_slice %convert_element_type3A_273 {offsets = [1, 0, 0, 0], sizes = [1, 1, 128, 128], strides = [1, 1, 1, 1]} : vector<3x3x128x128xbf16> to vector<1x1x128x128xbf16>
    %squeeze3A_500 = vector.shape_cast %slice3A_499 : vector<1x1x128x128xbf16> to vector<128x128xbf16>
    %slice3A_501 = vector.extract_strided_slice %concatenate3A_257 {offsets = [0, 0], sizes = [128, 640], strides = [1, 1]} : vector<128x642xbf16> to vector<128x640xbf16>
    %dot_general3A_502 = arith.constant dense<0.000000e+00> : vector<128x640xf32>
    %dot_general3A_503 = tpu.matmul %squeeze3A_500, %slice3A_501, %dot_general3A_502 {dimension_numbers = #tpu.dot_dimension_numbers<[1], [0], [0], [1], [0, 0, 1, 1], [], []>, transpose_lhs_hint = false} : vector<128x128xbf16>, vector<128x640xbf16>, vector<128x640xf32> -> vector<128x640xf32>
    %add3A_504 = arith.addf %add3A_498, %dot_general3A_503 : vector<128x640xf32>
    %slice3A_505 = vector.extract_strided_slice %convert_element_type3A_273 {offsets = [1, 1, 0, 0], sizes = [1, 1, 128, 128], strides = [1, 1, 1, 1]} : vector<3x3x128x128xbf16> to vector<1x1x128x128xbf16>
    %squeeze3A_506 = vector.shape_cast %slice3A_505 : vector<1x1x128x128xbf16> to vector<128x128xbf16>
    %slice3A_507 = vector.extract_strided_slice %concatenate3A_257 {offsets = [0, 1], sizes = [128, 640], strides = [1, 1]} : vector<128x642xbf16> to vector<128x640xbf16>
    %dot_general3A_508 = arith.constant dense<0.000000e+00> : vector<128x640xf32>
    %dot_general3A_509 = tpu.matmul %squeeze3A_506, %slice3A_507, %dot_general3A_508 {dimension_numbers = #tpu.dot_dimension_numbers<[1], [0], [0], [1], [0, 0, 1, 1], [], []>, transpose_lhs_hint = false} : vector<128x128xbf16>, vector<128x640xbf16>, vector<128x640xf32> -> vector<128x640xf32>
    %add3A_510 = arith.addf %add3A_504, %dot_general3A_509 : vector<128x640xf32>
    %slice3A_511 = vector.extract_strided_slice %convert_element_type3A_273 {offsets = [1, 2, 0, 0], sizes = [1, 1, 128, 128], strides = [1, 1, 1, 1]} : vector<3x3x128x128xbf16> to vector<1x1x128x128xbf16>
    %squeeze3A_512 = vector.shape_cast %slice3A_511 : vector<1x1x128x128xbf16> to vector<128x128xbf16>
    %slice3A_513 = vector.extract_strided_slice %concatenate3A_257 {offsets = [0, 2], sizes = [128, 640], strides = [1, 1]} : vector<128x642xbf16> to vector<128x640xbf16>
    %dot_general3A_514 = arith.constant dense<0.000000e+00> : vector<128x640xf32>
    %dot_general3A_515 = tpu.matmul %squeeze3A_512, %slice3A_513, %dot_general3A_514 {dimension_numbers = #tpu.dot_dimension_numbers<[1], [0], [0], [1], [0, 0, 1, 1], [], []>, transpose_lhs_hint = false} : vector<128x128xbf16>, vector<128x640xbf16>, vector<128x640xf32> -> vector<128x640xf32>
    %add3A_516 = arith.addf %add3A_510, %dot_general3A_515 : vector<128x640xf32>
    %swap3A_517 = arith.constant 0 : index
    %swap3A_518 = arith.constant 3 : index
    %swap3A_519 = arith.constant 0 : index
    %swap3A_520 = arith.constant 0 : index
    %swap3A_521 = vector.load %arg9[%swap3A_517, %swap3A_518, %swap3A_519, %swap3A_520] : memref<1x4x128x640xf32, #tpu.memory_space<vmem>>, vector<1x1x128x640xf32>
    %swap3A_522 = vector.shape_cast %swap3A_521 : vector<1x1x128x640xf32> to vector<128x640xf32>
    %swap3A_523 = vector.shape_cast %add3A_516 : vector<128x640xf32> to vector<1x1x128x640xf32>
    tpu.vector_store %arg9[%swap3A_517, %swap3A_518, %swap3A_519, %swap3A_520], %swap3A_523 {strides = array<i32>} : memref<1x4x128x640xf32, #tpu.memory_space<vmem>>, vector<1x1x128x640xf32>,
    %reduce_sum3A_524 = arith.constant dense<0.000000e+00> : vector<128xf32>
    %reduce_sum3A_525 = vector.multi_reduction <add>, %add3A_516, %reduce_sum3A_524 [1] : vector<128x640xf32> to vector<128xf32>
    %broadcast_in_dim3A_526 = vector.shape_cast %reduce_sum3A_525 : vector<128xf32> to vector<128x1xf32>
    %add3A_527 = arith.addf %add3A_470, %broadcast_in_dim3A_526 : vector<128x1xf32>
    %mul3A_528 = arith.mulf %add3A_516, %add3A_516 : vector<128x640xf32>
    %reduce_sum3A_529 = arith.constant dense<0.000000e+00> : vector<128xf32>
    %reduce_sum3A_530 = vector.multi_reduction <add>, %mul3A_528, %reduce_sum3A_529 [1] : vector<128x640xf32> to vector<128xf32>
    %broadcast_in_dim3A_531 = vector.shape_cast %reduce_sum3A_530 : vector<128xf32> to vector<128x1xf32>
    %add3A_532 = arith.addf %add3A_475, %broadcast_in_dim3A_531 : vector<128x1xf32>
    %get3A_533 = arith.constant 0 : index
    %get3A_534 = arith.constant 0 : index
    %get3A_535 = vector.load %arg10[%get3A_533, %get3A_534] : memref<128x1xf32, #tpu.memory_space<vmem>>, vector<128x1xf32>
    %add3A_536 = arith.addf %get3A_535, %add3A_527 : vector<128x1xf32>
    %swap3A_537 = arith.constant 0 : index
    %swap3A_538 = arith.constant 0 : index
    %swap3A_539 = vector.load %arg10[%swap3A_537, %swap3A_538] : memref<128x1xf32, #tpu.memory_space<vmem>>, vector<128x1xf32>
    tpu.vector_store %arg10[%swap3A_537, %swap3A_538], %add3A_536 {strides = array<i32>} : memref<128x1xf32, #tpu.memory_space<vmem>>, vector<128x1xf32>,
    %get3A_540 = arith.constant 0 : index
    %get3A_541 = arith.constant 0 : index
    %get3A_542 = vector.load %arg11[%get3A_540, %get3A_541] : memref<128x1xf32, #tpu.memory_space<vmem>>, vector<128x1xf32>
    %add3A_543 = arith.addf %get3A_542, %add3A_532 : vector<128x1xf32>
    %swap3A_544 = arith.constant 0 : index
    %swap3A_545 = arith.constant 0 : index
    %swap3A_546 = vector.load %arg11[%swap3A_544, %swap3A_545] : memref<128x1xf32, #tpu.memory_space<vmem>>, vector<128x1xf32>
    tpu.vector_store %arg11[%swap3A_544, %swap3A_545], %add3A_543 {strides = array<i32>} : memref<128x1xf32, #tpu.memory_space<vmem>>, vector<128x1xf32>,
    return
  }
  func.func @transform_0(%arg0: i32, %arg1: i32) -> (i32, i32, i32, i32) {
    %sub3A = arith.constant 1 : i32
    %sub3A_0 = arith.subi %arg1, %sub3A : i32
    %max3A = arith.constant 0 : i32
    %max3A_1 = arith.maxsi %sub3A_0, %max3A : i32
    %c0_i32 = arith.constant 0 : i32
    %c0_i32_2 = arith.constant 0 : i32
    %c0_i32_3 = arith.constant 0 : i32
    return %arg0, %c0_i32, %c0_i32_2, %max3A_1 : i32, i32, i32, i32
  }
  func.func @transform_1(%arg0: i32, %arg1: i32) -> (i32, i32, i32, i32) {
    %c0_i32 = arith.constant 0 : i32
    %c0_i32_0 = arith.constant 0 : i32
    %c0_i32_1 = arith.constant 0 : i32
    return %arg0, %c0_i32, %c0_i32_0, %arg1 : i32, i32, i32, i32
  }
  func.func @transform_2(%arg0: i32, %arg1: i32) -> (i32, i32, i32, i32) {
    %add3A = arith.constant 1 : i32
    %add3A_0 = arith.addi %arg1, %add3A : i32
    %min3A = arith.constant 19 : i32
    %min3A_1 = arith.minsi %add3A_0, %min3A : i32
    %c0_i32 = arith.constant 0 : i32
    %c0_i32_2 = arith.constant 0 : i32
    %c0_i32_3 = arith.constant 0 : i32
    return %arg0, %c0_i32, %c0_i32_2, %min3A_1 : i32, i32, i32, i32
  }
  func.func @transform_3(%arg0: i32, %arg1: i32) -> (i32, i32, i32, i32) {
    %c0_i32 = arith.constant 0 : i32
    %c0_i32_0 = arith.constant 0 : i32
    %c0_i32_1 = arith.constant 0 : i32
    %c0_i32_2 = arith.constant 0 : i32
    %c0_i32_3 = arith.constant 0 : i32
    return %c0_i32, %c0_i32_0, %c0_i32_1, %c0_i32_2 : i32, i32, i32, i32
  }
  func.func @transform_4(%arg0: i32, %arg1: i32) -> (i32, i32) {
    %c0_i32 = arith.constant 0 : i32
    %c0_i32_0 = arith.constant 0 : i32
    %c0_i32_1 = arith.constant 0 : i32
    return %c0_i32, %c0_i32_0 : i32, i32
  }
  func.func @transform_5(%arg0: i32, %arg1: i32) -> (i32, i32) {
    %c0_i32 = arith.constant 0 : i32
    %c0_i32_0 = arith.constant 0 : i32
    %c0_i32_1 = arith.constant 0 : i32
    return %c0_i32, %c0_i32_0 : i32, i32
  }
  func.func @transform_6(%arg0: i32, %arg1: i32) -> (i32, i32) {
    %c0_i32 = arith.constant 0 : i32
    %c0_i32_0 = arith.constant 0 : i32
    %c0_i32_1 = arith.constant 0 : i32
    return %c0_i32, %c0_i32_0 : i32, i32
  }
  func.func @transform_7(%arg0: i32, %arg1: i32) -> (i32, i32, i32, i32) {
    %c0_i32 = arith.constant 0 : i32
    %c0_i32_0 = arith.constant 0 : i32
    %c0_i32_1 = arith.constant 0 : i32
    return %arg0, %c0_i32, %c0_i32_0, %arg1 : i32, i32, i32, i32
  }
  func.func @transform_8(%arg0: i32, %arg1: i32) -> (i32, i32) {
    %c0_i32 = arith.constant 0 : i32
    %c0_i32_0 = arith.constant 0 : i32
    %c0_i32_1 = arith.constant 0 : i32
    return %c0_i32, %c0_i32_0 : i32, i32
  }
  func.func @transform_9(%arg0: i32, %arg1: i32) -> (i32, i32) {
    %c0_i32 = arith.constant 0 : i32
    %c0_i32_0 = arith.constant 0 : i32
    %c0_i32_1 = arith.constant 0 : i32
    return %c0_i32, %c0_i32_0 : i32, i32
  }
}

module attributes {stable_mosaic.version = 14 : i64} {
  func.func @body(%arg0: i32, %arg1: i32, %arg2: memref<1x4x128x1280xf32, #tpu.memory_space<vmem>>, %arg3: memref<1x4x128x1280xf32, #tpu.memory_space<vmem>>, %arg4: memref<1280x640xf32, #tpu.memory_space<vmem>>, %arg5: memref<1280x640xf32, #tpu.memory_space<vmem>>, %arg6: memref<128x1xf32, #tpu.memory_space<vmem>>, %arg7: memref<128x1xf32, #tpu.memory_space<vmem>>, %arg8: memref<128x1xf32, #tpu.memory_space<vmem>>, %arg9: memref<128x1xf32, #tpu.memory_space<vmem>>, %arg10: memref<1x2x128x640xf32, #tpu.memory_space<vmem>>) attributes {dimension_semantics = [#tpu.dimension_semantics<arbitrary>, #tpu.dimension_semantics<arbitrary>], iteration_bounds = array<i64: 2, 10>, scalar_prefetch = 0 : i64, scratch_operands = 0 : i64, tpu.core_type = #tpu.core_type<tc>, window_params = [{transform_indices = @transform_0, window_bounds = array<i64: 1, 4, 128, 1280>}, {transform_indices = @transform_1, window_bounds = array<i64: 1, 4, 128, 1280>}, {pipeline_mode = #tpu.pipeline_mode<synchronous>, transform_indices = @transform_2, window_bounds = array<i64: 1280, 640>}, {pipeline_mode = #tpu.pipeline_mode<synchronous>, transform_indices = @transform_3, window_bounds = array<i64: 1280, 640>}, {pipeline_mode = #tpu.pipeline_mode<synchronous>, transform_indices = @transform_4, window_bounds = array<i64: 128, 1>}, {pipeline_mode = #tpu.pipeline_mode<synchronous>, transform_indices = @transform_5, window_bounds = array<i64: 128, 1>}, {pipeline_mode = #tpu.pipeline_mode<synchronous>, transform_indices = @transform_6, window_bounds = array<i64: 128, 1>}, {pipeline_mode = #tpu.pipeline_mode<synchronous>, transform_indices = @transform_7, window_bounds = array<i64: 128, 1>}, {transform_indices = @transform_8, window_bounds = array<i64: 1, 2, 128, 640>}]} {
    %get3A = arith.constant 0 : index
    %get3A_0 = arith.constant 0 : index
    %get3A_1 = vector.load %arg6[%get3A, %get3A_0] : memref<128x1xf32, #tpu.memory_space<vmem>>, vector<128x1xf32>
    %get3A_2 = arith.constant 0 : index
    %get3A_3 = arith.constant 0 : index
    %get3A_4 = vector.load %arg7[%get3A_2, %get3A_3] : memref<128x1xf32, #tpu.memory_space<vmem>>, vector<128x1xf32>
    %get3A_5 = arith.constant 0 : index
    %get3A_6 = arith.constant 0 : index
    %get3A_7 = vector.load %arg8[%get3A_5, %get3A_6] : memref<128x1xf32, #tpu.memory_space<vmem>>, vector<128x1xf32>
    %get3A_8 = arith.constant 0 : index
    %get3A_9 = arith.constant 0 : index
    %get3A_10 = vector.load %arg9[%get3A_8, %get3A_9] : memref<128x1xf32, #tpu.memory_space<vmem>>, vector<128x1xf32>
    %get3A_11 = arith.constant 0 : index
    %get3A_12 = arith.constant 0 : index
    %get3A_13 = arith.constant 0 : index
    %get3A_14 = arith.constant 0 : index
    %get3A_15 = vector.load %arg2[%get3A_11, %get3A_12, %get3A_13, %get3A_14] : memref<1x4x128x1280xf32, #tpu.memory_space<vmem>>, vector<1x1x128x1280xf32>
    %get3A_16 = vector.shape_cast %get3A_15 : vector<1x1x128x1280xf32> to vector<128x1280xf32>
    %mul3A = vector.broadcast %get3A_1 : vector<128x1xf32> to vector<128x1280xf32>
    %mul3A_17 = arith.mulf %get3A_16, %mul3A : vector<128x1280xf32>
    %add3A = vector.broadcast %get3A_4 : vector<128x1xf32> to vector<128x1280xf32>
    %add3A_18 = arith.addf %mul3A_17, %add3A : vector<128x1280xf32>
    %get3A_19 = arith.constant 0 : index
    %get3A_20 = arith.constant 0 : index
    %get3A_21 = arith.constant 0 : index
    %get3A_22 = arith.constant 0 : index
    %get3A_23 = vector.load %arg3[%get3A_19, %get3A_20, %get3A_21, %get3A_22] : memref<1x4x128x1280xf32, #tpu.memory_space<vmem>>, vector<1x1x128x1280xf32>
    %get3A_24 = vector.shape_cast %get3A_23 : vector<1x1x128x1280xf32> to vector<128x1280xf32>
    %mul3A_25 = vector.broadcast %get3A_7 : vector<128x1xf32> to vector<128x1280xf32>
    %mul3A_26 = arith.mulf %get3A_24, %mul3A_25 : vector<128x1280xf32>
    %add3A_27 = arith.addf %add3A_18, %mul3A_26 : vector<128x1280xf32>
    %add3A_28 = vector.broadcast %get3A_10 : vector<128x1xf32> to vector<128x1280xf32>
    %add3A_29 = arith.addf %add3A_27, %add3A_28 : vector<128x1280xf32>
    %get3A_30 = arith.constant 0 : index
    %get3A_31 = arith.constant 1 : index
    %get3A_32 = arith.constant 0 : index
    %get3A_33 = arith.constant 0 : index
    %get3A_34 = vector.load %arg2[%get3A_30, %get3A_31, %get3A_32, %get3A_33] : memref<1x4x128x1280xf32, #tpu.memory_space<vmem>>, vector<1x1x128x1280xf32>
    %get3A_35 = vector.shape_cast %get3A_34 : vector<1x1x128x1280xf32> to vector<128x1280xf32>
    %mul3A_36 = vector.broadcast %get3A_1 : vector<128x1xf32> to vector<128x1280xf32>
    %mul3A_37 = arith.mulf %get3A_35, %mul3A_36 : vector<128x1280xf32>
    %add3A_38 = vector.broadcast %get3A_4 : vector<128x1xf32> to vector<128x1280xf32>
    %add3A_39 = arith.addf %mul3A_37, %add3A_38 : vector<128x1280xf32>
    %get3A_40 = arith.constant 0 : index
    %get3A_41 = arith.constant 1 : index
    %get3A_42 = arith.constant 0 : index
    %get3A_43 = arith.constant 0 : index
    %get3A_44 = vector.load %arg3[%get3A_40, %get3A_41, %get3A_42, %get3A_43] : memref<1x4x128x1280xf32, #tpu.memory_space<vmem>>, vector<1x1x128x1280xf32>
    %get3A_45 = vector.shape_cast %get3A_44 : vector<1x1x128x1280xf32> to vector<128x1280xf32>
    %mul3A_46 = vector.broadcast %get3A_7 : vector<128x1xf32> to vector<128x1280xf32>
    %mul3A_47 = arith.mulf %get3A_45, %mul3A_46 : vector<128x1280xf32>
    %add3A_48 = arith.addf %add3A_39, %mul3A_47 : vector<128x1280xf32>
    %add3A_49 = vector.broadcast %get3A_10 : vector<128x1xf32> to vector<128x1280xf32>
    %add3A_50 = arith.addf %add3A_48, %add3A_49 : vector<128x1280xf32>
    %max3A = arith.maximumf %add3A_29, %add3A_50 : vector<128x1280xf32>
    %get3A_51 = arith.constant 0 : index
    %get3A_52 = arith.constant 0 : index
    %get3A_53 = vector.load %arg4[%get3A_51, %get3A_52] : memref<1280x640xf32, #tpu.memory_space<vmem>>, vector<1280x640xf32>
    %dot_general3A = arith.constant dense<0.000000e+00> : vector<128x640xf32>
    %dot_general3A_54 = tpu.matmul %max3A, %get3A_53, %dot_general3A {dimension_numbers = #tpu.dot_dimension_numbers<[1], [0], [0], [1], [0, 0, 1, 1], [], []>, transpose_lhs_hint = false} : vector<128x1280xf32>, vector<1280x640xf32>, vector<128x640xf32> -> vector<128x640xf32>
    %get3A_55 = arith.constant 0 : index
    %get3A_56 = arith.constant 0 : index
    %get3A_57 = vector.load %arg5[%get3A_55, %get3A_56] : memref<1280x640xf32, #tpu.memory_space<vmem>>, vector<1280x640xf32>
    %dot_general3A_58 = arith.constant dense<0.000000e+00> : vector<128x640xf32>
    %dot_general3A_59 = tpu.matmul %max3A, %get3A_57, %dot_general3A_58 {dimension_numbers = #tpu.dot_dimension_numbers<[1], [0], [0], [1], [0, 0, 1, 1], [], []>, transpose_lhs_hint = false} : vector<128x1280xf32>, vector<1280x640xf32>, vector<128x640xf32> -> vector<128x640xf32>
    %max3A_60 = arith.maximumf %dot_general3A_54, %dot_general3A_59 : vector<128x640xf32>
    %max3A_61 = arith.constant 0.000000e+00 : f32
    %max3A_62 = vector.broadcast %max3A_61 : f32 to vector<128x640xf32>
    %max3A_63 = arith.maximumf %max3A_60, %max3A_62 : vector<128x640xf32>
    %swap3A = arith.constant 0 : index
    %swap3A_64 = arith.constant 0 : index
    %swap3A_65 = arith.constant 0 : index
    %swap3A_66 = arith.constant 0 : index
    %swap3A_67 = vector.load %arg10[%swap3A, %swap3A_64, %swap3A_65, %swap3A_66] : memref<1x2x128x640xf32, #tpu.memory_space<vmem>>, vector<1x1x128x640xf32>
    %swap3A_68 = vector.shape_cast %swap3A_67 : vector<1x1x128x640xf32> to vector<128x640xf32>
    %swap3A_69 = vector.shape_cast %max3A_63 : vector<128x640xf32> to vector<1x1x128x640xf32>
    tpu.vector_store %arg10[%swap3A, %swap3A_64, %swap3A_65, %swap3A_66], %swap3A_69 {strides = array<i32>} : memref<1x2x128x640xf32, #tpu.memory_space<vmem>>, vector<1x1x128x640xf32>,
    %get3A_70 = arith.constant 0 : index
    %get3A_71 = arith.constant 2 : index
    %get3A_72 = arith.constant 0 : index
    %get3A_73 = arith.constant 0 : index
    %get3A_74 = vector.load %arg2[%get3A_70, %get3A_71, %get3A_72, %get3A_73] : memref<1x4x128x1280xf32, #tpu.memory_space<vmem>>, vector<1x1x128x1280xf32>
    %get3A_75 = vector.shape_cast %get3A_74 : vector<1x1x128x1280xf32> to vector<128x1280xf32>
    %mul3A_76 = vector.broadcast %get3A_1 : vector<128x1xf32> to vector<128x1280xf32>
    %mul3A_77 = arith.mulf %get3A_75, %mul3A_76 : vector<128x1280xf32>
    %add3A_78 = vector.broadcast %get3A_4 : vector<128x1xf32> to vector<128x1280xf32>
    %add3A_79 = arith.addf %mul3A_77, %add3A_78 : vector<128x1280xf32>
    %get3A_80 = arith.constant 0 : index
    %get3A_81 = arith.constant 2 : index
    %get3A_82 = arith.constant 0 : index
    %get3A_83 = arith.constant 0 : index
    %get3A_84 = vector.load %arg3[%get3A_80, %get3A_81, %get3A_82, %get3A_83] : memref<1x4x128x1280xf32, #tpu.memory_space<vmem>>, vector<1x1x128x1280xf32>
    %get3A_85 = vector.shape_cast %get3A_84 : vector<1x1x128x1280xf32> to vector<128x1280xf32>
    %mul3A_86 = vector.broadcast %get3A_7 : vector<128x1xf32> to vector<128x1280xf32>
    %mul3A_87 = arith.mulf %get3A_85, %mul3A_86 : vector<128x1280xf32>
    %add3A_88 = arith.addf %add3A_79, %mul3A_87 : vector<128x1280xf32>
    %add3A_89 = vector.broadcast %get3A_10 : vector<128x1xf32> to vector<128x1280xf32>
    %add3A_90 = arith.addf %add3A_88, %add3A_89 : vector<128x1280xf32>
    %get3A_91 = arith.constant 0 : index
    %get3A_92 = arith.constant 3 : index
    %get3A_93 = arith.constant 0 : index
    %get3A_94 = arith.constant 0 : index
    %get3A_95 = vector.load %arg2[%get3A_91, %get3A_92, %get3A_93, %get3A_94] : memref<1x4x128x1280xf32, #tpu.memory_space<vmem>>, vector<1x1x128x1280xf32>
    %get3A_96 = vector.shape_cast %get3A_95 : vector<1x1x128x1280xf32> to vector<128x1280xf32>
    %mul3A_97 = vector.broadcast %get3A_1 : vector<128x1xf32> to vector<128x1280xf32>
    %mul3A_98 = arith.mulf %get3A_96, %mul3A_97 : vector<128x1280xf32>
    %add3A_99 = vector.broadcast %get3A_4 : vector<128x1xf32> to vector<128x1280xf32>
    %add3A_100 = arith.addf %mul3A_98, %add3A_99 : vector<128x1280xf32>
    %get3A_101 = arith.constant 0 : index
    %get3A_102 = arith.constant 3 : index
    %get3A_103 = arith.constant 0 : index
    %get3A_104 = arith.constant 0 : index
    %get3A_105 = vector.load %arg3[%get3A_101, %get3A_102, %get3A_103, %get3A_104] : memref<1x4x128x1280xf32, #tpu.memory_space<vmem>>, vector<1x1x128x1280xf32>
    %get3A_106 = vector.shape_cast %get3A_105 : vector<1x1x128x1280xf32> to vector<128x1280xf32>
    %mul3A_107 = vector.broadcast %get3A_7 : vector<128x1xf32> to vector<128x1280xf32>
    %mul3A_108 = arith.mulf %get3A_106, %mul3A_107 : vector<128x1280xf32>
    %add3A_109 = arith.addf %add3A_100, %mul3A_108 : vector<128x1280xf32>
    %add3A_110 = vector.broadcast %get3A_10 : vector<128x1xf32> to vector<128x1280xf32>
    %add3A_111 = arith.addf %add3A_109, %add3A_110 : vector<128x1280xf32>
    %max3A_112 = arith.maximumf %add3A_90, %add3A_111 : vector<128x1280xf32>
    %get3A_113 = arith.constant 0 : index
    %get3A_114 = arith.constant 0 : index
    %get3A_115 = vector.load %arg4[%get3A_113, %get3A_114] : memref<1280x640xf32, #tpu.memory_space<vmem>>, vector<1280x640xf32>
    %dot_general3A_116 = arith.constant dense<0.000000e+00> : vector<128x640xf32>
    %dot_general3A_117 = tpu.matmul %max3A_112, %get3A_115, %dot_general3A_116 {dimension_numbers = #tpu.dot_dimension_numbers<[1], [0], [0], [1], [0, 0, 1, 1], [], []>, transpose_lhs_hint = false} : vector<128x1280xf32>, vector<1280x640xf32>, vector<128x640xf32> -> vector<128x640xf32>
    %get3A_118 = arith.constant 0 : index
    %get3A_119 = arith.constant 0 : index
    %get3A_120 = vector.load %arg5[%get3A_118, %get3A_119] : memref<1280x640xf32, #tpu.memory_space<vmem>>, vector<1280x640xf32>
    %dot_general3A_121 = arith.constant dense<0.000000e+00> : vector<128x640xf32>
    %dot_general3A_122 = tpu.matmul %max3A_112, %get3A_120, %dot_general3A_121 {dimension_numbers = #tpu.dot_dimension_numbers<[1], [0], [0], [1], [0, 0, 1, 1], [], []>, transpose_lhs_hint = false} : vector<128x1280xf32>, vector<1280x640xf32>, vector<128x640xf32> -> vector<128x640xf32>
    %max3A_123 = arith.maximumf %dot_general3A_117, %dot_general3A_122 : vector<128x640xf32>
    %max3A_124 = arith.constant 0.000000e+00 : f32
    %max3A_125 = vector.broadcast %max3A_124 : f32 to vector<128x640xf32>
    %max3A_126 = arith.maximumf %max3A_123, %max3A_125 : vector<128x640xf32>
    %swap3A_127 = arith.constant 0 : index
    %swap3A_128 = arith.constant 1 : index
    %swap3A_129 = arith.constant 0 : index
    %swap3A_130 = arith.constant 0 : index
    %swap3A_131 = vector.load %arg10[%swap3A_127, %swap3A_128, %swap3A_129, %swap3A_130] : memref<1x2x128x640xf32, #tpu.memory_space<vmem>>, vector<1x1x128x640xf32>
    %swap3A_132 = vector.shape_cast %swap3A_131 : vector<1x1x128x640xf32> to vector<128x640xf32>
    %swap3A_133 = vector.shape_cast %max3A_126 : vector<128x640xf32> to vector<1x1x128x640xf32>
    tpu.vector_store %arg10[%swap3A_127, %swap3A_128, %swap3A_129, %swap3A_130], %swap3A_133 {strides = array<i32>} : memref<1x2x128x640xf32, #tpu.memory_space<vmem>>, vector<1x1x128x640xf32>,
    return
  }
  func.func @transform_0(%arg0: i32, %arg1: i32) -> (i32, i32, i32, i32) {
    %c0_i32 = arith.constant 0 : i32
    %c0_i32_0 = arith.constant 0 : i32
    %c0_i32_1 = arith.constant 0 : i32
    return %arg0, %c0_i32, %c0_i32_0, %arg1 : i32, i32, i32, i32
  }
  func.func @transform_1(%arg0: i32, %arg1: i32) -> (i32, i32, i32, i32) {
    %c0_i32 = arith.constant 0 : i32
    %c0_i32_0 = arith.constant 0 : i32
    %c0_i32_1 = arith.constant 0 : i32
    return %arg0, %c0_i32, %c0_i32_0, %arg1 : i32, i32, i32, i32
  }
  func.func @transform_2(%arg0: i32, %arg1: i32) -> (i32, i32) {
    %c0_i32 = arith.constant 0 : i32
    %c0_i32_0 = arith.constant 0 : i32
    %c0_i32_1 = arith.constant 0 : i32
    return %c0_i32, %c0_i32_0 : i32, i32
  }
  func.func @transform_3(%arg0: i32, %arg1: i32) -> (i32, i32) {
    %c0_i32 = arith.constant 0 : i32
    %c0_i32_0 = arith.constant 0 : i32
    %c0_i32_1 = arith.constant 0 : i32
    return %c0_i32, %c0_i32_0 : i32, i32
  }
  func.func @transform_4(%arg0: i32, %arg1: i32) -> (i32, i32) {
    %c0_i32 = arith.constant 0 : i32
    %c0_i32_0 = arith.constant 0 : i32
    %c0_i32_1 = arith.constant 0 : i32
    return %c0_i32, %c0_i32_0 : i32, i32
  }
  func.func @transform_5(%arg0: i32, %arg1: i32) -> (i32, i32) {
    %c0_i32 = arith.constant 0 : i32
    %c0_i32_0 = arith.constant 0 : i32
    %c0_i32_1 = arith.constant 0 : i32
    return %c0_i32, %c0_i32_0 : i32, i32
  }
  func.func @transform_6(%arg0: i32, %arg1: i32) -> (i32, i32) {
    %c0_i32 = arith.constant 0 : i32
    %c0_i32_0 = arith.constant 0 : i32
    %c0_i32_1 = arith.constant 0 : i32
    return %c0_i32, %c0_i32_0 : i32, i32
  }
  func.func @transform_7(%arg0: i32, %arg1: i32) -> (i32, i32) {
    %c0_i32 = arith.constant 0 : i32
    %c0_i32_0 = arith.constant 0 : i32
    %c0_i32_1 = arith.constant 0 : i32
    return %c0_i32, %c0_i32_0 : i32, i32
  }
  func.func @transform_8(%arg0: i32, %arg1: i32) -> (i32, i32, i32, i32) {
    %c0_i32 = arith.constant 0 : i32
    %c0_i32_0 = arith.constant 0 : i32
    %c0_i32_1 = arith.constant 0 : i32
    return %arg0, %c0_i32, %c0_i32_0, %arg1 : i32, i32, i32, i32
  }
}

module attributes {stable_mosaic.version = 14 : i64} {
  func.func @body(%arg0: i32, %arg1: i32, %arg2: memref<1x2x128x640xf32, #tpu.memory_space<vmem>>, %arg3: memref<1x2x128x640xf32, #tpu.memory_space<vmem>>, %arg4: memref<1x2x128x640xf32, #tpu.memory_space<vmem>>, %arg5: memref<3x3x256x128xf32, #tpu.memory_space<vmem>>, %arg6: memref<256x1xf32, #tpu.memory_space<vmem>>, %arg7: memref<256x128xf32, #tpu.memory_space<vmem>>, %arg8: memref<256x1xf32, #tpu.memory_space<vmem>>, %arg9: memref<1x2x256x640xf32, #tpu.memory_space<vmem>>, %arg10: memref<256x1xf32, #tpu.memory_space<vmem>>, %arg11: memref<256x1xf32, #tpu.memory_space<vmem>>, %arg12: memref<1x2x256x640xf32, #tpu.memory_space<vmem>>, %arg13: memref<256x1xf32, #tpu.memory_space<vmem>>, %arg14: memref<256x1xf32, #tpu.memory_space<vmem>>) attributes {dimension_semantics = [#tpu.dimension_semantics<arbitrary>, #tpu.dimension_semantics<arbitrary>], iteration_bounds = array<i64: 2, 10>, scalar_prefetch = 0 : i64, scratch_operands = 0 : i64, tpu.core_type = #tpu.core_type<tc>, window_params = [{transform_indices = @transform_0, window_bounds = array<i64: 1, 2, 128, 640>}, {transform_indices = @transform_1, window_bounds = array<i64: 1, 2, 128, 640>}, {transform_indices = @transform_2, window_bounds = array<i64: 1, 2, 128, 640>}, {pipeline_mode = #tpu.pipeline_mode<synchronous>, transform_indices = @transform_3, window_bounds = array<i64: 3, 3, 256, 128>}, {pipeline_mode = #tpu.pipeline_mode<synchronous>, transform_indices = @transform_4, window_bounds = array<i64: 256, 1>}, {pipeline_mode = #tpu.pipeline_mode<synchronous>, transform_indices = @transform_5, window_bounds = array<i64: 256, 128>}, {pipeline_mode = #tpu.pipeline_mode<synchronous>, transform_indices = @transform_6, window_bounds = array<i64: 256, 1>}, {transform_indices = @transform_7, window_bounds = array<i64: 1, 2, 256, 640>}, {pipeline_mode = #tpu.pipeline_mode<synchronous>, transform_indices = @transform_8, window_bounds = array<i64: 256, 1>}, {pipeline_mode = #tpu.pipeline_mode<synchronous>, transform_indices = @transform_9, window_bounds = array<i64: 256, 1>}, {transform_indices = @transform_10, window_bounds = array<i64: 1, 2, 256, 640>}, {pipeline_mode = #tpu.pipeline_mode<synchronous>, transform_indices = @transform_11, window_bounds = array<i64: 256, 1>}, {pipeline_mode = #tpu.pipeline_mode<synchronous>, transform_indices = @transform_12, window_bounds = array<i64: 256, 1>}]} {
    %eq3A = arith.constant 0 : i32
    %eq3A_0 = arith.cmpi eq, %arg1, %eq3A : i32
    %get3A = arith.constant 0 : index
    %get3A_1 = arith.constant 0 : index
    %get3A_2 = arith.constant 0 : index
    %get3A_3 = arith.constant 639 : index
    %get3A_4 = vector.load %arg2[%get3A, %get3A_1, %get3A_2, %get3A_3] : memref<1x2x128x640xf32, #tpu.memory_space<vmem>>, vector<1x1x128x1xf32>
    %get3A_5 = vector.shape_cast %get3A_4 : vector<1x1x128x1xf32> to vector<128x1xf32>
    %convert_element_type3A = arith.truncf %get3A_5 : vector<128x1xf32> to vector<128x1xbf16>
    %jit3A = arith.constant 0.000000e+00 : bf16
    %broadcast_in_dim3A = vector.broadcast %jit3A : bf16 to vector<128x1xbf16>
    %select_n3A = arith.select %eq3A_0, %broadcast_in_dim3A, %convert_element_type3A : vector<128x1xbf16>
    %eq3A_6 = arith.constant 9 : i32
    %eq3A_7 = arith.cmpi eq, %arg1, %eq3A_6 : i32
    %get3A_8 = arith.constant 0 : index
    %get3A_9 = arith.constant 0 : index
    %get3A_10 = arith.constant 0 : index
    %get3A_11 = arith.constant 0 : index
    %get3A_12 = vector.load %arg4[%get3A_8, %get3A_9, %get3A_10, %get3A_11] : memref<1x2x128x640xf32, #tpu.memory_space<vmem>>, vector<1x1x128x1xf32>
    %get3A_13 = vector.shape_cast %get3A_12 : vector<1x1x128x1xf32> to vector<128x1xf32>
    %convert_element_type3A_14 = arith.truncf %get3A_13 : vector<128x1xf32> to vector<128x1xbf16>
    %jit3A_15 = arith.constant 0.000000e+00 : bf16
    %broadcast_in_dim3A_16 = vector.broadcast %jit3A_15 : bf16 to vector<128x1xbf16>
    %select_n3A_17 = arith.select %eq3A_7, %broadcast_in_dim3A_16, %convert_element_type3A_14 : vector<128x1xbf16>
    %get3A_18 = arith.constant 0 : index
    %get3A_19 = arith.constant 0 : index
    %get3A_20 = arith.constant 0 : index
    %get3A_21 = arith.constant 0 : index
    %get3A_22 = vector.load %arg3[%get3A_18, %get3A_19, %get3A_20, %get3A_21] : memref<1x2x128x640xf32, #tpu.memory_space<vmem>>, vector<1x1x128x640xf32>
    %get3A_23 = vector.shape_cast %get3A_22 : vector<1x1x128x640xf32> to vector<128x640xf32>
    %convert_element_type3A_24 = arith.truncf %get3A_23 : vector<128x640xf32> to vector<128x640xbf16>
    %concatenate3A = tpu.concatenate %select_n3A, %convert_element_type3A_24, %select_n3A_17 in 1 : vector<128x1xbf16>, vector<128x640xbf16>, vector<128x1xbf16> -> vector<128x642xbf16>
    %eq3A_25 = arith.constant 0 : i32
    %eq3A_26 = arith.cmpi eq, %arg1, %eq3A_25 : i32
    %get3A_27 = arith.constant 0 : index
    %get3A_28 = arith.constant 1 : index
    %get3A_29 = arith.constant 0 : index
    %get3A_30 = arith.constant 639 : index
    %get3A_31 = vector.load %arg2[%get3A_27, %get3A_28, %get3A_29, %get3A_30] : memref<1x2x128x640xf32, #tpu.memory_space<vmem>>, vector<1x1x128x1xf32>
    %get3A_32 = vector.shape_cast %get3A_31 : vector<1x1x128x1xf32> to vector<128x1xf32>
    %convert_element_type3A_33 = arith.truncf %get3A_32 : vector<128x1xf32> to vector<128x1xbf16>
    %jit3A_34 = arith.constant 0.000000e+00 : bf16
    %broadcast_in_dim3A_35 = vector.broadcast %jit3A_34 : bf16 to vector<128x1xbf16>
    %select_n3A_36 = arith.select %eq3A_26, %broadcast_in_dim3A_35, %convert_element_type3A_33 : vector<128x1xbf16>
    %eq3A_37 = arith.constant 9 : i32
    %eq3A_38 = arith.cmpi eq, %arg1, %eq3A_37 : i32
    %get3A_39 = arith.constant 0 : index
    %get3A_40 = arith.constant 1 : index
    %get3A_41 = arith.constant 0 : index
    %get3A_42 = arith.constant 0 : index
    %get3A_43 = vector.load %arg4[%get3A_39, %get3A_40, %get3A_41, %get3A_42] : memref<1x2x128x640xf32, #tpu.memory_space<vmem>>, vector<1x1x128x1xf32>
    %get3A_44 = vector.shape_cast %get3A_43 : vector<1x1x128x1xf32> to vector<128x1xf32>
    %convert_element_type3A_45 = arith.truncf %get3A_44 : vector<128x1xf32> to vector<128x1xbf16>
    %jit3A_46 = arith.constant 0.000000e+00 : bf16
    %broadcast_in_dim3A_47 = vector.broadcast %jit3A_46 : bf16 to vector<128x1xbf16>
    %select_n3A_48 = arith.select %eq3A_38, %broadcast_in_dim3A_47, %convert_element_type3A_45 : vector<128x1xbf16>
    %get3A_49 = arith.constant 0 : index
    %get3A_50 = arith.constant 1 : index
    %get3A_51 = arith.constant 0 : index
    %get3A_52 = arith.constant 0 : index
    %get3A_53 = vector.load %arg3[%get3A_49, %get3A_50, %get3A_51, %get3A_52] : memref<1x2x128x640xf32, #tpu.memory_space<vmem>>, vector<1x1x128x640xf32>
    %get3A_54 = vector.shape_cast %get3A_53 : vector<1x1x128x640xf32> to vector<128x640xf32>
    %convert_element_type3A_55 = arith.truncf %get3A_54 : vector<128x640xf32> to vector<128x640xbf16>
    %concatenate3A_56 = tpu.concatenate %select_n3A_36, %convert_element_type3A_55, %select_n3A_48 in 1 : vector<128x1xbf16>, vector<128x640xbf16>, vector<128x1xbf16> -> vector<128x642xbf16>
    %eq3A_57 = arith.constant 0 : i32
    %eq3A_58 = arith.cmpi eq, %arg0, %eq3A_57 : i32
    %eq3A_59 = arith.constant 0 : i32
    %eq3A_60 = arith.cmpi eq, %arg1, %eq3A_59 : i32
    %and3A = arith.andi %eq3A_58, %eq3A_60 : i1
    %convert_element_type3A_61 = arith.extui %and3A : i1 to i32
    %cond3A = arith.constant 0 : i32
    %cond3A_62 = arith.cmpi ne, %convert_element_type3A_61, %cond3A : i32
    scf.if %cond3A_62 {
      %broadcast_in_dim3A_268 = arith.constant 0.000000e+00 : f32
      %broadcast_in_dim3A_269 = vector.broadcast %broadcast_in_dim3A_268 : f32 to vector<256x1xf32>
      %swap3A_270 = arith.constant 0 : index
      %swap3A_271 = arith.constant 0 : index
      %swap3A_272 = vector.load %arg10[%swap3A_270, %swap3A_271] : memref<256x1xf32, #tpu.memory_space<vmem>>, vector<256x1xf32>
      tpu.vector_store %arg10[%swap3A_270, %swap3A_271], %broadcast_in_dim3A_269 {strides = array<i32>} : memref<256x1xf32, #tpu.memory_space<vmem>>, vector<256x1xf32>,
      %broadcast_in_dim3A_273 = arith.constant 0.000000e+00 : f32
      %broadcast_in_dim3A_274 = vector.broadcast %broadcast_in_dim3A_273 : f32 to vector<256x1xf32>
      %swap3A_275 = arith.constant 0 : index
      %swap3A_276 = arith.constant 0 : index
      %swap3A_277 = vector.load %arg11[%swap3A_275, %swap3A_276] : memref<256x1xf32, #tpu.memory_space<vmem>>, vector<256x1xf32>
      tpu.vector_store %arg11[%swap3A_275, %swap3A_276], %broadcast_in_dim3A_274 {strides = array<i32>} : memref<256x1xf32, #tpu.memory_space<vmem>>, vector<256x1xf32>,
      %broadcast_in_dim3A_278 = arith.constant 0.000000e+00 : f32
      %broadcast_in_dim3A_279 = vector.broadcast %broadcast_in_dim3A_278 : f32 to vector<256x1xf32>
      %swap3A_280 = arith.constant 0 : index
      %swap3A_281 = arith.constant 0 : index
      %swap3A_282 = vector.load %arg13[%swap3A_280, %swap3A_281] : memref<256x1xf32, #tpu.memory_space<vmem>>, vector<256x1xf32>
      tpu.vector_store %arg13[%swap3A_280, %swap3A_281], %broadcast_in_dim3A_279 {strides = array<i32>} : memref<256x1xf32, #tpu.memory_space<vmem>>, vector<256x1xf32>,
      %broadcast_in_dim3A_283 = arith.constant 0.000000e+00 : f32
      %broadcast_in_dim3A_284 = vector.broadcast %broadcast_in_dim3A_283 : f32 to vector<256x1xf32>
      %swap3A_285 = arith.constant 0 : index
      %swap3A_286 = arith.constant 0 : index
      %swap3A_287 = vector.load %arg14[%swap3A_285, %swap3A_286] : memref<256x1xf32, #tpu.memory_space<vmem>>, vector<256x1xf32>
      tpu.vector_store %arg14[%swap3A_285, %swap3A_286], %broadcast_in_dim3A_284 {strides = array<i32>} : memref<256x1xf32, #tpu.memory_space<vmem>>, vector<256x1xf32>,
    } else {
    }
    %broadcast_in_dim3A_63 = arith.constant 0.000000e+00 : f32
    %broadcast_in_dim3A_64 = vector.broadcast %broadcast_in_dim3A_63 : f32 to vector<256x1xf32>
    %broadcast_in_dim3A_65 = arith.constant 0.000000e+00 : f32
    %broadcast_in_dim3A_66 = vector.broadcast %broadcast_in_dim3A_65 : f32 to vector<256x1xf32>
    %broadcast_in_dim3A_67 = arith.constant 0.000000e+00 : f32
    %broadcast_in_dim3A_68 = vector.broadcast %broadcast_in_dim3A_67 : f32 to vector<256x1xf32>
    %broadcast_in_dim3A_69 = arith.constant 0.000000e+00 : f32
    %broadcast_in_dim3A_70 = vector.broadcast %broadcast_in_dim3A_69 : f32 to vector<256x1xf32>
    %get3A_71 = arith.constant 0 : index
    %get3A_72 = arith.constant 0 : index
    %get3A_73 = arith.constant 0 : index
    %get3A_74 = arith.constant 0 : index
    %get3A_75 = vector.load %arg5[%get3A_71, %get3A_72, %get3A_73, %get3A_74] : memref<3x3x256x128xf32, #tpu.memory_space<vmem>>, vector<3x3x256x128xf32>
    %convert_element_type3A_76 = arith.truncf %get3A_75 : vector<3x3x256x128xf32> to vector<3x3x256x128xbf16>
    %get3A_77 = arith.constant 0 : index
    %get3A_78 = arith.constant 0 : index
    %get3A_79 = vector.load %arg6[%get3A_77, %get3A_78] : memref<256x1xf32, #tpu.memory_space<vmem>>, vector<256x1xf32>
    %broadcast_in_dim3A_80 = vector.shape_cast %get3A_79 : vector<256x1xf32> to vector<256x1xf32>
    %broadcast_in_dim3A_81 = vector.broadcast %broadcast_in_dim3A_80 : vector<256x1xf32> to vector<256x640xf32>
    %slice3A = vector.extract_strided_slice %convert_element_type3A_76 {offsets = [1, 0, 0, 0], sizes = [1, 1, 256, 128], strides = [1, 1, 1, 1]} : vector<3x3x256x128xbf16> to vector<1x1x256x128xbf16>
    %squeeze3A = vector.shape_cast %slice3A : vector<1x1x256x128xbf16> to vector<256x128xbf16>
    %slice3A_82 = vector.extract_strided_slice %concatenate3A {offsets = [0, 0], sizes = [128, 640], strides = [1, 1]} : vector<128x642xbf16> to vector<128x640xbf16>
    %dot_general3A = arith.constant dense<0.000000e+00> : vector<256x640xf32>
    %dot_general3A_83 = tpu.matmul %squeeze3A, %slice3A_82, %dot_general3A {dimension_numbers = #tpu.dot_dimension_numbers<[1], [0], [0], [1], [0, 0, 1, 1], [], []>, transpose_lhs_hint = false} : vector<256x128xbf16>, vector<128x640xbf16>, vector<256x640xf32> -> vector<256x640xf32>
    %add3A = arith.addf %broadcast_in_dim3A_81, %dot_general3A_83 : vector<256x640xf32>
    %slice3A_84 = vector.extract_strided_slice %convert_element_type3A_76 {offsets = [1, 1, 0, 0], sizes = [1, 1, 256, 128], strides = [1, 1, 1, 1]} : vector<3x3x256x128xbf16> to vector<1x1x256x128xbf16>
    %squeeze3A_85 = vector.shape_cast %slice3A_84 : vector<1x1x256x128xbf16> to vector<256x128xbf16>
    %slice3A_86 = vector.extract_strided_slice %concatenate3A {offsets = [0, 1], sizes = [128, 640], strides = [1, 1]} : vector<128x642xbf16> to vector<128x640xbf16>
    %dot_general3A_87 = arith.constant dense<0.000000e+00> : vector<256x640xf32>
    %dot_general3A_88 = tpu.matmul %squeeze3A_85, %slice3A_86, %dot_general3A_87 {dimension_numbers = #tpu.dot_dimension_numbers<[1], [0], [0], [1], [0, 0, 1, 1], [], []>, transpose_lhs_hint = false} : vector<256x128xbf16>, vector<128x640xbf16>, vector<256x640xf32> -> vector<256x640xf32>
    %add3A_89 = arith.addf %add3A, %dot_general3A_88 : vector<256x640xf32>
    %slice3A_90 = vector.extract_strided_slice %convert_element_type3A_76 {offsets = [1, 2, 0, 0], sizes = [1, 1, 256, 128], strides = [1, 1, 1, 1]} : vector<3x3x256x128xbf16> to vector<1x1x256x128xbf16>
    %squeeze3A_91 = vector.shape_cast %slice3A_90 : vector<1x1x256x128xbf16> to vector<256x128xbf16>
    %slice3A_92 = vector.extract_strided_slice %concatenate3A {offsets = [0, 2], sizes = [128, 640], strides = [1, 1]} : vector<128x642xbf16> to vector<128x640xbf16>
    %dot_general3A_93 = arith.constant dense<0.000000e+00> : vector<256x640xf32>
    %dot_general3A_94 = tpu.matmul %squeeze3A_91, %slice3A_92, %dot_general3A_93 {dimension_numbers = #tpu.dot_dimension_numbers<[1], [0], [0], [1], [0, 0, 1, 1], [], []>, transpose_lhs_hint = false} : vector<256x128xbf16>, vector<128x640xbf16>, vector<256x640xf32> -> vector<256x640xf32>
    %add3A_95 = arith.addf %add3A_89, %dot_general3A_94 : vector<256x640xf32>
    %slice3A_96 = vector.extract_strided_slice %convert_element_type3A_76 {offsets = [2, 0, 0, 0], sizes = [1, 1, 256, 128], strides = [1, 1, 1, 1]} : vector<3x3x256x128xbf16> to vector<1x1x256x128xbf16>
    %squeeze3A_97 = vector.shape_cast %slice3A_96 : vector<1x1x256x128xbf16> to vector<256x128xbf16>
    %slice3A_98 = vector.extract_strided_slice %concatenate3A_56 {offsets = [0, 0], sizes = [128, 640], strides = [1, 1]} : vector<128x642xbf16> to vector<128x640xbf16>
    %dot_general3A_99 = arith.constant dense<0.000000e+00> : vector<256x640xf32>
    %dot_general3A_100 = tpu.matmul %squeeze3A_97, %slice3A_98, %dot_general3A_99 {dimension_numbers = #tpu.dot_dimension_numbers<[1], [0], [0], [1], [0, 0, 1, 1], [], []>, transpose_lhs_hint = false} : vector<256x128xbf16>, vector<128x640xbf16>, vector<256x640xf32> -> vector<256x640xf32>
    %add3A_101 = arith.addf %add3A_95, %dot_general3A_100 : vector<256x640xf32>
    %slice3A_102 = vector.extract_strided_slice %convert_element_type3A_76 {offsets = [2, 1, 0, 0], sizes = [1, 1, 256, 128], strides = [1, 1, 1, 1]} : vector<3x3x256x128xbf16> to vector<1x1x256x128xbf16>
    %squeeze3A_103 = vector.shape_cast %slice3A_102 : vector<1x1x256x128xbf16> to vector<256x128xbf16>
    %slice3A_104 = vector.extract_strided_slice %concatenate3A_56 {offsets = [0, 1], sizes = [128, 640], strides = [1, 1]} : vector<128x642xbf16> to vector<128x640xbf16>
    %dot_general3A_105 = arith.constant dense<0.000000e+00> : vector<256x640xf32>
    %dot_general3A_106 = tpu.matmul %squeeze3A_103, %slice3A_104, %dot_general3A_105 {dimension_numbers = #tpu.dot_dimension_numbers<[1], [0], [0], [1], [0, 0, 1, 1], [], []>, transpose_lhs_hint = false} : vector<256x128xbf16>, vector<128x640xbf16>, vector<256x640xf32> -> vector<256x640xf32>
    %add3A_107 = arith.addf %add3A_101, %dot_general3A_106 : vector<256x640xf32>
    %slice3A_108 = vector.extract_strided_slice %convert_element_type3A_76 {offsets = [2, 2, 0, 0], sizes = [1, 1, 256, 128], strides = [1, 1, 1, 1]} : vector<3x3x256x128xbf16> to vector<1x1x256x128xbf16>
    %squeeze3A_109 = vector.shape_cast %slice3A_108 : vector<1x1x256x128xbf16> to vector<256x128xbf16>
    %slice3A_110 = vector.extract_strided_slice %concatenate3A_56 {offsets = [0, 2], sizes = [128, 640], strides = [1, 1]} : vector<128x642xbf16> to vector<128x640xbf16>
    %dot_general3A_111 = arith.constant dense<0.000000e+00> : vector<256x640xf32>
    %dot_general3A_112 = tpu.matmul %squeeze3A_109, %slice3A_110, %dot_general3A_111 {dimension_numbers = #tpu.dot_dimension_numbers<[1], [0], [0], [1], [0, 0, 1, 1], [], []>, transpose_lhs_hint = false} : vector<256x128xbf16>, vector<128x640xbf16>, vector<256x640xf32> -> vector<256x640xf32>
    %add3A_113 = arith.addf %add3A_107, %dot_general3A_112 : vector<256x640xf32>
    %swap3A = arith.constant 0 : index
    %swap3A_114 = arith.constant 0 : index
    %swap3A_115 = arith.constant 0 : index
    %swap3A_116 = arith.constant 0 : index
    %swap3A_117 = vector.load %arg9[%swap3A, %swap3A_114, %swap3A_115, %swap3A_116] : memref<1x2x256x640xf32, #tpu.memory_space<vmem>>, vector<1x1x256x640xf32>
    %swap3A_118 = vector.shape_cast %swap3A_117 : vector<1x1x256x640xf32> to vector<256x640xf32>
    %swap3A_119 = vector.shape_cast %add3A_113 : vector<256x640xf32> to vector<1x1x256x640xf32>
    tpu.vector_store %arg9[%swap3A, %swap3A_114, %swap3A_115, %swap3A_116], %swap3A_119 {strides = array<i32>} : memref<1x2x256x640xf32, #tpu.memory_space<vmem>>, vector<1x1x256x640xf32>,
    %reduce_sum3A = arith.constant dense<0.000000e+00> : vector<256xf32>
    %reduce_sum3A_120 = vector.multi_reduction <add>, %add3A_113, %reduce_sum3A [1] : vector<256x640xf32> to vector<256xf32>
    %broadcast_in_dim3A_121 = vector.shape_cast %reduce_sum3A_120 : vector<256xf32> to vector<256x1xf32>
    %add3A_122 = arith.addf %broadcast_in_dim3A_64, %broadcast_in_dim3A_121 : vector<256x1xf32>
    %mul3A = arith.mulf %add3A_113, %add3A_113 : vector<256x640xf32>
    %reduce_sum3A_123 = arith.constant dense<0.000000e+00> : vector<256xf32>
    %reduce_sum3A_124 = vector.multi_reduction <add>, %mul3A, %reduce_sum3A_123 [1] : vector<256x640xf32> to vector<256xf32>
    %broadcast_in_dim3A_125 = vector.shape_cast %reduce_sum3A_124 : vector<256xf32> to vector<256x1xf32>
    %add3A_126 = arith.addf %broadcast_in_dim3A_66, %broadcast_in_dim3A_125 : vector<256x1xf32>
    %get3A_127 = arith.constant 0 : index
    %get3A_128 = arith.constant 0 : index
    %get3A_129 = vector.load %arg7[%get3A_127, %get3A_128] : memref<256x128xf32, #tpu.memory_space<vmem>>, vector<256x128xf32>
    %convert_element_type3A_130 = arith.truncf %get3A_129 : vector<256x128xf32> to vector<256x128xbf16>
    %slice3A_131 = vector.extract_strided_slice %concatenate3A {offsets = [0, 1], sizes = [128, 640], strides = [1, 1]} : vector<128x642xbf16> to vector<128x640xbf16>
    %dot_general3A_132 = arith.constant dense<0.000000e+00> : vector<256x640xf32>
    %dot_general3A_133 = tpu.matmul %convert_element_type3A_130, %slice3A_131, %dot_general3A_132 {dimension_numbers = #tpu.dot_dimension_numbers<[1], [0], [0], [1], [0, 0, 1, 1], [], []>, transpose_lhs_hint = false} : vector<256x128xbf16>, vector<128x640xbf16>, vector<256x640xf32> -> vector<256x640xf32>
    %get3A_134 = arith.constant 0 : index
    %get3A_135 = arith.constant 0 : index
    %get3A_136 = vector.load %arg8[%get3A_134, %get3A_135] : memref<256x1xf32, #tpu.memory_space<vmem>>, vector<256x1xf32>
    %add3A_137 = vector.broadcast %get3A_136 : vector<256x1xf32> to vector<256x640xf32>
    %add3A_138 = arith.addf %dot_general3A_133, %add3A_137 : vector<256x640xf32>
    %swap3A_139 = arith.constant 0 : index
    %swap3A_140 = arith.constant 0 : index
    %swap3A_141 = arith.constant 0 : index
    %swap3A_142 = arith.constant 0 : index
    %swap3A_143 = vector.load %arg12[%swap3A_139, %swap3A_140, %swap3A_141, %swap3A_142] : memref<1x2x256x640xf32, #tpu.memory_space<vmem>>, vector<1x1x256x640xf32>
    %swap3A_144 = vector.shape_cast %swap3A_143 : vector<1x1x256x640xf32> to vector<256x640xf32>
    %swap3A_145 = vector.shape_cast %add3A_138 : vector<256x640xf32> to vector<1x1x256x640xf32>
    tpu.vector_store %arg12[%swap3A_139, %swap3A_140, %swap3A_141, %swap3A_142], %swap3A_145 {strides = array<i32>} : memref<1x2x256x640xf32, #tpu.memory_space<vmem>>, vector<1x1x256x640xf32>,
    %reduce_sum3A_146 = arith.constant dense<0.000000e+00> : vector<256xf32>
    %reduce_sum3A_147 = vector.multi_reduction <add>, %add3A_138, %reduce_sum3A_146 [1] : vector<256x640xf32> to vector<256xf32>
    %broadcast_in_dim3A_148 = vector.shape_cast %reduce_sum3A_147 : vector<256xf32> to vector<256x1xf32>
    %add3A_149 = arith.addf %broadcast_in_dim3A_68, %broadcast_in_dim3A_148 : vector<256x1xf32>
    %mul3A_150 = arith.mulf %add3A_138, %add3A_138 : vector<256x640xf32>
    %reduce_sum3A_151 = arith.constant dense<0.000000e+00> : vector<256xf32>
    %reduce_sum3A_152 = vector.multi_reduction <add>, %mul3A_150, %reduce_sum3A_151 [1] : vector<256x640xf32> to vector<256xf32>
    %broadcast_in_dim3A_153 = vector.shape_cast %reduce_sum3A_152 : vector<256xf32> to vector<256x1xf32>
    %add3A_154 = arith.addf %broadcast_in_dim3A_70, %broadcast_in_dim3A_153 : vector<256x1xf32>
    %get3A_155 = arith.constant 0 : index
    %get3A_156 = arith.constant 0 : index
    %get3A_157 = vector.load %arg6[%get3A_155, %get3A_156] : memref<256x1xf32, #tpu.memory_space<vmem>>, vector<256x1xf32>
    %broadcast_in_dim3A_158 = vector.shape_cast %get3A_157 : vector<256x1xf32> to vector<256x1xf32>
    %broadcast_in_dim3A_159 = vector.broadcast %broadcast_in_dim3A_158 : vector<256x1xf32> to vector<256x640xf32>
    %slice3A_160 = vector.extract_strided_slice %convert_element_type3A_76 {offsets = [0, 0, 0, 0], sizes = [1, 1, 256, 128], strides = [1, 1, 1, 1]} : vector<3x3x256x128xbf16> to vector<1x1x256x128xbf16>
    %squeeze3A_161 = vector.shape_cast %slice3A_160 : vector<1x1x256x128xbf16> to vector<256x128xbf16>
    %slice3A_162 = vector.extract_strided_slice %concatenate3A {offsets = [0, 0], sizes = [128, 640], strides = [1, 1]} : vector<128x642xbf16> to vector<128x640xbf16>
    %dot_general3A_163 = arith.constant dense<0.000000e+00> : vector<256x640xf32>
    %dot_general3A_164 = tpu.matmul %squeeze3A_161, %slice3A_162, %dot_general3A_163 {dimension_numbers = #tpu.dot_dimension_numbers<[1], [0], [0], [1], [0, 0, 1, 1], [], []>, transpose_lhs_hint = false} : vector<256x128xbf16>, vector<128x640xbf16>, vector<256x640xf32> -> vector<256x640xf32>
    %add3A_165 = arith.addf %broadcast_in_dim3A_159, %dot_general3A_164 : vector<256x640xf32>
    %slice3A_166 = vector.extract_strided_slice %convert_element_type3A_76 {offsets = [0, 1, 0, 0], sizes = [1, 1, 256, 128], strides = [1, 1, 1, 1]} : vector<3x3x256x128xbf16> to vector<1x1x256x128xbf16>
    %squeeze3A_167 = vector.shape_cast %slice3A_166 : vector<1x1x256x128xbf16> to vector<256x128xbf16>
    %slice3A_168 = vector.extract_strided_slice %concatenate3A {offsets = [0, 1], sizes = [128, 640], strides = [1, 1]} : vector<128x642xbf16> to vector<128x640xbf16>
    %dot_general3A_169 = arith.constant dense<0.000000e+00> : vector<256x640xf32>
    %dot_general3A_170 = tpu.matmul %squeeze3A_167, %slice3A_168, %dot_general3A_169 {dimension_numbers = #tpu.dot_dimension_numbers<[1], [0], [0], [1], [0, 0, 1, 1], [], []>, transpose_lhs_hint = false} : vector<256x128xbf16>, vector<128x640xbf16>, vector<256x640xf32> -> vector<256x640xf32>
    %add3A_171 = arith.addf %add3A_165, %dot_general3A_170 : vector<256x640xf32>
    %slice3A_172 = vector.extract_strided_slice %convert_element_type3A_76 {offsets = [0, 2, 0, 0], sizes = [1, 1, 256, 128], strides = [1, 1, 1, 1]} : vector<3x3x256x128xbf16> to vector<1x1x256x128xbf16>
    %squeeze3A_173 = vector.shape_cast %slice3A_172 : vector<1x1x256x128xbf16> to vector<256x128xbf16>
    %slice3A_174 = vector.extract_strided_slice %concatenate3A {offsets = [0, 2], sizes = [128, 640], strides = [1, 1]} : vector<128x642xbf16> to vector<128x640xbf16>
    %dot_general3A_175 = arith.constant dense<0.000000e+00> : vector<256x640xf32>
    %dot_general3A_176 = tpu.matmul %squeeze3A_173, %slice3A_174, %dot_general3A_175 {dimension_numbers = #tpu.dot_dimension_numbers<[1], [0], [0], [1], [0, 0, 1, 1], [], []>, transpose_lhs_hint = false} : vector<256x128xbf16>, vector<128x640xbf16>, vector<256x640xf32> -> vector<256x640xf32>
    %add3A_177 = arith.addf %add3A_171, %dot_general3A_176 : vector<256x640xf32>
    %slice3A_178 = vector.extract_strided_slice %convert_element_type3A_76 {offsets = [1, 0, 0, 0], sizes = [1, 1, 256, 128], strides = [1, 1, 1, 1]} : vector<3x3x256x128xbf16> to vector<1x1x256x128xbf16>
    %squeeze3A_179 = vector.shape_cast %slice3A_178 : vector<1x1x256x128xbf16> to vector<256x128xbf16>
    %slice3A_180 = vector.extract_strided_slice %concatenate3A_56 {offsets = [0, 0], sizes = [128, 640], strides = [1, 1]} : vector<128x642xbf16> to vector<128x640xbf16>
    %dot_general3A_181 = arith.constant dense<0.000000e+00> : vector<256x640xf32>
    %dot_general3A_182 = tpu.matmul %squeeze3A_179, %slice3A_180, %dot_general3A_181 {dimension_numbers = #tpu.dot_dimension_numbers<[1], [0], [0], [1], [0, 0, 1, 1], [], []>, transpose_lhs_hint = false} : vector<256x128xbf16>, vector<128x640xbf16>, vector<256x640xf32> -> vector<256x640xf32>
    %add3A_183 = arith.addf %add3A_177, %dot_general3A_182 : vector<256x640xf32>
    %slice3A_184 = vector.extract_strided_slice %convert_element_type3A_76 {offsets = [1, 1, 0, 0], sizes = [1, 1, 256, 128], strides = [1, 1, 1, 1]} : vector<3x3x256x128xbf16> to vector<1x1x256x128xbf16>
    %squeeze3A_185 = vector.shape_cast %slice3A_184 : vector<1x1x256x128xbf16> to vector<256x128xbf16>
    %slice3A_186 = vector.extract_strided_slice %concatenate3A_56 {offsets = [0, 1], sizes = [128, 640], strides = [1, 1]} : vector<128x642xbf16> to vector<128x640xbf16>
    %dot_general3A_187 = arith.constant dense<0.000000e+00> : vector<256x640xf32>
    %dot_general3A_188 = tpu.matmul %squeeze3A_185, %slice3A_186, %dot_general3A_187 {dimension_numbers = #tpu.dot_dimension_numbers<[1], [0], [0], [1], [0, 0, 1, 1], [], []>, transpose_lhs_hint = false} : vector<256x128xbf16>, vector<128x640xbf16>, vector<256x640xf32> -> vector<256x640xf32>
    %add3A_189 = arith.addf %add3A_183, %dot_general3A_188 : vector<256x640xf32>
    %slice3A_190 = vector.extract_strided_slice %convert_element_type3A_76 {offsets = [1, 2, 0, 0], sizes = [1, 1, 256, 128], strides = [1, 1, 1, 1]} : vector<3x3x256x128xbf16> to vector<1x1x256x128xbf16>
    %squeeze3A_191 = vector.shape_cast %slice3A_190 : vector<1x1x256x128xbf16> to vector<256x128xbf16>
    %slice3A_192 = vector.extract_strided_slice %concatenate3A_56 {offsets = [0, 2], sizes = [128, 640], strides = [1, 1]} : vector<128x642xbf16> to vector<128x640xbf16>
    %dot_general3A_193 = arith.constant dense<0.000000e+00> : vector<256x640xf32>
    %dot_general3A_194 = tpu.matmul %squeeze3A_191, %slice3A_192, %dot_general3A_193 {dimension_numbers = #tpu.dot_dimension_numbers<[1], [0], [0], [1], [0, 0, 1, 1], [], []>, transpose_lhs_hint = false} : vector<256x128xbf16>, vector<128x640xbf16>, vector<256x640xf32> -> vector<256x640xf32>
    %add3A_195 = arith.addf %add3A_189, %dot_general3A_194 : vector<256x640xf32>
    %swap3A_196 = arith.constant 0 : index
    %swap3A_197 = arith.constant 1 : index
    %swap3A_198 = arith.constant 0 : index
    %swap3A_199 = arith.constant 0 : index
    %swap3A_200 = vector.load %arg9[%swap3A_196, %swap3A_197, %swap3A_198, %swap3A_199] : memref<1x2x256x640xf32, #tpu.memory_space<vmem>>, vector<1x1x256x640xf32>
    %swap3A_201 = vector.shape_cast %swap3A_200 : vector<1x1x256x640xf32> to vector<256x640xf32>
    %swap3A_202 = vector.shape_cast %add3A_195 : vector<256x640xf32> to vector<1x1x256x640xf32>
    tpu.vector_store %arg9[%swap3A_196, %swap3A_197, %swap3A_198, %swap3A_199], %swap3A_202 {strides = array<i32>} : memref<1x2x256x640xf32, #tpu.memory_space<vmem>>, vector<1x1x256x640xf32>,
    %reduce_sum3A_203 = arith.constant dense<0.000000e+00> : vector<256xf32>
    %reduce_sum3A_204 = vector.multi_reduction <add>, %add3A_195, %reduce_sum3A_203 [1] : vector<256x640xf32> to vector<256xf32>
    %broadcast_in_dim3A_205 = vector.shape_cast %reduce_sum3A_204 : vector<256xf32> to vector<256x1xf32>
    %add3A_206 = arith.addf %add3A_122, %broadcast_in_dim3A_205 : vector<256x1xf32>
    %mul3A_207 = arith.mulf %add3A_195, %add3A_195 : vector<256x640xf32>
    %reduce_sum3A_208 = arith.constant dense<0.000000e+00> : vector<256xf32>
    %reduce_sum3A_209 = vector.multi_reduction <add>, %mul3A_207, %reduce_sum3A_208 [1] : vector<256x640xf32> to vector<256xf32>
    %broadcast_in_dim3A_210 = vector.shape_cast %reduce_sum3A_209 : vector<256xf32> to vector<256x1xf32>
    %add3A_211 = arith.addf %add3A_126, %broadcast_in_dim3A_210 : vector<256x1xf32>
    %get3A_212 = arith.constant 0 : index
    %get3A_213 = arith.constant 0 : index
    %get3A_214 = vector.load %arg7[%get3A_212, %get3A_213] : memref<256x128xf32, #tpu.memory_space<vmem>>, vector<256x128xf32>
    %convert_element_type3A_215 = arith.truncf %get3A_214 : vector<256x128xf32> to vector<256x128xbf16>
    %slice3A_216 = vector.extract_strided_slice %concatenate3A_56 {offsets = [0, 1], sizes = [128, 640], strides = [1, 1]} : vector<128x642xbf16> to vector<128x640xbf16>
    %dot_general3A_217 = arith.constant dense<0.000000e+00> : vector<256x640xf32>
    %dot_general3A_218 = tpu.matmul %convert_element_type3A_215, %slice3A_216, %dot_general3A_217 {dimension_numbers = #tpu.dot_dimension_numbers<[1], [0], [0], [1], [0, 0, 1, 1], [], []>, transpose_lhs_hint = false} : vector<256x128xbf16>, vector<128x640xbf16>, vector<256x640xf32> -> vector<256x640xf32>
    %get3A_219 = arith.constant 0 : index
    %get3A_220 = arith.constant 0 : index
    %get3A_221 = vector.load %arg8[%get3A_219, %get3A_220] : memref<256x1xf32, #tpu.memory_space<vmem>>, vector<256x1xf32>
    %add3A_222 = vector.broadcast %get3A_221 : vector<256x1xf32> to vector<256x640xf32>
    %add3A_223 = arith.addf %dot_general3A_218, %add3A_222 : vector<256x640xf32>
    %swap3A_224 = arith.constant 0 : index
    %swap3A_225 = arith.constant 1 : index
    %swap3A_226 = arith.constant 0 : index
    %swap3A_227 = arith.constant 0 : index
    %swap3A_228 = vector.load %arg12[%swap3A_224, %swap3A_225, %swap3A_226, %swap3A_227] : memref<1x2x256x640xf32, #tpu.memory_space<vmem>>, vector<1x1x256x640xf32>
    %swap3A_229 = vector.shape_cast %swap3A_228 : vector<1x1x256x640xf32> to vector<256x640xf32>
    %swap3A_230 = vector.shape_cast %add3A_223 : vector<256x640xf32> to vector<1x1x256x640xf32>
    tpu.vector_store %arg12[%swap3A_224, %swap3A_225, %swap3A_226, %swap3A_227], %swap3A_230 {strides = array<i32>} : memref<1x2x256x640xf32, #tpu.memory_space<vmem>>, vector<1x1x256x640xf32>,
    %reduce_sum3A_231 = arith.constant dense<0.000000e+00> : vector<256xf32>
    %reduce_sum3A_232 = vector.multi_reduction <add>, %add3A_223, %reduce_sum3A_231 [1] : vector<256x640xf32> to vector<256xf32>
    %broadcast_in_dim3A_233 = vector.shape_cast %reduce_sum3A_232 : vector<256xf32> to vector<256x1xf32>
    %add3A_234 = arith.addf %add3A_149, %broadcast_in_dim3A_233 : vector<256x1xf32>
    %mul3A_235 = arith.mulf %add3A_223, %add3A_223 : vector<256x640xf32>
    %reduce_sum3A_236 = arith.constant dense<0.000000e+00> : vector<256xf32>
    %reduce_sum3A_237 = vector.multi_reduction <add>, %mul3A_235, %reduce_sum3A_236 [1] : vector<256x640xf32> to vector<256xf32>
    %broadcast_in_dim3A_238 = vector.shape_cast %reduce_sum3A_237 : vector<256xf32> to vector<256x1xf32>
    %add3A_239 = arith.addf %add3A_154, %broadcast_in_dim3A_238 : vector<256x1xf32>
    %get3A_240 = arith.constant 0 : index
    %get3A_241 = arith.constant 0 : index
    %get3A_242 = vector.load %arg10[%get3A_240, %get3A_241] : memref<256x1xf32, #tpu.memory_space<vmem>>, vector<256x1xf32>
    %add3A_243 = arith.addf %get3A_242, %add3A_206 : vector<256x1xf32>
    %swap3A_244 = arith.constant 0 : index
    %swap3A_245 = arith.constant 0 : index
    %swap3A_246 = vector.load %arg10[%swap3A_244, %swap3A_245] : memref<256x1xf32, #tpu.memory_space<vmem>>, vector<256x1xf32>
    tpu.vector_store %arg10[%swap3A_244, %swap3A_245], %add3A_243 {strides = array<i32>} : memref<256x1xf32, #tpu.memory_space<vmem>>, vector<256x1xf32>,
    %get3A_247 = arith.constant 0 : index
    %get3A_248 = arith.constant 0 : index
    %get3A_249 = vector.load %arg11[%get3A_247, %get3A_248] : memref<256x1xf32, #tpu.memory_space<vmem>>, vector<256x1xf32>
    %add3A_250 = arith.addf %get3A_249, %add3A_211 : vector<256x1xf32>
    %swap3A_251 = arith.constant 0 : index
    %swap3A_252 = arith.constant 0 : index
    %swap3A_253 = vector.load %arg11[%swap3A_251, %swap3A_252] : memref<256x1xf32, #tpu.memory_space<vmem>>, vector<256x1xf32>
    tpu.vector_store %arg11[%swap3A_251, %swap3A_252], %add3A_250 {strides = array<i32>} : memref<256x1xf32, #tpu.memory_space<vmem>>, vector<256x1xf32>,
    %get3A_254 = arith.constant 0 : index
    %get3A_255 = arith.constant 0 : index
    %get3A_256 = vector.load %arg13[%get3A_254, %get3A_255] : memref<256x1xf32, #tpu.memory_space<vmem>>, vector<256x1xf32>
    %add3A_257 = arith.addf %get3A_256, %add3A_234 : vector<256x1xf32>
    %swap3A_258 = arith.constant 0 : index
    %swap3A_259 = arith.constant 0 : index
    %swap3A_260 = vector.load %arg13[%swap3A_258, %swap3A_259] : memref<256x1xf32, #tpu.memory_space<vmem>>, vector<256x1xf32>
    tpu.vector_store %arg13[%swap3A_258, %swap3A_259], %add3A_257 {strides = array<i32>} : memref<256x1xf32, #tpu.memory_space<vmem>>, vector<256x1xf32>,
    %get3A_261 = arith.constant 0 : index
    %get3A_262 = arith.constant 0 : index
    %get3A_263 = vector.load %arg14[%get3A_261, %get3A_262] : memref<256x1xf32, #tpu.memory_space<vmem>>, vector<256x1xf32>
    %add3A_264 = arith.addf %get3A_263, %add3A_239 : vector<256x1xf32>
    %swap3A_265 = arith.constant 0 : index
    %swap3A_266 = arith.constant 0 : index
    %swap3A_267 = vector.load %arg14[%swap3A_265, %swap3A_266] : memref<256x1xf32, #tpu.memory_space<vmem>>, vector<256x1xf32>
    tpu.vector_store %arg14[%swap3A_265, %swap3A_266], %add3A_264 {strides = array<i32>} : memref<256x1xf32, #tpu.memory_space<vmem>>, vector<256x1xf32>,
    return
  }
  func.func @transform_0(%arg0: i32, %arg1: i32) -> (i32, i32, i32, i32) {
    %sub3A = arith.constant 1 : i32
    %sub3A_0 = arith.subi %arg1, %sub3A : i32
    %max3A = arith.constant 0 : i32
    %max3A_1 = arith.maxsi %sub3A_0, %max3A : i32
    %c0_i32 = arith.constant 0 : i32
    %c0_i32_2 = arith.constant 0 : i32
    %c0_i32_3 = arith.constant 0 : i32
    return %arg0, %c0_i32, %c0_i32_2, %max3A_1 : i32, i32, i32, i32
  }
  func.func @transform_1(%arg0: i32, %arg1: i32) -> (i32, i32, i32, i32) {
    %c0_i32 = arith.constant 0 : i32
    %c0_i32_0 = arith.constant 0 : i32
    %c0_i32_1 = arith.constant 0 : i32
    return %arg0, %c0_i32, %c0_i32_0, %arg1 : i32, i32, i32, i32
  }
  func.func @transform_2(%arg0: i32, %arg1: i32) -> (i32, i32, i32, i32) {
    %add3A = arith.constant 1 : i32
    %add3A_0 = arith.addi %arg1, %add3A : i32
    %min3A = arith.constant 9 : i32
    %min3A_1 = arith.minsi %add3A_0, %min3A : i32
    %c0_i32 = arith.constant 0 : i32
    %c0_i32_2 = arith.constant 0 : i32
    %c0_i32_3 = arith.constant 0 : i32
    return %arg0, %c0_i32, %c0_i32_2, %min3A_1 : i32, i32, i32, i32
  }
  func.func @transform_3(%arg0: i32, %arg1: i32) -> (i32, i32, i32, i32) {
    %c0_i32 = arith.constant 0 : i32
    %c0_i32_0 = arith.constant 0 : i32
    %c0_i32_1 = arith.constant 0 : i32
    %c0_i32_2 = arith.constant 0 : i32
    %c0_i32_3 = arith.constant 0 : i32
    return %c0_i32, %c0_i32_0, %c0_i32_1, %c0_i32_2 : i32, i32, i32, i32
  }
  func.func @transform_4(%arg0: i32, %arg1: i32) -> (i32, i32) {
    %c0_i32 = arith.constant 0 : i32
    %c0_i32_0 = arith.constant 0 : i32
    %c0_i32_1 = arith.constant 0 : i32
    return %c0_i32, %c0_i32_0 : i32, i32
  }
  func.func @transform_5(%arg0: i32, %arg1: i32) -> (i32, i32) {
    %c0_i32 = arith.constant 0 : i32
    %c0_i32_0 = arith.constant 0 : i32
    %c0_i32_1 = arith.constant 0 : i32
    return %c0_i32, %c0_i32_0 : i32, i32
  }
  func.func @transform_6(%arg0: i32, %arg1: i32) -> (i32, i32) {
    %c0_i32 = arith.constant 0 : i32
    %c0_i32_0 = arith.constant 0 : i32
    %c0_i32_1 = arith.constant 0 : i32
    return %c0_i32, %c0_i32_0 : i32, i32
  }
  func.func @transform_7(%arg0: i32, %arg1: i32) -> (i32, i32, i32, i32) {
    %c0_i32 = arith.constant 0 : i32
    %c0_i32_0 = arith.constant 0 : i32
    %c0_i32_1 = arith.constant 0 : i32
    return %arg0, %c0_i32, %c0_i32_0, %arg1 : i32, i32, i32, i32
  }
  func.func @transform_8(%arg0: i32, %arg1: i32) -> (i32, i32) {
    %c0_i32 = arith.constant 0 : i32
    %c0_i32_0 = arith.constant 0 : i32
    %c0_i32_1 = arith.constant 0 : i32
    return %c0_i32, %c0_i32_0 : i32, i32
  }
  func.func @transform_9(%arg0: i32, %arg1: i32) -> (i32, i32) {
    %c0_i32 = arith.constant 0 : i32
    %c0_i32_0 = arith.constant 0 : i32
    %c0_i32_1 = arith.constant 0 : i32
    return %c0_i32, %c0_i32_0 : i32, i32
  }
  func.func @transform_10(%arg0: i32, %arg1: i32) -> (i32, i32, i32, i32) {
    %c0_i32 = arith.constant 0 : i32
    %c0_i32_0 = arith.constant 0 : i32
    %c0_i32_1 = arith.constant 0 : i32
    return %arg0, %c0_i32, %c0_i32_0, %arg1 : i32, i32, i32, i32
  }
  func.func @transform_11(%arg0: i32, %arg1: i32) -> (i32, i32) {
    %c0_i32 = arith.constant 0 : i32
    %c0_i32_0 = arith.constant 0 : i32
    %c0_i32_1 = arith.constant 0 : i32
    return %c0_i32, %c0_i32_0 : i32, i32
  }
  func.func @transform_12(%arg0: i32, %arg1: i32) -> (i32, i32) {
    %c0_i32 = arith.constant 0 : i32
    %c0_i32_0 = arith.constant 0 : i32
    %c0_i32_1 = arith.constant 0 : i32
    return %c0_i32, %c0_i32_0 : i32, i32
  }
}

module attributes {stable_mosaic.version = 14 : i64} {
  func.func @body(%arg0: i32, %arg1: i32, %arg2: memref<1x2x256x640xf32, #tpu.memory_space<vmem>>, %arg3: memref<1x2x256x640xf32, #tpu.memory_space<vmem>>, %arg4: memref<1x2x256x640xf32, #tpu.memory_space<vmem>>, %arg5: memref<3x3x256x256xf32, #tpu.memory_space<vmem>>, %arg6: memref<256x1xf32, #tpu.memory_space<vmem>>, %arg7: memref<256x1xf32, #tpu.memory_space<vmem>>, %arg8: memref<256x1xf32, #tpu.memory_space<vmem>>, %arg9: memref<1x2x256x640xf32, #tpu.memory_space<vmem>>, %arg10: memref<256x1xf32, #tpu.memory_space<vmem>>, %arg11: memref<256x1xf32, #tpu.memory_space<vmem>>) attributes {dimension_semantics = [#tpu.dimension_semantics<arbitrary>, #tpu.dimension_semantics<arbitrary>], iteration_bounds = array<i64: 2, 10>, scalar_prefetch = 0 : i64, scratch_operands = 0 : i64, tpu.core_type = #tpu.core_type<tc>, window_params = [{transform_indices = @transform_0, window_bounds = array<i64: 1, 2, 256, 640>}, {transform_indices = @transform_1, window_bounds = array<i64: 1, 2, 256, 640>}, {transform_indices = @transform_2, window_bounds = array<i64: 1, 2, 256, 640>}, {pipeline_mode = #tpu.pipeline_mode<synchronous>, transform_indices = @transform_3, window_bounds = array<i64: 3, 3, 256, 256>}, {pipeline_mode = #tpu.pipeline_mode<synchronous>, transform_indices = @transform_4, window_bounds = array<i64: 256, 1>}, {pipeline_mode = #tpu.pipeline_mode<synchronous>, transform_indices = @transform_5, window_bounds = array<i64: 256, 1>}, {pipeline_mode = #tpu.pipeline_mode<synchronous>, transform_indices = @transform_6, window_bounds = array<i64: 256, 1>}, {transform_indices = @transform_7, window_bounds = array<i64: 1, 2, 256, 640>}, {pipeline_mode = #tpu.pipeline_mode<synchronous>, transform_indices = @transform_8, window_bounds = array<i64: 256, 1>}, {pipeline_mode = #tpu.pipeline_mode<synchronous>, transform_indices = @transform_9, window_bounds = array<i64: 256, 1>}]} {
    %eq3A = arith.constant 0 : i32
    %eq3A_0 = arith.cmpi eq, %arg1, %eq3A : i32
    %get3A = arith.constant 0 : index
    %get3A_1 = arith.constant 0 : index
    %get3A_2 = arith.constant 0 : index
    %get3A_3 = arith.constant 639 : index
    %get3A_4 = vector.load %arg2[%get3A, %get3A_1, %get3A_2, %get3A_3] : memref<1x2x256x640xf32, #tpu.memory_space<vmem>>, vector<1x1x256x1xf32>
    %get3A_5 = vector.shape_cast %get3A_4 : vector<1x1x256x1xf32> to vector<256x1xf32>
    %get3A_6 = arith.constant 0 : index
    %get3A_7 = arith.constant 0 : index
    %get3A_8 = vector.load %arg7[%get3A_6, %get3A_7] : memref<256x1xf32, #tpu.memory_space<vmem>>, vector<256x1xf32>
    %mul3A = arith.mulf %get3A_5, %get3A_8 : vector<256x1xf32>
    %get3A_9 = arith.constant 0 : index
    %get3A_10 = arith.constant 0 : index
    %get3A_11 = vector.load %arg8[%get3A_9, %get3A_10] : memref<256x1xf32, #tpu.memory_space<vmem>>, vector<256x1xf32>
    %add3A = arith.addf %mul3A, %get3A_11 : vector<256x1xf32>
    %max3A = arith.constant 0.000000e+00 : f32
    %max3A_12 = vector.broadcast %max3A : f32 to vector<256x1xf32>
    %max3A_13 = arith.maximumf %add3A, %max3A_12 : vector<256x1xf32>
    %convert_element_type3A = arith.truncf %max3A_13 : vector<256x1xf32> to vector<256x1xbf16>
    %jit3A = arith.constant 0.000000e+00 : bf16
    %broadcast_in_dim3A = vector.broadcast %jit3A : bf16 to vector<256x1xbf16>
    %select_n3A = arith.select %eq3A_0, %broadcast_in_dim3A, %convert_element_type3A : vector<256x1xbf16>
    %eq3A_14 = arith.constant 9 : i32
    %eq3A_15 = arith.cmpi eq, %arg1, %eq3A_14 : i32
    %get3A_16 = arith.constant 0 : index
    %get3A_17 = arith.constant 0 : index
    %get3A_18 = arith.constant 0 : index
    %get3A_19 = arith.constant 0 : index
    %get3A_20 = vector.load %arg4[%get3A_16, %get3A_17, %get3A_18, %get3A_19] : memref<1x2x256x640xf32, #tpu.memory_space<vmem>>, vector<1x1x256x1xf32>
    %get3A_21 = vector.shape_cast %get3A_20 : vector<1x1x256x1xf32> to vector<256x1xf32>
    %get3A_22 = arith.constant 0 : index
    %get3A_23 = arith.constant 0 : index
    %get3A_24 = vector.load %arg7[%get3A_22, %get3A_23] : memref<256x1xf32, #tpu.memory_space<vmem>>, vector<256x1xf32>
    %mul3A_25 = arith.mulf %get3A_21, %get3A_24 : vector<256x1xf32>
    %get3A_26 = arith.constant 0 : index
    %get3A_27 = arith.constant 0 : index
    %get3A_28 = vector.load %arg8[%get3A_26, %get3A_27] : memref<256x1xf32, #tpu.memory_space<vmem>>, vector<256x1xf32>
    %add3A_29 = arith.addf %mul3A_25, %get3A_28 : vector<256x1xf32>
    %max3A_30 = arith.constant 0.000000e+00 : f32
    %max3A_31 = vector.broadcast %max3A_30 : f32 to vector<256x1xf32>
    %max3A_32 = arith.maximumf %add3A_29, %max3A_31 : vector<256x1xf32>
    %convert_element_type3A_33 = arith.truncf %max3A_32 : vector<256x1xf32> to vector<256x1xbf16>
    %jit3A_34 = arith.constant 0.000000e+00 : bf16
    %broadcast_in_dim3A_35 = vector.broadcast %jit3A_34 : bf16 to vector<256x1xbf16>
    %select_n3A_36 = arith.select %eq3A_15, %broadcast_in_dim3A_35, %convert_element_type3A_33 : vector<256x1xbf16>
    %get3A_37 = arith.constant 0 : index
    %get3A_38 = arith.constant 0 : index
    %get3A_39 = arith.constant 0 : index
    %get3A_40 = arith.constant 0 : index
    %get3A_41 = vector.load %arg3[%get3A_37, %get3A_38, %get3A_39, %get3A_40] : memref<1x2x256x640xf32, #tpu.memory_space<vmem>>, vector<1x1x256x640xf32>
    %get3A_42 = vector.shape_cast %get3A_41 : vector<1x1x256x640xf32> to vector<256x640xf32>
    %get3A_43 = arith.constant 0 : index
    %get3A_44 = arith.constant 0 : index
    %get3A_45 = vector.load %arg7[%get3A_43, %get3A_44] : memref<256x1xf32, #tpu.memory_space<vmem>>, vector<256x1xf32>
    %mul3A_46 = vector.broadcast %get3A_45 : vector<256x1xf32> to vector<256x640xf32>
    %mul3A_47 = arith.mulf %get3A_42, %mul3A_46 : vector<256x640xf32>
    %get3A_48 = arith.constant 0 : index
    %get3A_49 = arith.constant 0 : index
    %get3A_50 = vector.load %arg8[%get3A_48, %get3A_49] : memref<256x1xf32, #tpu.memory_space<vmem>>, vector<256x1xf32>
    %add3A_51 = vector.broadcast %get3A_50 : vector<256x1xf32> to vector<256x640xf32>
    %add3A_52 = arith.addf %mul3A_47, %add3A_51 : vector<256x640xf32>
    %max3A_53 = arith.constant 0.000000e+00 : f32
    %max3A_54 = vector.broadcast %max3A_53 : f32 to vector<256x640xf32>
    %max3A_55 = arith.maximumf %add3A_52, %max3A_54 : vector<256x640xf32>
    %convert_element_type3A_56 = arith.truncf %max3A_55 : vector<256x640xf32> to vector<256x640xbf16>
    %concatenate3A = tpu.concatenate %select_n3A, %convert_element_type3A_56, %select_n3A_36 in 1 : vector<256x1xbf16>, vector<256x640xbf16>, vector<256x1xbf16> -> vector<256x642xbf16>
    %eq3A_57 = arith.constant 0 : i32
    %eq3A_58 = arith.cmpi eq, %arg1, %eq3A_57 : i32
    %get3A_59 = arith.constant 0 : index
    %get3A_60 = arith.constant 1 : index
    %get3A_61 = arith.constant 0 : index
    %get3A_62 = arith.constant 639 : index
    %get3A_63 = vector.load %arg2[%get3A_59, %get3A_60, %get3A_61, %get3A_62] : memref<1x2x256x640xf32, #tpu.memory_space<vmem>>, vector<1x1x256x1xf32>
    %get3A_64 = vector.shape_cast %get3A_63 : vector<1x1x256x1xf32> to vector<256x1xf32>
    %get3A_65 = arith.constant 0 : index
    %get3A_66 = arith.constant 0 : index
    %get3A_67 = vector.load %arg7[%get3A_65, %get3A_66] : memref<256x1xf32, #tpu.memory_space<vmem>>, vector<256x1xf32>
    %mul3A_68 = arith.mulf %get3A_64, %get3A_67 : vector<256x1xf32>
    %get3A_69 = arith.constant 0 : index
    %get3A_70 = arith.constant 0 : index
    %get3A_71 = vector.load %arg8[%get3A_69, %get3A_70] : memref<256x1xf32, #tpu.memory_space<vmem>>, vector<256x1xf32>
    %add3A_72 = arith.addf %mul3A_68, %get3A_71 : vector<256x1xf32>
    %max3A_73 = arith.constant 0.000000e+00 : f32
    %max3A_74 = vector.broadcast %max3A_73 : f32 to vector<256x1xf32>
    %max3A_75 = arith.maximumf %add3A_72, %max3A_74 : vector<256x1xf32>
    %convert_element_type3A_76 = arith.truncf %max3A_75 : vector<256x1xf32> to vector<256x1xbf16>
    %jit3A_77 = arith.constant 0.000000e+00 : bf16
    %broadcast_in_dim3A_78 = vector.broadcast %jit3A_77 : bf16 to vector<256x1xbf16>
    %select_n3A_79 = arith.select %eq3A_58, %broadcast_in_dim3A_78, %convert_element_type3A_76 : vector<256x1xbf16>
    %eq3A_80 = arith.constant 9 : i32
    %eq3A_81 = arith.cmpi eq, %arg1, %eq3A_80 : i32
    %get3A_82 = arith.constant 0 : index
    %get3A_83 = arith.constant 1 : index
    %get3A_84 = arith.constant 0 : index
    %get3A_85 = arith.constant 0 : index
    %get3A_86 = vector.load %arg4[%get3A_82, %get3A_83, %get3A_84, %get3A_85] : memref<1x2x256x640xf32, #tpu.memory_space<vmem>>, vector<1x1x256x1xf32>
    %get3A_87 = vector.shape_cast %get3A_86 : vector<1x1x256x1xf32> to vector<256x1xf32>
    %get3A_88 = arith.constant 0 : index
    %get3A_89 = arith.constant 0 : index
    %get3A_90 = vector.load %arg7[%get3A_88, %get3A_89] : memref<256x1xf32, #tpu.memory_space<vmem>>, vector<256x1xf32>
    %mul3A_91 = arith.mulf %get3A_87, %get3A_90 : vector<256x1xf32>
    %get3A_92 = arith.constant 0 : index
    %get3A_93 = arith.constant 0 : index
    %get3A_94 = vector.load %arg8[%get3A_92, %get3A_93] : memref<256x1xf32, #tpu.memory_space<vmem>>, vector<256x1xf32>
    %add3A_95 = arith.addf %mul3A_91, %get3A_94 : vector<256x1xf32>
    %max3A_96 = arith.constant 0.000000e+00 : f32
    %max3A_97 = vector.broadcast %max3A_96 : f32 to vector<256x1xf32>
    %max3A_98 = arith.maximumf %add3A_95, %max3A_97 : vector<256x1xf32>
    %convert_element_type3A_99 = arith.truncf %max3A_98 : vector<256x1xf32> to vector<256x1xbf16>
    %jit3A_100 = arith.constant 0.000000e+00 : bf16
    %broadcast_in_dim3A_101 = vector.broadcast %jit3A_100 : bf16 to vector<256x1xbf16>
    %select_n3A_102 = arith.select %eq3A_81, %broadcast_in_dim3A_101, %convert_element_type3A_99 : vector<256x1xbf16>
    %get3A_103 = arith.constant 0 : index
    %get3A_104 = arith.constant 1 : index
    %get3A_105 = arith.constant 0 : index
    %get3A_106 = arith.constant 0 : index
    %get3A_107 = vector.load %arg3[%get3A_103, %get3A_104, %get3A_105, %get3A_106] : memref<1x2x256x640xf32, #tpu.memory_space<vmem>>, vector<1x1x256x640xf32>
    %get3A_108 = vector.shape_cast %get3A_107 : vector<1x1x256x640xf32> to vector<256x640xf32>
    %get3A_109 = arith.constant 0 : index
    %get3A_110 = arith.constant 0 : index
    %get3A_111 = vector.load %arg7[%get3A_109, %get3A_110] : memref<256x1xf32, #tpu.memory_space<vmem>>, vector<256x1xf32>
    %mul3A_112 = vector.broadcast %get3A_111 : vector<256x1xf32> to vector<256x640xf32>
    %mul3A_113 = arith.mulf %get3A_108, %mul3A_112 : vector<256x640xf32>
    %get3A_114 = arith.constant 0 : index
    %get3A_115 = arith.constant 0 : index
    %get3A_116 = vector.load %arg8[%get3A_114, %get3A_115] : memref<256x1xf32, #tpu.memory_space<vmem>>, vector<256x1xf32>
    %add3A_117 = vector.broadcast %get3A_116 : vector<256x1xf32> to vector<256x640xf32>
    %add3A_118 = arith.addf %mul3A_113, %add3A_117 : vector<256x640xf32>
    %max3A_119 = arith.constant 0.000000e+00 : f32
    %max3A_120 = vector.broadcast %max3A_119 : f32 to vector<256x640xf32>
    %max3A_121 = arith.maximumf %add3A_118, %max3A_120 : vector<256x640xf32>
    %convert_element_type3A_122 = arith.truncf %max3A_121 : vector<256x640xf32> to vector<256x640xbf16>
    %concatenate3A_123 = tpu.concatenate %select_n3A_79, %convert_element_type3A_122, %select_n3A_102 in 1 : vector<256x1xbf16>, vector<256x640xbf16>, vector<256x1xbf16> -> vector<256x642xbf16>
    %eq3A_124 = arith.constant 0 : i32
    %eq3A_125 = arith.cmpi eq, %arg0, %eq3A_124 : i32
    %eq3A_126 = arith.constant 0 : i32
    %eq3A_127 = arith.cmpi eq, %arg1, %eq3A_126 : i32
    %and3A = arith.andi %eq3A_125, %eq3A_127 : i1
    %convert_element_type3A_128 = arith.extui %and3A : i1 to i32
    %cond3A = arith.constant 0 : i32
    %cond3A_129 = arith.cmpi ne, %convert_element_type3A_128, %cond3A : i32
    scf.if %cond3A_129 {
      %broadcast_in_dim3A_263 = arith.constant 0.000000e+00 : f32
      %broadcast_in_dim3A_264 = vector.broadcast %broadcast_in_dim3A_263 : f32 to vector<256x1xf32>
      %swap3A_265 = arith.constant 0 : index
      %swap3A_266 = arith.constant 0 : index
      %swap3A_267 = vector.load %arg10[%swap3A_265, %swap3A_266] : memref<256x1xf32, #tpu.memory_space<vmem>>, vector<256x1xf32>
      tpu.vector_store %arg10[%swap3A_265, %swap3A_266], %broadcast_in_dim3A_264 {strides = array<i32>} : memref<256x1xf32, #tpu.memory_space<vmem>>, vector<256x1xf32>,
      %broadcast_in_dim3A_268 = arith.constant 0.000000e+00 : f32
      %broadcast_in_dim3A_269 = vector.broadcast %broadcast_in_dim3A_268 : f32 to vector<256x1xf32>
      %swap3A_270 = arith.constant 0 : index
      %swap3A_271 = arith.constant 0 : index
      %swap3A_272 = vector.load %arg11[%swap3A_270, %swap3A_271] : memref<256x1xf32, #tpu.memory_space<vmem>>, vector<256x1xf32>
      tpu.vector_store %arg11[%swap3A_270, %swap3A_271], %broadcast_in_dim3A_269 {strides = array<i32>} : memref<256x1xf32, #tpu.memory_space<vmem>>, vector<256x1xf32>,
    } else {
    }
    %broadcast_in_dim3A_130 = arith.constant 0.000000e+00 : f32
    %broadcast_in_dim3A_131 = vector.broadcast %broadcast_in_dim3A_130 : f32 to vector<256x1xf32>
    %broadcast_in_dim3A_132 = arith.constant 0.000000e+00 : f32
    %broadcast_in_dim3A_133 = vector.broadcast %broadcast_in_dim3A_132 : f32 to vector<256x1xf32>
    %get3A_134 = arith.constant 0 : index
    %get3A_135 = arith.constant 0 : index
    %get3A_136 = arith.constant 0 : index
    %get3A_137 = arith.constant 0 : index
    %get3A_138 = vector.load %arg5[%get3A_134, %get3A_135, %get3A_136, %get3A_137] : memref<3x3x256x256xf32, #tpu.memory_space<vmem>>, vector<3x3x256x256xf32>
    %convert_element_type3A_139 = arith.truncf %get3A_138 : vector<3x3x256x256xf32> to vector<3x3x256x256xbf16>
    %get3A_140 = arith.constant 0 : index
    %get3A_141 = arith.constant 0 : index
    %get3A_142 = vector.load %arg6[%get3A_140, %get3A_141] : memref<256x1xf32, #tpu.memory_space<vmem>>, vector<256x1xf32>
    %broadcast_in_dim3A_143 = vector.shape_cast %get3A_142 : vector<256x1xf32> to vector<256x1xf32>
    %broadcast_in_dim3A_144 = vector.broadcast %broadcast_in_dim3A_143 : vector<256x1xf32> to vector<256x640xf32>
    %slice3A = vector.extract_strided_slice %convert_element_type3A_139 {offsets = [1, 0, 0, 0], sizes = [1, 1, 256, 256], strides = [1, 1, 1, 1]} : vector<3x3x256x256xbf16> to vector<1x1x256x256xbf16>
    %squeeze3A = vector.shape_cast %slice3A : vector<1x1x256x256xbf16> to vector<256x256xbf16>
    %slice3A_145 = vector.extract_strided_slice %concatenate3A {offsets = [0, 0], sizes = [256, 640], strides = [1, 1]} : vector<256x642xbf16> to vector<256x640xbf16>
    %dot_general3A = arith.constant dense<0.000000e+00> : vector<256x640xf32>
    %dot_general3A_146 = tpu.matmul %squeeze3A, %slice3A_145, %dot_general3A {dimension_numbers = #tpu.dot_dimension_numbers<[1], [0], [0], [1], [0, 0, 1, 1], [], []>, transpose_lhs_hint = false} : vector<256x256xbf16>, vector<256x640xbf16>, vector<256x640xf32> -> vector<256x640xf32>
    %add3A_147 = arith.addf %broadcast_in_dim3A_144, %dot_general3A_146 : vector<256x640xf32>
    %slice3A_148 = vector.extract_strided_slice %convert_element_type3A_139 {offsets = [1, 1, 0, 0], sizes = [1, 1, 256, 256], strides = [1, 1, 1, 1]} : vector<3x3x256x256xbf16> to vector<1x1x256x256xbf16>
    %squeeze3A_149 = vector.shape_cast %slice3A_148 : vector<1x1x256x256xbf16> to vector<256x256xbf16>
    %slice3A_150 = vector.extract_strided_slice %concatenate3A {offsets = [0, 1], sizes = [256, 640], strides = [1, 1]} : vector<256x642xbf16> to vector<256x640xbf16>
    %dot_general3A_151 = arith.constant dense<0.000000e+00> : vector<256x640xf32>
    %dot_general3A_152 = tpu.matmul %squeeze3A_149, %slice3A_150, %dot_general3A_151 {dimension_numbers = #tpu.dot_dimension_numbers<[1], [0], [0], [1], [0, 0, 1, 1], [], []>, transpose_lhs_hint = false} : vector<256x256xbf16>, vector<256x640xbf16>, vector<256x640xf32> -> vector<256x640xf32>
    %add3A_153 = arith.addf %add3A_147, %dot_general3A_152 : vector<256x640xf32>
    %slice3A_154 = vector.extract_strided_slice %convert_element_type3A_139 {offsets = [1, 2, 0, 0], sizes = [1, 1, 256, 256], strides = [1, 1, 1, 1]} : vector<3x3x256x256xbf16> to vector<1x1x256x256xbf16>
    %squeeze3A_155 = vector.shape_cast %slice3A_154 : vector<1x1x256x256xbf16> to vector<256x256xbf16>
    %slice3A_156 = vector.extract_strided_slice %concatenate3A {offsets = [0, 2], sizes = [256, 640], strides = [1, 1]} : vector<256x642xbf16> to vector<256x640xbf16>
    %dot_general3A_157 = arith.constant dense<0.000000e+00> : vector<256x640xf32>
    %dot_general3A_158 = tpu.matmul %squeeze3A_155, %slice3A_156, %dot_general3A_157 {dimension_numbers = #tpu.dot_dimension_numbers<[1], [0], [0], [1], [0, 0, 1, 1], [], []>, transpose_lhs_hint = false} : vector<256x256xbf16>, vector<256x640xbf16>, vector<256x640xf32> -> vector<256x640xf32>
    %add3A_159 = arith.addf %add3A_153, %dot_general3A_158 : vector<256x640xf32>
    %slice3A_160 = vector.extract_strided_slice %convert_element_type3A_139 {offsets = [2, 0, 0, 0], sizes = [1, 1, 256, 256], strides = [1, 1, 1, 1]} : vector<3x3x256x256xbf16> to vector<1x1x256x256xbf16>
    %squeeze3A_161 = vector.shape_cast %slice3A_160 : vector<1x1x256x256xbf16> to vector<256x256xbf16>
    %slice3A_162 = vector.extract_strided_slice %concatenate3A_123 {offsets = [0, 0], sizes = [256, 640], strides = [1, 1]} : vector<256x642xbf16> to vector<256x640xbf16>
    %dot_general3A_163 = arith.constant dense<0.000000e+00> : vector<256x640xf32>
    %dot_general3A_164 = tpu.matmul %squeeze3A_161, %slice3A_162, %dot_general3A_163 {dimension_numbers = #tpu.dot_dimension_numbers<[1], [0], [0], [1], [0, 0, 1, 1], [], []>, transpose_lhs_hint = false} : vector<256x256xbf16>, vector<256x640xbf16>, vector<256x640xf32> -> vector<256x640xf32>
    %add3A_165 = arith.addf %add3A_159, %dot_general3A_164 : vector<256x640xf32>
    %slice3A_166 = vector.extract_strided_slice %convert_element_type3A_139 {offsets = [2, 1, 0, 0], sizes = [1, 1, 256, 256], strides = [1, 1, 1, 1]} : vector<3x3x256x256xbf16> to vector<1x1x256x256xbf16>
    %squeeze3A_167 = vector.shape_cast %slice3A_166 : vector<1x1x256x256xbf16> to vector<256x256xbf16>
    %slice3A_168 = vector.extract_strided_slice %concatenate3A_123 {offsets = [0, 1], sizes = [256, 640], strides = [1, 1]} : vector<256x642xbf16> to vector<256x640xbf16>
    %dot_general3A_169 = arith.constant dense<0.000000e+00> : vector<256x640xf32>
    %dot_general3A_170 = tpu.matmul %squeeze3A_167, %slice3A_168, %dot_general3A_169 {dimension_numbers = #tpu.dot_dimension_numbers<[1], [0], [0], [1], [0, 0, 1, 1], [], []>, transpose_lhs_hint = false} : vector<256x256xbf16>, vector<256x640xbf16>, vector<256x640xf32> -> vector<256x640xf32>
    %add3A_171 = arith.addf %add3A_165, %dot_general3A_170 : vector<256x640xf32>
    %slice3A_172 = vector.extract_strided_slice %convert_element_type3A_139 {offsets = [2, 2, 0, 0], sizes = [1, 1, 256, 256], strides = [1, 1, 1, 1]} : vector<3x3x256x256xbf16> to vector<1x1x256x256xbf16>
    %squeeze3A_173 = vector.shape_cast %slice3A_172 : vector<1x1x256x256xbf16> to vector<256x256xbf16>
    %slice3A_174 = vector.extract_strided_slice %concatenate3A_123 {offsets = [0, 2], sizes = [256, 640], strides = [1, 1]} : vector<256x642xbf16> to vector<256x640xbf16>
    %dot_general3A_175 = arith.constant dense<0.000000e+00> : vector<256x640xf32>
    %dot_general3A_176 = tpu.matmul %squeeze3A_173, %slice3A_174, %dot_general3A_175 {dimension_numbers = #tpu.dot_dimension_numbers<[1], [0], [0], [1], [0, 0, 1, 1], [], []>, transpose_lhs_hint = false} : vector<256x256xbf16>, vector<256x640xbf16>, vector<256x640xf32> -> vector<256x640xf32>
    %add3A_177 = arith.addf %add3A_171, %dot_general3A_176 : vector<256x640xf32>
    %swap3A = arith.constant 0 : index
    %swap3A_178 = arith.constant 0 : index
    %swap3A_179 = arith.constant 0 : index
    %swap3A_180 = arith.constant 0 : index
    %swap3A_181 = vector.load %arg9[%swap3A, %swap3A_178, %swap3A_179, %swap3A_180] : memref<1x2x256x640xf32, #tpu.memory_space<vmem>>, vector<1x1x256x640xf32>
    %swap3A_182 = vector.shape_cast %swap3A_181 : vector<1x1x256x640xf32> to vector<256x640xf32>
    %swap3A_183 = vector.shape_cast %add3A_177 : vector<256x640xf32> to vector<1x1x256x640xf32>
    tpu.vector_store %arg9[%swap3A, %swap3A_178, %swap3A_179, %swap3A_180], %swap3A_183 {strides = array<i32>} : memref<1x2x256x640xf32, #tpu.memory_space<vmem>>, vector<1x1x256x640xf32>,
    %reduce_sum3A = arith.constant dense<0.000000e+00> : vector<256xf32>
    %reduce_sum3A_184 = vector.multi_reduction <add>, %add3A_177, %reduce_sum3A [1] : vector<256x640xf32> to vector<256xf32>
    %broadcast_in_dim3A_185 = vector.shape_cast %reduce_sum3A_184 : vector<256xf32> to vector<256x1xf32>
    %add3A_186 = arith.addf %broadcast_in_dim3A_131, %broadcast_in_dim3A_185 : vector<256x1xf32>
    %mul3A_187 = arith.mulf %add3A_177, %add3A_177 : vector<256x640xf32>
    %reduce_sum3A_188 = arith.constant dense<0.000000e+00> : vector<256xf32>
    %reduce_sum3A_189 = vector.multi_reduction <add>, %mul3A_187, %reduce_sum3A_188 [1] : vector<256x640xf32> to vector<256xf32>
    %broadcast_in_dim3A_190 = vector.shape_cast %reduce_sum3A_189 : vector<256xf32> to vector<256x1xf32>
    %add3A_191 = arith.addf %broadcast_in_dim3A_133, %broadcast_in_dim3A_190 : vector<256x1xf32>
    %get3A_192 = arith.constant 0 : index
    %get3A_193 = arith.constant 0 : index
    %get3A_194 = vector.load %arg6[%get3A_192, %get3A_193] : memref<256x1xf32, #tpu.memory_space<vmem>>, vector<256x1xf32>
    %broadcast_in_dim3A_195 = vector.shape_cast %get3A_194 : vector<256x1xf32> to vector<256x1xf32>
    %broadcast_in_dim3A_196 = vector.broadcast %broadcast_in_dim3A_195 : vector<256x1xf32> to vector<256x640xf32>
    %slice3A_197 = vector.extract_strided_slice %convert_element_type3A_139 {offsets = [0, 0, 0, 0], sizes = [1, 1, 256, 256], strides = [1, 1, 1, 1]} : vector<3x3x256x256xbf16> to vector<1x1x256x256xbf16>
    %squeeze3A_198 = vector.shape_cast %slice3A_197 : vector<1x1x256x256xbf16> to vector<256x256xbf16>
    %slice3A_199 = vector.extract_strided_slice %concatenate3A {offsets = [0, 0], sizes = [256, 640], strides = [1, 1]} : vector<256x642xbf16> to vector<256x640xbf16>
    %dot_general3A_200 = arith.constant dense<0.000000e+00> : vector<256x640xf32>
    %dot_general3A_201 = tpu.matmul %squeeze3A_198, %slice3A_199, %dot_general3A_200 {dimension_numbers = #tpu.dot_dimension_numbers<[1], [0], [0], [1], [0, 0, 1, 1], [], []>, transpose_lhs_hint = false} : vector<256x256xbf16>, vector<256x640xbf16>, vector<256x640xf32> -> vector<256x640xf32>
    %add3A_202 = arith.addf %broadcast_in_dim3A_196, %dot_general3A_201 : vector<256x640xf32>
    %slice3A_203 = vector.extract_strided_slice %convert_element_type3A_139 {offsets = [0, 1, 0, 0], sizes = [1, 1, 256, 256], strides = [1, 1, 1, 1]} : vector<3x3x256x256xbf16> to vector<1x1x256x256xbf16>
    %squeeze3A_204 = vector.shape_cast %slice3A_203 : vector<1x1x256x256xbf16> to vector<256x256xbf16>
    %slice3A_205 = vector.extract_strided_slice %concatenate3A {offsets = [0, 1], sizes = [256, 640], strides = [1, 1]} : vector<256x642xbf16> to vector<256x640xbf16>
    %dot_general3A_206 = arith.constant dense<0.000000e+00> : vector<256x640xf32>
    %dot_general3A_207 = tpu.matmul %squeeze3A_204, %slice3A_205, %dot_general3A_206 {dimension_numbers = #tpu.dot_dimension_numbers<[1], [0], [0], [1], [0, 0, 1, 1], [], []>, transpose_lhs_hint = false} : vector<256x256xbf16>, vector<256x640xbf16>, vector<256x640xf32> -> vector<256x640xf32>
    %add3A_208 = arith.addf %add3A_202, %dot_general3A_207 : vector<256x640xf32>
    %slice3A_209 = vector.extract_strided_slice %convert_element_type3A_139 {offsets = [0, 2, 0, 0], sizes = [1, 1, 256, 256], strides = [1, 1, 1, 1]} : vector<3x3x256x256xbf16> to vector<1x1x256x256xbf16>
    %squeeze3A_210 = vector.shape_cast %slice3A_209 : vector<1x1x256x256xbf16> to vector<256x256xbf16>
    %slice3A_211 = vector.extract_strided_slice %concatenate3A {offsets = [0, 2], sizes = [256, 640], strides = [1, 1]} : vector<256x642xbf16> to vector<256x640xbf16>
    %dot_general3A_212 = arith.constant dense<0.000000e+00> : vector<256x640xf32>
    %dot_general3A_213 = tpu.matmul %squeeze3A_210, %slice3A_211, %dot_general3A_212 {dimension_numbers = #tpu.dot_dimension_numbers<[1], [0], [0], [1], [0, 0, 1, 1], [], []>, transpose_lhs_hint = false} : vector<256x256xbf16>, vector<256x640xbf16>, vector<256x640xf32> -> vector<256x640xf32>
    %add3A_214 = arith.addf %add3A_208, %dot_general3A_213 : vector<256x640xf32>
    %slice3A_215 = vector.extract_strided_slice %convert_element_type3A_139 {offsets = [1, 0, 0, 0], sizes = [1, 1, 256, 256], strides = [1, 1, 1, 1]} : vector<3x3x256x256xbf16> to vector<1x1x256x256xbf16>
    %squeeze3A_216 = vector.shape_cast %slice3A_215 : vector<1x1x256x256xbf16> to vector<256x256xbf16>
    %slice3A_217 = vector.extract_strided_slice %concatenate3A_123 {offsets = [0, 0], sizes = [256, 640], strides = [1, 1]} : vector<256x642xbf16> to vector<256x640xbf16>
    %dot_general3A_218 = arith.constant dense<0.000000e+00> : vector<256x640xf32>
    %dot_general3A_219 = tpu.matmul %squeeze3A_216, %slice3A_217, %dot_general3A_218 {dimension_numbers = #tpu.dot_dimension_numbers<[1], [0], [0], [1], [0, 0, 1, 1], [], []>, transpose_lhs_hint = false} : vector<256x256xbf16>, vector<256x640xbf16>, vector<256x640xf32> -> vector<256x640xf32>
    %add3A_220 = arith.addf %add3A_214, %dot_general3A_219 : vector<256x640xf32>
    %slice3A_221 = vector.extract_strided_slice %convert_element_type3A_139 {offsets = [1, 1, 0, 0], sizes = [1, 1, 256, 256], strides = [1, 1, 1, 1]} : vector<3x3x256x256xbf16> to vector<1x1x256x256xbf16>
    %squeeze3A_222 = vector.shape_cast %slice3A_221 : vector<1x1x256x256xbf16> to vector<256x256xbf16>
    %slice3A_223 = vector.extract_strided_slice %concatenate3A_123 {offsets = [0, 1], sizes = [256, 640], strides = [1, 1]} : vector<256x642xbf16> to vector<256x640xbf16>
    %dot_general3A_224 = arith.constant dense<0.000000e+00> : vector<256x640xf32>
    %dot_general3A_225 = tpu.matmul %squeeze3A_222, %slice3A_223, %dot_general3A_224 {dimension_numbers = #tpu.dot_dimension_numbers<[1], [0], [0], [1], [0, 0, 1, 1], [], []>, transpose_lhs_hint = false} : vector<256x256xbf16>, vector<256x640xbf16>, vector<256x640xf32> -> vector<256x640xf32>
    %add3A_226 = arith.addf %add3A_220, %dot_general3A_225 : vector<256x640xf32>
    %slice3A_227 = vector.extract_strided_slice %convert_element_type3A_139 {offsets = [1, 2, 0, 0], sizes = [1, 1, 256, 256], strides = [1, 1, 1, 1]} : vector<3x3x256x256xbf16> to vector<1x1x256x256xbf16>
    %squeeze3A_228 = vector.shape_cast %slice3A_227 : vector<1x1x256x256xbf16> to vector<256x256xbf16>
    %slice3A_229 = vector.extract_strided_slice %concatenate3A_123 {offsets = [0, 2], sizes = [256, 640], strides = [1, 1]} : vector<256x642xbf16> to vector<256x640xbf16>
    %dot_general3A_230 = arith.constant dense<0.000000e+00> : vector<256x640xf32>
    %dot_general3A_231 = tpu.matmul %squeeze3A_228, %slice3A_229, %dot_general3A_230 {dimension_numbers = #tpu.dot_dimension_numbers<[1], [0], [0], [1], [0, 0, 1, 1], [], []>, transpose_lhs_hint = false} : vector<256x256xbf16>, vector<256x640xbf16>, vector<256x640xf32> -> vector<256x640xf32>
    %add3A_232 = arith.addf %add3A_226, %dot_general3A_231 : vector<256x640xf32>
    %swap3A_233 = arith.constant 0 : index
    %swap3A_234 = arith.constant 1 : index
    %swap3A_235 = arith.constant 0 : index
    %swap3A_236 = arith.constant 0 : index
    %swap3A_237 = vector.load %arg9[%swap3A_233, %swap3A_234, %swap3A_235, %swap3A_236] : memref<1x2x256x640xf32, #tpu.memory_space<vmem>>, vector<1x1x256x640xf32>
    %swap3A_238 = vector.shape_cast %swap3A_237 : vector<1x1x256x640xf32> to vector<256x640xf32>
    %swap3A_239 = vector.shape_cast %add3A_232 : vector<256x640xf32> to vector<1x1x256x640xf32>
    tpu.vector_store %arg9[%swap3A_233, %swap3A_234, %swap3A_235, %swap3A_236], %swap3A_239 {strides = array<i32>} : memref<1x2x256x640xf32, #tpu.memory_space<vmem>>, vector<1x1x256x640xf32>,
    %reduce_sum3A_240 = arith.constant dense<0.000000e+00> : vector<256xf32>
    %reduce_sum3A_241 = vector.multi_reduction <add>, %add3A_232, %reduce_sum3A_240 [1] : vector<256x640xf32> to vector<256xf32>
    %broadcast_in_dim3A_242 = vector.shape_cast %reduce_sum3A_241 : vector<256xf32> to vector<256x1xf32>
    %add3A_243 = arith.addf %add3A_186, %broadcast_in_dim3A_242 : vector<256x1xf32>
    %mul3A_244 = arith.mulf %add3A_232, %add3A_232 : vector<256x640xf32>
    %reduce_sum3A_245 = arith.constant dense<0.000000e+00> : vector<256xf32>
    %reduce_sum3A_246 = vector.multi_reduction <add>, %mul3A_244, %reduce_sum3A_245 [1] : vector<256x640xf32> to vector<256xf32>
    %broadcast_in_dim3A_247 = vector.shape_cast %reduce_sum3A_246 : vector<256xf32> to vector<256x1xf32>
    %add3A_248 = arith.addf %add3A_191, %broadcast_in_dim3A_247 : vector<256x1xf32>
    %get3A_249 = arith.constant 0 : index
    %get3A_250 = arith.constant 0 : index
    %get3A_251 = vector.load %arg10[%get3A_249, %get3A_250] : memref<256x1xf32, #tpu.memory_space<vmem>>, vector<256x1xf32>
    %add3A_252 = arith.addf %get3A_251, %add3A_243 : vector<256x1xf32>
    %swap3A_253 = arith.constant 0 : index
    %swap3A_254 = arith.constant 0 : index
    %swap3A_255 = vector.load %arg10[%swap3A_253, %swap3A_254] : memref<256x1xf32, #tpu.memory_space<vmem>>, vector<256x1xf32>
    tpu.vector_store %arg10[%swap3A_253, %swap3A_254], %add3A_252 {strides = array<i32>} : memref<256x1xf32, #tpu.memory_space<vmem>>, vector<256x1xf32>,
    %get3A_256 = arith.constant 0 : index
    %get3A_257 = arith.constant 0 : index
    %get3A_258 = vector.load %arg11[%get3A_256, %get3A_257] : memref<256x1xf32, #tpu.memory_space<vmem>>, vector<256x1xf32>
    %add3A_259 = arith.addf %get3A_258, %add3A_248 : vector<256x1xf32>
    %swap3A_260 = arith.constant 0 : index
    %swap3A_261 = arith.constant 0 : index
    %swap3A_262 = vector.load %arg11[%swap3A_260, %swap3A_261] : memref<256x1xf32, #tpu.memory_space<vmem>>, vector<256x1xf32>
    tpu.vector_store %arg11[%swap3A_260, %swap3A_261], %add3A_259 {strides = array<i32>} : memref<256x1xf32, #tpu.memory_space<vmem>>, vector<256x1xf32>,
    return
  }
  func.func @transform_0(%arg0: i32, %arg1: i32) -> (i32, i32, i32, i32) {
    %sub3A = arith.constant 1 : i32
    %sub3A_0 = arith.subi %arg1, %sub3A : i32
    %max3A = arith.constant 0 : i32
    %max3A_1 = arith.maxsi %sub3A_0, %max3A : i32
    %c0_i32 = arith.constant 0 : i32
    %c0_i32_2 = arith.constant 0 : i32
    %c0_i32_3 = arith.constant 0 : i32
    return %arg0, %c0_i32, %c0_i32_2, %max3A_1 : i32, i32, i32, i32
  }
  func.func @transform_1(%arg0: i32, %arg1: i32) -> (i32, i32, i32, i32) {
    %c0_i32 = arith.constant 0 : i32
    %c0_i32_0 = arith.constant 0 : i32
    %c0_i32_1 = arith.constant 0 : i32
    return %arg0, %c0_i32, %c0_i32_0, %arg1 : i32, i32, i32, i32
  }
  func.func @transform_2(%arg0: i32, %arg1: i32) -> (i32, i32, i32, i32) {
    %add3A = arith.constant 1 : i32
    %add3A_0 = arith.addi %arg1, %add3A : i32
    %min3A = arith.constant 9 : i32
    %min3A_1 = arith.minsi %add3A_0, %min3A : i32
    %c0_i32 = arith.constant 0 : i32
    %c0_i32_2 = arith.constant 0 : i32
    %c0_i32_3 = arith.constant 0 : i32
    return %arg0, %c0_i32, %c0_i32_2, %min3A_1 : i32, i32, i32, i32
  }
  func.func @transform_3(%arg0: i32, %arg1: i32) -> (i32, i32, i32, i32) {
    %c0_i32 = arith.constant 0 : i32
    %c0_i32_0 = arith.constant 0 : i32
    %c0_i32_1 = arith.constant 0 : i32
    %c0_i32_2 = arith.constant 0 : i32
    %c0_i32_3 = arith.constant 0 : i32
    return %c0_i32, %c0_i32_0, %c0_i32_1, %c0_i32_2 : i32, i32, i32, i32
  }
  func.func @transform_4(%arg0: i32, %arg1: i32) -> (i32, i32) {
    %c0_i32 = arith.constant 0 : i32
    %c0_i32_0 = arith.constant 0 : i32
    %c0_i32_1 = arith.constant 0 : i32
    return %c0_i32, %c0_i32_0 : i32, i32
  }
  func.func @transform_5(%arg0: i32, %arg1: i32) -> (i32, i32) {
    %c0_i32 = arith.constant 0 : i32
    %c0_i32_0 = arith.constant 0 : i32
    %c0_i32_1 = arith.constant 0 : i32
    return %c0_i32, %c0_i32_0 : i32, i32
  }
  func.func @transform_6(%arg0: i32, %arg1: i32) -> (i32, i32) {
    %c0_i32 = arith.constant 0 : i32
    %c0_i32_0 = arith.constant 0 : i32
    %c0_i32_1 = arith.constant 0 : i32
    return %c0_i32, %c0_i32_0 : i32, i32
  }
  func.func @transform_7(%arg0: i32, %arg1: i32) -> (i32, i32, i32, i32) {
    %c0_i32 = arith.constant 0 : i32
    %c0_i32_0 = arith.constant 0 : i32
    %c0_i32_1 = arith.constant 0 : i32
    return %arg0, %c0_i32, %c0_i32_0, %arg1 : i32, i32, i32, i32
  }
  func.func @transform_8(%arg0: i32, %arg1: i32) -> (i32, i32) {
    %c0_i32 = arith.constant 0 : i32
    %c0_i32_0 = arith.constant 0 : i32
    %c0_i32_1 = arith.constant 0 : i32
    return %c0_i32, %c0_i32_0 : i32, i32
  }
  func.func @transform_9(%arg0: i32, %arg1: i32) -> (i32, i32) {
    %c0_i32 = arith.constant 0 : i32
    %c0_i32_0 = arith.constant 0 : i32
    %c0_i32_1 = arith.constant 0 : i32
    return %c0_i32, %c0_i32_0 : i32, i32
  }
}

module attributes {stable_mosaic.version = 14 : i64} {
  func.func @body(%arg0: i32, %arg1: i32, %arg2: memref<1x2x256x1280xf32, #tpu.memory_space<vmem>>, %arg3: memref<1x2x256x1280xf32, #tpu.memory_space<vmem>>, %arg4: memref<1280x640xf32, #tpu.memory_space<vmem>>, %arg5: memref<1280x640xf32, #tpu.memory_space<vmem>>, %arg6: memref<256x1xf32, #tpu.memory_space<vmem>>, %arg7: memref<256x1xf32, #tpu.memory_space<vmem>>, %arg8: memref<256x1xf32, #tpu.memory_space<vmem>>, %arg9: memref<256x1xf32, #tpu.memory_space<vmem>>, %arg10: memref<1x1x256x640xf32, #tpu.memory_space<vmem>>) attributes {dimension_semantics = [#tpu.dimension_semantics<arbitrary>, #tpu.dimension_semantics<arbitrary>], iteration_bounds = array<i64: 2, 5>, scalar_prefetch = 0 : i64, scratch_operands = 0 : i64, tpu.core_type = #tpu.core_type<tc>, window_params = [{transform_indices = @transform_0, window_bounds = array<i64: 1, 2, 256, 1280>}, {transform_indices = @transform_1, window_bounds = array<i64: 1, 2, 256, 1280>}, {pipeline_mode = #tpu.pipeline_mode<synchronous>, transform_indices = @transform_2, window_bounds = array<i64: 1280, 640>}, {pipeline_mode = #tpu.pipeline_mode<synchronous>, transform_indices = @transform_3, window_bounds = array<i64: 1280, 640>}, {pipeline_mode = #tpu.pipeline_mode<synchronous>, transform_indices = @transform_4, window_bounds = array<i64: 256, 1>}, {pipeline_mode = #tpu.pipeline_mode<synchronous>, transform_indices = @transform_5, window_bounds = array<i64: 256, 1>}, {pipeline_mode = #tpu.pipeline_mode<synchronous>, transform_indices = @transform_6, window_bounds = array<i64: 256, 1>}, {pipeline_mode = #tpu.pipeline_mode<synchronous>, transform_indices = @transform_7, window_bounds = array<i64: 256, 1>}, {transform_indices = @transform_8, window_bounds = array<i64: 1, 1, 256, 640>}]} {
    %get3A = arith.constant 0 : index
    %get3A_0 = arith.constant 0 : index
    %get3A_1 = vector.load %arg6[%get3A, %get3A_0] : memref<256x1xf32, #tpu.memory_space<vmem>>, vector<256x1xf32>
    %get3A_2 = arith.constant 0 : index
    %get3A_3 = arith.constant 0 : index
    %get3A_4 = vector.load %arg7[%get3A_2, %get3A_3] : memref<256x1xf32, #tpu.memory_space<vmem>>, vector<256x1xf32>
    %get3A_5 = arith.constant 0 : index
    %get3A_6 = arith.constant 0 : index
    %get3A_7 = vector.load %arg8[%get3A_5, %get3A_6] : memref<256x1xf32, #tpu.memory_space<vmem>>, vector<256x1xf32>
    %get3A_8 = arith.constant 0 : index
    %get3A_9 = arith.constant 0 : index
    %get3A_10 = vector.load %arg9[%get3A_8, %get3A_9] : memref<256x1xf32, #tpu.memory_space<vmem>>, vector<256x1xf32>
    %get3A_11 = arith.constant 0 : index
    %get3A_12 = arith.constant 0 : index
    %get3A_13 = arith.constant 0 : index
    %get3A_14 = arith.constant 0 : index
    %get3A_15 = vector.load %arg2[%get3A_11, %get3A_12, %get3A_13, %get3A_14] : memref<1x2x256x1280xf32, #tpu.memory_space<vmem>>, vector<1x1x256x1280xf32>
    %get3A_16 = vector.shape_cast %get3A_15 : vector<1x1x256x1280xf32> to vector<256x1280xf32>
    %mul3A = vector.broadcast %get3A_1 : vector<256x1xf32> to vector<256x1280xf32>
    %mul3A_17 = arith.mulf %get3A_16, %mul3A : vector<256x1280xf32>
    %add3A = vector.broadcast %get3A_4 : vector<256x1xf32> to vector<256x1280xf32>
    %add3A_18 = arith.addf %mul3A_17, %add3A : vector<256x1280xf32>
    %get3A_19 = arith.constant 0 : index
    %get3A_20 = arith.constant 0 : index
    %get3A_21 = arith.constant 0 : index
    %get3A_22 = arith.constant 0 : index
    %get3A_23 = vector.load %arg3[%get3A_19, %get3A_20, %get3A_21, %get3A_22] : memref<1x2x256x1280xf32, #tpu.memory_space<vmem>>, vector<1x1x256x1280xf32>
    %get3A_24 = vector.shape_cast %get3A_23 : vector<1x1x256x1280xf32> to vector<256x1280xf32>
    %mul3A_25 = vector.broadcast %get3A_7 : vector<256x1xf32> to vector<256x1280xf32>
    %mul3A_26 = arith.mulf %get3A_24, %mul3A_25 : vector<256x1280xf32>
    %add3A_27 = arith.addf %add3A_18, %mul3A_26 : vector<256x1280xf32>
    %add3A_28 = vector.broadcast %get3A_10 : vector<256x1xf32> to vector<256x1280xf32>
    %add3A_29 = arith.addf %add3A_27, %add3A_28 : vector<256x1280xf32>
    %get3A_30 = arith.constant 0 : index
    %get3A_31 = arith.constant 1 : index
    %get3A_32 = arith.constant 0 : index
    %get3A_33 = arith.constant 0 : index
    %get3A_34 = vector.load %arg2[%get3A_30, %get3A_31, %get3A_32, %get3A_33] : memref<1x2x256x1280xf32, #tpu.memory_space<vmem>>, vector<1x1x256x1280xf32>
    %get3A_35 = vector.shape_cast %get3A_34 : vector<1x1x256x1280xf32> to vector<256x1280xf32>
    %mul3A_36 = vector.broadcast %get3A_1 : vector<256x1xf32> to vector<256x1280xf32>
    %mul3A_37 = arith.mulf %get3A_35, %mul3A_36 : vector<256x1280xf32>
    %add3A_38 = vector.broadcast %get3A_4 : vector<256x1xf32> to vector<256x1280xf32>
    %add3A_39 = arith.addf %mul3A_37, %add3A_38 : vector<256x1280xf32>
    %get3A_40 = arith.constant 0 : index
    %get3A_41 = arith.constant 1 : index
    %get3A_42 = arith.constant 0 : index
    %get3A_43 = arith.constant 0 : index
    %get3A_44 = vector.load %arg3[%get3A_40, %get3A_41, %get3A_42, %get3A_43] : memref<1x2x256x1280xf32, #tpu.memory_space<vmem>>, vector<1x1x256x1280xf32>
    %get3A_45 = vector.shape_cast %get3A_44 : vector<1x1x256x1280xf32> to vector<256x1280xf32>
    %mul3A_46 = vector.broadcast %get3A_7 : vector<256x1xf32> to vector<256x1280xf32>
    %mul3A_47 = arith.mulf %get3A_45, %mul3A_46 : vector<256x1280xf32>
    %add3A_48 = arith.addf %add3A_39, %mul3A_47 : vector<256x1280xf32>
    %add3A_49 = vector.broadcast %get3A_10 : vector<256x1xf32> to vector<256x1280xf32>
    %add3A_50 = arith.addf %add3A_48, %add3A_49 : vector<256x1280xf32>
    %max3A = arith.maximumf %add3A_29, %add3A_50 : vector<256x1280xf32>
    %get3A_51 = arith.constant 0 : index
    %get3A_52 = arith.constant 0 : index
    %get3A_53 = vector.load %arg4[%get3A_51, %get3A_52] : memref<1280x640xf32, #tpu.memory_space<vmem>>, vector<1280x640xf32>
    %dot_general3A = arith.constant dense<0.000000e+00> : vector<256x640xf32>
    %dot_general3A_54 = tpu.matmul %max3A, %get3A_53, %dot_general3A {dimension_numbers = #tpu.dot_dimension_numbers<[1], [0], [0], [1], [0, 0, 1, 1], [], []>, transpose_lhs_hint = false} : vector<256x1280xf32>, vector<1280x640xf32>, vector<256x640xf32> -> vector<256x640xf32>
    %get3A_55 = arith.constant 0 : index
    %get3A_56 = arith.constant 0 : index
    %get3A_57 = vector.load %arg5[%get3A_55, %get3A_56] : memref<1280x640xf32, #tpu.memory_space<vmem>>, vector<1280x640xf32>
    %dot_general3A_58 = arith.constant dense<0.000000e+00> : vector<256x640xf32>
    %dot_general3A_59 = tpu.matmul %max3A, %get3A_57, %dot_general3A_58 {dimension_numbers = #tpu.dot_dimension_numbers<[1], [0], [0], [1], [0, 0, 1, 1], [], []>, transpose_lhs_hint = false} : vector<256x1280xf32>, vector<1280x640xf32>, vector<256x640xf32> -> vector<256x640xf32>
    %max3A_60 = arith.maximumf %dot_general3A_54, %dot_general3A_59 : vector<256x640xf32>
    %max3A_61 = arith.constant 0.000000e+00 : f32
    %max3A_62 = vector.broadcast %max3A_61 : f32 to vector<256x640xf32>
    %max3A_63 = arith.maximumf %max3A_60, %max3A_62 : vector<256x640xf32>
    %swap3A = arith.constant 0 : index
    %swap3A_64 = arith.constant 0 : index
    %swap3A_65 = arith.constant 0 : index
    %swap3A_66 = arith.constant 0 : index
    %swap3A_67 = vector.load %arg10[%swap3A, %swap3A_64, %swap3A_65, %swap3A_66] : memref<1x1x256x640xf32, #tpu.memory_space<vmem>>, vector<1x1x256x640xf32>
    %swap3A_68 = vector.shape_cast %swap3A_67 : vector<1x1x256x640xf32> to vector<256x640xf32>
    %swap3A_69 = vector.shape_cast %max3A_63 : vector<256x640xf32> to vector<1x1x256x640xf32>
    tpu.vector_store %arg10[%swap3A, %swap3A_64, %swap3A_65, %swap3A_66], %swap3A_69 {strides = array<i32>} : memref<1x1x256x640xf32, #tpu.memory_space<vmem>>, vector<1x1x256x640xf32>,
    return
  }
  func.func @transform_0(%arg0: i32, %arg1: i32) -> (i32, i32, i32, i32) {
    %c0_i32 = arith.constant 0 : i32
    %c0_i32_0 = arith.constant 0 : i32
    %c0_i32_1 = arith.constant 0 : i32
    return %arg0, %c0_i32, %c0_i32_0, %arg1 : i32, i32, i32, i32
  }
  func.func @transform_1(%arg0: i32, %arg1: i32) -> (i32, i32, i32, i32) {
    %c0_i32 = arith.constant 0 : i32
    %c0_i32_0 = arith.constant 0 : i32
    %c0_i32_1 = arith.constant 0 : i32
    return %arg0, %c0_i32, %c0_i32_0, %arg1 : i32, i32, i32, i32
  }
  func.func @transform_2(%arg0: i32, %arg1: i32) -> (i32, i32) {
    %c0_i32 = arith.constant 0 : i32
    %c0_i32_0 = arith.constant 0 : i32
    %c0_i32_1 = arith.constant 0 : i32
    return %c0_i32, %c0_i32_0 : i32, i32
  }
  func.func @transform_3(%arg0: i32, %arg1: i32) -> (i32, i32) {
    %c0_i32 = arith.constant 0 : i32
    %c0_i32_0 = arith.constant 0 : i32
    %c0_i32_1 = arith.constant 0 : i32
    return %c0_i32, %c0_i32_0 : i32, i32
  }
  func.func @transform_4(%arg0: i32, %arg1: i32) -> (i32, i32) {
    %c0_i32 = arith.constant 0 : i32
    %c0_i32_0 = arith.constant 0 : i32
    %c0_i32_1 = arith.constant 0 : i32
    return %c0_i32, %c0_i32_0 : i32, i32
  }
  func.func @transform_5(%arg0: i32, %arg1: i32) -> (i32, i32) {
    %c0_i32 = arith.constant 0 : i32
    %c0_i32_0 = arith.constant 0 : i32
    %c0_i32_1 = arith.constant 0 : i32
    return %c0_i32, %c0_i32_0 : i32, i32
  }
  func.func @transform_6(%arg0: i32, %arg1: i32) -> (i32, i32) {
    %c0_i32 = arith.constant 0 : i32
    %c0_i32_0 = arith.constant 0 : i32
    %c0_i32_1 = arith.constant 0 : i32
    return %c0_i32, %c0_i32_0 : i32, i32
  }
  func.func @transform_7(%arg0: i32, %arg1: i32) -> (i32, i32) {
    %c0_i32 = arith.constant 0 : i32
    %c0_i32_0 = arith.constant 0 : i32
    %c0_i32_1 = arith.constant 0 : i32
    return %c0_i32, %c0_i32_0 : i32, i32
  }
  func.func @transform_8(%arg0: i32, %arg1: i32) -> (i32, i32, i32, i32) {
    %c0_i32 = arith.constant 0 : i32
    %c0_i32_0 = arith.constant 0 : i32
    %c0_i32_1 = arith.constant 0 : i32
    return %arg0, %c0_i32, %c0_i32_0, %arg1 : i32, i32, i32, i32
  }
}

</mosaic_0001>

<sc_bundles>
// kernel: kernel.12.cloned.1.call-start
scs
__scs_entry_jumppad:
0x0: {  	(pc) =	sbr.rel $0x88, $3  }
0x1: {  	(tag) =	ssettag $0x0;
	lr =	simm.s32 $0x1  }
0x2: {  	[smem:$0x3F7C] =	sst lr;
	_ =	strace $0xD0000000  }
0x3: {  	_ = 	snop  }
0x4: {  	_ = 	snop  }
0x5: {  	_ = 	snop  }
0x6: {  	_ = 	snop  }
0x7: {  	_ = 	snop  }
__scs_overlays_trampoline_lowered:
0x8: {  	[smem:$0x3F8B] =	sst s0  }
0x9: {  	[smem:$0x3F8C] =	sst s1  }
0xa: {  	[smem:$0x3F8D] =	sst s2  }
0xb: {  	[smem:$0x3F8E] =	sst s3  }
0xc: {  	[smem:$0x3F8F] =	sst s4  }
0xd: {  	[smem:$0x3F90] =	sst s5  }
0xe: {  	[smem:$0x3F91] =	sst s6  }
0xf: {  	[smem:$0x3F92] =	sst s7  }
0x10: {  	[smem:$0x3F93] =	sst s8  }
0x11: {  	[smem:$0x3F94] =	sst s9;
	s0 =	simm.s32 @!p0 $0x0  }
0x12: {  	s1 =	sld [smem:$0x3F7A];
	s0 =	simm.s32 @p0 $0x1  }
0x13: {  	[smem:$0x3F95] =	sst s0;
	s0 =	simm.s32 @!p1 $0x0  }
0x14: {  	s2 =	sld [smem:$0x3F79];
	s0 =	simm.s32 @p1 $0x1  }
0x15: {  	[smem:$0x3F96] =	sst s0;
	s0 =	simm.s32 @!p2 $0x0  }
0x16: {  	s3 =	sld [smem:$0x3FDB];
	s0 =	simm.s32 @p2 $0x1  }
0x17: {  	s4 =	simm.s32 $0x1BF5;
	[smem:$0x3F98] =	sst s0  }
0x18: {  	s0 =	sld [smem:$0x3F7B];
	_ =	swait.ge [sflag:s4], $0x0  }
0x19: {  	s7 =	sld [smem:$0x3F7C]  }
0x1a: {  	s8 =	sadd.s32 $0xFFFFE003, lr  }
0x1b: {  	s9 =	sadd.s32 $0xFFFFFEF7, lr;
	s5 =	simm.s32 $0xFFFFFFFF;
	p2 =	slt.u32 s8, $0xFFFFF086  }
0x1c: {  	p1 =	slt.u32 s9, $0xF7A;
	s5 =	simm.s32 @!p2 $0x0  }
0x1d: {  	s5 =	simm.s32 @p1 $0x1;
	p0 =	seq.s32 s7, s2  }
0x1e: {  	s7 =	smul.u32 @!p0 $0xF7A, s2;
	p2 =	seq.s32 @!p0 s5, $0x0  }
0x1f: {  	s9 =	smul.u32 $0xF7A, s1;
	s8 =	simm.s32 @!p0 $0x1BF5;
	p2 =	por !p2, p0  }
0x20: {  	[sflag:s8] =	ssyncset.s32 @!p0 $0xFFFFF086;
	s6 =	sadd.s32 @!p0 s3, s7;
	s7 =	simm.s32 @!p0 $0x108  }
0x21: {  	s3 =	sadd.s32 s3, s9;
	s6 =	sadd.s32 @!p0 $0x88, s6;
	s7 =	simm.s32 @p2 $0x1082  }
0x22: {  	[simem:s7], [sflag:s8] =	dma.local @!p0 [hbm:s6], $0xF7A  }
0x23: {  	s9 =	sor.u32 $0xD0000000, s2;
	s6 =	simm.s32 $0x108;
	_ =	swait.ge @!p0 [sflag:s8], $0x0  }
0x24: {  	s3 =	sadd.s32 $0x88, s3;
	s6 =	simm.s32 @!p1 $0x1082;
	[sflag:s4] =	ssyncset.s32 $0xFFFFF086  }
0x25: {  	[simem:s6], [sflag:s4] =	dma.local [hbm:s3], $0xF7A  }
0x26: {  	[smem:$0x3F7C] =	sst s1;
	(tag) =	ssettag s2;
	_ =	strace s9  }
0x27: {  	s1 =	sld [smem:$0x3F8C]  }
0x28: {  	s2 =	sld [smem:$0x3F8D]  }
0x29: {  	s4 =	sld [smem:$0x3F8F]  }
0x2a: {  	p0 =	seq.s32 s5, $0x0;
	s5 =	sld [smem:$0x3F90]  }
0x2b: {  	s6 =	sld [smem:$0x3F91]  }
0x2c: {  	s7 =	sld [smem:$0x3F92]  }
0x2d: {  	s3 =	simm.s32 $0x108;
	s8 =	sld [smem:$0x3F93]  }
0x2e: {  	s3 =	simm.s32 @!p0 $0x1082;
	s9 =	sld [smem:$0x3F94]  }
0x2f: {  	lr =	sadd.s32 s0, s3;
	s0 =	sld [smem:$0x3F8B]  }
0x30: {  	s3 =	sld [smem:$0x3F8E]  }
0x31: {  	[smem:$0x3F97] =	sst s10  }
0x32: {  	s10 =	sld [smem:$0x3F95];
	_ =	sdelay $0x3  }
0x33: {  	p0 =	seq.s32 s10, $0x1;
	s10 =	sld [smem:$0x3F97];
	_ =	sdelay $0x3  }
0x34: {  	[smem:$0x3F97] =	sst s10  }
0x35: {  	s10 =	sld [smem:$0x3F96];
	_ =	sdelay $0x3  }
0x36: {  	p1 =	seq.s32 s10, $0x1;
	s10 =	sld [smem:$0x3F97];
	_ =	sdelay $0x3  }
0x37: {  	[smem:$0x3F97] =	sst s10  }
0x38: {  	s10 =	sld [smem:$0x3F98]  }
0x39: {  	_ = 	snop;
	(pc) =	sbr.ind lr, $3  }
0x3a: {  	_ = 	snop  }
0x3b: {  	_ = 	snop  }
0x3c: {  	p2 =	seq.s32 s10, $0x1;
	s10 =	sld [smem:$0x3F97]  }
0x3d: {  	_ =	shalt  }
0x3e: {  	_ =	shalt  }
0x3f: {  	_ =	shalt  }
0x40: {  	_ =	shalt  }
0x41: {  	_ =	shalt  }
0x42: {  	_ =	shalt  }
0x43: {  	_ =	shalt  }
0x44: {  	_ =	shalt  }
0x45: {  	_ =	shalt  }
0x46: {  	_ =	shalt  }
0x47: {  	_ =	shalt  }
0x48: {  	_ =	shalt  }
0x49: {  	_ =	shalt  }
0x4a: {  	_ =	shalt  }
0x4b: {  	_ =	shalt  }
0x4c: {  	_ =	shalt  }
0x4d: {  	_ =	shalt  }
0x4e: {  	_ =	shalt  }
0x4f: {  	_ =	shalt  }
0x50: {  	_ =	shalt  }
0x51: {  	_ =	shalt  }
0x52: {  	_ =	shalt  }
0x53: {  	_ =	shalt  }
0x54: {  	_ =	shalt  }
0x55: {  	_ =	shalt  }
0x56: {  	_ =	shalt  }
0x57: {  	_ =	shalt  }
0x58: {  	_ =	shalt  }
0x59: {  	_ =	shalt  }
0x5a: {  	_ =	shalt  }
0x5b: {  	_ =	shalt  }
0x5c: {  	_ =	shalt  }
0x5d: {  	_ =	shalt  }
0x5e: {  	_ =	shalt  }
0x5f: {  	_ =	shalt  }
0x60: {  	_ =	shalt  }
0x61: {  	_ =	shalt  }
0x62: {  	_ =	shalt  }
0x63: {  	_ =	shalt  }
0x64: {  	_ =	shalt  }
0x65: {  	_ =	shalt  }
0x66: {  	_ =	shalt  }
0x67: {  	_ =	shalt  }
0x68: {  	_ =	shalt  }
0x69: {  	_ =	shalt  }
0x6a: {  	_ =	shalt  }
0x6b: {  	_ =	shalt  }
0x6c: {  	_ =	shalt  }
0x6d: {  	_ =	shalt  }
0x6e: {  	_ =	shalt  }
0x6f: {  	_ =	shalt  }
0x70: {  	_ =	shalt  }
0x71: {  	_ =	shalt  }
0x72: {  	_ =	shalt  }
0x73: {  	_ =	shalt  }
0x74: {  	_ =	shalt  }
0x75: {  	_ =	shalt  }
0x76: {  	_ =	shalt  }
0x77: {  	_ =	shalt  }
0x78: {  	_ =	shalt  }
0x79: {  	_ =	shalt  }
0x7a: {  	_ =	shalt  }
0x7b: {  	_ =	shalt  }
0x7c: {  	_ =	shalt  }
0x7d: {  	_ =	shalt  }
0x7e: {  	_ =	shalt  }
0x7f: {  	_ =	shalt  }
0x80: {  	_ =	shalt  }
0x81: {  	_ =	shalt  }
0x82: {  	_ =	shalt  }
0x83: {  	_ =	shalt  }
0x84: {  	_ =	shalt  }
0x85: {  	_ =	shalt  }
0x86: {  	_ =	shalt  }
0x87: {  	_ =	shalt  }
.Lfunc_end0:
.L_simem_size_0:
called_computation_lowered:
.L_overlay_start_0:
0x88: {  	s2 =	sld [smem:$0x3FD9]  }
0x89: {  	s3 =	sld [smem:$0x3FFE];
	_ =	sdelay $0x1  }
0x8a: {  	s1 =	srdreg.scid  }
0x8b: {  	s0 =	sand.u32 $0x1, s1  }
0x8c: {  	s17 =	sshll.u32 s0, $0xA;
	s2 =	sadd.s32 s3, s2  }
0x8d: {  	s2 =	sadd.s32 s2, s17  }
0x8e: {  	[smem:$0x3FA3] =	sst s2  }
0x8f: {  	_ = 	snop  }
0x90: {  	s2 =	sld [smem:$0x3FD0];
	(tm) =	ssettm $0x1  }
0x91: {  	s18 =	sld [smem:$0x3FFB];
	_ =	sdelay $0x3  }
0x92: {  	_ =	strace s18  }
0x93: {  	s3 =	sld [smem:$0x3FFC];
	_ =	sdelay $0x3  }
0x94: {  	_ =	strace s3  }
0x95: {  	s3 =	sld [smem:$0x3FFD];
	_ =	sdelay $0x3  }
0x96: {  	_ =	strace s3  }
0x97: {  	_ =	strace $0x8FFFFFFF  }
0x98: {  	s19 =	sld [smem:$0x3FDB];
	_ =	sdelay $0x1  }
0x99: {  	s4 =	simm.s32 $_scs_section_size  }
0x9a: {  	s5 =	simm.s32 $_size__tile_overlayer_lowered;
	s6 =	simm.s32 $_tile_overlayer_lowered  }
0x9b: {  	s22 =	simm.s32 $0x1BFF;
	s21 =	sshll.u32 s6, $0x1;
	s3 =	sadd.s32 s4, s19  }
0x9c: {  	s7 =	simm.s32 $0x0;
	s20 =	sshll.u32 s5, $0x1;
	s5 =	sadd.s32 s21, s3  }
0x9d: {  	[timem:s7], [sflag:s22] =	dma.local [hbm:s5], s20  }
0x9e: {  	_ =	swait.ge [sflag:s22], s20  }
0x9f: {  	s4 =	ssub.s32 $0x0, s20;
	[sflag:s22] =	ssyncset.done $0x0  }
0xa0: {  	[sflag:s22] =	ssyncadd.s32 s4;
	_ =	sdelay $0x1  }
0xa1: {  	s23 =	simm.s32 $0x1B8B  }
0xa2: {  	_ =	swait.ge [sflag:s23], $0x1  }
0xa3: {  	[sflag:s23] =	ssyncset.done $0x0  }
0xa4: {  	s25 =	simm.s32 $0x1B8E;
	s24 =	sld [smem:$0x3FFE];
	[sflag:s23] =	ssyncadd.s32 $0xFFFFFFFF  }
0xa5: {  	s26 =	simm.s32 $execute0_lowered;
	[smem:$0x3FD2] =	sst s25  }
0xa6: {  	s5 =	sshll.u32 s26, $0x1;
	_ =	strace $0x80000046;
	[dreg:$0x1] =	wrdreg $0xFFFFFFFF  }
0xa7: {  	s28 =	simm.s32 $_size_execute0_lowered;
	s3 =	sadd.s32 s3, s5;
	[dreg:$0x0] =	wrdreg $0x0  }
0xa8: {  	s5 =	sshll.u32 s28, $0x1;
	[dreg:$0x2] =	wrdreg s3  }
0xa9: {  	[dreg:$0x3] =	wrdreg s5  }
0xaa: {  	[dreg:$0x4] =	wrdreg $0xC0  }
0xab: {  	_ =	task [dreg:s7], $0x5FFFF  }
0xac: {  	[dreg:$0x1] =	wrdreg $0xFFFFFFFF  }
0xad: {  	[dreg:$0x0] =	wrdreg $0x60  }
0xae: {  	[dreg:$0x2] =	wrdreg s24  }
0xaf: {  	[dreg:$0x3] =	wrdreg s2  }
0xb0: {  	[dreg:$0x4] =	wrdreg $0x9  }
0xb1: {  	_ =	task.clear_ibuf [dreg:s7], $0x5FFFF;
	_ =	strace $0x90000046  }
0xb2: {  	s29 =	simm.s32 $0x9;
	_ =	strace $0x80000048  }
0xb3: {  	_ =	swait.ge [sflag:s29], $0x1  }
0xb4: {  	[sflag:s29] =	ssyncadd.s32 $0xFFFFFFFF  }
0xb5: {  	_ =	strace $0x90000048  }
0xb6: {  	_ =	sfence  }
0xb7: {  	s30 =	sld [smem:$0x0];
	_ =	sdelay $0x2  }
0xb8: {  	s31 =	sshll.u32 s1, $0xD;
	s1 =	sshrl.u32 s1, $0x2  }
0xb9: {  	s3 =	sand.u32 $0x4000, s31;
	s1 =	sadd.s32 s1, s30  }
0xba: {  	s0 =	sor.u32 s3, s0;
	s1 =	sshll.u32 s1, $0x11  }
0xbb: {  	s0 =	sor.u32 s1, s0  }
0xbc: {  	s0 =	sadd.s32 $0x8F2B, s0  }
0xbd: {  	[sflag:s0] =	ssyncadd.remote.s32 $0x1  }
0xbe: {  	_ =	sfence.sel $0xFFFF  }
0xbf: {  	[dreg:$0x0] =	wrdreg $0xFFFFFFFF;
	(pc) =	sbr.abs _section_cstart, $3  }
0xc0: {  	[dreg:$0x1] =	wrdreg $0xFFFFFFFF  }
0xc1: {  	_ =	task.clear_ibuf [dreg:s7], $0x2FFFF;
	_ =	strace $0x9FFFFFFF  }
0xc2: {  	(tm) =	ssettm $0x7FFFFFFF  }
0xc3: {  	_ =	shalt  }
tec
execute0_lowered:
.L_overlay_start_1:
0x0: {  	(tag) =	ssettag $0x1  }
0x1: {  	s0 =	rddreg [dreg:$0x0]  }
0x2: {  	s2 =	rddreg [dreg:$0x1];
	s1 =	simm.s32 $0x0;
	s3 =	srdreg.scid  }
0x3: {  	s8 =	stileid.u32;
	s22 =	simm.s32 $0x1;
	s23 =	simm.s32 $0x2780  }
0x4: {  	s28 =	simm.s32 $0x10D80;
	s29 =	simm.s32 $0x7680;
	s30 =	simm.s32 $0xA880  }
0x5: {  	s31 =	simm.s32 $0xDA80;
	s3 =	sand.u32 $0x1, s3;
	s20 =	smul.u32 $0x3200, s8  }
0x6: {  	[smem:$0x7FF] =	sst s1;
	s4 =	sadd.s32 $0x1400, s0;
	s6 =	smul.u32 $0xC350, s3  }
0x7: {  	s17 =	sadd.s32 $0x4600, s0;
	s5 =	ssub.s32 $0x2, s3;
	s3 =	smul.u32 $0x96000, s3  }
0x8: {  	s0 =	sadd.s32 $0x7800, s0;
	_ =	strace $0x80000047;
	s7 =	sshrl.u32 s5, $0x1  }
0x9: {  	s21 =	ssub.s32 s5, s7;
	s14 =	sshrl.u32 s6, $0x3;
	s3 =	sadd.s32 s20, s3  }
0xa: {  	s24 =	sadd.s32 s4, s14;
	s25 =	sadd.s32 s17, s14;
	s26 =	sadd.s32 $0x4E2, s14  }
0xb: {  	s5 =	sadd.s32 s0, s14;
	s11 =	sadd.s32 $0x9C4, s14;
	s15 =	sadd.s32 $0xEA6, s14  }
0xc: {  	v0 =	vimm.s32 $0xFFEDCBA9;
	v1 =	vimm.s32 $0x87654321;
	s18 =	sadd.s32 $0x1388, s14;
	s3 =	sshrl.u32 s3, $0x3;
	[dreg:$0x3] =	wrdreg s24  }
0xd: {  	v0 =	vunpack.c.l.s4.s8 v0;
	v1 =	vunpack.c.l.s4.s8 v1;
	s21 =	smax.u32 s21, $0x1;
	[dreg:$0x4] =	wrdreg s25;
	s6 =	sadd.s32 s4, s26  }
0xe: {  	s7 =	sadd.s32 s17, s26;
	s8 =	sadd.s32 s0, s26;
	s9 =	sadd.s32 s4, s11  }
0xf: {  	v0 =	vunpack.c.0.s8.s32 v0;
	v1 =	vunpack.c.0.s8.s32 v1;
	s10 =	sadd.s32 s17, s11;
	s11 =	sadd.s32 s0, s11;
	s12 =	sadd.s32 s4, s15  }
0x10: {  	v2 =	vmov s20;
	s13 =	sadd.s32 s17, s15;
	s14 =	sadd.s32 s0, s15;
	s15 =	sadd.s32 s4, s18  }
0x11: {  	v3 =	vlaneseq.u32;
	v2 =	vsub.s32 $0x0, v2;
	v4 =	vcombine.low v1, v0;
	s16 =	sadd.s32 s2, s3;
	s17 =	sadd.s32 s17, s18;
	s18 =	sadd.s32 s0, s18  }
0x12: {  	vm0 =	vcmask $0x3F3C;
	v0 =	vbroadcast v2, $0x0;
	v1 =	vimm.f32 $0.0e+00;
	s24 =	simm.s32 $0x4F00;
	s25 =	simm.s32 $0x10C80;
	s26 =	simm.s32 $0x10D00  }
0x13: {  	v2 =	vor.u32 $0x80000000, v3;
	v3 =	vor.u32 $0x90000000, v3;
	s0 =	simm.s32 $0x0;
	s19 =	sadd.s32 $0x6400, s16;
	s20 =	sadd.s32 $0xC800, s16;
	v4 =	vand.u32 $0xF, v4  }
.LBB2_1:
0x14: {  	s2 =	simm.s32 $0x40;
	s3 =	simm.s32 $0x0  }
.LBB2_2:
0x15: {  	p0 =	sne.s32 s2, $0xC7C0;
	[tilespmem:s3+$0xDA80] =	vst v1;
	s4 =	smov.u32 s2;
	s2 =	sadd.s32 $0x40, s2  }
.Ltmp0:
0x16: {  	[tilespmem:s3+$0x7680] =	vst v1;
	(pc) =	sbr.rel @p0 .LBB2_2-.Ltmp0, $2  }
0x17: {  	[tilespmem:s3+$0xA880] =	vst v1;
	_ =	sdelay $0x2  }
0x18: {  	s3 =	sshra.s32 s4, $0x2  }
0x19: {  	[tilespmem:s3+$0xDA80] =	vst v1  }
0x1a: {  	[tilespmem:s3+$0x7680] =	vst v1  }
0x1b: {  	[tilespmem:s3+$0xA880] =	vst v1;
	s2 =	simm.s32 $0x0;
	s4 =	rddreg [dreg:$0x3]  }
0x1c: {  	[tilespmem:s2], [sflag:$0x1] =	stream.linear.gather [hbm4b:s4+s2], $0x2710, $0x38;
	[tilespmem:$0x10E00] =	vst v63  }
0x1d: {  	_ =	swait.ge [sflag:s22], $0x2710  }
0x1e: {  	[sflag:s22] =	ssyncset.done $0x0  }
0x1f: {  	s4 =	rddreg [dreg:$0x4];
	[sflag:s22] =	ssyncadd.s32 $0xFFFFD8F0  }
0x20: {  	[tilespmem:s23], [sflag:$0x1] =	stream.linear.gather [hbm4b:s4+s2], $0x2710, $0x38;
	[tilespmem:$0x10E00] =	vst v63  }
0x21: {  	_ =	swait.ge [sflag:s22], $0x2710  }
0x22: {  	[sflag:s22] =	ssyncset.done $0x0  }
0x23: {  	[sflag:s22] =	ssyncadd.s32 $0xFFFFD8F0  }
0x24: {  	[tilespmem:s24], [sflag:$0x1] =	stream.linear.gather [hbm4b:s5+s2], $0x2710, $0x38;
	[tilespmem:$0x10E00] =	vst v63  }
0x25: {  	_ =	swait.ge [sflag:s22], $0x2710  }
0x26: {  	[sflag:s22] =	ssyncset.done $0x0  }
0x27: {  	s4 =	simm.s32 $0x0;
	[sflag:s22] =	ssyncadd.s32 $0xFFFFD8F0  }
0x28: {  	v6 =	vld [tilespmem:s4+$0x2780]  }
0x29: {  	v5 =	vld [tilespmem:s4+$0x4F00]  }
0x2a: {  	s3 =	simm.s32 $0x80;
	s2 =	simm.s32 $0x40;
	v7 =	vld [tilespmem:s4+$0x0]  }
.LBB2_4:
0x2b: {  	p0 =	sne.s32 s3, $0x9C00  }
0x2c: {  	s4 =	sshra.s32 s2, $0x2;
	s2 =	smov.u32 s3;
	s3 =	sadd.s32 $0x40, s3  }
0x2d: {  	_ = 	snop  }
0x2e: {  	v8 =	vadd.f32 $4.000000000e+01, v6  }
0x2f: {  	v9 =	vadd.f32 $2.000000000e+00, v5  }
0x30: {  	v10 =	vadd.f32 v7, v7;
	v8 =	vadd.f32 v8, v8  }
0x31: {  	v9 =	vadd.f32 v9, v9  }
0x32: {  	v10 =	vtrunc.f32 v10;
	v8 =	vtrunc.f32 v8  }
0x33: {  	v8 =	vcvt.f32.s32 v8;
	v9 =	vtrunc.f32 v9  }
0x34: {  	v10 =	vcvt.f32.s32 v10;
	v9 =	vcvt.f32.s32 v9  }
0x35: {  	vm1 =	vgt.s32 v8, $0x0  }
0x36: {  	vm2 =	vgt.s32 v10, $0x0;
	v8 =	vnsel vm1, $0x0, v8;
	vm1 =	vgt.s32 v9, $0x0  }
0x37: {  	v10 =	vnsel vm2, $0x0, v10;
	v8 =	vmin.u32 v8, $0x9F;
	v9 =	vnsel vm1, $0x0, v9  }
0x38: {  	v10 =	vmin.u32 v10, $0x9F;
	v9 =	vmin.u32 v9, $0x7;
	v8 =	vmul.u32 $0xA0, v8  }
0x39: {  	v10 =	vor.u32 v0, v10;
	v9 =	vmul.u32 $0x6400, v9  }
0x3a: {  	v8 =	vadd.s32 v8, v10  }
0x3b: {  	v8 =	vadd.s32 v9, v8  }
0x3c: {  	v9 =	vshll.u32 v8, $0x4  }
0x3d: {  	vm1 =	vlt.u32 v8, $0x3200;
	v8 =	vxor.u32 v2, v9  }
0x3e: {  	v8 =	vsel vm1, v8, v3  }
0x3f: {  	(xrf1) =	vsort.ascd.msk.u32 $0xffff, v8, v7;
	_ =	sdelay $0xd  }
0x40: {  	v7, v8, _ =	vpop (xrf1)  }
0x41: {  	v9 =	vxor.u32 $0x80000000, v7;
	v7 =	vand.u32 $0xF, v7  }
0x42: {  	[tilespmem:$0x10C80] =	vst v9  }
0x43: {  	v10 =	vld.idx.msk [tilespmem:v4+s25+$0x0], $0xffff  }
0x44: {  	[tilespmem:$0x10D00] =	vst v6  }
0x45: {  	[tilespmem:$0x10D80] =	vst v5;
	_ =	sdelay $0x2  }
0x46: {  	v5 =	vshra.s32 v9, $0x4  }
0x47: {  	v6 =	vshra.s32 v10, $0x4  }
0x48: {  	vm2 =	vlt.s32 v9, $0x10000000;
	vm1 =	vne.s32 v5, v6  }
0x49: {  	vm1 =	vmor vm1, vm0  }
0x4a: {  	vm1 =	vmand vm2, vm1;
	v6 =	vld.idx.msk [tilespmem:v7+s26+$0x0], $0xffff  }
0x4b: {  	v7 =	vld.idx.msk [tilespmem:v7+s28+$0x0], $0xffff;
	_ =	sdelay $0x4  }
0x4c: {  	[tilespmem:v5+s29+$0x0] =	vst.idx.msk vm1, v8  }
.Ltmp1:
0x4d: {  	[tilespmem:v5+s30+$0x0] =	vst.idx.msk vm1, v6;
	(pc) =	sbr.rel @p0 .LBB2_4-.Ltmp1, $4  }
0x4e: {  	[tilespmem:v5+s31+$0x0] =	vst.idx.msk vm1, v7  }
0x4f: {  	v6 =	vld [tilespmem:s4+$0x2780]  }
0x50: {  	v5 =	vld [tilespmem:s4+$0x4F00]  }
0x51: {  	v7 =	vld [tilespmem:s4+$0x0]  }
0x52: {  	_ =	sdelay $0x1  }
0x53: {  	v8 =	vadd.f32 $4.000000000e+01, v6  }
0x54: {  	v9 =	vadd.f32 $2.000000000e+00, v5  }
0x55: {  	v10 =	vadd.f32 v7, v7;
	v8 =	vadd.f32 v8, v8  }
0x56: {  	v9 =	vadd.f32 v9, v9  }
0x57: {  	v10 =	vtrunc.f32 v10;
	v8 =	vtrunc.f32 v8  }
0x58: {  	v8 =	vcvt.f32.s32 v8;
	v9 =	vtrunc.f32 v9  }
0x59: {  	v10 =	vcvt.f32.s32 v10;
	v9 =	vcvt.f32.s32 v9  }
0x5a: {  	vm1 =	vgt.s32 v8, $0x0  }
0x5b: {  	vm2 =	vgt.s32 v10, $0x0;
	v8 =	vnsel vm1, $0x0, v8;
	vm1 =	vgt.s32 v9, $0x0  }
0x5c: {  	v10 =	vnsel vm2, $0x0, v10;
	v8 =	vmin.u32 v8, $0x9F;
	v9 =	vnsel vm1, $0x0, v9  }
0x5d: {  	v10 =	vmin.u32 v10, $0x9F;
	v9 =	vmin.u32 v9, $0x7;
	v8 =	vmul.u32 $0xA0, v8  }
0x5e: {  	v10 =	vor.u32 v0, v10;
	v9 =	vmul.u32 $0x6400, v9  }
0x5f: {  	v8 =	vadd.s32 v8, v10  }
0x60: {  	v8 =	vadd.s32 v9, v8  }
0x61: {  	v9 =	vshll.u32 v8, $0x4  }
0x62: {  	vm1 =	vlt.u32 v8, $0x3200;
	v8 =	vxor.u32 v2, v9  }
0x63: {  	v8 =	vsel vm1, v8, v3  }
0x64: {  	(xrf1) =	vsort.ascd.msk.u32 $0xffff, v8, v7;
	_ =	sdelay $0xd  }
0x65: {  	v7, v8, _ =	vpop (xrf1)  }
0x66: {  	v57 =	vxor.u32 $0x80000000, v7  }
0x67: {  	[tilespmem:$0x10C80] =	vst v57  }
0x68: {  	v58 =	vld.idx.msk [tilespmem:v4+s25+$0x0], $0xffff;
	_ =	sdelay $0x4  }
0x69: {  	v7 =	vand.u32 $0xF, v7;
	v11 =	vshra.s32 v57, $0x4;
	v10 =	vshra.s32 v58, $0x4  }
0x6a: {  	vm1 =	vne.s32 v11, v10  }
0x6b: {  	vm2 =	vlt.s32 v57, $0x10000000;
	vm1 =	vmor vm1, vm0  }
0x6c: {  	[tilespmem:$0x10D00] =	vst v6;
	vm1 =	vmand vm2, vm1  }
0x6d: {  	[tilespmem:$0x10D80] =	vst v5  }
0x6e: {  	v5 =	vld.idx.msk [tilespmem:v7+s26+$0x0], $0xffff  }
0x6f: {  	v6 =	vld.idx.msk [tilespmem:v7+s28+$0x0], $0xffff;
	_ =	sdelay $0x2  }
0x70: {  	[tilespmem:v11+s29+$0x0] =	vst.idx.msk vm1, v8  }
0x71: {  	[tilespmem:v11+s30+$0x0] =	vst.idx.msk vm1, v5  }
0x72: {  	s2 =	sshra.s32 s2, $0x2;
	[tilespmem:v11+s31+$0x0] =	vst.idx.msk vm1, v6  }
0x73: {  	v5 =	vld [tilespmem:s2+$0x2780]  }
0x74: {  	v6 =	vld [tilespmem:s2+$0x4F00]  }
0x75: {  	v7 =	vld [tilespmem:s2+$0x0];
	_ =	sdelay $0x2  }
0x76: {  	v8 =	vadd.f32 $4.000000000e+01, v5  }
0x77: {  	v59 =	vadd.f32 $2.000000000e+00, v6  }
0x78: {  	v60 =	vadd.f32 v7, v7;
	v8 =	vadd.f32 v8, v8  }
0x79: {  	v9 =	vadd.f32 v59, v59  }
0x7a: {  	v10 =	vtrunc.f32 v60;
	v8 =	vtrunc.f32 v8  }
0x7b: {  	v9 =	vtrunc.f32 v9;
	v8 =	vcvt.f32.s32 v8  }
0x7c: {  	v10 =	vcvt.f32.s32 v10;
	v9 =	vcvt.f32.s32 v9  }
0x7d: {  	vm1 =	vgt.s32 v8, $0x0  }
0x7e: {  	vm2 =	vgt.s32 v10, $0x0;
	v8 =	vnsel vm1, $0x0, v8;
	vm1 =	vgt.s32 v9, $0x0  }
0x7f: {  	v10 =	vnsel vm2, $0x0, v10;
	v8 =	vmin.u32 v8, $0x9F;
	v9 =	vnsel vm1, $0x0, v9  }
0x80: {  	v10 =	vmin.u32 v10, $0x9F;
	v9 =	vmin.u32 v9, $0x7;
	v8 =	vmul.u32 $0xA0, v8  }
0x81: {  	v10 =	vor.u32 v0, v10;
	v9 =	vmul.u32 $0x6400, v9  }
0x82: {  	v8 =	vadd.s32 v8, v10  }
0x83: {  	v8 =	vadd.s32 v9, v8  }
0x84: {  	v9 =	vshll.u32 v8, $0x4  }
0x85: {  	vm1 =	vlt.u32 v8, $0x3200;
	v8 =	vxor.u32 v2, v9  }
0x86: {  	v8 =	vsel vm1, v8, v3  }
0x87: {  	(xrf1) =	vsort.ascd.msk.u32 $0xffff, v8, v7;
	_ =	sdelay $0xd  }
0x88: {  	v7, v8, _ =	vpop (xrf1)  }
0x89: {  	v61 =	vxor.u32 $0x80000000, v7  }
0x8a: {  	[tilespmem:$0x10C80] =	vst v61  }
0x8b: {  	v62 =	vld.idx.msk [tilespmem:v4+s25+$0x0], $0xffff;
	_ =	sdelay $0x4  }
0x8c: {  	v7 =	vand.u32 $0xF, v7;
	v63 =	vshra.s32 v61, $0x4;
	v10 =	vshra.s32 v62, $0x4  }
0x8d: {  	vm1 =	vne.s32 v63, v10  }
0x8e: {  	vm2 =	vlt.s32 v61, $0x10000000;
	vm1 =	vmor vm1, vm0  }
0x8f: {  	[tilespmem:$0x10D00] =	vst v5;
	vm1 =	vmand vm2, vm1  }
0x90: {  	[tilespmem:$0x10D80] =	vst v6  }
0x91: {  	v5 =	vld.idx.msk [tilespmem:v7+s26+$0x0], $0xffff  }
0x92: {  	v6 =	vld.idx.msk [tilespmem:v7+s28+$0x0], $0xffff;
	_ =	sdelay $0x2  }
0x93: {  	[tilespmem:v63+s29+$0x0] =	vst.idx.msk vm1, v8  }
0x94: {  	[tilespmem:v63+s30+$0x0] =	vst.idx.msk vm1, v5  }
0x95: {  	s4 =	simm.s32 $0x0;
	[tilespmem:v63+s31+$0x0] =	vst.idx.msk vm1, v6  }
0x96: {  	[tilespmem:s4], [sflag:$0x1] =	stream.linear.gather [hbm4b:s6+s4], $0x2710, $0x38;
	[tilespmem:$0x10E00] =	vst v63  }
0x97: {  	_ =	swait.ge [sflag:s22], $0x2710  }
0x98: {  	[sflag:s22] =	ssyncset.done $0x0  }
0x99: {  	[sflag:s22] =	ssyncadd.s32 $0xFFFFD8F0  }
0x9a: {  	[tilespmem:s23], [sflag:$0x1] =	stream.linear.gather [hbm4b:s7+s4], $0x2710, $0x38;
	[tilespmem:$0x10E00] =	vst v63  }
0x9b: {  	_ =	swait.ge [sflag:s22], $0x2710  }
0x9c: {  	[sflag:s22] =	ssyncset.done $0x0  }
0x9d: {  	[sflag:s22] =	ssyncadd.s32 $0xFFFFD8F0  }
0x9e: {  	[tilespmem:s24], [sflag:$0x1] =	stream.linear.gather [hbm4b:s8+s4], $0x2710, $0x38;
	[tilespmem:$0x10E00] =	vst v63  }
0x9f: {  	_ =	swait.ge [sflag:s22], $0x2710  }
0xa0: {  	[sflag:s22] =	ssyncset.done $0x0  }
0xa1: {  	s4 =	simm.s32 $0x0;
	[sflag:s22] =	ssyncadd.s32 $0xFFFFD8F0  }
0xa2: {  	v6 =	vld [tilespmem:s4+$0x2780]  }
0xa3: {  	v5 =	vld [tilespmem:s4+$0x4F00]  }
0xa4: {  	s3 =	simm.s32 $0x80;
	s2 =	simm.s32 $0x40;
	v7 =	vld [tilespmem:s4+$0x0]  }
.LBB2_6:
0xa5: {  	p0 =	sne.s32 s3, $0x9C00  }
0xa6: {  	s4 =	sshra.s32 s2, $0x2;
	s2 =	smov.u32 s3;
	s3 =	sadd.s32 $0x40, s3  }
0xa7: {  	_ = 	snop  }
0xa8: {  	v8 =	vadd.f32 $4.000000000e+01, v6  }
0xa9: {  	v9 =	vadd.f32 $2.000000000e+00, v5  }
0xaa: {  	v10 =	vadd.f32 v7, v7;
	v8 =	vadd.f32 v8, v8  }
0xab: {  	v9 =	vadd.f32 v9, v9  }
0xac: {  	v10 =	vtrunc.f32 v10;
	v8 =	vtrunc.f32 v8  }
0xad: {  	v8 =	vcvt.f32.s32 v8;
	v9 =	vtrunc.f32 v9  }
0xae: {  	v10 =	vcvt.f32.s32 v10;
	v9 =	vcvt.f32.s32 v9  }
0xaf: {  	vm1 =	vgt.s32 v8, $0x0  }
0xb0: {  	vm2 =	vgt.s32 v10, $0x0;
	v8 =	vnsel vm1, $0x0, v8;
	vm1 =	vgt.s32 v9, $0x0  }
0xb1: {  	v10 =	vnsel vm2, $0x0, v10;
	v8 =	vmin.u32 v8, $0x9F;
	v9 =	vnsel vm1, $0x0, v9  }
0xb2: {  	v10 =	vmin.u32 v10, $0x9F;
	v9 =	vmin.u32 v9, $0x7;
	v8 =	vmul.u32 $0xA0, v8  }
0xb3: {  	v10 =	vor.u32 v0, v10;
	v9 =	vmul.u32 $0x6400, v9  }
0xb4: {  	v8 =	vadd.s32 v8, v10  }
0xb5: {  	v8 =	vadd.s32 v9, v8  }
0xb6: {  	v9 =	vshll.u32 v8, $0x4  }
0xb7: {  	vm1 =	vlt.u32 v8, $0x3200;
	v8 =	vxor.u32 v2, v9  }
0xb8: {  	v8 =	vsel vm1, v8, v3  }
0xb9: {  	(xrf1) =	vsort.ascd.msk.u32 $0xffff, v8, v7;
	_ =	sdelay $0xd  }
0xba: {  	v7, v8, _ =	vpop (xrf1)  }
0xbb: {  	v9 =	vxor.u32 $0x80000000, v7;
	v7 =	vand.u32 $0xF, v7  }
0xbc: {  	[tilespmem:$0x10C80] =	vst v9  }
0xbd: {  	v10 =	vld.idx.msk [tilespmem:v4+s25+$0x0], $0xffff  }
0xbe: {  	[tilespmem:$0x10D00] =	vst v6  }
0xbf: {  	[tilespmem:$0x10D80] =	vst v5;
	_ =	sdelay $0x2  }
0xc0: {  	v5 =	vshra.s32 v9, $0x4  }
0xc1: {  	v6 =	vshra.s32 v10, $0x4  }
0xc2: {  	vm2 =	vlt.s32 v9, $0x10000000;
	vm1 =	vne.s32 v5, v6  }
0xc3: {  	vm1 =	vmor vm1, vm0  }
0xc4: {  	vm1 =	vmand vm2, vm1;
	v6 =	vld.idx.msk [tilespmem:v7+s26+$0x0], $0xffff  }
0xc5: {  	v7 =	vld.idx.msk [tilespmem:v7+s28+$0x0], $0xffff;
	_ =	sdelay $0x4  }
0xc6: {  	[tilespmem:v5+s29+$0x0] =	vst.idx.msk vm1, v8  }
.Ltmp2:
0xc7: {  	[tilespmem:v5+s30+$0x0] =	vst.idx.msk vm1, v6;
	(pc) =	sbr.rel @p0 .LBB2_6-.Ltmp2, $4  }
0xc8: {  	[tilespmem:v5+s31+$0x0] =	vst.idx.msk vm1, v7  }
0xc9: {  	v6 =	vld [tilespmem:s4+$0x2780]  }
0xca: {  	v5 =	vld [tilespmem:s4+$0x4F00]  }
0xcb: {  	v7 =	vld [tilespmem:s4+$0x0]  }
0xcc: {  	_ =	sdelay $0x1  }
0xcd: {  	v8 =	vadd.f32 $4.000000000e+01, v6  }
0xce: {  	v9 =	vadd.f32 $2.000000000e+00, v5  }
0xcf: {  	v10 =	vadd.f32 v7, v7;
	v8 =	vadd.f32 v8, v8  }
0xd0: {  	v9 =	vadd.f32 v9, v9  }
0xd1: {  	v10 =	vtrunc.f32 v10;
	v8 =	vtrunc.f32 v8  }
0xd2: {  	v8 =	vcvt.f32.s32 v8;
	v9 =	vtrunc.f32 v9  }
0xd3: {  	v10 =	vcvt.f32.s32 v10;
	v9 =	vcvt.f32.s32 v9  }
0xd4: {  	vm1 =	vgt.s32 v8, $0x0  }
0xd5: {  	vm2 =	vgt.s32 v10, $0x0;
	v8 =	vnsel vm1, $0x0, v8;
	vm1 =	vgt.s32 v9, $0x0  }
0xd6: {  	v10 =	vnsel vm2, $0x0, v10;
	v8 =	vmin.u32 v8, $0x9F;
	v9 =	vnsel vm1, $0x0, v9  }
0xd7: {  	v10 =	vmin.u32 v10, $0x9F;
	v9 =	vmin.u32 v9, $0x7;
	v8 =	vmul.u32 $0xA0, v8  }
0xd8: {  	v10 =	vor.u32 v0, v10;
	v9 =	vmul.u32 $0x6400, v9  }
0xd9: {  	v8 =	vadd.s32 v8, v10  }
0xda: {  	v8 =	vadd.s32 v9, v8  }
0xdb: {  	v9 =	vshll.u32 v8, $0x4  }
0xdc: {  	vm1 =	vlt.u32 v8, $0x3200;
	v8 =	vxor.u32 v2, v9  }
0xdd: {  	v8 =	vsel vm1, v8, v3  }
0xde: {  	(xrf1) =	vsort.ascd.msk.u32 $0xffff, v8, v7;
	_ =	sdelay $0xd  }
0xdf: {  	v7, v8, _ =	vpop (xrf1)  }
0xe0: {  	v57 =	vxor.u32 $0x80000000, v7  }
0xe1: {  	[tilespmem:$0x10C80] =	vst v57  }
0xe2: {  	v58 =	vld.idx.msk [tilespmem:v4+s25+$0x0], $0xffff;
	_ =	sdelay $0x4  }
0xe3: {  	v7 =	vand.u32 $0xF, v7;
	v11 =	vshra.s32 v57, $0x4;
	v10 =	vshra.s32 v58, $0x4  }
0xe4: {  	vm1 =	vne.s32 v11, v10  }
0xe5: {  	vm2 =	vlt.s32 v57, $0x10000000;
	vm1 =	vmor vm1, vm0  }
0xe6: {  	[tilespmem:$0x10D00] =	vst v6;
	vm1 =	vmand vm2, vm1  }
0xe7: {  	[tilespmem:$0x10D80] =	vst v5  }
0xe8: {  	v5 =	vld.idx.msk [tilespmem:v7+s26+$0x0], $0xffff  }
0xe9: {  	v6 =	vld.idx.msk [tilespmem:v7+s28+$0x0], $0xffff;
	_ =	sdelay $0x2  }
0xea: {  	[tilespmem:v11+s29+$0x0] =	vst.idx.msk vm1, v8  }
0xeb: {  	[tilespmem:v11+s30+$0x0] =	vst.idx.msk vm1, v5  }
0xec: {  	s2 =	sshra.s32 s2, $0x2;
	[tilespmem:v11+s31+$0x0] =	vst.idx.msk vm1, v6  }
0xed: {  	v5 =	vld [tilespmem:s2+$0x2780]  }
0xee: {  	v6 =	vld [tilespmem:s2+$0x4F00]  }
0xef: {  	v7 =	vld [tilespmem:s2+$0x0];
	_ =	sdelay $0x2  }
0xf0: {  	v8 =	vadd.f32 $4.000000000e+01, v5  }
0xf1: {  	v59 =	vadd.f32 $2.000000000e+00, v6  }
0xf2: {  	v60 =	vadd.f32 v7, v7;
	v8 =	vadd.f32 v8, v8  }
0xf3: {  	v9 =	vadd.f32 v59, v59  }
0xf4: {  	v10 =	vtrunc.f32 v60;
	v8 =	vtrunc.f32 v8  }
0xf5: {  	v9 =	vtrunc.f32 v9;
	v8 =	vcvt.f32.s32 v8  }
0xf6: {  	v10 =	vcvt.f32.s32 v10;
	v9 =	vcvt.f32.s32 v9  }
0xf7: {  	vm1 =	vgt.s32 v8, $0x0  }
0xf8: {  	vm2 =	vgt.s32 v10, $0x0;
	v8 =	vnsel vm1, $0x0, v8;
	vm1 =	vgt.s32 v9, $0x0  }
0xf9: {  	v10 =	vnsel vm2, $0x0, v10;
	v8 =	vmin.u32 v8, $0x9F;
	v9 =	vnsel vm1, $0x0, v9  }
0xfa: {  	v10 =	vmin.u32 v10, $0x9F;
	v9 =	vmin.u32 v9, $0x7;
	v8 =	vmul.u32 $0xA0, v8  }
0xfb: {  	v10 =	vor.u32 v0, v10;
	v9 =	vmul.u32 $0x6400, v9  }
0xfc: {  	v8 =	vadd.s32 v8, v10  }
0xfd: {  	v8 =	vadd.s32 v9, v8  }
0xfe: {  	v9 =	vshll.u32 v8, $0x4  }
0xff: {  	vm1 =	vlt.u32 v8, $0x3200;
	v8 =	vxor.u32 v2, v9  }
0x100: {  	v8 =	vsel vm1, v8, v3  }
0x101: {  	(xrf1) =	vsort.ascd.msk.u32 $0xffff, v8, v7;
	_ =	sdelay $0xd  }
0x102: {  	v7, v8, _ =	vpop (xrf1)  }
0x103: {  	v61 =	vxor.u32 $0x80000000, v7  }
0x104: {  	[tilespmem:$0x10C80] =	vst v61  }
0x105: {  	v62 =	vld.idx.msk [tilespmem:v4+s25+$0x0], $0xffff;
	_ =	sdelay $0x4  }
0x106: {  	v7 =	vand.u32 $0xF, v7;
	v63 =	vshra.s32 v61, $0x4;
	v10 =	vshra.s32 v62, $0x4  }
0x107: {  	vm1 =	vne.s32 v63, v10  }
0x108: {  	vm2 =	vlt.s32 v61, $0x10000000;
	vm1 =	vmor vm1, vm0  }
0x109: {  	[tilespmem:$0x10D00] =	vst v5;
	vm1 =	vmand vm2, vm1  }
0x10a: {  	[tilespmem:$0x10D80] =	vst v6  }
0x10b: {  	v5 =	vld.idx.msk [tilespmem:v7+s26+$0x0], $0xffff  }
0x10c: {  	v6 =	vld.idx.msk [tilespmem:v7+s28+$0x0], $0xffff;
	_ =	sdelay $0x2  }
0x10d: {  	[tilespmem:v63+s29+$0x0] =	vst.idx.msk vm1, v8  }
0x10e: {  	[tilespmem:v63+s30+$0x0] =	vst.idx.msk vm1, v5  }
0x10f: {  	s4 =	simm.s32 $0x0;
	[tilespmem:v63+s31+$0x0] =	vst.idx.msk vm1, v6  }
0x110: {  	[tilespmem:s4], [sflag:$0x1] =	stream.linear.gather [hbm4b:s9+s4], $0x2710, $0x38;
	[tilespmem:$0x10E00] =	vst v63  }
0x111: {  	_ =	swait.ge [sflag:s22], $0x2710  }
0x112: {  	[sflag:s22] =	ssyncset.done $0x0  }
0x113: {  	[sflag:s22] =	ssyncadd.s32 $0xFFFFD8F0  }
0x114: {  	[tilespmem:s23], [sflag:$0x1] =	stream.linear.gather [hbm4b:s10+s4], $0x2710, $0x38;
	[tilespmem:$0x10E00] =	vst v63  }
0x115: {  	_ =	swait.ge [sflag:s22], $0x2710  }
0x116: {  	[sflag:s22] =	ssyncset.done $0x0  }
0x117: {  	[sflag:s22] =	ssyncadd.s32 $0xFFFFD8F0  }
0x118: {  	[tilespmem:s24], [sflag:$0x1] =	stream.linear.gather [hbm4b:s11+s4], $0x2710, $0x38;
	[tilespmem:$0x10E00] =	vst v63  }
0x119: {  	_ =	swait.ge [sflag:s22], $0x2710  }
0x11a: {  	[sflag:s22] =	ssyncset.done $0x0  }
0x11b: {  	s4 =	simm.s32 $0x0;
	[sflag:s22] =	ssyncadd.s32 $0xFFFFD8F0  }
0x11c: {  	v6 =	vld [tilespmem:s4+$0x2780]  }
0x11d: {  	v5 =	vld [tilespmem:s4+$0x4F00]  }
0x11e: {  	s3 =	simm.s32 $0x80;
	s2 =	simm.s32 $0x40;
	v7 =	vld [tilespmem:s4+$0x0]  }
.LBB2_8:
0x11f: {  	p0 =	sne.s32 s3, $0x9C00  }
0x120: {  	s4 =	sshra.s32 s2, $0x2;
	s2 =	smov.u32 s3;
	s3 =	sadd.s32 $0x40, s3  }
0x121: {  	_ = 	snop  }
0x122: {  	v8 =	vadd.f32 $4.000000000e+01, v6  }
0x123: {  	v9 =	vadd.f32 $2.000000000e+00, v5  }
0x124: {  	v10 =	vadd.f32 v7, v7;
	v8 =	vadd.f32 v8, v8  }
0x125: {  	v9 =	vadd.f32 v9, v9  }
0x126: {  	v10 =	vtrunc.f32 v10;
	v8 =	vtrunc.f32 v8  }
0x127: {  	v8 =	vcvt.f32.s32 v8;
	v9 =	vtrunc.f32 v9  }
0x128: {  	v10 =	vcvt.f32.s32 v10;
	v9 =	vcvt.f32.s32 v9  }
0x129: {  	vm1 =	vgt.s32 v8, $0x0  }
0x12a: {  	vm2 =	vgt.s32 v10, $0x0;
	v8 =	vnsel vm1, $0x0, v8;
	vm1 =	vgt.s32 v9, $0x0  }
0x12b: {  	v10 =	vnsel vm2, $0x0, v10;
	v8 =	vmin.u32 v8, $0x9F;
	v9 =	vnsel vm1, $0x0, v9  }
0x12c: {  	v10 =	vmin.u32 v10, $0x9F;
	v9 =	vmin.u32 v9, $0x7;
	v8 =	vmul.u32 $0xA0, v8  }
0x12d: {  	v10 =	vor.u32 v0, v10;
	v9 =	vmul.u32 $0x6400, v9  }
0x12e: {  	v8 =	vadd.s32 v8, v10  }
0x12f: {  	v8 =	vadd.s32 v9, v8  }
0x130: {  	v9 =	vshll.u32 v8, $0x4  }
0x131: {  	vm1 =	vlt.u32 v8, $0x3200;
	v8 =	vxor.u32 v2, v9  }
0x132: {  	v8 =	vsel vm1, v8, v3  }
0x133: {  	(xrf1) =	vsort.ascd.msk.u32 $0xffff, v8, v7;
	_ =	sdelay $0xd  }
0x134: {  	v7, v8, _ =	vpop (xrf1)  }
0x135: {  	v9 =	vxor.u32 $0x80000000, v7;
	v7 =	vand.u32 $0xF, v7  }
0x136: {  	[tilespmem:$0x10C80] =	vst v9  }
0x137: {  	v10 =	vld.idx.msk [tilespmem:v4+s25+$0x0], $0xffff  }
0x138: {  	[tilespmem:$0x10D00] =	vst v6  }
0x139: {  	[tilespmem:$0x10D80] =	vst v5;
	_ =	sdelay $0x2  }
0x13a: {  	v5 =	vshra.s32 v9, $0x4  }
0x13b: {  	v6 =	vshra.s32 v10, $0x4  }
0x13c: {  	vm2 =	vlt.s32 v9, $0x10000000;
	vm1 =	vne.s32 v5, v6  }
0x13d: {  	vm1 =	vmor vm1, vm0  }
0x13e: {  	vm1 =	vmand vm2, vm1;
	v6 =	vld.idx.msk [tilespmem:v7+s26+$0x0], $0xffff  }
0x13f: {  	v7 =	vld.idx.msk [tilespmem:v7+s28+$0x0], $0xffff;
	_ =	sdelay $0x4  }
0x140: {  	[tilespmem:v5+s29+$0x0] =	vst.idx.msk vm1, v8  }
.Ltmp3:
0x141: {  	[tilespmem:v5+s30+$0x0] =	vst.idx.msk vm1, v6;
	(pc) =	sbr.rel @p0 .LBB2_8-.Ltmp3, $4  }
0x142: {  	[tilespmem:v5+s31+$0x0] =	vst.idx.msk vm1, v7  }
0x143: {  	v6 =	vld [tilespmem:s4+$0x2780]  }
0x144: {  	v5 =	vld [tilespmem:s4+$0x4F00]  }
0x145: {  	v7 =	vld [tilespmem:s4+$0x0]  }
0x146: {  	_ =	sdelay $0x1  }
0x147: {  	v8 =	vadd.f32 $4.000000000e+01, v6  }
0x148: {  	v9 =	vadd.f32 $2.000000000e+00, v5  }
0x149: {  	v10 =	vadd.f32 v7, v7;
	v8 =	vadd.f32 v8, v8  }
0x14a: {  	v9 =	vadd.f32 v9, v9  }
0x14b: {  	v10 =	vtrunc.f32 v10;
	v8 =	vtrunc.f32 v8  }
0x14c: {  	v8 =	vcvt.f32.s32 v8;
	v9 =	vtrunc.f32 v9  }
0x14d: {  	v10 =	vcvt.f32.s32 v10;
	v9 =	vcvt.f32.s32 v9  }
0x14e: {  	vm1 =	vgt.s32 v8, $0x0  }
0x14f: {  	vm2 =	vgt.s32 v10, $0x0;
	v8 =	vnsel vm1, $0x0, v8;
	vm1 =	vgt.s32 v9, $0x0  }
0x150: {  	v10 =	vnsel vm2, $0x0, v10;
	v8 =	vmin.u32 v8, $0x9F;
	v9 =	vnsel vm1, $0x0, v9  }
0x151: {  	v10 =	vmin.u32 v10, $0x9F;
	v9 =	vmin.u32 v9, $0x7;
	v8 =	vmul.u32 $0xA0, v8  }
0x152: {  	v10 =	vor.u32 v0, v10;
	v9 =	vmul.u32 $0x6400, v9  }
0x153: {  	v8 =	vadd.s32 v8, v10  }
0x154: {  	v8 =	vadd.s32 v9, v8  }
0x155: {  	v9 =	vshll.u32 v8, $0x4  }
0x156: {  	vm1 =	vlt.u32 v8, $0x3200;
	v8 =	vxor.u32 v2, v9  }
0x157: {  	v8 =	vsel vm1, v8, v3  }
0x158: {  	(xrf1) =	vsort.ascd.msk.u32 $0xffff, v8, v7;
	_ =	sdelay $0xd  }
0x159: {  	v7, v8, _ =	vpop (xrf1)  }
0x15a: {  	v57 =	vxor.u32 $0x80000000, v7  }
0x15b: {  	[tilespmem:$0x10C80] =	vst v57  }
0x15c: {  	v58 =	vld.idx.msk [tilespmem:v4+s25+$0x0], $0xffff;
	_ =	sdelay $0x4  }
0x15d: {  	v7 =	vand.u32 $0xF, v7;
	v11 =	vshra.s32 v57, $0x4;
	v10 =	vshra.s32 v58, $0x4  }
0x15e: {  	vm1 =	vne.s32 v11, v10  }
0x15f: {  	vm2 =	vlt.s32 v57, $0x10000000;
	vm1 =	vmor vm1, vm0  }
0x160: {  	[tilespmem:$0x10D00] =	vst v6;
	vm1 =	vmand vm2, vm1  }
0x161: {  	[tilespmem:$0x10D80] =	vst v5  }
0x162: {  	v5 =	vld.idx.msk [tilespmem:v7+s26+$0x0], $0xffff  }
0x163: {  	v6 =	vld.idx.msk [tilespmem:v7+s28+$0x0], $0xffff;
	_ =	sdelay $0x2  }
0x164: {  	[tilespmem:v11+s29+$0x0] =	vst.idx.msk vm1, v8  }
0x165: {  	[tilespmem:v11+s30+$0x0] =	vst.idx.msk vm1, v5  }
0x166: {  	s2 =	sshra.s32 s2, $0x2;
	[tilespmem:v11+s31+$0x0] =	vst.idx.msk vm1, v6  }
0x167: {  	v5 =	vld [tilespmem:s2+$0x2780]  }
0x168: {  	v6 =	vld [tilespmem:s2+$0x4F00]  }
0x169: {  	v7 =	vld [tilespmem:s2+$0x0];
	_ =	sdelay $0x2  }
0x16a: {  	v8 =	vadd.f32 $4.000000000e+01, v5  }
0x16b: {  	v59 =	vadd.f32 $2.000000000e+00, v6  }
0x16c: {  	v60 =	vadd.f32 v7, v7;
	v8 =	vadd.f32 v8, v8  }
0x16d: {  	v9 =	vadd.f32 v59, v59  }
0x16e: {  	v10 =	vtrunc.f32 v60;
	v8 =	vtrunc.f32 v8  }
0x16f: {  	v9 =	vtrunc.f32 v9;
	v8 =	vcvt.f32.s32 v8  }
0x170: {  	v10 =	vcvt.f32.s32 v10;
	v9 =	vcvt.f32.s32 v9  }
0x171: {  	vm1 =	vgt.s32 v8, $0x0  }
0x172: {  	vm2 =	vgt.s32 v10, $0x0;
	v8 =	vnsel vm1, $0x0, v8;
	vm1 =	vgt.s32 v9, $0x0  }
0x173: {  	v10 =	vnsel vm2, $0x0, v10;
	v8 =	vmin.u32 v8, $0x9F;
	v9 =	vnsel vm1, $0x0, v9  }
0x174: {  	v10 =	vmin.u32 v10, $0x9F;
	v9 =	vmin.u32 v9, $0x7;
	v8 =	vmul.u32 $0xA0, v8  }
0x175: {  	v10 =	vor.u32 v0, v10;
	v9 =	vmul.u32 $0x6400, v9  }
0x176: {  	v8 =	vadd.s32 v8, v10  }
0x177: {  	v8 =	vadd.s32 v9, v8  }
0x178: {  	v9 =	vshll.u32 v8, $0x4  }
0x179: {  	vm1 =	vlt.u32 v8, $0x3200;
	v8 =	vxor.u32 v2, v9  }
0x17a: {  	v8 =	vsel vm1, v8, v3  }
0x17b: {  	(xrf1) =	vsort.ascd.msk.u32 $0xffff, v8, v7;
	_ =	sdelay $0xd  }
0x17c: {  	v7, v8, _ =	vpop (xrf1)  }
0x17d: {  	v61 =	vxor.u32 $0x80000000, v7  }
0x17e: {  	[tilespmem:$0x10C80] =	vst v61  }
0x17f: {  	v62 =	vld.idx.msk [tilespmem:v4+s25+$0x0], $0xffff;
	_ =	sdelay $0x4  }
0x180: {  	v7 =	vand.u32 $0xF, v7;
	v63 =	vshra.s32 v61, $0x4;
	v10 =	vshra.s32 v62, $0x4  }
0x181: {  	vm1 =	vne.s32 v63, v10  }
0x182: {  	vm2 =	vlt.s32 v61, $0x10000000;
	vm1 =	vmor vm1, vm0  }
0x183: {  	[tilespmem:$0x10D00] =	vst v5;
	vm1 =	vmand vm2, vm1  }
0x184: {  	[tilespmem:$0x10D80] =	vst v6  }
0x185: {  	v5 =	vld.idx.msk [tilespmem:v7+s26+$0x0], $0xffff  }
0x186: {  	v6 =	vld.idx.msk [tilespmem:v7+s28+$0x0], $0xffff;
	_ =	sdelay $0x2  }
0x187: {  	[tilespmem:v63+s29+$0x0] =	vst.idx.msk vm1, v8  }
0x188: {  	[tilespmem:v63+s30+$0x0] =	vst.idx.msk vm1, v5  }
0x189: {  	s4 =	simm.s32 $0x0;
	[tilespmem:v63+s31+$0x0] =	vst.idx.msk vm1, v6  }
0x18a: {  	[tilespmem:s4], [sflag:$0x1] =	stream.linear.gather [hbm4b:s12+s4], $0x2710, $0x38;
	[tilespmem:$0x10E00] =	vst v63  }
0x18b: {  	_ =	swait.ge [sflag:s22], $0x2710  }
0x18c: {  	[sflag:s22] =	ssyncset.done $0x0  }
0x18d: {  	[sflag:s22] =	ssyncadd.s32 $0xFFFFD8F0  }
0x18e: {  	[tilespmem:s23], [sflag:$0x1] =	stream.linear.gather [hbm4b:s13+s4], $0x2710, $0x38;
	[tilespmem:$0x10E00] =	vst v63  }
0x18f: {  	_ =	swait.ge [sflag:s22], $0x2710  }
0x190: {  	[sflag:s22] =	ssyncset.done $0x0  }
0x191: {  	[sflag:s22] =	ssyncadd.s32 $0xFFFFD8F0  }
0x192: {  	[tilespmem:s24], [sflag:$0x1] =	stream.linear.gather [hbm4b:s14+s4], $0x2710, $0x38;
	[tilespmem:$0x10E00] =	vst v63  }
0x193: {  	_ =	swait.ge [sflag:s22], $0x2710  }
0x194: {  	[sflag:s22] =	ssyncset.done $0x0  }
0x195: {  	s4 =	simm.s32 $0x0;
	[sflag:s22] =	ssyncadd.s32 $0xFFFFD8F0  }
0x196: {  	v6 =	vld [tilespmem:s4+$0x2780]  }
0x197: {  	v5 =	vld [tilespmem:s4+$0x4F00]  }
0x198: {  	s3 =	simm.s32 $0x80;
	s2 =	simm.s32 $0x40;
	v7 =	vld [tilespmem:s4+$0x0]  }
.LBB2_10:
0x199: {  	p0 =	sne.s32 s3, $0x9C00  }
0x19a: {  	s4 =	sshra.s32 s2, $0x2;
	s2 =	smov.u32 s3;
	s3 =	sadd.s32 $0x40, s3  }
0x19b: {  	_ = 	snop  }
0x19c: {  	v8 =	vadd.f32 $4.000000000e+01, v6  }
0x19d: {  	v9 =	vadd.f32 $2.000000000e+00, v5  }
0x19e: {  	v10 =	vadd.f32 v7, v7;
	v8 =	vadd.f32 v8, v8  }
0x19f: {  	v9 =	vadd.f32 v9, v9  }
0x1a0: {  	v10 =	vtrunc.f32 v10;
	v8 =	vtrunc.f32 v8  }
0x1a1: {  	v8 =	vcvt.f32.s32 v8;
	v9 =	vtrunc.f32 v9  }
0x1a2: {  	v10 =	vcvt.f32.s32 v10;
	v9 =	vcvt.f32.s32 v9  }
0x1a3: {  	vm1 =	vgt.s32 v8, $0x0  }
0x1a4: {  	vm2 =	vgt.s32 v10, $0x0;
	v8 =	vnsel vm1, $0x0, v8;
	vm1 =	vgt.s32 v9, $0x0  }
0x1a5: {  	v10 =	vnsel vm2, $0x0, v10;
	v8 =	vmin.u32 v8, $0x9F;
	v9 =	vnsel vm1, $0x0, v9  }
0x1a6: {  	v10 =	vmin.u32 v10, $0x9F;
	v9 =	vmin.u32 v9, $0x7;
	v8 =	vmul.u32 $0xA0, v8  }
0x1a7: {  	v10 =	vor.u32 v0, v10;
	v9 =	vmul.u32 $0x6400, v9  }
0x1a8: {  	v8 =	vadd.s32 v8, v10  }
0x1a9: {  	v8 =	vadd.s32 v9, v8  }
0x1aa: {  	v9 =	vshll.u32 v8, $0x4  }
0x1ab: {  	vm1 =	vlt.u32 v8, $0x3200;
	v8 =	vxor.u32 v2, v9  }
0x1ac: {  	v8 =	vsel vm1, v8, v3  }
0x1ad: {  	(xrf1) =	vsort.ascd.msk.u32 $0xffff, v8, v7;
	_ =	sdelay $0xd  }
0x1ae: {  	v7, v8, _ =	vpop (xrf1)  }
0x1af: {  	v9 =	vxor.u32 $0x80000000, v7;
	v7 =	vand.u32 $0xF, v7  }
0x1b0: {  	[tilespmem:$0x10C80] =	vst v9  }
0x1b1: {  	v10 =	vld.idx.msk [tilespmem:v4+s25+$0x0], $0xffff  }
0x1b2: {  	[tilespmem:$0x10D00] =	vst v6  }
0x1b3: {  	[tilespmem:$0x10D80] =	vst v5;
	_ =	sdelay $0x2  }
0x1b4: {  	v5 =	vshra.s32 v9, $0x4  }
0x1b5: {  	v6 =	vshra.s32 v10, $0x4  }
0x1b6: {  	vm2 =	vlt.s32 v9, $0x10000000;
	vm1 =	vne.s32 v5, v6  }
0x1b7: {  	vm1 =	vmor vm1, vm0  }
0x1b8: {  	vm1 =	vmand vm2, vm1;
	v6 =	vld.idx.msk [tilespmem:v7+s26+$0x0], $0xffff  }
0x1b9: {  	v7 =	vld.idx.msk [tilespmem:v7+s28+$0x0], $0xffff;
	_ =	sdelay $0x4  }
0x1ba: {  	[tilespmem:v5+s29+$0x0] =	vst.idx.msk vm1, v8  }
.Ltmp4:
0x1bb: {  	[tilespmem:v5+s30+$0x0] =	vst.idx.msk vm1, v6;
	(pc) =	sbr.rel @p0 .LBB2_10-.Ltmp4, $4  }
0x1bc: {  	[tilespmem:v5+s31+$0x0] =	vst.idx.msk vm1, v7  }
0x1bd: {  	v6 =	vld [tilespmem:s4+$0x2780]  }
0x1be: {  	v5 =	vld [tilespmem:s4+$0x4F00]  }
0x1bf: {  	v7 =	vld [tilespmem:s4+$0x0]  }
0x1c0: {  	_ =	sdelay $0x1  }
0x1c1: {  	v8 =	vadd.f32 $4.000000000e+01, v6  }
0x1c2: {  	v9 =	vadd.f32 $2.000000000e+00, v5  }
0x1c3: {  	v10 =	vadd.f32 v7, v7;
	v8 =	vadd.f32 v8, v8  }
0x1c4: {  	v9 =	vadd.f32 v9, v9  }
0x1c5: {  	v10 =	vtrunc.f32 v10;
	v8 =	vtrunc.f32 v8  }
0x1c6: {  	v8 =	vcvt.f32.s32 v8;
	v9 =	vtrunc.f32 v9  }
0x1c7: {  	v10 =	vcvt.f32.s32 v10;
	v9 =	vcvt.f32.s32 v9  }
0x1c8: {  	vm1 =	vgt.s32 v8, $0x0  }
0x1c9: {  	vm2 =	vgt.s32 v10, $0x0;
	v8 =	vnsel vm1, $0x0, v8;
	vm1 =	vgt.s32 v9, $0x0  }
0x1ca: {  	v10 =	vnsel vm2, $0x0, v10;
	v8 =	vmin.u32 v8, $0x9F;
	v9 =	vnsel vm1, $0x0, v9  }
0x1cb: {  	v10 =	vmin.u32 v10, $0x9F;
	v9 =	vmin.u32 v9, $0x7;
	v8 =	vmul.u32 $0xA0, v8  }
0x1cc: {  	v10 =	vor.u32 v0, v10;
	v9 =	vmul.u32 $0x6400, v9  }
0x1cd: {  	v8 =	vadd.s32 v8, v10  }
0x1ce: {  	v8 =	vadd.s32 v9, v8  }
0x1cf: {  	v9 =	vshll.u32 v8, $0x4  }
0x1d0: {  	vm1 =	vlt.u32 v8, $0x3200;
	v8 =	vxor.u32 v2, v9  }
0x1d1: {  	v8 =	vsel vm1, v8, v3  }
0x1d2: {  	(xrf1) =	vsort.ascd.msk.u32 $0xffff, v8, v7;
	_ =	sdelay $0xd  }
0x1d3: {  	v7, v8, _ =	vpop (xrf1)  }
0x1d4: {  	v57 =	vxor.u32 $0x80000000, v7  }
0x1d5: {  	[tilespmem:$0x10C80] =	vst v57  }
0x1d6: {  	v58 =	vld.idx.msk [tilespmem:v4+s25+$0x0], $0xffff;
	_ =	sdelay $0x4  }
0x1d7: {  	v7 =	vand.u32 $0xF, v7;
	v11 =	vshra.s32 v57, $0x4;
	v10 =	vshra.s32 v58, $0x4  }
0x1d8: {  	vm1 =	vne.s32 v11, v10  }
0x1d9: {  	vm2 =	vlt.s32 v57, $0x10000000;
	vm1 =	vmor vm1, vm0  }
0x1da: {  	[tilespmem:$0x10D00] =	vst v6;
	vm1 =	vmand vm2, vm1  }
0x1db: {  	[tilespmem:$0x10D80] =	vst v5  }
0x1dc: {  	v5 =	vld.idx.msk [tilespmem:v7+s26+$0x0], $0xffff  }
0x1dd: {  	v6 =	vld.idx.msk [tilespmem:v7+s28+$0x0], $0xffff;
	_ =	sdelay $0x2  }
0x1de: {  	[tilespmem:v11+s29+$0x0] =	vst.idx.msk vm1, v8  }
0x1df: {  	[tilespmem:v11+s30+$0x0] =	vst.idx.msk vm1, v5  }
0x1e0: {  	s2 =	sshra.s32 s2, $0x2;
	[tilespmem:v11+s31+$0x0] =	vst.idx.msk vm1, v6  }
0x1e1: {  	v5 =	vld [tilespmem:s2+$0x2780]  }
0x1e2: {  	v6 =	vld [tilespmem:s2+$0x4F00]  }
0x1e3: {  	v7 =	vld [tilespmem:s2+$0x0];
	_ =	sdelay $0x2  }
0x1e4: {  	v8 =	vadd.f32 $4.000000000e+01, v5  }
0x1e5: {  	v59 =	vadd.f32 $2.000000000e+00, v6  }
0x1e6: {  	v60 =	vadd.f32 v7, v7;
	v8 =	vadd.f32 v8, v8  }
0x1e7: {  	v9 =	vadd.f32 v59, v59  }
0x1e8: {  	v10 =	vtrunc.f32 v60;
	v8 =	vtrunc.f32 v8  }
0x1e9: {  	v9 =	vtrunc.f32 v9;
	v8 =	vcvt.f32.s32 v8  }
0x1ea: {  	v10 =	vcvt.f32.s32 v10;
	v9 =	vcvt.f32.s32 v9  }
0x1eb: {  	vm1 =	vgt.s32 v8, $0x0  }
0x1ec: {  	vm2 =	vgt.s32 v10, $0x0;
	v8 =	vnsel vm1, $0x0, v8;
	vm1 =	vgt.s32 v9, $0x0  }
0x1ed: {  	v10 =	vnsel vm2, $0x0, v10;
	v8 =	vmin.u32 v8, $0x9F;
	v9 =	vnsel vm1, $0x0, v9  }
0x1ee: {  	v10 =	vmin.u32 v10, $0x9F;
	v9 =	vmin.u32 v9, $0x7;
	v8 =	vmul.u32 $0xA0, v8  }
0x1ef: {  	v10 =	vor.u32 v0, v10;
	v9 =	vmul.u32 $0x6400, v9  }
0x1f0: {  	v8 =	vadd.s32 v8, v10  }
0x1f1: {  	v8 =	vadd.s32 v9, v8  }
0x1f2: {  	v9 =	vshll.u32 v8, $0x4  }
0x1f3: {  	vm1 =	vlt.u32 v8, $0x3200;
	v8 =	vxor.u32 v2, v9  }
0x1f4: {  	v8 =	vsel vm1, v8, v3  }
0x1f5: {  	(xrf1) =	vsort.ascd.msk.u32 $0xffff, v8, v7;
	_ =	sdelay $0xd  }
0x1f6: {  	v7, v8, _ =	vpop (xrf1)  }
0x1f7: {  	v61 =	vxor.u32 $0x80000000, v7  }
0x1f8: {  	[tilespmem:$0x10C80] =	vst v61  }
0x1f9: {  	v62 =	vld.idx.msk [tilespmem:v4+s25+$0x0], $0xffff;
	_ =	sdelay $0x4  }
0x1fa: {  	v7 =	vand.u32 $0xF, v7;
	v63 =	vshra.s32 v61, $0x4;
	v10 =	vshra.s32 v62, $0x4  }
0x1fb: {  	vm1 =	vne.s32 v63, v10  }
0x1fc: {  	vm2 =	vlt.s32 v61, $0x10000000;
	vm1 =	vmor vm1, vm0  }
0x1fd: {  	[tilespmem:$0x10D00] =	vst v5;
	vm1 =	vmand vm2, vm1  }
0x1fe: {  	[tilespmem:$0x10D80] =	vst v6  }
0x1ff: {  	v5 =	vld.idx.msk [tilespmem:v7+s26+$0x0], $0xffff  }
0x200: {  	v6 =	vld.idx.msk [tilespmem:v7+s28+$0x0], $0xffff;
	_ =	sdelay $0x2  }
0x201: {  	[tilespmem:v63+s29+$0x0] =	vst.idx.msk vm1, v8  }
0x202: {  	[tilespmem:v63+s30+$0x0] =	vst.idx.msk vm1, v5  }
0x203: {  	s4 =	simm.s32 $0x0;
	[tilespmem:v63+s31+$0x0] =	vst.idx.msk vm1, v6  }
0x204: {  	[tilespmem:s4], [sflag:$0x1] =	stream.linear.gather [hbm4b:s15+s4], $0x2710, $0x38;
	[tilespmem:$0x10E00] =	vst v63  }
0x205: {  	_ =	swait.ge [sflag:s22], $0x2710  }
0x206: {  	[sflag:s22] =	ssyncset.done $0x0  }
0x207: {  	[sflag:s22] =	ssyncadd.s32 $0xFFFFD8F0  }
0x208: {  	[tilespmem:s23], [sflag:$0x1] =	stream.linear.gather [hbm4b:s17+s4], $0x2710, $0x38;
	[tilespmem:$0x10E00] =	vst v63  }
0x209: {  	_ =	swait.ge [sflag:s22], $0x2710  }
0x20a: {  	[sflag:s22] =	ssyncset.done $0x0  }
0x20b: {  	[sflag:s22] =	ssyncadd.s32 $0xFFFFD8F0  }
0x20c: {  	[tilespmem:s24], [sflag:$0x1] =	stream.linear.gather [hbm4b:s18+s4], $0x2710, $0x38;
	[tilespmem:$0x10E00] =	vst v63  }
0x20d: {  	_ =	swait.ge [sflag:s22], $0x2710  }
0x20e: {  	[sflag:s22] =	ssyncset.done $0x0  }
0x20f: {  	s4 =	simm.s32 $0x0;
	[sflag:s22] =	ssyncadd.s32 $0xFFFFD8F0  }
0x210: {  	v6 =	vld [tilespmem:s4+$0x2780]  }
0x211: {  	v5 =	vld [tilespmem:s4+$0x4F00]  }
0x212: {  	s3 =	simm.s32 $0x80;
	s2 =	simm.s32 $0x40;
	v7 =	vld [tilespmem:s4+$0x0]  }
.LBB2_12:
0x213: {  	p0 =	sne.s32 s3, $0x9C00  }
0x214: {  	s4 =	sshra.s32 s2, $0x2;
	s2 =	smov.u32 s3;
	s3 =	sadd.s32 $0x40, s3  }
0x215: {  	_ = 	snop  }
0x216: {  	v8 =	vadd.f32 $4.000000000e+01, v6  }
0x217: {  	v9 =	vadd.f32 $2.000000000e+00, v5  }
0x218: {  	v10 =	vadd.f32 v7, v7;
	v8 =	vadd.f32 v8, v8  }
0x219: {  	v9 =	vadd.f32 v9, v9  }
0x21a: {  	v10 =	vtrunc.f32 v10;
	v8 =	vtrunc.f32 v8  }
0x21b: {  	v8 =	vcvt.f32.s32 v8;
	v9 =	vtrunc.f32 v9  }
0x21c: {  	v10 =	vcvt.f32.s32 v10;
	v9 =	vcvt.f32.s32 v9  }
0x21d: {  	vm1 =	vgt.s32 v8, $0x0  }
0x21e: {  	vm2 =	vgt.s32 v10, $0x0;
	v8 =	vnsel vm1, $0x0, v8;
	vm1 =	vgt.s32 v9, $0x0  }
0x21f: {  	v10 =	vnsel vm2, $0x0, v10;
	v8 =	vmin.u32 v8, $0x9F;
	v9 =	vnsel vm1, $0x0, v9  }
0x220: {  	v10 =	vmin.u32 v10, $0x9F;
	v9 =	vmin.u32 v9, $0x7;
	v8 =	vmul.u32 $0xA0, v8  }
0x221: {  	v10 =	vor.u32 v0, v10;
	v9 =	vmul.u32 $0x6400, v9  }
0x222: {  	v8 =	vadd.s32 v8, v10  }
0x223: {  	v8 =	vadd.s32 v9, v8  }
0x224: {  	v9 =	vshll.u32 v8, $0x4  }
0x225: {  	vm1 =	vlt.u32 v8, $0x3200;
	v8 =	vxor.u32 v2, v9  }
0x226: {  	v8 =	vsel vm1, v8, v3  }
0x227: {  	(xrf1) =	vsort.ascd.msk.u32 $0xffff, v8, v7;
	_ =	sdelay $0xd  }
0x228: {  	v7, v8, _ =	vpop (xrf1)  }
0x229: {  	v9 =	vxor.u32 $0x80000000, v7;
	v7 =	vand.u32 $0xF, v7  }
0x22a: {  	[tilespmem:$0x10C80] =	vst v9  }
0x22b: {  	v10 =	vld.idx.msk [tilespmem:v4+s25+$0x0], $0xffff  }
0x22c: {  	[tilespmem:$0x10D00] =	vst v6  }
0x22d: {  	[tilespmem:$0x10D80] =	vst v5;
	_ =	sdelay $0x2  }
0x22e: {  	v5 =	vshra.s32 v9, $0x4  }
0x22f: {  	v6 =	vshra.s32 v10, $0x4  }
0x230: {  	vm2 =	vlt.s32 v9, $0x10000000;
	vm1 =	vne.s32 v5, v6  }
0x231: {  	vm1 =	vmor vm1, vm0  }
0x232: {  	vm1 =	vmand vm2, vm1;
	v6 =	vld.idx.msk [tilespmem:v7+s26+$0x0], $0xffff  }
0x233: {  	v7 =	vld.idx.msk [tilespmem:v7+s28+$0x0], $0xffff;
	_ =	sdelay $0x4  }
0x234: {  	[tilespmem:v5+s29+$0x0] =	vst.idx.msk vm1, v8  }
.Ltmp5:
0x235: {  	[tilespmem:v5+s30+$0x0] =	vst.idx.msk vm1, v6;
	(pc) =	sbr.rel @p0 .LBB2_12-.Ltmp5, $4  }
0x236: {  	[tilespmem:v5+s31+$0x0] =	vst.idx.msk vm1, v7  }
0x237: {  	v6 =	vld [tilespmem:s4+$0x2780]  }
0x238: {  	v5 =	vld [tilespmem:s4+$0x4F00]  }
0x239: {  	v7 =	vld [tilespmem:s4+$0x0]  }
0x23a: {  	_ =	sdelay $0x1  }
0x23b: {  	v8 =	vadd.f32 $4.000000000e+01, v6  }
0x23c: {  	v9 =	vadd.f32 $2.000000000e+00, v5  }
0x23d: {  	v10 =	vadd.f32 v7, v7;
	v8 =	vadd.f32 v8, v8  }
0x23e: {  	v9 =	vadd.f32 v9, v9  }
0x23f: {  	v10 =	vtrunc.f32 v10;
	v8 =	vtrunc.f32 v8  }
0x240: {  	v8 =	vcvt.f32.s32 v8;
	v9 =	vtrunc.f32 v9  }
0x241: {  	v10 =	vcvt.f32.s32 v10;
	v9 =	vcvt.f32.s32 v9  }
0x242: {  	vm1 =	vgt.s32 v8, $0x0  }
0x243: {  	vm2 =	vgt.s32 v10, $0x0;
	v8 =	vnsel vm1, $0x0, v8;
	vm1 =	vgt.s32 v9, $0x0  }
0x244: {  	v10 =	vnsel vm2, $0x0, v10;
	v8 =	vmin.u32 v8, $0x9F;
	v9 =	vnsel vm1, $0x0, v9  }
0x245: {  	v10 =	vmin.u32 v10, $0x9F;
	v9 =	vmin.u32 v9, $0x7;
	v8 =	vmul.u32 $0xA0, v8  }
0x246: {  	v10 =	vor.u32 v0, v10;
	v9 =	vmul.u32 $0x6400, v9  }
0x247: {  	v8 =	vadd.s32 v8, v10  }
0x248: {  	v8 =	vadd.s32 v9, v8  }
0x249: {  	v9 =	vshll.u32 v8, $0x4  }
0x24a: {  	vm1 =	vlt.u32 v8, $0x3200;
	v54 =	vxor.u32 v2, v9  }
0x24b: {  	v8 =	vsel vm1, v54, v3  }
0x24c: {  	(xrf1) =	vsort.ascd.msk.u32 $0xffff, v8, v7;
	_ =	sdelay $0xd  }
0x24d: {  	v7, v8, _ =	vpop (xrf1)  }
0x24e: {  	v55 =	vxor.u32 $0x80000000, v7  }
0x24f: {  	[tilespmem:$0x10C80] =	vst v55  }
0x250: {  	v56 =	vld.idx.msk [tilespmem:v4+s25+$0x0], $0xffff;
	_ =	sdelay $0x4  }
0x251: {  	v7 =	vand.u32 $0xF, v7;
	v11 =	vshra.s32 v55, $0x4;
	v10 =	vshra.s32 v56, $0x4  }
0x252: {  	vm1 =	vne.s32 v11, v10  }
0x253: {  	vm2 =	vlt.s32 v55, $0x10000000;
	vm1 =	vmor vm1, vm0  }
0x254: {  	[tilespmem:$0x10D00] =	vst v6;
	vm1 =	vmand vm2, vm1  }
0x255: {  	[tilespmem:$0x10D80] =	vst v5  }
0x256: {  	v5 =	vld.idx.msk [tilespmem:v7+s26+$0x0], $0xffff  }
0x257: {  	v6 =	vld.idx.msk [tilespmem:v7+s28+$0x0], $0xffff;
	_ =	sdelay $0x2  }
0x258: {  	[tilespmem:v11+s29+$0x0] =	vst.idx.msk vm1, v8  }
0x259: {  	[tilespmem:v11+s30+$0x0] =	vst.idx.msk vm1, v5  }
0x25a: {  	s2 =	sshra.s32 s2, $0x2;
	[tilespmem:v11+s31+$0x0] =	vst.idx.msk vm1, v6  }
0x25b: {  	v5 =	vld [tilespmem:s2+$0x2780]  }
0x25c: {  	v6 =	vld [tilespmem:s2+$0x4F00]  }
0x25d: {  	v7 =	vld [tilespmem:s2+$0x0];
	_ =	sdelay $0x2  }
0x25e: {  	v57 =	vadd.f32 $4.000000000e+01, v5  }
0x25f: {  	v58 =	vadd.f32 $2.000000000e+00, v6  }
0x260: {  	v59 =	vadd.f32 v7, v7;
	v8 =	vadd.f32 v57, v57  }
0x261: {  	v9 =	vadd.f32 v58, v58  }
0x262: {  	v10 =	vtrunc.f32 v59;
	v8 =	vtrunc.f32 v8  }
0x263: {  	v9 =	vtrunc.f32 v9;
	v8 =	vcvt.f32.s32 v8  }
0x264: {  	v10 =	vcvt.f32.s32 v10;
	v9 =	vcvt.f32.s32 v9  }
0x265: {  	vm1 =	vgt.s32 v8, $0x0  }
0x266: {  	vm2 =	vgt.s32 v10, $0x0;
	v8 =	vnsel vm1, $0x0, v8;
	vm1 =	vgt.s32 v9, $0x0  }
0x267: {  	v10 =	vnsel vm2, $0x0, v10;
	v8 =	vmin.u32 v8, $0x9F;
	v9 =	vnsel vm1, $0x0, v9  }
0x268: {  	v10 =	vmin.u32 v10, $0x9F;
	v9 =	vmin.u32 v9, $0x7;
	v8 =	vmul.u32 $0xA0, v8  }
0x269: {  	v10 =	vor.u32 v0, v10;
	v9 =	vmul.u32 $0x6400, v9  }
0x26a: {  	v8 =	vadd.s32 v8, v10  }
0x26b: {  	v8 =	vadd.s32 v9, v8  }
0x26c: {  	v9 =	vshll.u32 v8, $0x4  }
0x26d: {  	vm1 =	vlt.u32 v8, $0x3200;
	v60 =	vxor.u32 v2, v9  }
0x26e: {  	v8 =	vsel vm1, v60, v3  }
0x26f: {  	(xrf1) =	vsort.ascd.msk.u32 $0xffff, v8, v7;
	_ =	sdelay $0xd  }
0x270: {  	v7, v8, _ =	vpop (xrf1)  }
0x271: {  	v61 =	vxor.u32 $0x80000000, v7  }
0x272: {  	[tilespmem:$0x10C80] =	vst v61  }
0x273: {  	v62 =	vld.idx.msk [tilespmem:v4+s25+$0x0], $0xffff;
	_ =	sdelay $0x4  }
0x274: {  	v7 =	vand.u32 $0xF, v7;
	v63 =	vshra.s32 v61, $0x4;
	v10 =	vshra.s32 v62, $0x4  }
0x275: {  	vm1 =	vne.s32 v63, v10  }
0x276: {  	vm2 =	vlt.s32 v61, $0x10000000;
	vm1 =	vmor vm1, vm0  }
0x277: {  	[tilespmem:$0x10D00] =	vst v5;
	vm1 =	vmand vm2, vm1  }
0x278: {  	[tilespmem:$0x10D80] =	vst v6  }
0x279: {  	v5 =	vld.idx.msk [tilespmem:v7+s26+$0x0], $0xffff  }
0x27a: {  	v6 =	vld.idx.msk [tilespmem:v7+s28+$0x0], $0xffff;
	_ =	sdelay $0x2  }
0x27b: {  	[tilespmem:v63+s29+$0x0] =	vst.idx.msk vm1, v8  }
0x27c: {  	[tilespmem:v63+s30+$0x0] =	vst.idx.msk vm1, v5  }
0x27d: {  	[tilespmem:v63+s31+$0x0] =	vst.idx.msk vm1, v6  }
0x27e: {  	[hbm4b:s16+s1] =	stream.linear.scatter [tilespmem:s29], [sflag:$0x1], $0x3200, $0x38;
	[tilespmem:$0x10E00] =	vst v63  }
0x27f: {  	_ =	swait.ge [sflag:s22], $0x3200  }
0x280: {  	[sflag:s22] =	ssyncset.done $0x0  }
0x281: {  	[sflag:s22] =	ssyncadd.s32 $0xFFFFCE00  }
0x282: {  	[hbm4b:s19+s1] =	stream.linear.scatter [tilespmem:s30], [sflag:$0x1], $0x3200, $0x38;
	[tilespmem:$0x10E00] =	vst v63  }
0x283: {  	s0 =	sadd.s32 $0x1, s0;
	_ =	swait.ge [sflag:s22], $0x3200  }
0x284: {  	p0 =	sne.s32 s0, s21;
	[sflag:s22] =	ssyncset.done $0x0  }
.Ltmp6:
0x285: {  	[sflag:s22] =	ssyncadd.s32 $0xFFFFCE00;
	(pc) =	sbr.rel @p0 .LBB2_1-.Ltmp6, $4  }
0x286: {  	[hbm4b:s20+s1] =	stream.linear.scatter [tilespmem:s31], [sflag:$0x1], $0x3200, $0x38;
	[tilespmem:$0x10E00] =	vst v63  }
0x287: {  	_ =	swait.ge [sflag:s22], $0x3200  }
0x288: {  	[sflag:s22] =	ssyncset.done $0x0  }
0x289: {  	[sflag:s22] =	ssyncadd.s32 $0xFFFFCE00  }
0x28a: {  	_ =	sfence.sel $0x180000  }
0x28b: {  	[bflag:$0x0] =	sbarrier.arrive $0xFFFF  }
0x28c: {  	_ =	strace $0x90000047  }
0x28d: {  	s0 =	stileid.u32;
	[bflag:$0x2] =	sbarrier.arrive $0xFFFF  }
0x28e: {  	p0 =	sne.s32 s0, $0x0;
	s0 =	rddreg [dreg:$0x2]  }
0x28f: {  	s0 =	sadd.s32 @!p0 $0x100000, s0  }
0x290: {  	[sflag:s0] =	ssyncadd.tile.s32 @!p0 $0x1;
	_ =	shalt  }
.Lfunc_end2:
_tile_overlayer_lowered:
.L_overlay_start_2:
0x291: {  	(tag) =	ssettag $0x2  }
0x292: {  	s0 =	rddreg [dreg:$0x0];
	s2 =	stileid.u32  }
0x293: {  	s1 =	rddreg [dreg:$0x1];
	p0 =	sne.s32 s2, $0x0  }
0x294: {  	s3 =	rddreg [dreg:$0x2];
	[bflag:$0x3] =	sbarrier.arrive $0xFFFF;
	s2 =	simm.s32 @!p0 $0x1C01  }
0x295: {  	[timem:s3], [sflag:s2] =	dma.local @!p0 [hbm:s0], s1  }
0x296: {  	s0 =	simm.s32 @!p0 $0x1  }
0x297: {  	_ =	swait.ge @!p0 [sflag:s0], s1  }
0x298: {  	s1 =	ssub.s32 @!p0 $0x0, s1;
	[sflag:s0] =	ssyncset.done @!p0 $0x0  }
0x299: {  	[sflag:s0] =	ssyncadd.s32 @!p0 s1  }
0x29a: {  	[bflag:$0x3] =	sbarrier.arrive $0xFFFF  }
0x29b: {  	_ =	shalt  }

</sc_bundles>
